<compile_context>
chip_gen: v7x
topology: tpu7x:2x2x1
jax: 0.10.2.dev20260603
libtpu: 0.0.44.dev20260713+nightly
codegen_flags: <defaults>
</compile_context>

<pallas_src>
import functools

import jax
import jax.numpy as jnp
from jax import lax
from jax.experimental import pallas as pl
from jax.experimental.pallas import tpu as pltpu
from jax.experimental.pallas import tpu_sc as plsc

VOCAB = 1000000
EMBED_DIM = 32
BATCH = 4096
SEQ_LEN = 200
PAD_D = 128
PACK = PAD_D // EMBED_DIM
VROWS = VOCAB // PACK

NC, NS = 2, 16
NW = NC * NS
BW = BATCH // NW

RC = 768
NCH = VOCAB // RC
TAIL = VOCAB - NCH * RC

_mesh = plsc.VectorSubcoreMesh(core_axis_name="c", subcore_axis_name="s")
_params = pltpu.CompilerParams(
    use_tc_tiling_on_sc=True, needs_layout_passes=False,
    disable_bounds_checks=True,
)


@functools.partial(
    pl.kernel,
    out_type=jax.ShapeDtypeStruct((VROWS, PAD_D), jnp.float32),
    mesh=_mesh,
    scratch_types=[
        pltpu.VMEM((2, EMBED_DIM, RC), jnp.float32),
        pltpu.VMEM((2, RC // PACK, PAD_D), jnp.float32),
        pltpu.SemaphoreType.DMA,
        pltpu.SemaphoreType.DMA,
        pltpu.SemaphoreType.DMA,
        pltpu.SemaphoreType.DMA,
    ],
    compiler_params=_params,
)
def _table_repack(tab_hbm, tail_hbm, out_hbm, src_v, dst_v, lsem0, lsem1,
                  ssem0, ssem1):
    w = lax.axis_index("s") * NC + lax.axis_index("c")
    lsems = (lsem0, lsem1)
    ssems = (ssem0, ssem1)
    lanes = lax.iota(jnp.int32, 16)
    dlane = [lanes, lanes + 16]

    def load(c, p):
        return pltpu.make_async_copy(
            tab_hbm.at[:, pl.ds(pl.multiple_of(c * RC, RC), RC)],
            src_v.at[p], lsems[p]
        )

    def store(c, p):
        return pltpu.make_async_copy(
            dst_v.at[p],
            out_hbm.at[pl.ds(pl.multiple_of(c * (RC // PACK), RC // PACK),
                             RC // PACK)],
            ssems[p],
        )

    def repack(p, base):
        @plsc.parallel_loop(0, RC // PACK, unroll=8)
        def _(r):
            sc = base + PACK * r
            for q in range(PACK):
                cols = jnp.full((16,), sc + q, jnp.int32)
                for dh in range(2):
                    v = plsc.load_gather(src_v.at[p], [dlane[dh], cols])
                    dst_v[p, r, pl.ds(q * EMBED_DIM + dh * 16, 16)] = v

    def phase(k, p):
        c = w + NW * k

        @pl.when(c < NCH)
        def _():
            load(c, p).wait()

            @pl.when(k >= 2)
            def _():
                store(c, p).wait()

            repack(p, 0)
            store(c, p).start()
            c2 = c + 2 * NW

            @pl.when(c2 < NCH)
            def _():
                load(c2, p).start()

    load(w, 0).start()
    load(w + NW, 1).start()

    def body(t, carry):
        phase(2 * t, 0)
        phase(2 * t + 1, 1)
        return carry

    lax.fori_loop(0, (NCH // NW + 2) // 2, body, 0)
    for p in range(2):
        store(0, p).wait()

    @pl.when(w == 0)
    def _():
        pltpu.sync_copy(tail_hbm, src_v.at[0, :, pl.ds(0, PAD_D)])

        @plsc.parallel_loop(0, TAIL // PACK, unroll=4)
        def _(r):
            sc = (PAD_D - TAIL) + PACK * r
            for q in range(PACK):
                cols = jnp.full((16,), sc + q, jnp.int32)
                for dh in range(2):
                    v = plsc.load_gather(src_v.at[0], [dlane[dh], cols])
                    dst_v[0, r, pl.ds(q * EMBED_DIM + dh * 16, 16)] = v

        pltpu.sync_copy(
            dst_v.at[0, pl.ds(0, TAIL // PACK)],
            out_hbm.at[pl.ds(VROWS - TAIL // PACK, TAIL // PACK)],
        )


@functools.partial(
    pl.kernel,
    out_type=jax.ShapeDtypeStruct((SEQ_LEN, EMBED_DIM, BATCH), jnp.float32),
    mesh=_mesh,
    scratch_types=[
        pltpu.VMEM((SEQ_LEN, BW), jnp.int32),
        pltpu.VMEM((SEQ_LEN, BW), jnp.int32),
        pltpu.VMEM((2, BW, PAD_D), jnp.float32),
        pltpu.VMEM((2, EMBED_DIM, BW), jnp.float32),
        pltpu.SemaphoreType.DMA,
        pltpu.SemaphoreType.DMA,
        pltpu.SemaphoreType.DMA,
        pltpu.SemaphoreType.DMA,
    ],
    compiler_params=_params,
)
def _embed_lookup(idx_hbm, table_hbm, out_hbm, idx_v, idx2_v, rows_v, tbuf_v,
                  gsem0, gsem1, ssem0, ssem1):
    w = lax.axis_index("s") * NC + lax.axis_index("c")
    b0 = pl.multiple_of(w * BW, BW)
    gsems = (gsem0, gsem1)
    ssems = (ssem0, ssem1)
    lanes = lax.iota(jnp.int32, 16)
    ridx = [lanes + j * 16 for j in range(BW // 16)]

    pltpu.sync_copy(idx_hbm.at[:, pl.ds(b0, BW)], idx_v)

    def idx_body(s, carry):
        for j in range(BW // 16):
            idx2_v[s, pl.ds(j * 16, 16)] = (
                jax.lax.shift_right_logical(idx_v[s, pl.ds(j * 16, 16)], 2)
            )
        return carry

    lax.fori_loop(0, SEQ_LEN, idx_body, 0)

    def start_gather(s, p):
        return pltpu.async_copy(
            table_hbm.at[idx2_v.at[s]], rows_v.at[p], gsems[p]
        )

    def wait_gather(p):
        pltpu.make_async_copy(table_hbm.at[idx2_v.at[0]], rows_v.at[p],
                              gsems[p]).wait()

    def store(s, p):
        return pltpu.make_async_copy(
            tbuf_v.at[p], out_hbm.at[s, :, pl.ds(b0, BW)], ssems[p]
        )

    def compact(s, p):
        colbase = [
            jax.lax.shift_left(idx_v[s, pl.ds(j * 16, 16)] & 3, 5)
            for j in range(BW // 16)
        ]

        @plsc.parallel_loop(0, EMBED_DIM, unroll=8)
        def _(d):
            for j in range(BW // 16):
                v = plsc.load_gather(rows_v.at[p], [ridx[j], colbase[j] + d])
                tbuf_v[p, d, pl.ds(j * 16, 16)] = v

    def phase(t, s, p):
        wait_gather(p)

        @pl.when(t >= 1)
        def _():
            store(s, p).wait()

        compact(s, p)
        store(s, p).start()

        @pl.when(s + 2 < SEQ_LEN)
        def _():
            start_gather(s + 2, p)

    start_gather(0, 0)
    start_gather(1, 1)

    def body(t, carry):
        phase(t, 2 * t, 0)
        phase(t, 2 * t + 1, 1)
        return carry

    lax.fori_loop(0, SEQ_LEN // 2, body, 0)
    for p in range(2):
        store(SEQ_LEN - 2 + p, p).wait()


def kernel(word_tensor, table):
    idx_t = word_tensor.T
    table_t = table.T
    tail_t = lax.slice(table_t, (0, VOCAB - PAD_D), (EMBED_DIM, VOCAB))
    table_p = _table_repack(table_t, tail_t)
    out_t = _embed_lookup(idx_t, table_p)
    return jnp.transpose(out_t, (2, 0, 1))

# --- scband reference (transcript-rebuilt; emitter-appended) ---
"""Pipeline reference for scband-word-embedding-18262200943098 (READ-ONLY COPY).

The authoritative reference and input builder live on the scoring server;
editing this copy changes nothing except your own understanding.
"""

import jax, jax.numpy as jnp
import numpy as np

VOCAB = 1000000
EMBED_DIM = 32
BATCH = 4096
SEQ_LEN = 200


def setup_inputs(seed: int = 0) -> dict:
    key = jax.random.key(seed)
    k_idx, k_tab = jax.random.split(key)
    word_tensor = jax.random.randint(k_idx, (BATCH, SEQ_LEN), 0, VOCAB, dtype=jnp.int64 if jax.config.jax_enable_x64 else jnp.int32)
    word_tensor = word_tensor.astype(jnp.int32)
    table = jax.random.normal(k_tab, (VOCAB, EMBED_DIM), dtype=jnp.float32)
    # padding_idx=0: nn.Embedding zeros that row at init
    table = table.at[0].set(0.0)
    return {"word_tensor": word_tensor, "table": table}


def reference(word_tensor, table):
    # Faithful translation of nn.Embedding(vocab, dim, padding_idx=0) forward:
    # pure row-gather from the embedding table.
    return jnp.take(table, word_tensor, axis=0)

if __name__ == "__main__":
    import jax
    _d = setup_inputs()
    print(jax.jit(kernel)(*tuple(_d.values())))

</pallas_src>

<mosaic_0001>
#map = affine_map<(d0, d1) -> (0, 0)>
#map1 = affine_map<(d0, d1) -> (0, 0, 0)>
module attributes {stable_mosaic.version = 14 : i64} {
  func.func @_embed_lookup(%arg0: i32, %arg1: i32, %arg2: memref<200x4096xi32, #tpu.memory_space<hbm>>, %arg3: memref<250000x128xf32, #tpu.memory_space<hbm>>, %arg4: memref<200x32x4096xf32, #tpu.memory_space<hbm>>, %arg5: memref<200x128xi32, #tpu.memory_space<vmem>>, %arg6: memref<200x128xi32, #tpu.memory_space<vmem>>, %arg7: memref<2x128x128xf32, #tpu.memory_space<vmem>>, %arg8: memref<2x32x128xf32, #tpu.memory_space<vmem>>, %arg9: memref<!tpu.dma_semaphore, #tpu.memory_space<semaphore_mem>>, %arg10: memref<!tpu.dma_semaphore, #tpu.memory_space<semaphore_mem>>, %arg11: memref<!tpu.dma_semaphore, #tpu.memory_space<semaphore_mem>>, %arg12: memref<!tpu.dma_semaphore, #tpu.memory_space<semaphore_mem>>) attributes {dimension_semantics = [#tpu.dimension_semantics<core_parallel>, #tpu.dimension_semantics<subcore_parallel>], iteration_bounds = array<i64: 2, 16>, scalar_prefetch = 0 : i64, scratch_operands = 8 : i64, tpu.core_type = #tpu.core_type<sc_vector_subcore>, window_params = [{transform_indices = #map}, {transform_indices = #map}, {transform_indices = #map1}]} {
    %mul3A = arith.constant 2 : i32
    %mul3A_0 = arith.muli %arg1, %mul3A : i32
    %add3A = arith.addi %mul3A_0, %arg0 : i32
    %mul3A_1 = arith.constant 128 : i32
    %mul3A_2 = arith.muli %add3A, %mul3A_1 : i32
    %multiple_of3A = tpu.assume_multiple %mul3A_2, 128 : i32
    %iota3A = tpu.iota {dimensions = array<i32: 0>} : vector<16xi32>
    %add3A_3 = arith.constant 0 : i32
    %add3A_4 = vector.broadcast %add3A_3 : i32 to vector<16xi32>
    %add3A_5 = arith.addi %iota3A, %add3A_4 : vector<16xi32>
    %add3A_6 = arith.constant 16 : i32
    %add3A_7 = vector.broadcast %add3A_6 : i32 to vector<16xi32>
    %add3A_8 = arith.addi %iota3A, %add3A_7 : vector<16xi32>
    %add3A_9 = arith.constant 32 : i32
    %add3A_10 = vector.broadcast %add3A_9 : i32 to vector<16xi32>
    %add3A_11 = arith.addi %iota3A, %add3A_10 : vector<16xi32>
    %add3A_12 = arith.constant 48 : i32
    %add3A_13 = vector.broadcast %add3A_12 : i32 to vector<16xi32>
    %add3A_14 = arith.addi %iota3A, %add3A_13 : vector<16xi32>
    %add3A_15 = arith.constant 64 : i32
    %add3A_16 = vector.broadcast %add3A_15 : i32 to vector<16xi32>
    %add3A_17 = arith.addi %iota3A, %add3A_16 : vector<16xi32>
    %add3A_18 = arith.constant 80 : i32
    %add3A_19 = vector.broadcast %add3A_18 : i32 to vector<16xi32>
    %add3A_20 = arith.addi %iota3A, %add3A_19 : vector<16xi32>
    %add3A_21 = arith.constant 96 : i32
    %add3A_22 = vector.broadcast %add3A_21 : i32 to vector<16xi32>
    %add3A_23 = arith.addi %iota3A, %add3A_22 : vector<16xi32>
    %add3A_24 = arith.constant 112 : i32
    %add3A_25 = vector.broadcast %add3A_24 : i32 to vector<16xi32>
    %add3A_26 = arith.addi %iota3A, %add3A_25 : vector<16xi32>
    "tpu.region"() ({
      %run_scoped3A = tpu.sem_alloc : memref<!tpu.dma_semaphore, #tpu.memory_space<semaphore_mem>>
      %dma_start3A_92 = arith.constant 0 : i32
      %dma_start3A_93 = tpu.memref_slice %arg2[%dma_start3A_92, %multiple_of3A] : memref<200x4096xi32, #tpu.memory_space<hbm>> -> memref<200x128xi32, #tpu.memory_space<hbm>>
      %dma_start3A_94 = arith.constant 0 : i32
      %dma_start3A_95 = tpu.memref_slice %arg2[%dma_start3A_94, %multiple_of3A] : memref<200x4096xi32, #tpu.memory_space<hbm>> -> memref<200x128xi32, #tpu.memory_space<hbm>>
      tpu.enqueue_dma source(%dma_start3A_95 : memref<200x128xi32, #tpu.memory_space<hbm>>) target(%arg5 : memref<200x128xi32, #tpu.memory_space<vmem>>) target_semaphore(%run_scoped3A : memref<!tpu.dma_semaphore, #tpu.memory_space<semaphore_mem>>)
      %dma_wait3A_96 = arith.constant 0 : i32
      %dma_wait3A_97 = tpu.memref_slice %arg2[%dma_wait3A_96, %multiple_of3A] : memref<200x4096xi32, #tpu.memory_space<hbm>> -> memref<200x128xi32, #tpu.memory_space<hbm>>
      %dma_wait3A_98 = arith.constant 0 : i32
      %dma_wait3A_99 = tpu.memref_slice %arg2[%dma_wait3A_98, %multiple_of3A] : memref<200x4096xi32, #tpu.memory_space<hbm>> -> memref<200x128xi32, #tpu.memory_space<hbm>>
      tpu.wait_dma2 semaphore(%run_scoped3A : memref<!tpu.dma_semaphore, #tpu.memory_space<semaphore_mem>>) src(%dma_wait3A_99 : memref<200x128xi32, #tpu.memory_space<hbm>>) dst(%arg5 : memref<200x128xi32, #tpu.memory_space<vmem>>)
      tpu.yield
    }) : () -> ()
    %scan3A = arith.constant 0 : i32
    %scan3A_27 = arith.constant 0 : i32
    %scan3A_28 = arith.constant 200 : i32
    %scan3A_29 = arith.addi %scan3A_27, %scan3A_28 : i32
    %scan3A_30 = arith.constant 1 : i32
    scf.for %scan3A_92 = %scan3A_27 to %scan3A_29 step %scan3A_30  : i32 {
      %get3A = arith.index_cast %scan3A_92 : i32 to index
      %get3A_93 = arith.constant 0 : index
      %get3A_94 = tpu.vector_load %arg5[%get3A, %get3A_93] {strides = array<i32>} : memref<200x128xi32, #tpu.memory_space<vmem>>, vector<16xi32>,
      %shift_right_logical3A = arith.constant 2 : i32
      %shift_right_logical3A_95 = vector.broadcast %shift_right_logical3A : i32 to vector<16xi32>
      %shift_right_logical3A_96 = arith.shrui %get3A_94, %shift_right_logical3A_95 : vector<16xi32>
      %swap3A = arith.index_cast %scan3A_92 : i32 to index
      %swap3A_97 = arith.constant 0 : index
      %swap3A_98 = tpu.vector_load %arg6[%swap3A, %swap3A_97] {strides = array<i32>} : memref<200x128xi32, #tpu.memory_space<vmem>>, vector<16xi32>,
      tpu.vector_store %arg6[%swap3A, %swap3A_97], %shift_right_logical3A_96 {strides = array<i32>} : memref<200x128xi32, #tpu.memory_space<vmem>>, vector<16xi32>,
      %get3A_99 = arith.index_cast %scan3A_92 : i32 to index
      %get3A_100 = arith.constant 16 : index
      %get3A_101 = tpu.vector_load %arg5[%get3A_99, %get3A_100] {strides = array<i32>} : memref<200x128xi32, #tpu.memory_space<vmem>>, vector<16xi32>,
      %shift_right_logical3A_102 = arith.constant 2 : i32
      %shift_right_logical3A_103 = vector.broadcast %shift_right_logical3A_102 : i32 to vector<16xi32>
      %shift_right_logical3A_104 = arith.shrui %get3A_101, %shift_right_logical3A_103 : vector<16xi32>
      %swap3A_105 = arith.index_cast %scan3A_92 : i32 to index
      %swap3A_106 = arith.constant 16 : index
      %swap3A_107 = tpu.vector_load %arg6[%swap3A_105, %swap3A_106] {strides = array<i32>} : memref<200x128xi32, #tpu.memory_space<vmem>>, vector<16xi32>,
      tpu.vector_store %arg6[%swap3A_105, %swap3A_106], %shift_right_logical3A_104 {strides = array<i32>} : memref<200x128xi32, #tpu.memory_space<vmem>>, vector<16xi32>,
      %get3A_108 = arith.index_cast %scan3A_92 : i32 to index
      %get3A_109 = arith.constant 32 : index
      %get3A_110 = tpu.vector_load %arg5[%get3A_108, %get3A_109] {strides = array<i32>} : memref<200x128xi32, #tpu.memory_space<vmem>>, vector<16xi32>,
      %shift_right_logical3A_111 = arith.constant 2 : i32
      %shift_right_logical3A_112 = vector.broadcast %shift_right_logical3A_111 : i32 to vector<16xi32>
      %shift_right_logical3A_113 = arith.shrui %get3A_110, %shift_right_logical3A_112 : vector<16xi32>
      %swap3A_114 = arith.index_cast %scan3A_92 : i32 to index
      %swap3A_115 = arith.constant 32 : index
      %swap3A_116 = tpu.vector_load %arg6[%swap3A_114, %swap3A_115] {strides = array<i32>} : memref<200x128xi32, #tpu.memory_space<vmem>>, vector<16xi32>,
      tpu.vector_store %arg6[%swap3A_114, %swap3A_115], %shift_right_logical3A_113 {strides = array<i32>} : memref<200x128xi32, #tpu.memory_space<vmem>>, vector<16xi32>,
      %get3A_117 = arith.index_cast %scan3A_92 : i32 to index
      %get3A_118 = arith.constant 48 : index
      %get3A_119 = tpu.vector_load %arg5[%get3A_117, %get3A_118] {strides = array<i32>} : memref<200x128xi32, #tpu.memory_space<vmem>>, vector<16xi32>,
      %shift_right_logical3A_120 = arith.constant 2 : i32
      %shift_right_logical3A_121 = vector.broadcast %shift_right_logical3A_120 : i32 to vector<16xi32>
      %shift_right_logical3A_122 = arith.shrui %get3A_119, %shift_right_logical3A_121 : vector<16xi32>
      %swap3A_123 = arith.index_cast %scan3A_92 : i32 to index
      %swap3A_124 = arith.constant 48 : index
      %swap3A_125 = tpu.vector_load %arg6[%swap3A_123, %swap3A_124] {strides = array<i32>} : memref<200x128xi32, #tpu.memory_space<vmem>>, vector<16xi32>,
      tpu.vector_store %arg6[%swap3A_123, %swap3A_124], %shift_right_logical3A_122 {strides = array<i32>} : memref<200x128xi32, #tpu.memory_space<vmem>>, vector<16xi32>,
      %get3A_126 = arith.index_cast %scan3A_92 : i32 to index
      %get3A_127 = arith.constant 64 : index
      %get3A_128 = tpu.vector_load %arg5[%get3A_126, %get3A_127] {strides = array<i32>} : memref<200x128xi32, #tpu.memory_space<vmem>>, vector<16xi32>,
      %shift_right_logical3A_129 = arith.constant 2 : i32
      %shift_right_logical3A_130 = vector.broadcast %shift_right_logical3A_129 : i32 to vector<16xi32>
      %shift_right_logical3A_131 = arith.shrui %get3A_128, %shift_right_logical3A_130 : vector<16xi32>
      %swap3A_132 = arith.index_cast %scan3A_92 : i32 to index
      %swap3A_133 = arith.constant 64 : index
      %swap3A_134 = tpu.vector_load %arg6[%swap3A_132, %swap3A_133] {strides = array<i32>} : memref<200x128xi32, #tpu.memory_space<vmem>>, vector<16xi32>,
      tpu.vector_store %arg6[%swap3A_132, %swap3A_133], %shift_right_logical3A_131 {strides = array<i32>} : memref<200x128xi32, #tpu.memory_space<vmem>>, vector<16xi32>,
      %get3A_135 = arith.index_cast %scan3A_92 : i32 to index
      %get3A_136 = arith.constant 80 : index
      %get3A_137 = tpu.vector_load %arg5[%get3A_135, %get3A_136] {strides = array<i32>} : memref<200x128xi32, #tpu.memory_space<vmem>>, vector<16xi32>,
      %shift_right_logical3A_138 = arith.constant 2 : i32
      %shift_right_logical3A_139 = vector.broadcast %shift_right_logical3A_138 : i32 to vector<16xi32>
      %shift_right_logical3A_140 = arith.shrui %get3A_137, %shift_right_logical3A_139 : vector<16xi32>
      %swap3A_141 = arith.index_cast %scan3A_92 : i32 to index
      %swap3A_142 = arith.constant 80 : index
      %swap3A_143 = tpu.vector_load %arg6[%swap3A_141, %swap3A_142] {strides = array<i32>} : memref<200x128xi32, #tpu.memory_space<vmem>>, vector<16xi32>,
      tpu.vector_store %arg6[%swap3A_141, %swap3A_142], %shift_right_logical3A_140 {strides = array<i32>} : memref<200x128xi32, #tpu.memory_space<vmem>>, vector<16xi32>,
      %get3A_144 = arith.index_cast %scan3A_92 : i32 to index
      %get3A_145 = arith.constant 96 : index
      %get3A_146 = tpu.vector_load %arg5[%get3A_144, %get3A_145] {strides = array<i32>} : memref<200x128xi32, #tpu.memory_space<vmem>>, vector<16xi32>,
      %shift_right_logical3A_147 = arith.constant 2 : i32
      %shift_right_logical3A_148 = vector.broadcast %shift_right_logical3A_147 : i32 to vector<16xi32>
      %shift_right_logical3A_149 = arith.shrui %get3A_146, %shift_right_logical3A_148 : vector<16xi32>
      %swap3A_150 = arith.index_cast %scan3A_92 : i32 to index
      %swap3A_151 = arith.constant 96 : index
      %swap3A_152 = tpu.vector_load %arg6[%swap3A_150, %swap3A_151] {strides = array<i32>} : memref<200x128xi32, #tpu.memory_space<vmem>>, vector<16xi32>,
      tpu.vector_store %arg6[%swap3A_150, %swap3A_151], %shift_right_logical3A_149 {strides = array<i32>} : memref<200x128xi32, #tpu.memory_space<vmem>>, vector<16xi32>,
      %get3A_153 = arith.index_cast %scan3A_92 : i32 to index
      %get3A_154 = arith.constant 112 : index
      %get3A_155 = tpu.vector_load %arg5[%get3A_153, %get3A_154] {strides = array<i32>} : memref<200x128xi32, #tpu.memory_space<vmem>>, vector<16xi32>,
      %shift_right_logical3A_156 = arith.constant 2 : i32
      %shift_right_logical3A_157 = vector.broadcast %shift_right_logical3A_156 : i32 to vector<16xi32>
      %shift_right_logical3A_158 = arith.shrui %get3A_155, %shift_right_logical3A_157 : vector<16xi32>
      %swap3A_159 = arith.index_cast %scan3A_92 : i32 to index
      %swap3A_160 = arith.constant 112 : index
      %swap3A_161 = tpu.vector_load %arg6[%swap3A_159, %swap3A_160] {strides = array<i32>} : memref<200x128xi32, #tpu.memory_space<vmem>>, vector<16xi32>,
      tpu.vector_store %arg6[%swap3A_159, %swap3A_160], %shift_right_logical3A_158 {strides = array<i32>} : memref<200x128xi32, #tpu.memory_space<vmem>>, vector<16xi32>,
    }
    %scan3A_31 = arith.constant 200 : i32
    %dma_start3A = arith.constant 0 : i32
    %dma_start3A_32 = arith.constant 0 : i32
    %dma_start3A_33 = arith.constant 0 : i32
    %dma_start3A_34 = arith.constant 0 : i32
    %dma_start3A_35 = tpu.memref_slice %arg7[%dma_start3A_32, %dma_start3A_33, %dma_start3A_34] : memref<2x128x128xf32, #tpu.memory_space<vmem>> -> memref<1x128x128xf32, #tpu.memory_space<vmem>>
    %dma_start3A_36 = tpu.memref_squeeze %dma_start3A_35 : memref<1x128x128xf32, #tpu.memory_space<vmem>> -> memref<128x128xf32, #tpu.memory_space<vmem>>
    %dma_start3A_37 = arith.constant 0 : i32
    %dma_start3A_38 = tpu.memref_slice %arg6[%dma_start3A, %dma_start3A_37] : memref<200x128xi32, #tpu.memory_space<vmem>> -> memref<1x128xi32, #tpu.memory_space<vmem>>
    %dma_start3A_39 = tpu.memref_squeeze %dma_start3A_38 : memref<1x128xi32, #tpu.memory_space<vmem>> -> memref<128xi32, #tpu.memory_space<vmem>>
    %dma_start3A_40 = arith.constant 0 : i32
    %dma_start3A_41 = arith.constant 0 : i32
    %dma_start3A_42 = tpu.memref_slice %arg3[%dma_start3A_40, %dma_start3A_41] : memref<250000x128xf32, #tpu.memory_space<hbm>> -> memref<250000x128xf32, #tpu.memory_space<hbm>>
    tpu.enqueue_indirect_dma source(%dma_start3A_42 : memref<250000x128xf32, #tpu.memory_space<hbm>>) target(%dma_start3A_36 : memref<128x128xf32, #tpu.memory_space<vmem>>) offsets(%dma_start3A_39 : memref<128xi32, #tpu.memory_space<vmem>>) semaphore(%arg9 : memref<!tpu.dma_semaphore, #tpu.memory_space<semaphore_mem>>)
    %dma_start3A_43 = arith.constant 1 : i32
    %dma_start3A_44 = arith.constant 1 : i32
    %dma_start3A_45 = arith.constant 0 : i32
    %dma_start3A_46 = arith.constant 0 : i32
    %dma_start3A_47 = tpu.memref_slice %arg7[%dma_start3A_44, %dma_start3A_45, %dma_start3A_46] : memref<2x128x128xf32, #tpu.memory_space<vmem>> -> memref<1x128x128xf32, #tpu.memory_space<vmem>>
    %dma_start3A_48 = tpu.memref_squeeze %dma_start3A_47 : memref<1x128x128xf32, #tpu.memory_space<vmem>> -> memref<128x128xf32, #tpu.memory_space<vmem>>
    %dma_start3A_49 = arith.constant 0 : i32
    %dma_start3A_50 = tpu.memref_slice %arg6[%dma_start3A_43, %dma_start3A_49] : memref<200x128xi32, #tpu.memory_space<vmem>> -> memref<1x128xi32, #tpu.memory_space<vmem>>
    %dma_start3A_51 = tpu.memref_squeeze %dma_start3A_50 : memref<1x128xi32, #tpu.memory_space<vmem>> -> memref<128xi32, #tpu.memory_space<vmem>>
    %dma_start3A_52 = arith.constant 0 : i32
    %dma_start3A_53 = arith.constant 0 : i32
    %dma_start3A_54 = tpu.memref_slice %arg3[%dma_start3A_52, %dma_start3A_53] : memref<250000x128xf32, #tpu.memory_space<hbm>> -> memref<250000x128xf32, #tpu.memory_space<hbm>>
    tpu.enqueue_indirect_dma source(%dma_start3A_54 : memref<250000x128xf32, #tpu.memory_space<hbm>>) target(%dma_start3A_48 : memref<128x128xf32, #tpu.memory_space<vmem>>) offsets(%dma_start3A_51 : memref<128xi32, #tpu.memory_space<vmem>>) semaphore(%arg10 : memref<!tpu.dma_semaphore, #tpu.memory_space<semaphore_mem>>)
    %scan3A_55 = arith.constant 0 : i32
    %scan3A_56 = arith.constant 0 : i32
    %scan3A_57 = arith.constant 100 : i32
    %scan3A_58 = arith.addi %scan3A_56, %scan3A_57 : i32
    %scan3A_59 = arith.constant 1 : i32
    scf.for %scan3A_92 = %scan3A_56 to %scan3A_58 step %scan3A_59  : i32 {
      %mul3A_93 = arith.constant 2 : i32
      %mul3A_94 = arith.muli %mul3A_93, %scan3A_92 : i32
      %dma_wait3A_95 = arith.constant 0 : i32
      %dma_wait3A_96 = arith.constant 0 : i32
      %dma_wait3A_97 = arith.constant 0 : i32
      %dma_wait3A_98 = arith.constant 0 : i32
      %dma_wait3A_99 = tpu.memref_slice %arg7[%dma_wait3A_96, %dma_wait3A_97, %dma_wait3A_98] : memref<2x128x128xf32, #tpu.memory_space<vmem>> -> memref<1x128x128xf32, #tpu.memory_space<vmem>>
      %dma_wait3A_100 = tpu.memref_squeeze %dma_wait3A_99 : memref<1x128x128xf32, #tpu.memory_space<vmem>> -> memref<128x128xf32, #tpu.memory_space<vmem>>
      %dma_wait3A_101 = arith.constant 0 : i32
      %dma_wait3A_102 = tpu.memref_slice %arg6[%dma_wait3A_95, %dma_wait3A_101] : memref<200x128xi32, #tpu.memory_space<vmem>> -> memref<1x128xi32, #tpu.memory_space<vmem>>
      %dma_wait3A_103 = tpu.memref_squeeze %dma_wait3A_102 : memref<1x128xi32, #tpu.memory_space<vmem>> -> memref<128xi32, #tpu.memory_space<vmem>>
      %dma_wait3A_104 = arith.constant 0 : i32
      %dma_wait3A_105 = arith.constant 0 : i32
      %dma_wait3A_106 = tpu.memref_slice %arg3[%dma_wait3A_104, %dma_wait3A_105] : memref<250000x128xf32, #tpu.memory_space<hbm>> -> memref<250000x128xf32, #tpu.memory_space<hbm>>
      tpu.wait_indirect_dma semaphore(%arg9 : memref<!tpu.dma_semaphore, #tpu.memory_space<semaphore_mem>>) src(%dma_wait3A_106 : memref<250000x128xf32, #tpu.memory_space<hbm>>) dst(%dma_wait3A_100 : memref<128x128xf32, #tpu.memory_space<vmem>>)
      %ge3A = arith.constant 1 : i32
      %ge3A_107 = arith.cmpi sge, %scan3A_92, %ge3A : i32
      %convert_element_type3A = arith.extui %ge3A_107 : i1 to i32
      %cond3A = arith.constant 0 : i32
      %cond3A_108 = arith.cmpi ne, %convert_element_type3A, %cond3A : i32
      scf.if %cond3A_108 {
        %dma_wait3A_319 = arith.constant 0 : i32
        %dma_wait3A_320 = arith.constant 0 : i32
        %dma_wait3A_321 = arith.constant 0 : i32
        %dma_wait3A_322 = tpu.memref_slice %arg8[%dma_wait3A_319, %dma_wait3A_320, %dma_wait3A_321] : memref<2x32x128xf32, #tpu.memory_space<vmem>> -> memref<1x32x128xf32, #tpu.memory_space<vmem>>
        %dma_wait3A_323 = tpu.memref_squeeze %dma_wait3A_322 : memref<1x32x128xf32, #tpu.memory_space<vmem>> -> memref<32x128xf32, #tpu.memory_space<vmem>>
        %dma_wait3A_324 = arith.constant 0 : i32
        %dma_wait3A_325 = tpu.memref_slice %arg4[%mul3A_94, %dma_wait3A_324, %multiple_of3A] : memref<200x32x4096xf32, #tpu.memory_space<hbm>> -> memref<1x32x128xf32, #tpu.memory_space<hbm>>
        %dma_wait3A_326 = tpu.memref_squeeze %dma_wait3A_325 : memref<1x32x128xf32, #tpu.memory_space<hbm>> -> memref<32x128xf32, #tpu.memory_space<hbm>>
        %dma_wait3A_327 = arith.constant 0 : i32
        %dma_wait3A_328 = tpu.memref_slice %arg4[%mul3A_94, %dma_wait3A_327, %multiple_of3A] : memref<200x32x4096xf32, #tpu.memory_space<hbm>> -> memref<1x32x128xf32, #tpu.memory_space<hbm>>
        %dma_wait3A_329 = tpu.memref_squeeze %dma_wait3A_328 : memref<1x32x128xf32, #tpu.memory_space<hbm>> -> memref<32x128xf32, #tpu.memory_space<hbm>>
        %dma_wait3A_330 = arith.constant 0 : i32
        %dma_wait3A_331 = arith.constant 0 : i32
        %dma_wait3A_332 = tpu.memref_slice %arg8[%dma_wait3A_319, %dma_wait3A_330, %dma_wait3A_331] : memref<2x32x128xf32, #tpu.memory_space<vmem>> -> memref<1x32x128xf32, #tpu.memory_space<vmem>>
        %dma_wait3A_333 = tpu.memref_squeeze %dma_wait3A_332 : memref<1x32x128xf32, #tpu.memory_space<vmem>> -> memref<32x128xf32, #tpu.memory_space<vmem>>
        tpu.wait_dma2 semaphore(%arg11 : memref<!tpu.dma_semaphore, #tpu.memory_space<semaphore_mem>>) src(%dma_wait3A_333 : memref<32x128xf32, #tpu.memory_space<vmem>>) dst(%dma_wait3A_329 : memref<32x128xf32, #tpu.memory_space<hbm>>)
      } else {
      }
      %get3A = arith.index_cast %mul3A_94 : i32 to index
      %get3A_109 = arith.constant 0 : index
      %get3A_110 = tpu.vector_load %arg5[%get3A, %get3A_109] {strides = array<i32>} : memref<200x128xi32, #tpu.memory_space<vmem>>, vector<16xi32>,
      %and3A = arith.constant 3 : i32
      %and3A_111 = vector.broadcast %and3A : i32 to vector<16xi32>
      %and3A_112 = arith.andi %get3A_110, %and3A_111 : vector<16xi32>
      %shift_left3A = arith.constant 5 : i32
      %shift_left3A_113 = vector.broadcast %shift_left3A : i32 to vector<16xi32>
      %shift_left3A_114 = arith.shli %and3A_112, %shift_left3A_113 : vector<16xi32>
      %get3A_115 = arith.index_cast %mul3A_94 : i32 to index
      %get3A_116 = arith.constant 16 : index
      %get3A_117 = tpu.vector_load %arg5[%get3A_115, %get3A_116] {strides = array<i32>} : memref<200x128xi32, #tpu.memory_space<vmem>>, vector<16xi32>,
      %and3A_118 = arith.constant 3 : i32
      %and3A_119 = vector.broadcast %and3A_118 : i32 to vector<16xi32>
      %and3A_120 = arith.andi %get3A_117, %and3A_119 : vector<16xi32>
      %shift_left3A_121 = arith.constant 5 : i32
      %shift_left3A_122 = vector.broadcast %shift_left3A_121 : i32 to vector<16xi32>
      %shift_left3A_123 = arith.shli %and3A_120, %shift_left3A_122 : vector<16xi32>
      %get3A_124 = arith.index_cast %mul3A_94 : i32 to index
      %get3A_125 = arith.constant 32 : index
      %get3A_126 = tpu.vector_load %arg5[%get3A_124, %get3A_125] {strides = array<i32>} : memref<200x128xi32, #tpu.memory_space<vmem>>, vector<16xi32>,
      %and3A_127 = arith.constant 3 : i32
      %and3A_128 = vector.broadcast %and3A_127 : i32 to vector<16xi32>
      %and3A_129 = arith.andi %get3A_126, %and3A_128 : vector<16xi32>
      %shift_left3A_130 = arith.constant 5 : i32
      %shift_left3A_131 = vector.broadcast %shift_left3A_130 : i32 to vector<16xi32>
      %shift_left3A_132 = arith.shli %and3A_129, %shift_left3A_131 : vector<16xi32>
      %get3A_133 = arith.index_cast %mul3A_94 : i32 to index
      %get3A_134 = arith.constant 48 : index
      %get3A_135 = tpu.vector_load %arg5[%get3A_133, %get3A_134] {strides = array<i32>} : memref<200x128xi32, #tpu.memory_space<vmem>>, vector<16xi32>,
      %and3A_136 = arith.constant 3 : i32
      %and3A_137 = vector.broadcast %and3A_136 : i32 to vector<16xi32>
      %and3A_138 = arith.andi %get3A_135, %and3A_137 : vector<16xi32>
      %shift_left3A_139 = arith.constant 5 : i32
      %shift_left3A_140 = vector.broadcast %shift_left3A_139 : i32 to vector<16xi32>
      %shift_left3A_141 = arith.shli %and3A_138, %shift_left3A_140 : vector<16xi32>
      %get3A_142 = arith.index_cast %mul3A_94 : i32 to index
      %get3A_143 = arith.constant 64 : index
      %get3A_144 = tpu.vector_load %arg5[%get3A_142, %get3A_143] {strides = array<i32>} : memref<200x128xi32, #tpu.memory_space<vmem>>, vector<16xi32>,
      %and3A_145 = arith.constant 3 : i32
      %and3A_146 = vector.broadcast %and3A_145 : i32 to vector<16xi32>
      %and3A_147 = arith.andi %get3A_144, %and3A_146 : vector<16xi32>
      %shift_left3A_148 = arith.constant 5 : i32
      %shift_left3A_149 = vector.broadcast %shift_left3A_148 : i32 to vector<16xi32>
      %shift_left3A_150 = arith.shli %and3A_147, %shift_left3A_149 : vector<16xi32>
      %get3A_151 = arith.index_cast %mul3A_94 : i32 to index
      %get3A_152 = arith.constant 80 : index
      %get3A_153 = tpu.vector_load %arg5[%get3A_151, %get3A_152] {strides = array<i32>} : memref<200x128xi32, #tpu.memory_space<vmem>>, vector<16xi32>,
      %and3A_154 = arith.constant 3 : i32
      %and3A_155 = vector.broadcast %and3A_154 : i32 to vector<16xi32>
      %and3A_156 = arith.andi %get3A_153, %and3A_155 : vector<16xi32>
      %shift_left3A_157 = arith.constant 5 : i32
      %shift_left3A_158 = vector.broadcast %shift_left3A_157 : i32 to vector<16xi32>
      %shift_left3A_159 = arith.shli %and3A_156, %shift_left3A_158 : vector<16xi32>
      %get3A_160 = arith.index_cast %mul3A_94 : i32 to index
      %get3A_161 = arith.constant 96 : index
      %get3A_162 = tpu.vector_load %arg5[%get3A_160, %get3A_161] {strides = array<i32>} : memref<200x128xi32, #tpu.memory_space<vmem>>, vector<16xi32>,
      %and3A_163 = arith.constant 3 : i32
      %and3A_164 = vector.broadcast %and3A_163 : i32 to vector<16xi32>
      %and3A_165 = arith.andi %get3A_162, %and3A_164 : vector<16xi32>
      %shift_left3A_166 = arith.constant 5 : i32
      %shift_left3A_167 = vector.broadcast %shift_left3A_166 : i32 to vector<16xi32>
      %shift_left3A_168 = arith.shli %and3A_165, %shift_left3A_167 : vector<16xi32>
      %get3A_169 = arith.index_cast %mul3A_94 : i32 to index
      %get3A_170 = arith.constant 112 : index
      %get3A_171 = tpu.vector_load %arg5[%get3A_169, %get3A_170] {strides = array<i32>} : memref<200x128xi32, #tpu.memory_space<vmem>>, vector<16xi32>,
      %and3A_172 = arith.constant 3 : i32
      %and3A_173 = vector.broadcast %and3A_172 : i32 to vector<16xi32>
      %and3A_174 = arith.andi %get3A_171, %and3A_173 : vector<16xi32>
      %shift_left3A_175 = arith.constant 5 : i32
      %shift_left3A_176 = vector.broadcast %shift_left3A_175 : i32 to vector<16xi32>
      %shift_left3A_177 = arith.shli %and3A_174, %shift_left3A_176 : vector<16xi32>
      %parallel_loop3A = arith.constant 0 : i32
      %parallel_loop3A_178 = arith.constant 32 : i32
      %parallel_loop3A_179 = arith.constant 1 : i32
      scf.for %parallel_loop3A_319 = %parallel_loop3A to %parallel_loop3A_178 step %parallel_loop3A_179  : i32 {
        %parallel_loop3A_320 = vector.broadcast %parallel_loop3A_319 : i32 to vector<16xi32>
        %parallel_loop3A_321 = arith.addi %shift_left3A_114, %parallel_loop3A_320 : vector<16xi32>
        %parallel_loop3A_322 = arith.constant 0 : i32
        %parallel_loop3A_323 = arith.constant 0 : i32
        %parallel_loop3A_324 = arith.constant 0 : i32
        %parallel_loop3A_325 = tpu.memref_slice %arg7[%parallel_loop3A_322, %parallel_loop3A_323, %parallel_loop3A_324] : memref<2x128x128xf32, #tpu.memory_space<vmem>> -> memref<1x128x128xf32, #tpu.memory_space<vmem>>
        %parallel_loop3A_326 = tpu.memref_squeeze %parallel_loop3A_325 : memref<1x128x128xf32, #tpu.memory_space<vmem>> -> memref<128x128xf32, #tpu.memory_space<vmem>>
        %parallel_loop3A_327 = tpu.vector_load_idx %parallel_loop3A_326[%add3A_5, %parallel_loop3A_321] : memref<128x128xf32, #tpu.memory_space<vmem>>[vector<16xi32>, vector<16xi32>], vector<16xf32>,
        %parallel_loop3A_328 = arith.constant 0 : i32
        %parallel_loop3A_329 = arith.index_cast %parallel_loop3A_328 : i32 to index
        %parallel_loop3A_330 = arith.index_cast %parallel_loop3A_319 : i32 to index
        %parallel_loop3A_331 = arith.constant 0 : index
        %parallel_loop3A_332 = tpu.vector_load %arg8[%parallel_loop3A_329, %parallel_loop3A_330, %parallel_loop3A_331] {strides = array<i32>} : memref<2x32x128xf32, #tpu.memory_space<vmem>>, vector<16xf32>,
        tpu.vector_store %arg8[%parallel_loop3A_329, %parallel_loop3A_330, %parallel_loop3A_331], %parallel_loop3A_327 {strides = array<i32>} : memref<2x32x128xf32, #tpu.memory_space<vmem>>, vector<16xf32>,
        %parallel_loop3A_333 = vector.broadcast %parallel_loop3A_319 : i32 to vector<16xi32>
        %parallel_loop3A_334 = arith.addi %shift_left3A_123, %parallel_loop3A_333 : vector<16xi32>
        %parallel_loop3A_335 = arith.constant 0 : i32
        %parallel_loop3A_336 = arith.constant 0 : i32
        %parallel_loop3A_337 = arith.constant 0 : i32
        %parallel_loop3A_338 = tpu.memref_slice %arg7[%parallel_loop3A_335, %parallel_loop3A_336, %parallel_loop3A_337] : memref<2x128x128xf32, #tpu.memory_space<vmem>> -> memref<1x128x128xf32, #tpu.memory_space<vmem>>
        %parallel_loop3A_339 = tpu.memref_squeeze %parallel_loop3A_338 : memref<1x128x128xf32, #tpu.memory_space<vmem>> -> memref<128x128xf32, #tpu.memory_space<vmem>>
        %parallel_loop3A_340 = tpu.vector_load_idx %parallel_loop3A_339[%add3A_8, %parallel_loop3A_334] : memref<128x128xf32, #tpu.memory_space<vmem>>[vector<16xi32>, vector<16xi32>], vector<16xf32>,
        %parallel_loop3A_341 = arith.constant 0 : i32
        %parallel_loop3A_342 = arith.index_cast %parallel_loop3A_341 : i32 to index
        %parallel_loop3A_343 = arith.index_cast %parallel_loop3A_319 : i32 to index
        %parallel_loop3A_344 = arith.constant 16 : index
        %parallel_loop3A_345 = tpu.vector_load %arg8[%parallel_loop3A_342, %parallel_loop3A_343, %parallel_loop3A_344] {strides = array<i32>} : memref<2x32x128xf32, #tpu.memory_space<vmem>>, vector<16xf32>,
        tpu.vector_store %arg8[%parallel_loop3A_342, %parallel_loop3A_343, %parallel_loop3A_344], %parallel_loop3A_340 {strides = array<i32>} : memref<2x32x128xf32, #tpu.memory_space<vmem>>, vector<16xf32>,
        %parallel_loop3A_346 = vector.broadcast %parallel_loop3A_319 : i32 to vector<16xi32>
        %parallel_loop3A_347 = arith.addi %shift_left3A_132, %parallel_loop3A_346 : vector<16xi32>
        %parallel_loop3A_348 = arith.constant 0 : i32
        %parallel_loop3A_349 = arith.constant 0 : i32
        %parallel_loop3A_350 = arith.constant 0 : i32
        %parallel_loop3A_351 = tpu.memref_slice %arg7[%parallel_loop3A_348, %parallel_loop3A_349, %parallel_loop3A_350] : memref<2x128x128xf32, #tpu.memory_space<vmem>> -> memref<1x128x128xf32, #tpu.memory_space<vmem>>
        %parallel_loop3A_352 = tpu.memref_squeeze %parallel_loop3A_351 : memref<1x128x128xf32, #tpu.memory_space<vmem>> -> memref<128x128xf32, #tpu.memory_space<vmem>>
        %parallel_loop3A_353 = tpu.vector_load_idx %parallel_loop3A_352[%add3A_11, %parallel_loop3A_347] : memref<128x128xf32, #tpu.memory_space<vmem>>[vector<16xi32>, vector<16xi32>], vector<16xf32>,
        %parallel_loop3A_354 = arith.constant 0 : i32
        %parallel_loop3A_355 = arith.index_cast %parallel_loop3A_354 : i32 to index
        %parallel_loop3A_356 = arith.index_cast %parallel_loop3A_319 : i32 to index
        %parallel_loop3A_357 = arith.constant 32 : index
        %parallel_loop3A_358 = tpu.vector_load %arg8[%parallel_loop3A_355, %parallel_loop3A_356, %parallel_loop3A_357] {strides = array<i32>} : memref<2x32x128xf32, #tpu.memory_space<vmem>>, vector<16xf32>,
        tpu.vector_store %arg8[%parallel_loop3A_355, %parallel_loop3A_356, %parallel_loop3A_357], %parallel_loop3A_353 {strides = array<i32>} : memref<2x32x128xf32, #tpu.memory_space<vmem>>, vector<16xf32>,
        %parallel_loop3A_359 = vector.broadcast %parallel_loop3A_319 : i32 to vector<16xi32>
        %parallel_loop3A_360 = arith.addi %shift_left3A_141, %parallel_loop3A_359 : vector<16xi32>
        %parallel_loop3A_361 = arith.constant 0 : i32
        %parallel_loop3A_362 = arith.constant 0 : i32
        %parallel_loop3A_363 = arith.constant 0 : i32
        %parallel_loop3A_364 = tpu.memref_slice %arg7[%parallel_loop3A_361, %parallel_loop3A_362, %parallel_loop3A_363] : memref<2x128x128xf32, #tpu.memory_space<vmem>> -> memref<1x128x128xf32, #tpu.memory_space<vmem>>
        %parallel_loop3A_365 = tpu.memref_squeeze %parallel_loop3A_364 : memref<1x128x128xf32, #tpu.memory_space<vmem>> -> memref<128x128xf32, #tpu.memory_space<vmem>>
        %parallel_loop3A_366 = tpu.vector_load_idx %parallel_loop3A_365[%add3A_14, %parallel_loop3A_360] : memref<128x128xf32, #tpu.memory_space<vmem>>[vector<16xi32>, vector<16xi32>], vector<16xf32>,
        %parallel_loop3A_367 = arith.constant 0 : i32
        %parallel_loop3A_368 = arith.index_cast %parallel_loop3A_367 : i32 to index
        %parallel_loop3A_369 = arith.index_cast %parallel_loop3A_319 : i32 to index
        %parallel_loop3A_370 = arith.constant 48 : index
        %parallel_loop3A_371 = tpu.vector_load %arg8[%parallel_loop3A_368, %parallel_loop3A_369, %parallel_loop3A_370] {strides = array<i32>} : memref<2x32x128xf32, #tpu.memory_space<vmem>>, vector<16xf32>,
        tpu.vector_store %arg8[%parallel_loop3A_368, %parallel_loop3A_369, %parallel_loop3A_370], %parallel_loop3A_366 {strides = array<i32>} : memref<2x32x128xf32, #tpu.memory_space<vmem>>, vector<16xf32>,
        %parallel_loop3A_372 = vector.broadcast %parallel_loop3A_319 : i32 to vector<16xi32>
        %parallel_loop3A_373 = arith.addi %shift_left3A_150, %parallel_loop3A_372 : vector<16xi32>
        %parallel_loop3A_374 = arith.constant 0 : i32
        %parallel_loop3A_375 = arith.constant 0 : i32
        %parallel_loop3A_376 = arith.constant 0 : i32
        %parallel_loop3A_377 = tpu.memref_slice %arg7[%parallel_loop3A_374, %parallel_loop3A_375, %parallel_loop3A_376] : memref<2x128x128xf32, #tpu.memory_space<vmem>> -> memref<1x128x128xf32, #tpu.memory_space<vmem>>
        %parallel_loop3A_378 = tpu.memref_squeeze %parallel_loop3A_377 : memref<1x128x128xf32, #tpu.memory_space<vmem>> -> memref<128x128xf32, #tpu.memory_space<vmem>>
        %parallel_loop3A_379 = tpu.vector_load_idx %parallel_loop3A_378[%add3A_17, %parallel_loop3A_373] : memref<128x128xf32, #tpu.memory_space<vmem>>[vector<16xi32>, vector<16xi32>], vector<16xf32>,
        %parallel_loop3A_380 = arith.constant 0 : i32
        %parallel_loop3A_381 = arith.index_cast %parallel_loop3A_380 : i32 to index
        %parallel_loop3A_382 = arith.index_cast %parallel_loop3A_319 : i32 to index
        %parallel_loop3A_383 = arith.constant 64 : index
        %parallel_loop3A_384 = tpu.vector_load %arg8[%parallel_loop3A_381, %parallel_loop3A_382, %parallel_loop3A_383] {strides = array<i32>} : memref<2x32x128xf32, #tpu.memory_space<vmem>>, vector<16xf32>,
        tpu.vector_store %arg8[%parallel_loop3A_381, %parallel_loop3A_382, %parallel_loop3A_383], %parallel_loop3A_379 {strides = array<i32>} : memref<2x32x128xf32, #tpu.memory_space<vmem>>, vector<16xf32>,
        %parallel_loop3A_385 = vector.broadcast %parallel_loop3A_319 : i32 to vector<16xi32>
        %parallel_loop3A_386 = arith.addi %shift_left3A_159, %parallel_loop3A_385 : vector<16xi32>
        %parallel_loop3A_387 = arith.constant 0 : i32
        %parallel_loop3A_388 = arith.constant 0 : i32
        %parallel_loop3A_389 = arith.constant 0 : i32
        %parallel_loop3A_390 = tpu.memref_slice %arg7[%parallel_loop3A_387, %parallel_loop3A_388, %parallel_loop3A_389] : memref<2x128x128xf32, #tpu.memory_space<vmem>> -> memref<1x128x128xf32, #tpu.memory_space<vmem>>
        %parallel_loop3A_391 = tpu.memref_squeeze %parallel_loop3A_390 : memref<1x128x128xf32, #tpu.memory_space<vmem>> -> memref<128x128xf32, #tpu.memory_space<vmem>>
        %parallel_loop3A_392 = tpu.vector_load_idx %parallel_loop3A_391[%add3A_20, %parallel_loop3A_386] : memref<128x128xf32, #tpu.memory_space<vmem>>[vector<16xi32>, vector<16xi32>], vector<16xf32>,
        %parallel_loop3A_393 = arith.constant 0 : i32
        %parallel_loop3A_394 = arith.index_cast %parallel_loop3A_393 : i32 to index
        %parallel_loop3A_395 = arith.index_cast %parallel_loop3A_319 : i32 to index
        %parallel_loop3A_396 = arith.constant 80 : index
        %parallel_loop3A_397 = tpu.vector_load %arg8[%parallel_loop3A_394, %parallel_loop3A_395, %parallel_loop3A_396] {strides = array<i32>} : memref<2x32x128xf32, #tpu.memory_space<vmem>>, vector<16xf32>,
        tpu.vector_store %arg8[%parallel_loop3A_394, %parallel_loop3A_395, %parallel_loop3A_396], %parallel_loop3A_392 {strides = array<i32>} : memref<2x32x128xf32, #tpu.memory_space<vmem>>, vector<16xf32>,
        %parallel_loop3A_398 = vector.broadcast %parallel_loop3A_319 : i32 to vector<16xi32>
        %parallel_loop3A_399 = arith.addi %shift_left3A_168, %parallel_loop3A_398 : vector<16xi32>
        %parallel_loop3A_400 = arith.constant 0 : i32
        %parallel_loop3A_401 = arith.constant 0 : i32
        %parallel_loop3A_402 = arith.constant 0 : i32
        %parallel_loop3A_403 = tpu.memref_slice %arg7[%parallel_loop3A_400, %parallel_loop3A_401, %parallel_loop3A_402] : memref<2x128x128xf32, #tpu.memory_space<vmem>> -> memref<1x128x128xf32, #tpu.memory_space<vmem>>
        %parallel_loop3A_404 = tpu.memref_squeeze %parallel_loop3A_403 : memref<1x128x128xf32, #tpu.memory_space<vmem>> -> memref<128x128xf32, #tpu.memory_space<vmem>>
        %parallel_loop3A_405 = tpu.vector_load_idx %parallel_loop3A_404[%add3A_23, %parallel_loop3A_399] : memref<128x128xf32, #tpu.memory_space<vmem>>[vector<16xi32>, vector<16xi32>], vector<16xf32>,
        %parallel_loop3A_406 = arith.constant 0 : i32
        %parallel_loop3A_407 = arith.index_cast %parallel_loop3A_406 : i32 to index
        %parallel_loop3A_408 = arith.index_cast %parallel_loop3A_319 : i32 to index
        %parallel_loop3A_409 = arith.constant 96 : index
        %parallel_loop3A_410 = tpu.vector_load %arg8[%parallel_loop3A_407, %parallel_loop3A_408, %parallel_loop3A_409] {strides = array<i32>} : memref<2x32x128xf32, #tpu.memory_space<vmem>>, vector<16xf32>,
        tpu.vector_store %arg8[%parallel_loop3A_407, %parallel_loop3A_408, %parallel_loop3A_409], %parallel_loop3A_405 {strides = array<i32>} : memref<2x32x128xf32, #tpu.memory_space<vmem>>, vector<16xf32>,
        %parallel_loop3A_411 = vector.broadcast %parallel_loop3A_319 : i32 to vector<16xi32>
        %parallel_loop3A_412 = arith.addi %shift_left3A_177, %parallel_loop3A_411 : vector<16xi32>
        %parallel_loop3A_413 = arith.constant 0 : i32
        %parallel_loop3A_414 = arith.constant 0 : i32
        %parallel_loop3A_415 = arith.constant 0 : i32
        %parallel_loop3A_416 = tpu.memref_slice %arg7[%parallel_loop3A_413, %parallel_loop3A_414, %parallel_loop3A_415] : memref<2x128x128xf32, #tpu.memory_space<vmem>> -> memref<1x128x128xf32, #tpu.memory_space<vmem>>
        %parallel_loop3A_417 = tpu.memref_squeeze %parallel_loop3A_416 : memref<1x128x128xf32, #tpu.memory_space<vmem>> -> memref<128x128xf32, #tpu.memory_space<vmem>>
        %parallel_loop3A_418 = tpu.vector_load_idx %parallel_loop3A_417[%add3A_26, %parallel_loop3A_412] : memref<128x128xf32, #tpu.memory_space<vmem>>[vector<16xi32>, vector<16xi32>], vector<16xf32>,
        %parallel_loop3A_419 = arith.constant 0 : i32
        %parallel_loop3A_420 = arith.index_cast %parallel_loop3A_419 : i32 to index
        %parallel_loop3A_421 = arith.index_cast %parallel_loop3A_319 : i32 to index
        %parallel_loop3A_422 = arith.constant 112 : index
        %parallel_loop3A_423 = tpu.vector_load %arg8[%parallel_loop3A_420, %parallel_loop3A_421, %parallel_loop3A_422] {strides = array<i32>} : memref<2x32x128xf32, #tpu.memory_space<vmem>>, vector<16xf32>,
        tpu.vector_store %arg8[%parallel_loop3A_420, %parallel_loop3A_421, %parallel_loop3A_422], %parallel_loop3A_418 {strides = array<i32>} : memref<2x32x128xf32, #tpu.memory_space<vmem>>, vector<16xf32>,
      } {sc.loop_unroll_factor = 8 : i64, sc.parallel_access}
      %dma_start3A_180 = arith.constant 0 : i32
      %dma_start3A_181 = arith.constant 0 : i32
      %dma_start3A_182 = arith.constant 0 : i32
      %dma_start3A_183 = tpu.memref_slice %arg8[%dma_start3A_180, %dma_start3A_181, %dma_start3A_182] : memref<2x32x128xf32, #tpu.memory_space<vmem>> -> memref<1x32x128xf32, #tpu.memory_space<vmem>>
      %dma_start3A_184 = tpu.memref_squeeze %dma_start3A_183 : memref<1x32x128xf32, #tpu.memory_space<vmem>> -> memref<32x128xf32, #tpu.memory_space<vmem>>
      %dma_start3A_185 = arith.constant 0 : i32
      %dma_start3A_186 = tpu.memref_slice %arg4[%mul3A_94, %dma_start3A_185, %multiple_of3A] : memref<200x32x4096xf32, #tpu.memory_space<hbm>> -> memref<1x32x128xf32, #tpu.memory_space<hbm>>
      %dma_start3A_187 = tpu.memref_squeeze %dma_start3A_186 : memref<1x32x128xf32, #tpu.memory_space<hbm>> -> memref<32x128xf32, #tpu.memory_space<hbm>>
      %dma_start3A_188 = arith.constant 0 : i32
      %dma_start3A_189 = tpu.memref_slice %arg4[%mul3A_94, %dma_start3A_188, %multiple_of3A] : memref<200x32x4096xf32, #tpu.memory_space<hbm>> -> memref<1x32x128xf32, #tpu.memory_space<hbm>>
      %dma_start3A_190 = tpu.memref_squeeze %dma_start3A_189 : memref<1x32x128xf32, #tpu.memory_space<hbm>> -> memref<32x128xf32, #tpu.memory_space<hbm>>
      %dma_start3A_191 = arith.constant 0 : i32
      %dma_start3A_192 = arith.constant 0 : i32
      %dma_start3A_193 = tpu.memref_slice %arg8[%dma_start3A_180, %dma_start3A_191, %dma_start3A_192] : memref<2x32x128xf32, #tpu.memory_space<vmem>> -> memref<1x32x128xf32, #tpu.memory_space<vmem>>
      %dma_start3A_194 = tpu.memref_squeeze %dma_start3A_193 : memref<1x32x128xf32, #tpu.memory_space<vmem>> -> memref<32x128xf32, #tpu.memory_space<vmem>>
      tpu.enqueue_dma source(%dma_start3A_194 : memref<32x128xf32, #tpu.memory_space<vmem>>) target(%dma_start3A_190 : memref<32x128xf32, #tpu.memory_space<hbm>>) target_semaphore(%arg11 : memref<!tpu.dma_semaphore, #tpu.memory_space<semaphore_mem>>)
      %add3A_195 = arith.constant 2 : i32
      %add3A_196 = arith.addi %mul3A_94, %add3A_195 : i32
      %lt3A = arith.constant 200 : i32
      %lt3A_197 = arith.cmpi slt, %add3A_196, %lt3A : i32
      %convert_element_type3A_198 = arith.extui %lt3A_197 : i1 to i32
      %cond3A_199 = arith.constant 0 : i32
      %cond3A_200 = arith.cmpi ne, %convert_element_type3A_198, %cond3A_199 : i32
      scf.if %cond3A_200 {
        %add3A_319 = arith.constant 2 : i32
        %add3A_320 = arith.addi %mul3A_94, %add3A_319 : i32
        %dma_start3A_321 = arith.constant 0 : i32
        %dma_start3A_322 = arith.constant 0 : i32
        %dma_start3A_323 = arith.constant 0 : i32
        %dma_start3A_324 = tpu.memref_slice %arg7[%dma_start3A_321, %dma_start3A_322, %dma_start3A_323] : memref<2x128x128xf32, #tpu.memory_space<vmem>> -> memref<1x128x128xf32, #tpu.memory_space<vmem>>
        %dma_start3A_325 = tpu.memref_squeeze %dma_start3A_324 : memref<1x128x128xf32, #tpu.memory_space<vmem>> -> memref<128x128xf32, #tpu.memory_space<vmem>>
        %dma_start3A_326 = arith.constant 0 : i32
        %dma_start3A_327 = tpu.memref_slice %arg6[%add3A_320, %dma_start3A_326] : memref<200x128xi32, #tpu.memory_space<vmem>> -> memref<1x128xi32, #tpu.memory_space<vmem>>
        %dma_start3A_328 = tpu.memref_squeeze %dma_start3A_327 : memref<1x128xi32, #tpu.memory_space<vmem>> -> memref<128xi32, #tpu.memory_space<vmem>>
        %dma_start3A_329 = arith.constant 0 : i32
        %dma_start3A_330 = arith.constant 0 : i32
        %dma_start3A_331 = tpu.memref_slice %arg3[%dma_start3A_329, %dma_start3A_330] : memref<250000x128xf32, #tpu.memory_space<hbm>> -> memref<250000x128xf32, #tpu.memory_space<hbm>>
        tpu.enqueue_indirect_dma source(%dma_start3A_331 : memref<250000x128xf32, #tpu.memory_space<hbm>>) target(%dma_start3A_325 : memref<128x128xf32, #tpu.memory_space<vmem>>) offsets(%dma_start3A_328 : memref<128xi32, #tpu.memory_space<vmem>>) semaphore(%arg9 : memref<!tpu.dma_semaphore, #tpu.memory_space<semaphore_mem>>)
      } else {
      }
      %mul3A_201 = arith.constant 2 : i32
      %mul3A_202 = arith.muli %mul3A_201, %scan3A_92 : i32
      %add3A_203 = arith.constant 1 : i32
      %add3A_204 = arith.addi %mul3A_202, %add3A_203 : i32
      %dma_wait3A_205 = arith.constant 0 : i32
      %dma_wait3A_206 = arith.constant 1 : i32
      %dma_wait3A_207 = arith.constant 0 : i32
      %dma_wait3A_208 = arith.constant 0 : i32
      %dma_wait3A_209 = tpu.memref_slice %arg7[%dma_wait3A_206, %dma_wait3A_207, %dma_wait3A_208] : memref<2x128x128xf32, #tpu.memory_space<vmem>> -> memref<1x128x128xf32, #tpu.memory_space<vmem>>
      %dma_wait3A_210 = tpu.memref_squeeze %dma_wait3A_209 : memref<1x128x128xf32, #tpu.memory_space<vmem>> -> memref<128x128xf32, #tpu.memory_space<vmem>>
      %dma_wait3A_211 = arith.constant 0 : i32
      %dma_wait3A_212 = tpu.memref_slice %arg6[%dma_wait3A_205, %dma_wait3A_211] : memref<200x128xi32, #tpu.memory_space<vmem>> -> memref<1x128xi32, #tpu.memory_space<vmem>>
      %dma_wait3A_213 = tpu.memref_squeeze %dma_wait3A_212 : memref<1x128xi32, #tpu.memory_space<vmem>> -> memref<128xi32, #tpu.memory_space<vmem>>
      %dma_wait3A_214 = arith.constant 0 : i32
      %dma_wait3A_215 = arith.constant 0 : i32
      %dma_wait3A_216 = tpu.memref_slice %arg3[%dma_wait3A_214, %dma_wait3A_215] : memref<250000x128xf32, #tpu.memory_space<hbm>> -> memref<250000x128xf32, #tpu.memory_space<hbm>>
      tpu.wait_indirect_dma semaphore(%arg10 : memref<!tpu.dma_semaphore, #tpu.memory_space<semaphore_mem>>) src(%dma_wait3A_216 : memref<250000x128xf32, #tpu.memory_space<hbm>>) dst(%dma_wait3A_210 : memref<128x128xf32, #tpu.memory_space<vmem>>)
      %ge3A_217 = arith.constant 1 : i32
      %ge3A_218 = arith.cmpi sge, %scan3A_92, %ge3A_217 : i32
      %convert_element_type3A_219 = arith.extui %ge3A_218 : i1 to i32
      %cond3A_220 = arith.constant 0 : i32
      %cond3A_221 = arith.cmpi ne, %convert_element_type3A_219, %cond3A_220 : i32
      scf.if %cond3A_221 {
        %dma_wait3A_319 = arith.constant 1 : i32
        %dma_wait3A_320 = arith.constant 0 : i32
        %dma_wait3A_321 = arith.constant 0 : i32
        %dma_wait3A_322 = tpu.memref_slice %arg8[%dma_wait3A_319, %dma_wait3A_320, %dma_wait3A_321] : memref<2x32x128xf32, #tpu.memory_space<vmem>> -> memref<1x32x128xf32, #tpu.memory_space<vmem>>
        %dma_wait3A_323 = tpu.memref_squeeze %dma_wait3A_322 : memref<1x32x128xf32, #tpu.memory_space<vmem>> -> memref<32x128xf32, #tpu.memory_space<vmem>>
        %dma_wait3A_324 = arith.constant 0 : i32
        %dma_wait3A_325 = tpu.memref_slice %arg4[%add3A_204, %dma_wait3A_324, %multiple_of3A] : memref<200x32x4096xf32, #tpu.memory_space<hbm>> -> memref<1x32x128xf32, #tpu.memory_space<hbm>>
        %dma_wait3A_326 = tpu.memref_squeeze %dma_wait3A_325 : memref<1x32x128xf32, #tpu.memory_space<hbm>> -> memref<32x128xf32, #tpu.memory_space<hbm>>
        %dma_wait3A_327 = arith.constant 0 : i32
        %dma_wait3A_328 = tpu.memref_slice %arg4[%add3A_204, %dma_wait3A_327, %multiple_of3A] : memref<200x32x4096xf32, #tpu.memory_space<hbm>> -> memref<1x32x128xf32, #tpu.memory_space<hbm>>
        %dma_wait3A_329 = tpu.memref_squeeze %dma_wait3A_328 : memref<1x32x128xf32, #tpu.memory_space<hbm>> -> memref<32x128xf32, #tpu.memory_space<hbm>>
        %dma_wait3A_330 = arith.constant 0 : i32
        %dma_wait3A_331 = arith.constant 0 : i32
        %dma_wait3A_332 = tpu.memref_slice %arg8[%dma_wait3A_319, %dma_wait3A_330, %dma_wait3A_331] : memref<2x32x128xf32, #tpu.memory_space<vmem>> -> memref<1x32x128xf32, #tpu.memory_space<vmem>>
        %dma_wait3A_333 = tpu.memref_squeeze %dma_wait3A_332 : memref<1x32x128xf32, #tpu.memory_space<vmem>> -> memref<32x128xf32, #tpu.memory_space<vmem>>
        tpu.wait_dma2 semaphore(%arg12 : memref<!tpu.dma_semaphore, #tpu.memory_space<semaphore_mem>>) src(%dma_wait3A_333 : memref<32x128xf32, #tpu.memory_space<vmem>>) dst(%dma_wait3A_329 : memref<32x128xf32, #tpu.memory_space<hbm>>)
      } else {
      }
      %get3A_222 = arith.index_cast %add3A_204 : i32 to index
      %get3A_223 = arith.constant 0 : index
      %get3A_224 = tpu.vector_load %arg5[%get3A_222, %get3A_223] {strides = array<i32>} : memref<200x128xi32, #tpu.memory_space<vmem>>, vector<16xi32>,
      %and3A_225 = arith.constant 3 : i32
      %and3A_226 = vector.broadcast %and3A_225 : i32 to vector<16xi32>
      %and3A_227 = arith.andi %get3A_224, %and3A_226 : vector<16xi32>
      %shift_left3A_228 = arith.constant 5 : i32
      %shift_left3A_229 = vector.broadcast %shift_left3A_228 : i32 to vector<16xi32>
      %shift_left3A_230 = arith.shli %and3A_227, %shift_left3A_229 : vector<16xi32>
      %get3A_231 = arith.index_cast %add3A_204 : i32 to index
      %get3A_232 = arith.constant 16 : index
      %get3A_233 = tpu.vector_load %arg5[%get3A_231, %get3A_232] {strides = array<i32>} : memref<200x128xi32, #tpu.memory_space<vmem>>, vector<16xi32>,
      %and3A_234 = arith.constant 3 : i32
      %and3A_235 = vector.broadcast %and3A_234 : i32 to vector<16xi32>
      %and3A_236 = arith.andi %get3A_233, %and3A_235 : vector<16xi32>
      %shift_left3A_237 = arith.constant 5 : i32
      %shift_left3A_238 = vector.broadcast %shift_left3A_237 : i32 to vector<16xi32>
      %shift_left3A_239 = arith.shli %and3A_236, %shift_left3A_238 : vector<16xi32>
      %get3A_240 = arith.index_cast %add3A_204 : i32 to index
      %get3A_241 = arith.constant 32 : index
      %get3A_242 = tpu.vector_load %arg5[%get3A_240, %get3A_241] {strides = array<i32>} : memref<200x128xi32, #tpu.memory_space<vmem>>, vector<16xi32>,
      %and3A_243 = arith.constant 3 : i32
      %and3A_244 = vector.broadcast %and3A_243 : i32 to vector<16xi32>
      %and3A_245 = arith.andi %get3A_242, %and3A_244 : vector<16xi32>
      %shift_left3A_246 = arith.constant 5 : i32
      %shift_left3A_247 = vector.broadcast %shift_left3A_246 : i32 to vector<16xi32>
      %shift_left3A_248 = arith.shli %and3A_245, %shift_left3A_247 : vector<16xi32>
      %get3A_249 = arith.index_cast %add3A_204 : i32 to index
      %get3A_250 = arith.constant 48 : index
      %get3A_251 = tpu.vector_load %arg5[%get3A_249, %get3A_250] {strides = array<i32>} : memref<200x128xi32, #tpu.memory_space<vmem>>, vector<16xi32>,
      %and3A_252 = arith.constant 3 : i32
      %and3A_253 = vector.broadcast %and3A_252 : i32 to vector<16xi32>
      %and3A_254 = arith.andi %get3A_251, %and3A_253 : vector<16xi32>
      %shift_left3A_255 = arith.constant 5 : i32
      %shift_left3A_256 = vector.broadcast %shift_left3A_255 : i32 to vector<16xi32>
      %shift_left3A_257 = arith.shli %and3A_254, %shift_left3A_256 : vector<16xi32>
      %get3A_258 = arith.index_cast %add3A_204 : i32 to index
      %get3A_259 = arith.constant 64 : index
      %get3A_260 = tpu.vector_load %arg5[%get3A_258, %get3A_259] {strides = array<i32>} : memref<200x128xi32, #tpu.memory_space<vmem>>, vector<16xi32>,
      %and3A_261 = arith.constant 3 : i32
      %and3A_262 = vector.broadcast %and3A_261 : i32 to vector<16xi32>
      %and3A_263 = arith.andi %get3A_260, %and3A_262 : vector<16xi32>
      %shift_left3A_264 = arith.constant 5 : i32
      %shift_left3A_265 = vector.broadcast %shift_left3A_264 : i32 to vector<16xi32>
      %shift_left3A_266 = arith.shli %and3A_263, %shift_left3A_265 : vector<16xi32>
      %get3A_267 = arith.index_cast %add3A_204 : i32 to index
      %get3A_268 = arith.constant 80 : index
      %get3A_269 = tpu.vector_load %arg5[%get3A_267, %get3A_268] {strides = array<i32>} : memref<200x128xi32, #tpu.memory_space<vmem>>, vector<16xi32>,
      %and3A_270 = arith.constant 3 : i32
      %and3A_271 = vector.broadcast %and3A_270 : i32 to vector<16xi32>
      %and3A_272 = arith.andi %get3A_269, %and3A_271 : vector<16xi32>
      %shift_left3A_273 = arith.constant 5 : i32
      %shift_left3A_274 = vector.broadcast %shift_left3A_273 : i32 to vector<16xi32>
      %shift_left3A_275 = arith.shli %and3A_272, %shift_left3A_274 : vector<16xi32>
      %get3A_276 = arith.index_cast %add3A_204 : i32 to index
      %get3A_277 = arith.constant 96 : index
      %get3A_278 = tpu.vector_load %arg5[%get3A_276, %get3A_277] {strides = array<i32>} : memref<200x128xi32, #tpu.memory_space<vmem>>, vector<16xi32>,
      %and3A_279 = arith.constant 3 : i32
      %and3A_280 = vector.broadcast %and3A_279 : i32 to vector<16xi32>
      %and3A_281 = arith.andi %get3A_278, %and3A_280 : vector<16xi32>
      %shift_left3A_282 = arith.constant 5 : i32
      %shift_left3A_283 = vector.broadcast %shift_left3A_282 : i32 to vector<16xi32>
      %shift_left3A_284 = arith.shli %and3A_281, %shift_left3A_283 : vector<16xi32>
      %get3A_285 = arith.index_cast %add3A_204 : i32 to index
      %get3A_286 = arith.constant 112 : index
      %get3A_287 = tpu.vector_load %arg5[%get3A_285, %get3A_286] {strides = array<i32>} : memref<200x128xi32, #tpu.memory_space<vmem>>, vector<16xi32>,
      %and3A_288 = arith.constant 3 : i32
      %and3A_289 = vector.broadcast %and3A_288 : i32 to vector<16xi32>
      %and3A_290 = arith.andi %get3A_287, %and3A_289 : vector<16xi32>
      %shift_left3A_291 = arith.constant 5 : i32
      %shift_left3A_292 = vector.broadcast %shift_left3A_291 : i32 to vector<16xi32>
      %shift_left3A_293 = arith.shli %and3A_290, %shift_left3A_292 : vector<16xi32>
      %parallel_loop3A_294 = arith.constant 0 : i32
      %parallel_loop3A_295 = arith.constant 32 : i32
      %parallel_loop3A_296 = arith.constant 1 : i32
      scf.for %parallel_loop3A_319 = %parallel_loop3A_294 to %parallel_loop3A_295 step %parallel_loop3A_296  : i32 {
        %parallel_loop3A_320 = vector.broadcast %parallel_loop3A_319 : i32 to vector<16xi32>
        %parallel_loop3A_321 = arith.addi %shift_left3A_230, %parallel_loop3A_320 : vector<16xi32>
        %parallel_loop3A_322 = arith.constant 1 : i32
        %parallel_loop3A_323 = arith.constant 0 : i32
        %parallel_loop3A_324 = arith.constant 0 : i32
        %parallel_loop3A_325 = tpu.memref_slice %arg7[%parallel_loop3A_322, %parallel_loop3A_323, %parallel_loop3A_324] : memref<2x128x128xf32, #tpu.memory_space<vmem>> -> memref<1x128x128xf32, #tpu.memory_space<vmem>>
        %parallel_loop3A_326 = tpu.memref_squeeze %parallel_loop3A_325 : memref<1x128x128xf32, #tpu.memory_space<vmem>> -> memref<128x128xf32, #tpu.memory_space<vmem>>
        %parallel_loop3A_327 = tpu.vector_load_idx %parallel_loop3A_326[%add3A_5, %parallel_loop3A_321] : memref<128x128xf32, #tpu.memory_space<vmem>>[vector<16xi32>, vector<16xi32>], vector<16xf32>,
        %parallel_loop3A_328 = arith.constant 1 : i32
        %parallel_loop3A_329 = arith.index_cast %parallel_loop3A_328 : i32 to index
        %parallel_loop3A_330 = arith.index_cast %parallel_loop3A_319 : i32 to index
        %parallel_loop3A_331 = arith.constant 0 : index
        %parallel_loop3A_332 = tpu.vector_load %arg8[%parallel_loop3A_329, %parallel_loop3A_330, %parallel_loop3A_331] {strides = array<i32>} : memref<2x32x128xf32, #tpu.memory_space<vmem>>, vector<16xf32>,
        tpu.vector_store %arg8[%parallel_loop3A_329, %parallel_loop3A_330, %parallel_loop3A_331], %parallel_loop3A_327 {strides = array<i32>} : memref<2x32x128xf32, #tpu.memory_space<vmem>>, vector<16xf32>,
        %parallel_loop3A_333 = vector.broadcast %parallel_loop3A_319 : i32 to vector<16xi32>
        %parallel_loop3A_334 = arith.addi %shift_left3A_239, %parallel_loop3A_333 : vector<16xi32>
        %parallel_loop3A_335 = arith.constant 1 : i32
        %parallel_loop3A_336 = arith.constant 0 : i32
        %parallel_loop3A_337 = arith.constant 0 : i32
        %parallel_loop3A_338 = tpu.memref_slice %arg7[%parallel_loop3A_335, %parallel_loop3A_336, %parallel_loop3A_337] : memref<2x128x128xf32, #tpu.memory_space<vmem>> -> memref<1x128x128xf32, #tpu.memory_space<vmem>>
        %parallel_loop3A_339 = tpu.memref_squeeze %parallel_loop3A_338 : memref<1x128x128xf32, #tpu.memory_space<vmem>> -> memref<128x128xf32, #tpu.memory_space<vmem>>
        %parallel_loop3A_340 = tpu.vector_load_idx %parallel_loop3A_339[%add3A_8, %parallel_loop3A_334] : memref<128x128xf32, #tpu.memory_space<vmem>>[vector<16xi32>, vector<16xi32>], vector<16xf32>,
        %parallel_loop3A_341 = arith.constant 1 : i32
        %parallel_loop3A_342 = arith.index_cast %parallel_loop3A_341 : i32 to index
        %parallel_loop3A_343 = arith.index_cast %parallel_loop3A_319 : i32 to index
        %parallel_loop3A_344 = arith.constant 16 : index
        %parallel_loop3A_345 = tpu.vector_load %arg8[%parallel_loop3A_342, %parallel_loop3A_343, %parallel_loop3A_344] {strides = array<i32>} : memref<2x32x128xf32, #tpu.memory_space<vmem>>, vector<16xf32>,
        tpu.vector_store %arg8[%parallel_loop3A_342, %parallel_loop3A_343, %parallel_loop3A_344], %parallel_loop3A_340 {strides = array<i32>} : memref<2x32x128xf32, #tpu.memory_space<vmem>>, vector<16xf32>,
        %parallel_loop3A_346 = vector.broadcast %parallel_loop3A_319 : i32 to vector<16xi32>
        %parallel_loop3A_347 = arith.addi %shift_left3A_248, %parallel_loop3A_346 : vector<16xi32>
        %parallel_loop3A_348 = arith.constant 1 : i32
        %parallel_loop3A_349 = arith.constant 0 : i32
        %parallel_loop3A_350 = arith.constant 0 : i32
        %parallel_loop3A_351 = tpu.memref_slice %arg7[%parallel_loop3A_348, %parallel_loop3A_349, %parallel_loop3A_350] : memref<2x128x128xf32, #tpu.memory_space<vmem>> -> memref<1x128x128xf32, #tpu.memory_space<vmem>>
        %parallel_loop3A_352 = tpu.memref_squeeze %parallel_loop3A_351 : memref<1x128x128xf32, #tpu.memory_space<vmem>> -> memref<128x128xf32, #tpu.memory_space<vmem>>
        %parallel_loop3A_353 = tpu.vector_load_idx %parallel_loop3A_352[%add3A_11, %parallel_loop3A_347] : memref<128x128xf32, #tpu.memory_space<vmem>>[vector<16xi32>, vector<16xi32>], vector<16xf32>,
        %parallel_loop3A_354 = arith.constant 1 : i32
        %parallel_loop3A_355 = arith.index_cast %parallel_loop3A_354 : i32 to index
        %parallel_loop3A_356 = arith.index_cast %parallel_loop3A_319 : i32 to index
        %parallel_loop3A_357 = arith.constant 32 : index
        %parallel_loop3A_358 = tpu.vector_load %arg8[%parallel_loop3A_355, %parallel_loop3A_356, %parallel_loop3A_357] {strides = array<i32>} : memref<2x32x128xf32, #tpu.memory_space<vmem>>, vector<16xf32>,
        tpu.vector_store %arg8[%parallel_loop3A_355, %parallel_loop3A_356, %parallel_loop3A_357], %parallel_loop3A_353 {strides = array<i32>} : memref<2x32x128xf32, #tpu.memory_space<vmem>>, vector<16xf32>,
        %parallel_loop3A_359 = vector.broadcast %parallel_loop3A_319 : i32 to vector<16xi32>
        %parallel_loop3A_360 = arith.addi %shift_left3A_257, %parallel_loop3A_359 : vector<16xi32>
        %parallel_loop3A_361 = arith.constant 1 : i32
        %parallel_loop3A_362 = arith.constant 0 : i32
        %parallel_loop3A_363 = arith.constant 0 : i32
        %parallel_loop3A_364 = tpu.memref_slice %arg7[%parallel_loop3A_361, %parallel_loop3A_362, %parallel_loop3A_363] : memref<2x128x128xf32, #tpu.memory_space<vmem>> -> memref<1x128x128xf32, #tpu.memory_space<vmem>>
        %parallel_loop3A_365 = tpu.memref_squeeze %parallel_loop3A_364 : memref<1x128x128xf32, #tpu.memory_space<vmem>> -> memref<128x128xf32, #tpu.memory_space<vmem>>
        %parallel_loop3A_366 = tpu.vector_load_idx %parallel_loop3A_365[%add3A_14, %parallel_loop3A_360] : memref<128x128xf32, #tpu.memory_space<vmem>>[vector<16xi32>, vector<16xi32>], vector<16xf32>,
        %parallel_loop3A_367 = arith.constant 1 : i32
        %parallel_loop3A_368 = arith.index_cast %parallel_loop3A_367 : i32 to index
        %parallel_loop3A_369 = arith.index_cast %parallel_loop3A_319 : i32 to index
        %parallel_loop3A_370 = arith.constant 48 : index
        %parallel_loop3A_371 = tpu.vector_load %arg8[%parallel_loop3A_368, %parallel_loop3A_369, %parallel_loop3A_370] {strides = array<i32>} : memref<2x32x128xf32, #tpu.memory_space<vmem>>, vector<16xf32>,
        tpu.vector_store %arg8[%parallel_loop3A_368, %parallel_loop3A_369, %parallel_loop3A_370], %parallel_loop3A_366 {strides = array<i32>} : memref<2x32x128xf32, #tpu.memory_space<vmem>>, vector<16xf32>,
        %parallel_loop3A_372 = vector.broadcast %parallel_loop3A_319 : i32 to vector<16xi32>
        %parallel_loop3A_373 = arith.addi %shift_left3A_266, %parallel_loop3A_372 : vector<16xi32>
        %parallel_loop3A_374 = arith.constant 1 : i32
        %parallel_loop3A_375 = arith.constant 0 : i32
        %parallel_loop3A_376 = arith.constant 0 : i32
        %parallel_loop3A_377 = tpu.memref_slice %arg7[%parallel_loop3A_374, %parallel_loop3A_375, %parallel_loop3A_376] : memref<2x128x128xf32, #tpu.memory_space<vmem>> -> memref<1x128x128xf32, #tpu.memory_space<vmem>>
        %parallel_loop3A_378 = tpu.memref_squeeze %parallel_loop3A_377 : memref<1x128x128xf32, #tpu.memory_space<vmem>> -> memref<128x128xf32, #tpu.memory_space<vmem>>
        %parallel_loop3A_379 = tpu.vector_load_idx %parallel_loop3A_378[%add3A_17, %parallel_loop3A_373] : memref<128x128xf32, #tpu.memory_space<vmem>>[vector<16xi32>, vector<16xi32>], vector<16xf32>,
        %parallel_loop3A_380 = arith.constant 1 : i32
        %parallel_loop3A_381 = arith.index_cast %parallel_loop3A_380 : i32 to index
        %parallel_loop3A_382 = arith.index_cast %parallel_loop3A_319 : i32 to index
        %parallel_loop3A_383 = arith.constant 64 : index
        %parallel_loop3A_384 = tpu.vector_load %arg8[%parallel_loop3A_381, %parallel_loop3A_382, %parallel_loop3A_383] {strides = array<i32>} : memref<2x32x128xf32, #tpu.memory_space<vmem>>, vector<16xf32>,
        tpu.vector_store %arg8[%parallel_loop3A_381, %parallel_loop3A_382, %parallel_loop3A_383], %parallel_loop3A_379 {strides = array<i32>} : memref<2x32x128xf32, #tpu.memory_space<vmem>>, vector<16xf32>,
        %parallel_loop3A_385 = vector.broadcast %parallel_loop3A_319 : i32 to vector<16xi32>
        %parallel_loop3A_386 = arith.addi %shift_left3A_275, %parallel_loop3A_385 : vector<16xi32>
        %parallel_loop3A_387 = arith.constant 1 : i32
        %parallel_loop3A_388 = arith.constant 0 : i32
        %parallel_loop3A_389 = arith.constant 0 : i32
        %parallel_loop3A_390 = tpu.memref_slice %arg7[%parallel_loop3A_387, %parallel_loop3A_388, %parallel_loop3A_389] : memref<2x128x128xf32, #tpu.memory_space<vmem>> -> memref<1x128x128xf32, #tpu.memory_space<vmem>>
        %parallel_loop3A_391 = tpu.memref_squeeze %parallel_loop3A_390 : memref<1x128x128xf32, #tpu.memory_space<vmem>> -> memref<128x128xf32, #tpu.memory_space<vmem>>
        %parallel_loop3A_392 = tpu.vector_load_idx %parallel_loop3A_391[%add3A_20, %parallel_loop3A_386] : memref<128x128xf32, #tpu.memory_space<vmem>>[vector<16xi32>, vector<16xi32>], vector<16xf32>,
        %parallel_loop3A_393 = arith.constant 1 : i32
        %parallel_loop3A_394 = arith.index_cast %parallel_loop3A_393 : i32 to index
        %parallel_loop3A_395 = arith.index_cast %parallel_loop3A_319 : i32 to index
        %parallel_loop3A_396 = arith.constant 80 : index
        %parallel_loop3A_397 = tpu.vector_load %arg8[%parallel_loop3A_394, %parallel_loop3A_395, %parallel_loop3A_396] {strides = array<i32>} : memref<2x32x128xf32, #tpu.memory_space<vmem>>, vector<16xf32>,
        tpu.vector_store %arg8[%parallel_loop3A_394, %parallel_loop3A_395, %parallel_loop3A_396], %parallel_loop3A_392 {strides = array<i32>} : memref<2x32x128xf32, #tpu.memory_space<vmem>>, vector<16xf32>,
        %parallel_loop3A_398 = vector.broadcast %parallel_loop3A_319 : i32 to vector<16xi32>
        %parallel_loop3A_399 = arith.addi %shift_left3A_284, %parallel_loop3A_398 : vector<16xi32>
        %parallel_loop3A_400 = arith.constant 1 : i32
        %parallel_loop3A_401 = arith.constant 0 : i32
        %parallel_loop3A_402 = arith.constant 0 : i32
        %parallel_loop3A_403 = tpu.memref_slice %arg7[%parallel_loop3A_400, %parallel_loop3A_401, %parallel_loop3A_402] : memref<2x128x128xf32, #tpu.memory_space<vmem>> -> memref<1x128x128xf32, #tpu.memory_space<vmem>>
        %parallel_loop3A_404 = tpu.memref_squeeze %parallel_loop3A_403 : memref<1x128x128xf32, #tpu.memory_space<vmem>> -> memref<128x128xf32, #tpu.memory_space<vmem>>
        %parallel_loop3A_405 = tpu.vector_load_idx %parallel_loop3A_404[%add3A_23, %parallel_loop3A_399] : memref<128x128xf32, #tpu.memory_space<vmem>>[vector<16xi32>, vector<16xi32>], vector<16xf32>,
        %parallel_loop3A_406 = arith.constant 1 : i32
        %parallel_loop3A_407 = arith.index_cast %parallel_loop3A_406 : i32 to index
        %parallel_loop3A_408 = arith.index_cast %parallel_loop3A_319 : i32 to index
        %parallel_loop3A_409 = arith.constant 96 : index
        %parallel_loop3A_410 = tpu.vector_load %arg8[%parallel_loop3A_407, %parallel_loop3A_408, %parallel_loop3A_409] {strides = array<i32>} : memref<2x32x128xf32, #tpu.memory_space<vmem>>, vector<16xf32>,
        tpu.vector_store %arg8[%parallel_loop3A_407, %parallel_loop3A_408, %parallel_loop3A_409], %parallel_loop3A_405 {strides = array<i32>} : memref<2x32x128xf32, #tpu.memory_space<vmem>>, vector<16xf32>,
        %parallel_loop3A_411 = vector.broadcast %parallel_loop3A_319 : i32 to vector<16xi32>
        %parallel_loop3A_412 = arith.addi %shift_left3A_293, %parallel_loop3A_411 : vector<16xi32>
        %parallel_loop3A_413 = arith.constant 1 : i32
        %parallel_loop3A_414 = arith.constant 0 : i32
        %parallel_loop3A_415 = arith.constant 0 : i32
        %parallel_loop3A_416 = tpu.memref_slice %arg7[%parallel_loop3A_413, %parallel_loop3A_414, %parallel_loop3A_415] : memref<2x128x128xf32, #tpu.memory_space<vmem>> -> memref<1x128x128xf32, #tpu.memory_space<vmem>>
        %parallel_loop3A_417 = tpu.memref_squeeze %parallel_loop3A_416 : memref<1x128x128xf32, #tpu.memory_space<vmem>> -> memref<128x128xf32, #tpu.memory_space<vmem>>
        %parallel_loop3A_418 = tpu.vector_load_idx %parallel_loop3A_417[%add3A_26, %parallel_loop3A_412] : memref<128x128xf32, #tpu.memory_space<vmem>>[vector<16xi32>, vector<16xi32>], vector<16xf32>,
        %parallel_loop3A_419 = arith.constant 1 : i32
        %parallel_loop3A_420 = arith.index_cast %parallel_loop3A_419 : i32 to index
        %parallel_loop3A_421 = arith.index_cast %parallel_loop3A_319 : i32 to index
        %parallel_loop3A_422 = arith.constant 112 : index
        %parallel_loop3A_423 = tpu.vector_load %arg8[%parallel_loop3A_420, %parallel_loop3A_421, %parallel_loop3A_422] {strides = array<i32>} : memref<2x32x128xf32, #tpu.memory_space<vmem>>, vector<16xf32>,
        tpu.vector_store %arg8[%parallel_loop3A_420, %parallel_loop3A_421, %parallel_loop3A_422], %parallel_loop3A_418 {strides = array<i32>} : memref<2x32x128xf32, #tpu.memory_space<vmem>>, vector<16xf32>,
      } {sc.loop_unroll_factor = 8 : i64, sc.parallel_access}
      %dma_start3A_297 = arith.constant 1 : i32
      %dma_start3A_298 = arith.constant 0 : i32
      %dma_start3A_299 = arith.constant 0 : i32
      %dma_start3A_300 = tpu.memref_slice %arg8[%dma_start3A_297, %dma_start3A_298, %dma_start3A_299] : memref<2x32x128xf32, #tpu.memory_space<vmem>> -> memref<1x32x128xf32, #tpu.memory_space<vmem>>
      %dma_start3A_301 = tpu.memref_squeeze %dma_start3A_300 : memref<1x32x128xf32, #tpu.memory_space<vmem>> -> memref<32x128xf32, #tpu.memory_space<vmem>>
      %dma_start3A_302 = arith.constant 0 : i32
      %dma_start3A_303 = tpu.memref_slice %arg4[%add3A_204, %dma_start3A_302, %multiple_of3A] : memref<200x32x4096xf32, #tpu.memory_space<hbm>> -> memref<1x32x128xf32, #tpu.memory_space<hbm>>
      %dma_start3A_304 = tpu.memref_squeeze %dma_start3A_303 : memref<1x32x128xf32, #tpu.memory_space<hbm>> -> memref<32x128xf32, #tpu.memory_space<hbm>>
      %dma_start3A_305 = arith.constant 0 : i32
      %dma_start3A_306 = tpu.memref_slice %arg4[%add3A_204, %dma_start3A_305, %multiple_of3A] : memref<200x32x4096xf32, #tpu.memory_space<hbm>> -> memref<1x32x128xf32, #tpu.memory_space<hbm>>
      %dma_start3A_307 = tpu.memref_squeeze %dma_start3A_306 : memref<1x32x128xf32, #tpu.memory_space<hbm>> -> memref<32x128xf32, #tpu.memory_space<hbm>>
      %dma_start3A_308 = arith.constant 0 : i32
      %dma_start3A_309 = arith.constant 0 : i32
      %dma_start3A_310 = tpu.memref_slice %arg8[%dma_start3A_297, %dma_start3A_308, %dma_start3A_309] : memref<2x32x128xf32, #tpu.memory_space<vmem>> -> memref<1x32x128xf32, #tpu.memory_space<vmem>>
      %dma_start3A_311 = tpu.memref_squeeze %dma_start3A_310 : memref<1x32x128xf32, #tpu.memory_space<vmem>> -> memref<32x128xf32, #tpu.memory_space<vmem>>
      tpu.enqueue_dma source(%dma_start3A_311 : memref<32x128xf32, #tpu.memory_space<vmem>>) target(%dma_start3A_307 : memref<32x128xf32, #tpu.memory_space<hbm>>) target_semaphore(%arg12 : memref<!tpu.dma_semaphore, #tpu.memory_space<semaphore_mem>>)
      %add3A_312 = arith.constant 2 : i32
      %add3A_313 = arith.addi %add3A_204, %add3A_312 : i32
      %lt3A_314 = arith.constant 200 : i32
      %lt3A_315 = arith.cmpi slt, %add3A_313, %lt3A_314 : i32
      %convert_element_type3A_316 = arith.extui %lt3A_315 : i1 to i32
      %cond3A_317 = arith.constant 0 : i32
      %cond3A_318 = arith.cmpi ne, %convert_element_type3A_316, %cond3A_317 : i32
      scf.if %cond3A_318 {
        %add3A_319 = arith.constant 2 : i32
        %add3A_320 = arith.addi %add3A_204, %add3A_319 : i32
        %dma_start3A_321 = arith.constant 1 : i32
        %dma_start3A_322 = arith.constant 0 : i32
        %dma_start3A_323 = arith.constant 0 : i32
        %dma_start3A_324 = tpu.memref_slice %arg7[%dma_start3A_321, %dma_start3A_322, %dma_start3A_323] : memref<2x128x128xf32, #tpu.memory_space<vmem>> -> memref<1x128x128xf32, #tpu.memory_space<vmem>>
        %dma_start3A_325 = tpu.memref_squeeze %dma_start3A_324 : memref<1x128x128xf32, #tpu.memory_space<vmem>> -> memref<128x128xf32, #tpu.memory_space<vmem>>
        %dma_start3A_326 = arith.constant 0 : i32
        %dma_start3A_327 = tpu.memref_slice %arg6[%add3A_320, %dma_start3A_326] : memref<200x128xi32, #tpu.memory_space<vmem>> -> memref<1x128xi32, #tpu.memory_space<vmem>>
        %dma_start3A_328 = tpu.memref_squeeze %dma_start3A_327 : memref<1x128xi32, #tpu.memory_space<vmem>> -> memref<128xi32, #tpu.memory_space<vmem>>
        %dma_start3A_329 = arith.constant 0 : i32
        %dma_start3A_330 = arith.constant 0 : i32
        %dma_start3A_331 = tpu.memref_slice %arg3[%dma_start3A_329, %dma_start3A_330] : memref<250000x128xf32, #tpu.memory_space<hbm>> -> memref<250000x128xf32, #tpu.memory_space<hbm>>
        tpu.enqueue_indirect_dma source(%dma_start3A_331 : memref<250000x128xf32, #tpu.memory_space<hbm>>) target(%dma_start3A_325 : memref<128x128xf32, #tpu.memory_space<vmem>>) offsets(%dma_start3A_328 : memref<128xi32, #tpu.memory_space<vmem>>) semaphore(%arg10 : memref<!tpu.dma_semaphore, #tpu.memory_space<semaphore_mem>>)
      } else {
      }
    }
    %scan3A_60 = arith.constant 100 : i32
    %dma_wait3A = arith.constant 0 : i32
    %dma_wait3A_61 = arith.constant 198 : i32
    %dma_wait3A_62 = arith.constant 0 : i32
    %dma_wait3A_63 = arith.constant 0 : i32
    %dma_wait3A_64 = tpu.memref_slice %arg8[%dma_wait3A, %dma_wait3A_62, %dma_wait3A_63] : memref<2x32x128xf32, #tpu.memory_space<vmem>> -> memref<1x32x128xf32, #tpu.memory_space<vmem>>
    %dma_wait3A_65 = tpu.memref_squeeze %dma_wait3A_64 : memref<1x32x128xf32, #tpu.memory_space<vmem>> -> memref<32x128xf32, #tpu.memory_space<vmem>>
    %dma_wait3A_66 = arith.constant 0 : i32
    %dma_wait3A_67 = tpu.memref_slice %arg4[%dma_wait3A_61, %dma_wait3A_66, %multiple_of3A] : memref<200x32x4096xf32, #tpu.memory_space<hbm>> -> memref<1x32x128xf32, #tpu.memory_space<hbm>>
    %dma_wait3A_68 = tpu.memref_squeeze %dma_wait3A_67 : memref<1x32x128xf32, #tpu.memory_space<hbm>> -> memref<32x128xf32, #tpu.memory_space<hbm>>
    %dma_wait3A_69 = arith.constant 0 : i32
    %dma_wait3A_70 = tpu.memref_slice %arg4[%dma_wait3A_61, %dma_wait3A_69, %multiple_of3A] : memref<200x32x4096xf32, #tpu.memory_space<hbm>> -> memref<1x32x128xf32, #tpu.memory_space<hbm>>
    %dma_wait3A_71 = tpu.memref_squeeze %dma_wait3A_70 : memref<1x32x128xf32, #tpu.memory_space<hbm>> -> memref<32x128xf32, #tpu.memory_space<hbm>>
    %dma_wait3A_72 = arith.constant 0 : i32
    %dma_wait3A_73 = arith.constant 0 : i32
    %dma_wait3A_74 = tpu.memref_slice %arg8[%dma_wait3A, %dma_wait3A_72, %dma_wait3A_73] : memref<2x32x128xf32, #tpu.memory_space<vmem>> -> memref<1x32x128xf32, #tpu.memory_space<vmem>>
    %dma_wait3A_75 = tpu.memref_squeeze %dma_wait3A_74 : memref<1x32x128xf32, #tpu.memory_space<vmem>> -> memref<32x128xf32, #tpu.memory_space<vmem>>
    tpu.wait_dma2 semaphore(%arg11 : memref<!tpu.dma_semaphore, #tpu.memory_space<semaphore_mem>>) src(%dma_wait3A_75 : memref<32x128xf32, #tpu.memory_space<vmem>>) dst(%dma_wait3A_71 : memref<32x128xf32, #tpu.memory_space<hbm>>)
    %dma_wait3A_76 = arith.constant 1 : i32
    %dma_wait3A_77 = arith.constant 199 : i32
    %dma_wait3A_78 = arith.constant 0 : i32
    %dma_wait3A_79 = arith.constant 0 : i32
    %dma_wait3A_80 = tpu.memref_slice %arg8[%dma_wait3A_76, %dma_wait3A_78, %dma_wait3A_79] : memref<2x32x128xf32, #tpu.memory_space<vmem>> -> memref<1x32x128xf32, #tpu.memory_space<vmem>>
    %dma_wait3A_81 = tpu.memref_squeeze %dma_wait3A_80 : memref<1x32x128xf32, #tpu.memory_space<vmem>> -> memref<32x128xf32, #tpu.memory_space<vmem>>
    %dma_wait3A_82 = arith.constant 0 : i32
    %dma_wait3A_83 = tpu.memref_slice %arg4[%dma_wait3A_77, %dma_wait3A_82, %multiple_of3A] : memref<200x32x4096xf32, #tpu.memory_space<hbm>> -> memref<1x32x128xf32, #tpu.memory_space<hbm>>
    %dma_wait3A_84 = tpu.memref_squeeze %dma_wait3A_83 : memref<1x32x128xf32, #tpu.memory_space<hbm>> -> memref<32x128xf32, #tpu.memory_space<hbm>>
    %dma_wait3A_85 = arith.constant 0 : i32
    %dma_wait3A_86 = tpu.memref_slice %arg4[%dma_wait3A_77, %dma_wait3A_85, %multiple_of3A] : memref<200x32x4096xf32, #tpu.memory_space<hbm>> -> memref<1x32x128xf32, #tpu.memory_space<hbm>>
    %dma_wait3A_87 = tpu.memref_squeeze %dma_wait3A_86 : memref<1x32x128xf32, #tpu.memory_space<hbm>> -> memref<32x128xf32, #tpu.memory_space<hbm>>
    %dma_wait3A_88 = arith.constant 0 : i32
    %dma_wait3A_89 = arith.constant 0 : i32
    %dma_wait3A_90 = tpu.memref_slice %arg8[%dma_wait3A_76, %dma_wait3A_88, %dma_wait3A_89] : memref<2x32x128xf32, #tpu.memory_space<vmem>> -> memref<1x32x128xf32, #tpu.memory_space<vmem>>
    %dma_wait3A_91 = tpu.memref_squeeze %dma_wait3A_90 : memref<1x32x128xf32, #tpu.memory_space<vmem>> -> memref<32x128xf32, #tpu.memory_space<vmem>>
    tpu.wait_dma2 semaphore(%arg12 : memref<!tpu.dma_semaphore, #tpu.memory_space<semaphore_mem>>) src(%dma_wait3A_91 : memref<32x128xf32, #tpu.memory_space<vmem>>) dst(%dma_wait3A_87 : memref<32x128xf32, #tpu.memory_space<hbm>>)
    return
  }
}

#map = affine_map<(d0, d1) -> (0, 0)>
module attributes {stable_mosaic.version = 14 : i64} {
  func.func @_table_repack(%arg0: i32, %arg1: i32, %arg2: memref<32x1000000xf32, #tpu.memory_space<hbm>>, %arg3: memref<32x128xf32, #tpu.memory_space<hbm>>, %arg4: memref<250000x128xf32, #tpu.memory_space<hbm>>, %arg5: memref<2x32x768xf32, #tpu.memory_space<vmem>>, %arg6: memref<2x192x128xf32, #tpu.memory_space<vmem>>, %arg7: memref<!tpu.dma_semaphore, #tpu.memory_space<semaphore_mem>>, %arg8: memref<!tpu.dma_semaphore, #tpu.memory_space<semaphore_mem>>, %arg9: memref<!tpu.dma_semaphore, #tpu.memory_space<semaphore_mem>>, %arg10: memref<!tpu.dma_semaphore, #tpu.memory_space<semaphore_mem>>) attributes {dimension_semantics = [#tpu.dimension_semantics<core_parallel>, #tpu.dimension_semantics<subcore_parallel>], iteration_bounds = array<i64: 2, 16>, scalar_prefetch = 0 : i64, scratch_operands = 6 : i64, tpu.core_type = #tpu.core_type<sc_vector_subcore>, window_params = [{transform_indices = #map}, {transform_indices = #map}, {transform_indices = #map}]} {
    %mul3A = arith.constant 2 : i32
    %mul3A_0 = arith.muli %arg1, %mul3A : i32
    %add3A = arith.addi %mul3A_0, %arg0 : i32
    %iota3A = tpu.iota {dimensions = array<i32: 0>} : vector<16xi32>
    %add3A_1 = arith.constant 16 : i32
    %add3A_2 = vector.broadcast %add3A_1 : i32 to vector<16xi32>
    %add3A_3 = arith.addi %iota3A, %add3A_2 : vector<16xi32>
    %mul3A_4 = arith.constant 768 : i32
    %mul3A_5 = arith.muli %add3A, %mul3A_4 : i32
    %multiple_of3A = tpu.assume_multiple %mul3A_5, 768 : i32
    %dma_start3A = arith.constant 0 : i32
    %dma_start3A_6 = arith.constant 0 : i32
    %dma_start3A_7 = arith.constant 0 : i32
    %dma_start3A_8 = tpu.memref_slice %arg5[%dma_start3A, %dma_start3A_6, %dma_start3A_7] : memref<2x32x768xf32, #tpu.memory_space<vmem>> -> memref<1x32x768xf32, #tpu.memory_space<vmem>>
    %dma_start3A_9 = tpu.memref_squeeze %dma_start3A_8 : memref<1x32x768xf32, #tpu.memory_space<vmem>> -> memref<32x768xf32, #tpu.memory_space<vmem>>
    %dma_start3A_10 = arith.constant 0 : i32
    %dma_start3A_11 = tpu.memref_slice %arg2[%dma_start3A_10, %multiple_of3A] : memref<32x1000000xf32, #tpu.memory_space<hbm>> -> memref<32x768xf32, #tpu.memory_space<hbm>>
    %dma_start3A_12 = arith.constant 0 : i32
    %dma_start3A_13 = arith.constant 0 : i32
    %dma_start3A_14 = tpu.memref_slice %arg5[%dma_start3A, %dma_start3A_12, %dma_start3A_13] : memref<2x32x768xf32, #tpu.memory_space<vmem>> -> memref<1x32x768xf32, #tpu.memory_space<vmem>>
    %dma_start3A_15 = tpu.memref_squeeze %dma_start3A_14 : memref<1x32x768xf32, #tpu.memory_space<vmem>> -> memref<32x768xf32, #tpu.memory_space<vmem>>
    %dma_start3A_16 = arith.constant 0 : i32
    %dma_start3A_17 = tpu.memref_slice %arg2[%dma_start3A_16, %multiple_of3A] : memref<32x1000000xf32, #tpu.memory_space<hbm>> -> memref<32x768xf32, #tpu.memory_space<hbm>>
    tpu.enqueue_dma source(%dma_start3A_17 : memref<32x768xf32, #tpu.memory_space<hbm>>) target(%dma_start3A_15 : memref<32x768xf32, #tpu.memory_space<vmem>>) target_semaphore(%arg7 : memref<!tpu.dma_semaphore, #tpu.memory_space<semaphore_mem>>)
    %add3A_18 = arith.constant 32 : i32
    %add3A_19 = arith.addi %add3A, %add3A_18 : i32
    %mul3A_20 = arith.constant 768 : i32
    %mul3A_21 = arith.muli %add3A_19, %mul3A_20 : i32
    %multiple_of3A_22 = tpu.assume_multiple %mul3A_21, 768 : i32
    %dma_start3A_23 = arith.constant 1 : i32
    %dma_start3A_24 = arith.constant 0 : i32
    %dma_start3A_25 = arith.constant 0 : i32
    %dma_start3A_26 = tpu.memref_slice %arg5[%dma_start3A_23, %dma_start3A_24, %dma_start3A_25] : memref<2x32x768xf32, #tpu.memory_space<vmem>> -> memref<1x32x768xf32, #tpu.memory_space<vmem>>
    %dma_start3A_27 = tpu.memref_squeeze %dma_start3A_26 : memref<1x32x768xf32, #tpu.memory_space<vmem>> -> memref<32x768xf32, #tpu.memory_space<vmem>>
    %dma_start3A_28 = arith.constant 0 : i32
    %dma_start3A_29 = tpu.memref_slice %arg2[%dma_start3A_28, %multiple_of3A_22] : memref<32x1000000xf32, #tpu.memory_space<hbm>> -> memref<32x768xf32, #tpu.memory_space<hbm>>
    %dma_start3A_30 = arith.constant 0 : i32
    %dma_start3A_31 = arith.constant 0 : i32
    %dma_start3A_32 = tpu.memref_slice %arg5[%dma_start3A_23, %dma_start3A_30, %dma_start3A_31] : memref<2x32x768xf32, #tpu.memory_space<vmem>> -> memref<1x32x768xf32, #tpu.memory_space<vmem>>
    %dma_start3A_33 = tpu.memref_squeeze %dma_start3A_32 : memref<1x32x768xf32, #tpu.memory_space<vmem>> -> memref<32x768xf32, #tpu.memory_space<vmem>>
    %dma_start3A_34 = arith.constant 0 : i32
    %dma_start3A_35 = tpu.memref_slice %arg2[%dma_start3A_34, %multiple_of3A_22] : memref<32x1000000xf32, #tpu.memory_space<hbm>> -> memref<32x768xf32, #tpu.memory_space<hbm>>
    tpu.enqueue_dma source(%dma_start3A_35 : memref<32x768xf32, #tpu.memory_space<hbm>>) target(%dma_start3A_33 : memref<32x768xf32, #tpu.memory_space<vmem>>) target_semaphore(%arg8 : memref<!tpu.dma_semaphore, #tpu.memory_space<semaphore_mem>>)
    %scan3A = arith.constant 0 : i32
    %scan3A_36 = arith.constant 0 : i32
    %scan3A_37 = arith.constant 21 : i32
    %scan3A_38 = arith.addi %scan3A_36, %scan3A_37 : i32
    %scan3A_39 = arith.constant 1 : i32
    scf.for %scan3A_72 = %scan3A_36 to %scan3A_38 step %scan3A_39  : i32 {
      %mul3A_73 = arith.constant 2 : i32
      %mul3A_74 = arith.muli %mul3A_73, %scan3A_72 : i32
      %mul3A_75 = arith.constant 32 : i32
      %mul3A_76 = arith.muli %mul3A_75, %mul3A_74 : i32
      %add3A_77 = arith.addi %add3A, %mul3A_76 : i32
      %lt3A = arith.constant 1302 : i32
      %lt3A_78 = arith.cmpi slt, %add3A_77, %lt3A : i32
      %convert_element_type3A_79 = arith.extui %lt3A_78 : i1 to i32
      %cond3A_80 = arith.constant 0 : i32
      %cond3A_81 = arith.cmpi ne, %convert_element_type3A_79, %cond3A_80 : i32
      scf.if %cond3A_81 {
        %mul3A_94 = arith.constant 768 : i32
        %mul3A_95 = arith.muli %add3A_77, %mul3A_94 : i32
        %multiple_of3A_96 = tpu.assume_multiple %mul3A_95, 768 : i32
        %dma_wait3A_97 = arith.constant 0 : i32
        %dma_wait3A_98 = arith.constant 0 : i32
        %dma_wait3A_99 = arith.constant 0 : i32
        %dma_wait3A_100 = tpu.memref_slice %arg5[%dma_wait3A_97, %dma_wait3A_98, %dma_wait3A_99] : memref<2x32x768xf32, #tpu.memory_space<vmem>> -> memref<1x32x768xf32, #tpu.memory_space<vmem>>
        %dma_wait3A_101 = tpu.memref_squeeze %dma_wait3A_100 : memref<1x32x768xf32, #tpu.memory_space<vmem>> -> memref<32x768xf32, #tpu.memory_space<vmem>>
        %dma_wait3A_102 = arith.constant 0 : i32
        %dma_wait3A_103 = tpu.memref_slice %arg2[%dma_wait3A_102, %multiple_of3A_96] : memref<32x1000000xf32, #tpu.memory_space<hbm>> -> memref<32x768xf32, #tpu.memory_space<hbm>>
        %dma_wait3A_104 = arith.constant 0 : i32
        %dma_wait3A_105 = arith.constant 0 : i32
        %dma_wait3A_106 = tpu.memref_slice %arg5[%dma_wait3A_97, %dma_wait3A_104, %dma_wait3A_105] : memref<2x32x768xf32, #tpu.memory_space<vmem>> -> memref<1x32x768xf32, #tpu.memory_space<vmem>>
        %dma_wait3A_107 = tpu.memref_squeeze %dma_wait3A_106 : memref<1x32x768xf32, #tpu.memory_space<vmem>> -> memref<32x768xf32, #tpu.memory_space<vmem>>
        %dma_wait3A_108 = arith.constant 0 : i32
        %dma_wait3A_109 = tpu.memref_slice %arg2[%dma_wait3A_108, %multiple_of3A_96] : memref<32x1000000xf32, #tpu.memory_space<hbm>> -> memref<32x768xf32, #tpu.memory_space<hbm>>
        tpu.wait_dma2 semaphore(%arg7 : memref<!tpu.dma_semaphore, #tpu.memory_space<semaphore_mem>>) src(%dma_wait3A_109 : memref<32x768xf32, #tpu.memory_space<hbm>>) dst(%dma_wait3A_107 : memref<32x768xf32, #tpu.memory_space<vmem>>)
        %ge3A = arith.constant 2 : i32
        %ge3A_110 = arith.cmpi sge, %mul3A_74, %ge3A : i32
        %convert_element_type3A_111 = arith.extui %ge3A_110 : i1 to i32
        %cond3A_112 = arith.constant 0 : i32
        %cond3A_113 = arith.cmpi ne, %convert_element_type3A_111, %cond3A_112 : i32
        scf.if %cond3A_113 {
          %mul3A_139 = arith.constant 192 : i32
          %mul3A_140 = arith.muli %add3A_77, %mul3A_139 : i32
          %multiple_of3A_141 = tpu.assume_multiple %mul3A_140, 192 : i32
          %dma_wait3A_142 = arith.constant 0 : i32
          %dma_wait3A_143 = arith.constant 0 : i32
          %dma_wait3A_144 = arith.constant 0 : i32
          %dma_wait3A_145 = tpu.memref_slice %arg6[%dma_wait3A_142, %dma_wait3A_143, %dma_wait3A_144] : memref<2x192x128xf32, #tpu.memory_space<vmem>> -> memref<1x192x128xf32, #tpu.memory_space<vmem>>
          %dma_wait3A_146 = tpu.memref_squeeze %dma_wait3A_145 : memref<1x192x128xf32, #tpu.memory_space<vmem>> -> memref<192x128xf32, #tpu.memory_space<vmem>>
          %dma_wait3A_147 = arith.constant 0 : i32
          %dma_wait3A_148 = tpu.memref_slice %arg4[%multiple_of3A_141, %dma_wait3A_147] : memref<250000x128xf32, #tpu.memory_space<hbm>> -> memref<192x128xf32, #tpu.memory_space<hbm>>
          %dma_wait3A_149 = arith.constant 0 : i32
          %dma_wait3A_150 = tpu.memref_slice %arg4[%multiple_of3A_141, %dma_wait3A_149] : memref<250000x128xf32, #tpu.memory_space<hbm>> -> memref<192x128xf32, #tpu.memory_space<hbm>>
          %dma_wait3A_151 = arith.constant 0 : i32
          %dma_wait3A_152 = arith.constant 0 : i32
          %dma_wait3A_153 = tpu.memref_slice %arg6[%dma_wait3A_142, %dma_wait3A_151, %dma_wait3A_152] : memref<2x192x128xf32, #tpu.memory_space<vmem>> -> memref<1x192x128xf32, #tpu.memory_space<vmem>>
          %dma_wait3A_154 = tpu.memref_squeeze %dma_wait3A_153 : memref<1x192x128xf32, #tpu.memory_space<vmem>> -> memref<192x128xf32, #tpu.memory_space<vmem>>
          tpu.wait_dma2 semaphore(%arg9 : memref<!tpu.dma_semaphore, #tpu.memory_space<semaphore_mem>>) src(%dma_wait3A_154 : memref<192x128xf32, #tpu.memory_space<vmem>>) dst(%dma_wait3A_150 : memref<192x128xf32, #tpu.memory_space<hbm>>)
        } else {
        }
        %parallel_loop3A = arith.constant 0 : i32
        %parallel_loop3A_114 = arith.constant 192 : i32
        %parallel_loop3A_115 = arith.constant 1 : i32
        scf.for %parallel_loop3A_139 = %parallel_loop3A to %parallel_loop3A_114 step %parallel_loop3A_115  : i32 {
          %parallel_loop3A_140 = arith.constant 4 : i32
          %parallel_loop3A_141 = arith.muli %parallel_loop3A_140, %parallel_loop3A_139 : i32
          %parallel_loop3A_142 = arith.constant 0 : i32
          %parallel_loop3A_143 = arith.addi %parallel_loop3A_142, %parallel_loop3A_141 : i32
          %parallel_loop3A_144 = arith.constant 0 : i32
          %parallel_loop3A_145 = arith.addi %parallel_loop3A_143, %parallel_loop3A_144 : i32
          %parallel_loop3A_146 = vector.broadcast %parallel_loop3A_145 : i32 to vector<16xi32>
          %parallel_loop3A_147 = arith.constant 0 : i32
          %parallel_loop3A_148 = arith.constant 0 : i32
          %parallel_loop3A_149 = arith.constant 0 : i32
          %parallel_loop3A_150 = tpu.memref_slice %arg5[%parallel_loop3A_147, %parallel_loop3A_148, %parallel_loop3A_149] : memref<2x32x768xf32, #tpu.memory_space<vmem>> -> memref<1x32x768xf32, #tpu.memory_space<vmem>>
          %parallel_loop3A_151 = tpu.memref_squeeze %parallel_loop3A_150 : memref<1x32x768xf32, #tpu.memory_space<vmem>> -> memref<32x768xf32, #tpu.memory_space<vmem>>
          %parallel_loop3A_152 = tpu.vector_load_idx %parallel_loop3A_151[%iota3A, %parallel_loop3A_146] : memref<32x768xf32, #tpu.memory_space<vmem>>[vector<16xi32>, vector<16xi32>], vector<16xf32>,
          %parallel_loop3A_153 = arith.constant 0 : i32
          %parallel_loop3A_154 = arith.index_cast %parallel_loop3A_153 : i32 to index
          %parallel_loop3A_155 = arith.index_cast %parallel_loop3A_139 : i32 to index
          %parallel_loop3A_156 = arith.constant 0 : index
          %parallel_loop3A_157 = tpu.vector_load %arg6[%parallel_loop3A_154, %parallel_loop3A_155, %parallel_loop3A_156] {strides = array<i32>} : memref<2x192x128xf32, #tpu.memory_space<vmem>>, vector<16xf32>,
          tpu.vector_store %arg6[%parallel_loop3A_154, %parallel_loop3A_155, %parallel_loop3A_156], %parallel_loop3A_152 {strides = array<i32>} : memref<2x192x128xf32, #tpu.memory_space<vmem>>, vector<16xf32>,
          %parallel_loop3A_158 = arith.constant 0 : i32
          %parallel_loop3A_159 = arith.constant 0 : i32
          %parallel_loop3A_160 = arith.constant 0 : i32
          %parallel_loop3A_161 = tpu.memref_slice %arg5[%parallel_loop3A_158, %parallel_loop3A_159, %parallel_loop3A_160] : memref<2x32x768xf32, #tpu.memory_space<vmem>> -> memref<1x32x768xf32, #tpu.memory_space<vmem>>
          %parallel_loop3A_162 = tpu.memref_squeeze %parallel_loop3A_161 : memref<1x32x768xf32, #tpu.memory_space<vmem>> -> memref<32x768xf32, #tpu.memory_space<vmem>>
          %parallel_loop3A_163 = tpu.vector_load_idx %parallel_loop3A_162[%add3A_3, %parallel_loop3A_146] : memref<32x768xf32, #tpu.memory_space<vmem>>[vector<16xi32>, vector<16xi32>], vector<16xf32>,
          %parallel_loop3A_164 = arith.constant 0 : i32
          %parallel_loop3A_165 = arith.index_cast %parallel_loop3A_164 : i32 to index
          %parallel_loop3A_166 = arith.index_cast %parallel_loop3A_139 : i32 to index
          %parallel_loop3A_167 = arith.constant 16 : index
          %parallel_loop3A_168 = tpu.vector_load %arg6[%parallel_loop3A_165, %parallel_loop3A_166, %parallel_loop3A_167] {strides = array<i32>} : memref<2x192x128xf32, #tpu.memory_space<vmem>>, vector<16xf32>,
          tpu.vector_store %arg6[%parallel_loop3A_165, %parallel_loop3A_166, %parallel_loop3A_167], %parallel_loop3A_163 {strides = array<i32>} : memref<2x192x128xf32, #tpu.memory_space<vmem>>, vector<16xf32>,
          %parallel_loop3A_169 = arith.constant 1 : i32
          %parallel_loop3A_170 = arith.addi %parallel_loop3A_143, %parallel_loop3A_169 : i32
          %parallel_loop3A_171 = vector.broadcast %parallel_loop3A_170 : i32 to vector<16xi32>
          %parallel_loop3A_172 = arith.constant 0 : i32
          %parallel_loop3A_173 = arith.constant 0 : i32
          %parallel_loop3A_174 = arith.constant 0 : i32
          %parallel_loop3A_175 = tpu.memref_slice %arg5[%parallel_loop3A_172, %parallel_loop3A_173, %parallel_loop3A_174] : memref<2x32x768xf32, #tpu.memory_space<vmem>> -> memref<1x32x768xf32, #tpu.memory_space<vmem>>
          %parallel_loop3A_176 = tpu.memref_squeeze %parallel_loop3A_175 : memref<1x32x768xf32, #tpu.memory_space<vmem>> -> memref<32x768xf32, #tpu.memory_space<vmem>>
          %parallel_loop3A_177 = tpu.vector_load_idx %parallel_loop3A_176[%iota3A, %parallel_loop3A_171] : memref<32x768xf32, #tpu.memory_space<vmem>>[vector<16xi32>, vector<16xi32>], vector<16xf32>,
          %parallel_loop3A_178 = arith.constant 0 : i32
          %parallel_loop3A_179 = arith.index_cast %parallel_loop3A_178 : i32 to index
          %parallel_loop3A_180 = arith.index_cast %parallel_loop3A_139 : i32 to index
          %parallel_loop3A_181 = arith.constant 32 : index
          %parallel_loop3A_182 = tpu.vector_load %arg6[%parallel_loop3A_179, %parallel_loop3A_180, %parallel_loop3A_181] {strides = array<i32>} : memref<2x192x128xf32, #tpu.memory_space<vmem>>, vector<16xf32>,
          tpu.vector_store %arg6[%parallel_loop3A_179, %parallel_loop3A_180, %parallel_loop3A_181], %parallel_loop3A_177 {strides = array<i32>} : memref<2x192x128xf32, #tpu.memory_space<vmem>>, vector<16xf32>,
          %parallel_loop3A_183 = arith.constant 0 : i32
          %parallel_loop3A_184 = arith.constant 0 : i32
          %parallel_loop3A_185 = arith.constant 0 : i32
          %parallel_loop3A_186 = tpu.memref_slice %arg5[%parallel_loop3A_183, %parallel_loop3A_184, %parallel_loop3A_185] : memref<2x32x768xf32, #tpu.memory_space<vmem>> -> memref<1x32x768xf32, #tpu.memory_space<vmem>>
          %parallel_loop3A_187 = tpu.memref_squeeze %parallel_loop3A_186 : memref<1x32x768xf32, #tpu.memory_space<vmem>> -> memref<32x768xf32, #tpu.memory_space<vmem>>
          %parallel_loop3A_188 = tpu.vector_load_idx %parallel_loop3A_187[%add3A_3, %parallel_loop3A_171] : memref<32x768xf32, #tpu.memory_space<vmem>>[vector<16xi32>, vector<16xi32>], vector<16xf32>,
          %parallel_loop3A_189 = arith.constant 0 : i32
          %parallel_loop3A_190 = arith.index_cast %parallel_loop3A_189 : i32 to index
          %parallel_loop3A_191 = arith.index_cast %parallel_loop3A_139 : i32 to index
          %parallel_loop3A_192 = arith.constant 48 : index
          %parallel_loop3A_193 = tpu.vector_load %arg6[%parallel_loop3A_190, %parallel_loop3A_191, %parallel_loop3A_192] {strides = array<i32>} : memref<2x192x128xf32, #tpu.memory_space<vmem>>, vector<16xf32>,
          tpu.vector_store %arg6[%parallel_loop3A_190, %parallel_loop3A_191, %parallel_loop3A_192], %parallel_loop3A_188 {strides = array<i32>} : memref<2x192x128xf32, #tpu.memory_space<vmem>>, vector<16xf32>,
          %parallel_loop3A_194 = arith.constant 2 : i32
          %parallel_loop3A_195 = arith.addi %parallel_loop3A_143, %parallel_loop3A_194 : i32
          %parallel_loop3A_196 = vector.broadcast %parallel_loop3A_195 : i32 to vector<16xi32>
          %parallel_loop3A_197 = arith.constant 0 : i32
          %parallel_loop3A_198 = arith.constant 0 : i32
          %parallel_loop3A_199 = arith.constant 0 : i32
          %parallel_loop3A_200 = tpu.memref_slice %arg5[%parallel_loop3A_197, %parallel_loop3A_198, %parallel_loop3A_199] : memref<2x32x768xf32, #tpu.memory_space<vmem>> -> memref<1x32x768xf32, #tpu.memory_space<vmem>>
          %parallel_loop3A_201 = tpu.memref_squeeze %parallel_loop3A_200 : memref<1x32x768xf32, #tpu.memory_space<vmem>> -> memref<32x768xf32, #tpu.memory_space<vmem>>
          %parallel_loop3A_202 = tpu.vector_load_idx %parallel_loop3A_201[%iota3A, %parallel_loop3A_196] : memref<32x768xf32, #tpu.memory_space<vmem>>[vector<16xi32>, vector<16xi32>], vector<16xf32>,
          %parallel_loop3A_203 = arith.constant 0 : i32
          %parallel_loop3A_204 = arith.index_cast %parallel_loop3A_203 : i32 to index
          %parallel_loop3A_205 = arith.index_cast %parallel_loop3A_139 : i32 to index
          %parallel_loop3A_206 = arith.constant 64 : index
          %parallel_loop3A_207 = tpu.vector_load %arg6[%parallel_loop3A_204, %parallel_loop3A_205, %parallel_loop3A_206] {strides = array<i32>} : memref<2x192x128xf32, #tpu.memory_space<vmem>>, vector<16xf32>,
          tpu.vector_store %arg6[%parallel_loop3A_204, %parallel_loop3A_205, %parallel_loop3A_206], %parallel_loop3A_202 {strides = array<i32>} : memref<2x192x128xf32, #tpu.memory_space<vmem>>, vector<16xf32>,
          %parallel_loop3A_208 = arith.constant 0 : i32
          %parallel_loop3A_209 = arith.constant 0 : i32
          %parallel_loop3A_210 = arith.constant 0 : i32
          %parallel_loop3A_211 = tpu.memref_slice %arg5[%parallel_loop3A_208, %parallel_loop3A_209, %parallel_loop3A_210] : memref<2x32x768xf32, #tpu.memory_space<vmem>> -> memref<1x32x768xf32, #tpu.memory_space<vmem>>
          %parallel_loop3A_212 = tpu.memref_squeeze %parallel_loop3A_211 : memref<1x32x768xf32, #tpu.memory_space<vmem>> -> memref<32x768xf32, #tpu.memory_space<vmem>>
          %parallel_loop3A_213 = tpu.vector_load_idx %parallel_loop3A_212[%add3A_3, %parallel_loop3A_196] : memref<32x768xf32, #tpu.memory_space<vmem>>[vector<16xi32>, vector<16xi32>], vector<16xf32>,
          %parallel_loop3A_214 = arith.constant 0 : i32
          %parallel_loop3A_215 = arith.index_cast %parallel_loop3A_214 : i32 to index
          %parallel_loop3A_216 = arith.index_cast %parallel_loop3A_139 : i32 to index
          %parallel_loop3A_217 = arith.constant 80 : index
          %parallel_loop3A_218 = tpu.vector_load %arg6[%parallel_loop3A_215, %parallel_loop3A_216, %parallel_loop3A_217] {strides = array<i32>} : memref<2x192x128xf32, #tpu.memory_space<vmem>>, vector<16xf32>,
          tpu.vector_store %arg6[%parallel_loop3A_215, %parallel_loop3A_216, %parallel_loop3A_217], %parallel_loop3A_213 {strides = array<i32>} : memref<2x192x128xf32, #tpu.memory_space<vmem>>, vector<16xf32>,
          %parallel_loop3A_219 = arith.constant 3 : i32
          %parallel_loop3A_220 = arith.addi %parallel_loop3A_143, %parallel_loop3A_219 : i32
          %parallel_loop3A_221 = vector.broadcast %parallel_loop3A_220 : i32 to vector<16xi32>
          %parallel_loop3A_222 = arith.constant 0 : i32
          %parallel_loop3A_223 = arith.constant 0 : i32
          %parallel_loop3A_224 = arith.constant 0 : i32
          %parallel_loop3A_225 = tpu.memref_slice %arg5[%parallel_loop3A_222, %parallel_loop3A_223, %parallel_loop3A_224] : memref<2x32x768xf32, #tpu.memory_space<vmem>> -> memref<1x32x768xf32, #tpu.memory_space<vmem>>
          %parallel_loop3A_226 = tpu.memref_squeeze %parallel_loop3A_225 : memref<1x32x768xf32, #tpu.memory_space<vmem>> -> memref<32x768xf32, #tpu.memory_space<vmem>>
          %parallel_loop3A_227 = tpu.vector_load_idx %parallel_loop3A_226[%iota3A, %parallel_loop3A_221] : memref<32x768xf32, #tpu.memory_space<vmem>>[vector<16xi32>, vector<16xi32>], vector<16xf32>,
          %parallel_loop3A_228 = arith.constant 0 : i32
          %parallel_loop3A_229 = arith.index_cast %parallel_loop3A_228 : i32 to index
          %parallel_loop3A_230 = arith.index_cast %parallel_loop3A_139 : i32 to index
          %parallel_loop3A_231 = arith.constant 96 : index
          %parallel_loop3A_232 = tpu.vector_load %arg6[%parallel_loop3A_229, %parallel_loop3A_230, %parallel_loop3A_231] {strides = array<i32>} : memref<2x192x128xf32, #tpu.memory_space<vmem>>, vector<16xf32>,
          tpu.vector_store %arg6[%parallel_loop3A_229, %parallel_loop3A_230, %parallel_loop3A_231], %parallel_loop3A_227 {strides = array<i32>} : memref<2x192x128xf32, #tpu.memory_space<vmem>>, vector<16xf32>,
          %parallel_loop3A_233 = arith.constant 0 : i32
          %parallel_loop3A_234 = arith.constant 0 : i32
          %parallel_loop3A_235 = arith.constant 0 : i32
          %parallel_loop3A_236 = tpu.memref_slice %arg5[%parallel_loop3A_233, %parallel_loop3A_234, %parallel_loop3A_235] : memref<2x32x768xf32, #tpu.memory_space<vmem>> -> memref<1x32x768xf32, #tpu.memory_space<vmem>>
          %parallel_loop3A_237 = tpu.memref_squeeze %parallel_loop3A_236 : memref<1x32x768xf32, #tpu.memory_space<vmem>> -> memref<32x768xf32, #tpu.memory_space<vmem>>
          %parallel_loop3A_238 = tpu.vector_load_idx %parallel_loop3A_237[%add3A_3, %parallel_loop3A_221] : memref<32x768xf32, #tpu.memory_space<vmem>>[vector<16xi32>, vector<16xi32>], vector<16xf32>,
          %parallel_loop3A_239 = arith.constant 0 : i32
          %parallel_loop3A_240 = arith.index_cast %parallel_loop3A_239 : i32 to index
          %parallel_loop3A_241 = arith.index_cast %parallel_loop3A_139 : i32 to index
          %parallel_loop3A_242 = arith.constant 112 : index
          %parallel_loop3A_243 = tpu.vector_load %arg6[%parallel_loop3A_240, %parallel_loop3A_241, %parallel_loop3A_242] {strides = array<i32>} : memref<2x192x128xf32, #tpu.memory_space<vmem>>, vector<16xf32>,
          tpu.vector_store %arg6[%parallel_loop3A_240, %parallel_loop3A_241, %parallel_loop3A_242], %parallel_loop3A_238 {strides = array<i32>} : memref<2x192x128xf32, #tpu.memory_space<vmem>>, vector<16xf32>,
        } {sc.loop_unroll_factor = 8 : i64, sc.parallel_access}
        %mul3A_116 = arith.constant 192 : i32
        %mul3A_117 = arith.muli %add3A_77, %mul3A_116 : i32
        %multiple_of3A_118 = tpu.assume_multiple %mul3A_117, 192 : i32
        %dma_start3A_119 = arith.constant 0 : i32
        %dma_start3A_120 = arith.constant 0 : i32
        %dma_start3A_121 = arith.constant 0 : i32
        %dma_start3A_122 = tpu.memref_slice %arg6[%dma_start3A_119, %dma_start3A_120, %dma_start3A_121] : memref<2x192x128xf32, #tpu.memory_space<vmem>> -> memref<1x192x128xf32, #tpu.memory_space<vmem>>
        %dma_start3A_123 = tpu.memref_squeeze %dma_start3A_122 : memref<1x192x128xf32, #tpu.memory_space<vmem>> -> memref<192x128xf32, #tpu.memory_space<vmem>>
        %dma_start3A_124 = arith.constant 0 : i32
        %dma_start3A_125 = tpu.memref_slice %arg4[%multiple_of3A_118, %dma_start3A_124] : memref<250000x128xf32, #tpu.memory_space<hbm>> -> memref<192x128xf32, #tpu.memory_space<hbm>>
        %dma_start3A_126 = arith.constant 0 : i32
        %dma_start3A_127 = tpu.memref_slice %arg4[%multiple_of3A_118, %dma_start3A_126] : memref<250000x128xf32, #tpu.memory_space<hbm>> -> memref<192x128xf32, #tpu.memory_space<hbm>>
        %dma_start3A_128 = arith.constant 0 : i32
        %dma_start3A_129 = arith.constant 0 : i32
        %dma_start3A_130 = tpu.memref_slice %arg6[%dma_start3A_119, %dma_start3A_128, %dma_start3A_129] : memref<2x192x128xf32, #tpu.memory_space<vmem>> -> memref<1x192x128xf32, #tpu.memory_space<vmem>>
        %dma_start3A_131 = tpu.memref_squeeze %dma_start3A_130 : memref<1x192x128xf32, #tpu.memory_space<vmem>> -> memref<192x128xf32, #tpu.memory_space<vmem>>
        tpu.enqueue_dma source(%dma_start3A_131 : memref<192x128xf32, #tpu.memory_space<vmem>>) target(%dma_start3A_127 : memref<192x128xf32, #tpu.memory_space<hbm>>) target_semaphore(%arg9 : memref<!tpu.dma_semaphore, #tpu.memory_space<semaphore_mem>>)
        %add3A_132 = arith.constant 64 : i32
        %add3A_133 = arith.addi %add3A_77, %add3A_132 : i32
        %lt3A_134 = arith.constant 1302 : i32
        %lt3A_135 = arith.cmpi slt, %add3A_133, %lt3A_134 : i32
        %convert_element_type3A_136 = arith.extui %lt3A_135 : i1 to i32
        %cond3A_137 = arith.constant 0 : i32
        %cond3A_138 = arith.cmpi ne, %convert_element_type3A_136, %cond3A_137 : i32
        scf.if %cond3A_138 {
          %mul3A_139 = arith.constant 768 : i32
          %mul3A_140 = arith.muli %add3A_133, %mul3A_139 : i32
          %multiple_of3A_141 = tpu.assume_multiple %mul3A_140, 768 : i32
          %dma_start3A_142 = arith.constant 0 : i32
          %dma_start3A_143 = arith.constant 0 : i32
          %dma_start3A_144 = arith.constant 0 : i32
          %dma_start3A_145 = tpu.memref_slice %arg5[%dma_start3A_142, %dma_start3A_143, %dma_start3A_144] : memref<2x32x768xf32, #tpu.memory_space<vmem>> -> memref<1x32x768xf32, #tpu.memory_space<vmem>>
          %dma_start3A_146 = tpu.memref_squeeze %dma_start3A_145 : memref<1x32x768xf32, #tpu.memory_space<vmem>> -> memref<32x768xf32, #tpu.memory_space<vmem>>
          %dma_start3A_147 = arith.constant 0 : i32
          %dma_start3A_148 = tpu.memref_slice %arg2[%dma_start3A_147, %multiple_of3A_141] : memref<32x1000000xf32, #tpu.memory_space<hbm>> -> memref<32x768xf32, #tpu.memory_space<hbm>>
          %dma_start3A_149 = arith.constant 0 : i32
          %dma_start3A_150 = arith.constant 0 : i32
          %dma_start3A_151 = tpu.memref_slice %arg5[%dma_start3A_142, %dma_start3A_149, %dma_start3A_150] : memref<2x32x768xf32, #tpu.memory_space<vmem>> -> memref<1x32x768xf32, #tpu.memory_space<vmem>>
          %dma_start3A_152 = tpu.memref_squeeze %dma_start3A_151 : memref<1x32x768xf32, #tpu.memory_space<vmem>> -> memref<32x768xf32, #tpu.memory_space<vmem>>
          %dma_start3A_153 = arith.constant 0 : i32
          %dma_start3A_154 = tpu.memref_slice %arg2[%dma_start3A_153, %multiple_of3A_141] : memref<32x1000000xf32, #tpu.memory_space<hbm>> -> memref<32x768xf32, #tpu.memory_space<hbm>>
          tpu.enqueue_dma source(%dma_start3A_154 : memref<32x768xf32, #tpu.memory_space<hbm>>) target(%dma_start3A_152 : memref<32x768xf32, #tpu.memory_space<vmem>>) target_semaphore(%arg7 : memref<!tpu.dma_semaphore, #tpu.memory_space<semaphore_mem>>)
        } else {
        }
      } else {
      }
      %mul3A_82 = arith.constant 2 : i32
      %mul3A_83 = arith.muli %mul3A_82, %scan3A_72 : i32
      %add3A_84 = arith.constant 1 : i32
      %add3A_85 = arith.addi %mul3A_83, %add3A_84 : i32
      %mul3A_86 = arith.constant 32 : i32
      %mul3A_87 = arith.muli %mul3A_86, %add3A_85 : i32
      %add3A_88 = arith.addi %add3A, %mul3A_87 : i32
      %lt3A_89 = arith.constant 1302 : i32
      %lt3A_90 = arith.cmpi slt, %add3A_88, %lt3A_89 : i32
      %convert_element_type3A_91 = arith.extui %lt3A_90 : i1 to i32
      %cond3A_92 = arith.constant 0 : i32
      %cond3A_93 = arith.cmpi ne, %convert_element_type3A_91, %cond3A_92 : i32
      scf.if %cond3A_93 {
        %mul3A_94 = arith.constant 768 : i32
        %mul3A_95 = arith.muli %add3A_88, %mul3A_94 : i32
        %multiple_of3A_96 = tpu.assume_multiple %mul3A_95, 768 : i32
        %dma_wait3A_97 = arith.constant 1 : i32
        %dma_wait3A_98 = arith.constant 0 : i32
        %dma_wait3A_99 = arith.constant 0 : i32
        %dma_wait3A_100 = tpu.memref_slice %arg5[%dma_wait3A_97, %dma_wait3A_98, %dma_wait3A_99] : memref<2x32x768xf32, #tpu.memory_space<vmem>> -> memref<1x32x768xf32, #tpu.memory_space<vmem>>
        %dma_wait3A_101 = tpu.memref_squeeze %dma_wait3A_100 : memref<1x32x768xf32, #tpu.memory_space<vmem>> -> memref<32x768xf32, #tpu.memory_space<vmem>>
        %dma_wait3A_102 = arith.constant 0 : i32
        %dma_wait3A_103 = tpu.memref_slice %arg2[%dma_wait3A_102, %multiple_of3A_96] : memref<32x1000000xf32, #tpu.memory_space<hbm>> -> memref<32x768xf32, #tpu.memory_space<hbm>>
        %dma_wait3A_104 = arith.constant 0 : i32
        %dma_wait3A_105 = arith.constant 0 : i32
        %dma_wait3A_106 = tpu.memref_slice %arg5[%dma_wait3A_97, %dma_wait3A_104, %dma_wait3A_105] : memref<2x32x768xf32, #tpu.memory_space<vmem>> -> memref<1x32x768xf32, #tpu.memory_space<vmem>>
        %dma_wait3A_107 = tpu.memref_squeeze %dma_wait3A_106 : memref<1x32x768xf32, #tpu.memory_space<vmem>> -> memref<32x768xf32, #tpu.memory_space<vmem>>
        %dma_wait3A_108 = arith.constant 0 : i32
        %dma_wait3A_109 = tpu.memref_slice %arg2[%dma_wait3A_108, %multiple_of3A_96] : memref<32x1000000xf32, #tpu.memory_space<hbm>> -> memref<32x768xf32, #tpu.memory_space<hbm>>
        tpu.wait_dma2 semaphore(%arg8 : memref<!tpu.dma_semaphore, #tpu.memory_space<semaphore_mem>>) src(%dma_wait3A_109 : memref<32x768xf32, #tpu.memory_space<hbm>>) dst(%dma_wait3A_107 : memref<32x768xf32, #tpu.memory_space<vmem>>)
        %ge3A = arith.constant 2 : i32
        %ge3A_110 = arith.cmpi sge, %add3A_85, %ge3A : i32
        %convert_element_type3A_111 = arith.extui %ge3A_110 : i1 to i32
        %cond3A_112 = arith.constant 0 : i32
        %cond3A_113 = arith.cmpi ne, %convert_element_type3A_111, %cond3A_112 : i32
        scf.if %cond3A_113 {
          %mul3A_139 = arith.constant 192 : i32
          %mul3A_140 = arith.muli %add3A_88, %mul3A_139 : i32
          %multiple_of3A_141 = tpu.assume_multiple %mul3A_140, 192 : i32
          %dma_wait3A_142 = arith.constant 1 : i32
          %dma_wait3A_143 = arith.constant 0 : i32
          %dma_wait3A_144 = arith.constant 0 : i32
          %dma_wait3A_145 = tpu.memref_slice %arg6[%dma_wait3A_142, %dma_wait3A_143, %dma_wait3A_144] : memref<2x192x128xf32, #tpu.memory_space<vmem>> -> memref<1x192x128xf32, #tpu.memory_space<vmem>>
          %dma_wait3A_146 = tpu.memref_squeeze %dma_wait3A_145 : memref<1x192x128xf32, #tpu.memory_space<vmem>> -> memref<192x128xf32, #tpu.memory_space<vmem>>
          %dma_wait3A_147 = arith.constant 0 : i32
          %dma_wait3A_148 = tpu.memref_slice %arg4[%multiple_of3A_141, %dma_wait3A_147] : memref<250000x128xf32, #tpu.memory_space<hbm>> -> memref<192x128xf32, #tpu.memory_space<hbm>>
          %dma_wait3A_149 = arith.constant 0 : i32
          %dma_wait3A_150 = tpu.memref_slice %arg4[%multiple_of3A_141, %dma_wait3A_149] : memref<250000x128xf32, #tpu.memory_space<hbm>> -> memref<192x128xf32, #tpu.memory_space<hbm>>
          %dma_wait3A_151 = arith.constant 0 : i32
          %dma_wait3A_152 = arith.constant 0 : i32
          %dma_wait3A_153 = tpu.memref_slice %arg6[%dma_wait3A_142, %dma_wait3A_151, %dma_wait3A_152] : memref<2x192x128xf32, #tpu.memory_space<vmem>> -> memref<1x192x128xf32, #tpu.memory_space<vmem>>
          %dma_wait3A_154 = tpu.memref_squeeze %dma_wait3A_153 : memref<1x192x128xf32, #tpu.memory_space<vmem>> -> memref<192x128xf32, #tpu.memory_space<vmem>>
          tpu.wait_dma2 semaphore(%arg10 : memref<!tpu.dma_semaphore, #tpu.memory_space<semaphore_mem>>) src(%dma_wait3A_154 : memref<192x128xf32, #tpu.memory_space<vmem>>) dst(%dma_wait3A_150 : memref<192x128xf32, #tpu.memory_space<hbm>>)
        } else {
        }
        %parallel_loop3A = arith.constant 0 : i32
        %parallel_loop3A_114 = arith.constant 192 : i32
        %parallel_loop3A_115 = arith.constant 1 : i32
        scf.for %parallel_loop3A_139 = %parallel_loop3A to %parallel_loop3A_114 step %parallel_loop3A_115  : i32 {
          %parallel_loop3A_140 = arith.constant 4 : i32
          %parallel_loop3A_141 = arith.muli %parallel_loop3A_140, %parallel_loop3A_139 : i32
          %parallel_loop3A_142 = arith.constant 0 : i32
          %parallel_loop3A_143 = arith.addi %parallel_loop3A_142, %parallel_loop3A_141 : i32
          %parallel_loop3A_144 = arith.constant 0 : i32
          %parallel_loop3A_145 = arith.addi %parallel_loop3A_143, %parallel_loop3A_144 : i32
          %parallel_loop3A_146 = vector.broadcast %parallel_loop3A_145 : i32 to vector<16xi32>
          %parallel_loop3A_147 = arith.constant 1 : i32
          %parallel_loop3A_148 = arith.constant 0 : i32
          %parallel_loop3A_149 = arith.constant 0 : i32
          %parallel_loop3A_150 = tpu.memref_slice %arg5[%parallel_loop3A_147, %parallel_loop3A_148, %parallel_loop3A_149] : memref<2x32x768xf32, #tpu.memory_space<vmem>> -> memref<1x32x768xf32, #tpu.memory_space<vmem>>
          %parallel_loop3A_151 = tpu.memref_squeeze %parallel_loop3A_150 : memref<1x32x768xf32, #tpu.memory_space<vmem>> -> memref<32x768xf32, #tpu.memory_space<vmem>>
          %parallel_loop3A_152 = tpu.vector_load_idx %parallel_loop3A_151[%iota3A, %parallel_loop3A_146] : memref<32x768xf32, #tpu.memory_space<vmem>>[vector<16xi32>, vector<16xi32>], vector<16xf32>,
          %parallel_loop3A_153 = arith.constant 1 : i32
          %parallel_loop3A_154 = arith.index_cast %parallel_loop3A_153 : i32 to index
          %parallel_loop3A_155 = arith.index_cast %parallel_loop3A_139 : i32 to index
          %parallel_loop3A_156 = arith.constant 0 : index
          %parallel_loop3A_157 = tpu.vector_load %arg6[%parallel_loop3A_154, %parallel_loop3A_155, %parallel_loop3A_156] {strides = array<i32>} : memref<2x192x128xf32, #tpu.memory_space<vmem>>, vector<16xf32>,
          tpu.vector_store %arg6[%parallel_loop3A_154, %parallel_loop3A_155, %parallel_loop3A_156], %parallel_loop3A_152 {strides = array<i32>} : memref<2x192x128xf32, #tpu.memory_space<vmem>>, vector<16xf32>,
          %parallel_loop3A_158 = arith.constant 1 : i32
          %parallel_loop3A_159 = arith.constant 0 : i32
          %parallel_loop3A_160 = arith.constant 0 : i32
          %parallel_loop3A_161 = tpu.memref_slice %arg5[%parallel_loop3A_158, %parallel_loop3A_159, %parallel_loop3A_160] : memref<2x32x768xf32, #tpu.memory_space<vmem>> -> memref<1x32x768xf32, #tpu.memory_space<vmem>>
          %parallel_loop3A_162 = tpu.memref_squeeze %parallel_loop3A_161 : memref<1x32x768xf32, #tpu.memory_space<vmem>> -> memref<32x768xf32, #tpu.memory_space<vmem>>
          %parallel_loop3A_163 = tpu.vector_load_idx %parallel_loop3A_162[%add3A_3, %parallel_loop3A_146] : memref<32x768xf32, #tpu.memory_space<vmem>>[vector<16xi32>, vector<16xi32>], vector<16xf32>,
          %parallel_loop3A_164 = arith.constant 1 : i32
          %parallel_loop3A_165 = arith.index_cast %parallel_loop3A_164 : i32 to index
          %parallel_loop3A_166 = arith.index_cast %parallel_loop3A_139 : i32 to index
          %parallel_loop3A_167 = arith.constant 16 : index
          %parallel_loop3A_168 = tpu.vector_load %arg6[%parallel_loop3A_165, %parallel_loop3A_166, %parallel_loop3A_167] {strides = array<i32>} : memref<2x192x128xf32, #tpu.memory_space<vmem>>, vector<16xf32>,
          tpu.vector_store %arg6[%parallel_loop3A_165, %parallel_loop3A_166, %parallel_loop3A_167], %parallel_loop3A_163 {strides = array<i32>} : memref<2x192x128xf32, #tpu.memory_space<vmem>>, vector<16xf32>,
          %parallel_loop3A_169 = arith.constant 1 : i32
          %parallel_loop3A_170 = arith.addi %parallel_loop3A_143, %parallel_loop3A_169 : i32
          %parallel_loop3A_171 = vector.broadcast %parallel_loop3A_170 : i32 to vector<16xi32>
          %parallel_loop3A_172 = arith.constant 1 : i32
          %parallel_loop3A_173 = arith.constant 0 : i32
          %parallel_loop3A_174 = arith.constant 0 : i32
          %parallel_loop3A_175 = tpu.memref_slice %arg5[%parallel_loop3A_172, %parallel_loop3A_173, %parallel_loop3A_174] : memref<2x32x768xf32, #tpu.memory_space<vmem>> -> memref<1x32x768xf32, #tpu.memory_space<vmem>>
          %parallel_loop3A_176 = tpu.memref_squeeze %parallel_loop3A_175 : memref<1x32x768xf32, #tpu.memory_space<vmem>> -> memref<32x768xf32, #tpu.memory_space<vmem>>
          %parallel_loop3A_177 = tpu.vector_load_idx %parallel_loop3A_176[%iota3A, %parallel_loop3A_171] : memref<32x768xf32, #tpu.memory_space<vmem>>[vector<16xi32>, vector<16xi32>], vector<16xf32>,
          %parallel_loop3A_178 = arith.constant 1 : i32
          %parallel_loop3A_179 = arith.index_cast %parallel_loop3A_178 : i32 to index
          %parallel_loop3A_180 = arith.index_cast %parallel_loop3A_139 : i32 to index
          %parallel_loop3A_181 = arith.constant 32 : index
          %parallel_loop3A_182 = tpu.vector_load %arg6[%parallel_loop3A_179, %parallel_loop3A_180, %parallel_loop3A_181] {strides = array<i32>} : memref<2x192x128xf32, #tpu.memory_space<vmem>>, vector<16xf32>,
          tpu.vector_store %arg6[%parallel_loop3A_179, %parallel_loop3A_180, %parallel_loop3A_181], %parallel_loop3A_177 {strides = array<i32>} : memref<2x192x128xf32, #tpu.memory_space<vmem>>, vector<16xf32>,
          %parallel_loop3A_183 = arith.constant 1 : i32
          %parallel_loop3A_184 = arith.constant 0 : i32
          %parallel_loop3A_185 = arith.constant 0 : i32
          %parallel_loop3A_186 = tpu.memref_slice %arg5[%parallel_loop3A_183, %parallel_loop3A_184, %parallel_loop3A_185] : memref<2x32x768xf32, #tpu.memory_space<vmem>> -> memref<1x32x768xf32, #tpu.memory_space<vmem>>
          %parallel_loop3A_187 = tpu.memref_squeeze %parallel_loop3A_186 : memref<1x32x768xf32, #tpu.memory_space<vmem>> -> memref<32x768xf32, #tpu.memory_space<vmem>>
          %parallel_loop3A_188 = tpu.vector_load_idx %parallel_loop3A_187[%add3A_3, %parallel_loop3A_171] : memref<32x768xf32, #tpu.memory_space<vmem>>[vector<16xi32>, vector<16xi32>], vector<16xf32>,
          %parallel_loop3A_189 = arith.constant 1 : i32
          %parallel_loop3A_190 = arith.index_cast %parallel_loop3A_189 : i32 to index
          %parallel_loop3A_191 = arith.index_cast %parallel_loop3A_139 : i32 to index
          %parallel_loop3A_192 = arith.constant 48 : index
          %parallel_loop3A_193 = tpu.vector_load %arg6[%parallel_loop3A_190, %parallel_loop3A_191, %parallel_loop3A_192] {strides = array<i32>} : memref<2x192x128xf32, #tpu.memory_space<vmem>>, vector<16xf32>,
          tpu.vector_store %arg6[%parallel_loop3A_190, %parallel_loop3A_191, %parallel_loop3A_192], %parallel_loop3A_188 {strides = array<i32>} : memref<2x192x128xf32, #tpu.memory_space<vmem>>, vector<16xf32>,
          %parallel_loop3A_194 = arith.constant 2 : i32
          %parallel_loop3A_195 = arith.addi %parallel_loop3A_143, %parallel_loop3A_194 : i32
          %parallel_loop3A_196 = vector.broadcast %parallel_loop3A_195 : i32 to vector<16xi32>
          %parallel_loop3A_197 = arith.constant 1 : i32
          %parallel_loop3A_198 = arith.constant 0 : i32
          %parallel_loop3A_199 = arith.constant 0 : i32
          %parallel_loop3A_200 = tpu.memref_slice %arg5[%parallel_loop3A_197, %parallel_loop3A_198, %parallel_loop3A_199] : memref<2x32x768xf32, #tpu.memory_space<vmem>> -> memref<1x32x768xf32, #tpu.memory_space<vmem>>
          %parallel_loop3A_201 = tpu.memref_squeeze %parallel_loop3A_200 : memref<1x32x768xf32, #tpu.memory_space<vmem>> -> memref<32x768xf32, #tpu.memory_space<vmem>>
          %parallel_loop3A_202 = tpu.vector_load_idx %parallel_loop3A_201[%iota3A, %parallel_loop3A_196] : memref<32x768xf32, #tpu.memory_space<vmem>>[vector<16xi32>, vector<16xi32>], vector<16xf32>,
          %parallel_loop3A_203 = arith.constant 1 : i32
          %parallel_loop3A_204 = arith.index_cast %parallel_loop3A_203 : i32 to index
          %parallel_loop3A_205 = arith.index_cast %parallel_loop3A_139 : i32 to index
          %parallel_loop3A_206 = arith.constant 64 : index
          %parallel_loop3A_207 = tpu.vector_load %arg6[%parallel_loop3A_204, %parallel_loop3A_205, %parallel_loop3A_206] {strides = array<i32>} : memref<2x192x128xf32, #tpu.memory_space<vmem>>, vector<16xf32>,
          tpu.vector_store %arg6[%parallel_loop3A_204, %parallel_loop3A_205, %parallel_loop3A_206], %parallel_loop3A_202 {strides = array<i32>} : memref<2x192x128xf32, #tpu.memory_space<vmem>>, vector<16xf32>,
          %parallel_loop3A_208 = arith.constant 1 : i32
          %parallel_loop3A_209 = arith.constant 0 : i32
          %parallel_loop3A_210 = arith.constant 0 : i32
          %parallel_loop3A_211 = tpu.memref_slice %arg5[%parallel_loop3A_208, %parallel_loop3A_209, %parallel_loop3A_210] : memref<2x32x768xf32, #tpu.memory_space<vmem>> -> memref<1x32x768xf32, #tpu.memory_space<vmem>>
          %parallel_loop3A_212 = tpu.memref_squeeze %parallel_loop3A_211 : memref<1x32x768xf32, #tpu.memory_space<vmem>> -> memref<32x768xf32, #tpu.memory_space<vmem>>
          %parallel_loop3A_213 = tpu.vector_load_idx %parallel_loop3A_212[%add3A_3, %parallel_loop3A_196] : memref<32x768xf32, #tpu.memory_space<vmem>>[vector<16xi32>, vector<16xi32>], vector<16xf32>,
          %parallel_loop3A_214 = arith.constant 1 : i32
          %parallel_loop3A_215 = arith.index_cast %parallel_loop3A_214 : i32 to index
          %parallel_loop3A_216 = arith.index_cast %parallel_loop3A_139 : i32 to index
          %parallel_loop3A_217 = arith.constant 80 : index
          %parallel_loop3A_218 = tpu.vector_load %arg6[%parallel_loop3A_215, %parallel_loop3A_216, %parallel_loop3A_217] {strides = array<i32>} : memref<2x192x128xf32, #tpu.memory_space<vmem>>, vector<16xf32>,
          tpu.vector_store %arg6[%parallel_loop3A_215, %parallel_loop3A_216, %parallel_loop3A_217], %parallel_loop3A_213 {strides = array<i32>} : memref<2x192x128xf32, #tpu.memory_space<vmem>>, vector<16xf32>,
          %parallel_loop3A_219 = arith.constant 3 : i32
          %parallel_loop3A_220 = arith.addi %parallel_loop3A_143, %parallel_loop3A_219 : i32
          %parallel_loop3A_221 = vector.broadcast %parallel_loop3A_220 : i32 to vector<16xi32>
          %parallel_loop3A_222 = arith.constant 1 : i32
          %parallel_loop3A_223 = arith.constant 0 : i32
          %parallel_loop3A_224 = arith.constant 0 : i32
          %parallel_loop3A_225 = tpu.memref_slice %arg5[%parallel_loop3A_222, %parallel_loop3A_223, %parallel_loop3A_224] : memref<2x32x768xf32, #tpu.memory_space<vmem>> -> memref<1x32x768xf32, #tpu.memory_space<vmem>>
          %parallel_loop3A_226 = tpu.memref_squeeze %parallel_loop3A_225 : memref<1x32x768xf32, #tpu.memory_space<vmem>> -> memref<32x768xf32, #tpu.memory_space<vmem>>
          %parallel_loop3A_227 = tpu.vector_load_idx %parallel_loop3A_226[%iota3A, %parallel_loop3A_221] : memref<32x768xf32, #tpu.memory_space<vmem>>[vector<16xi32>, vector<16xi32>], vector<16xf32>,
          %parallel_loop3A_228 = arith.constant 1 : i32
          %parallel_loop3A_229 = arith.index_cast %parallel_loop3A_228 : i32 to index
          %parallel_loop3A_230 = arith.index_cast %parallel_loop3A_139 : i32 to index
          %parallel_loop3A_231 = arith.constant 96 : index
          %parallel_loop3A_232 = tpu.vector_load %arg6[%parallel_loop3A_229, %parallel_loop3A_230, %parallel_loop3A_231] {strides = array<i32>} : memref<2x192x128xf32, #tpu.memory_space<vmem>>, vector<16xf32>,
          tpu.vector_store %arg6[%parallel_loop3A_229, %parallel_loop3A_230, %parallel_loop3A_231], %parallel_loop3A_227 {strides = array<i32>} : memref<2x192x128xf32, #tpu.memory_space<vmem>>, vector<16xf32>,
          %parallel_loop3A_233 = arith.constant 1 : i32
          %parallel_loop3A_234 = arith.constant 0 : i32
          %parallel_loop3A_235 = arith.constant 0 : i32
          %parallel_loop3A_236 = tpu.memref_slice %arg5[%parallel_loop3A_233, %parallel_loop3A_234, %parallel_loop3A_235] : memref<2x32x768xf32, #tpu.memory_space<vmem>> -> memref<1x32x768xf32, #tpu.memory_space<vmem>>
          %parallel_loop3A_237 = tpu.memref_squeeze %parallel_loop3A_236 : memref<1x32x768xf32, #tpu.memory_space<vmem>> -> memref<32x768xf32, #tpu.memory_space<vmem>>
          %parallel_loop3A_238 = tpu.vector_load_idx %parallel_loop3A_237[%add3A_3, %parallel_loop3A_221] : memref<32x768xf32, #tpu.memory_space<vmem>>[vector<16xi32>, vector<16xi32>], vector<16xf32>,
          %parallel_loop3A_239 = arith.constant 1 : i32
          %parallel_loop3A_240 = arith.index_cast %parallel_loop3A_239 : i32 to index
          %parallel_loop3A_241 = arith.index_cast %parallel_loop3A_139 : i32 to index
          %parallel_loop3A_242 = arith.constant 112 : index
          %parallel_loop3A_243 = tpu.vector_load %arg6[%parallel_loop3A_240, %parallel_loop3A_241, %parallel_loop3A_242] {strides = array<i32>} : memref<2x192x128xf32, #tpu.memory_space<vmem>>, vector<16xf32>,
          tpu.vector_store %arg6[%parallel_loop3A_240, %parallel_loop3A_241, %parallel_loop3A_242], %parallel_loop3A_238 {strides = array<i32>} : memref<2x192x128xf32, #tpu.memory_space<vmem>>, vector<16xf32>,
        } {sc.loop_unroll_factor = 8 : i64, sc.parallel_access}
        %mul3A_116 = arith.constant 192 : i32
        %mul3A_117 = arith.muli %add3A_88, %mul3A_116 : i32
        %multiple_of3A_118 = tpu.assume_multiple %mul3A_117, 192 : i32
        %dma_start3A_119 = arith.constant 1 : i32
        %dma_start3A_120 = arith.constant 0 : i32
        %dma_start3A_121 = arith.constant 0 : i32
        %dma_start3A_122 = tpu.memref_slice %arg6[%dma_start3A_119, %dma_start3A_120, %dma_start3A_121] : memref<2x192x128xf32, #tpu.memory_space<vmem>> -> memref<1x192x128xf32, #tpu.memory_space<vmem>>
        %dma_start3A_123 = tpu.memref_squeeze %dma_start3A_122 : memref<1x192x128xf32, #tpu.memory_space<vmem>> -> memref<192x128xf32, #tpu.memory_space<vmem>>
        %dma_start3A_124 = arith.constant 0 : i32
        %dma_start3A_125 = tpu.memref_slice %arg4[%multiple_of3A_118, %dma_start3A_124] : memref<250000x128xf32, #tpu.memory_space<hbm>> -> memref<192x128xf32, #tpu.memory_space<hbm>>
        %dma_start3A_126 = arith.constant 0 : i32
        %dma_start3A_127 = tpu.memref_slice %arg4[%multiple_of3A_118, %dma_start3A_126] : memref<250000x128xf32, #tpu.memory_space<hbm>> -> memref<192x128xf32, #tpu.memory_space<hbm>>
        %dma_start3A_128 = arith.constant 0 : i32
        %dma_start3A_129 = arith.constant 0 : i32
        %dma_start3A_130 = tpu.memref_slice %arg6[%dma_start3A_119, %dma_start3A_128, %dma_start3A_129] : memref<2x192x128xf32, #tpu.memory_space<vmem>> -> memref<1x192x128xf32, #tpu.memory_space<vmem>>
        %dma_start3A_131 = tpu.memref_squeeze %dma_start3A_130 : memref<1x192x128xf32, #tpu.memory_space<vmem>> -> memref<192x128xf32, #tpu.memory_space<vmem>>
        tpu.enqueue_dma source(%dma_start3A_131 : memref<192x128xf32, #tpu.memory_space<vmem>>) target(%dma_start3A_127 : memref<192x128xf32, #tpu.memory_space<hbm>>) target_semaphore(%arg10 : memref<!tpu.dma_semaphore, #tpu.memory_space<semaphore_mem>>)
        %add3A_132 = arith.constant 64 : i32
        %add3A_133 = arith.addi %add3A_88, %add3A_132 : i32
        %lt3A_134 = arith.constant 1302 : i32
        %lt3A_135 = arith.cmpi slt, %add3A_133, %lt3A_134 : i32
        %convert_element_type3A_136 = arith.extui %lt3A_135 : i1 to i32
        %cond3A_137 = arith.constant 0 : i32
        %cond3A_138 = arith.cmpi ne, %convert_element_type3A_136, %cond3A_137 : i32
        scf.if %cond3A_138 {
          %mul3A_139 = arith.constant 768 : i32
          %mul3A_140 = arith.muli %add3A_133, %mul3A_139 : i32
          %multiple_of3A_141 = tpu.assume_multiple %mul3A_140, 768 : i32
          %dma_start3A_142 = arith.constant 1 : i32
          %dma_start3A_143 = arith.constant 0 : i32
          %dma_start3A_144 = arith.constant 0 : i32
          %dma_start3A_145 = tpu.memref_slice %arg5[%dma_start3A_142, %dma_start3A_143, %dma_start3A_144] : memref<2x32x768xf32, #tpu.memory_space<vmem>> -> memref<1x32x768xf32, #tpu.memory_space<vmem>>
          %dma_start3A_146 = tpu.memref_squeeze %dma_start3A_145 : memref<1x32x768xf32, #tpu.memory_space<vmem>> -> memref<32x768xf32, #tpu.memory_space<vmem>>
          %dma_start3A_147 = arith.constant 0 : i32
          %dma_start3A_148 = tpu.memref_slice %arg2[%dma_start3A_147, %multiple_of3A_141] : memref<32x1000000xf32, #tpu.memory_space<hbm>> -> memref<32x768xf32, #tpu.memory_space<hbm>>
          %dma_start3A_149 = arith.constant 0 : i32
          %dma_start3A_150 = arith.constant 0 : i32
          %dma_start3A_151 = tpu.memref_slice %arg5[%dma_start3A_142, %dma_start3A_149, %dma_start3A_150] : memref<2x32x768xf32, #tpu.memory_space<vmem>> -> memref<1x32x768xf32, #tpu.memory_space<vmem>>
          %dma_start3A_152 = tpu.memref_squeeze %dma_start3A_151 : memref<1x32x768xf32, #tpu.memory_space<vmem>> -> memref<32x768xf32, #tpu.memory_space<vmem>>
          %dma_start3A_153 = arith.constant 0 : i32
          %dma_start3A_154 = tpu.memref_slice %arg2[%dma_start3A_153, %multiple_of3A_141] : memref<32x1000000xf32, #tpu.memory_space<hbm>> -> memref<32x768xf32, #tpu.memory_space<hbm>>
          tpu.enqueue_dma source(%dma_start3A_154 : memref<32x768xf32, #tpu.memory_space<hbm>>) target(%dma_start3A_152 : memref<32x768xf32, #tpu.memory_space<vmem>>) target_semaphore(%arg8 : memref<!tpu.dma_semaphore, #tpu.memory_space<semaphore_mem>>)
        } else {
        }
      } else {
      }
    }
    %scan3A_40 = arith.constant 21 : i32
    %multiple_of3A_41 = arith.constant 0 : i32
    %multiple_of3A_42 = tpu.assume_multiple %multiple_of3A_41, 192 : i32
    %dma_wait3A = arith.constant 0 : i32
    %dma_wait3A_43 = arith.constant 0 : i32
    %dma_wait3A_44 = arith.constant 0 : i32
    %dma_wait3A_45 = tpu.memref_slice %arg6[%dma_wait3A, %dma_wait3A_43, %dma_wait3A_44] : memref<2x192x128xf32, #tpu.memory_space<vmem>> -> memref<1x192x128xf32, #tpu.memory_space<vmem>>
    %dma_wait3A_46 = tpu.memref_squeeze %dma_wait3A_45 : memref<1x192x128xf32, #tpu.memory_space<vmem>> -> memref<192x128xf32, #tpu.memory_space<vmem>>
    %dma_wait3A_47 = arith.constant 0 : i32
    %dma_wait3A_48 = tpu.memref_slice %arg4[%multiple_of3A_42, %dma_wait3A_47] : memref<250000x128xf32, #tpu.memory_space<hbm>> -> memref<192x128xf32, #tpu.memory_space<hbm>>
    %dma_wait3A_49 = arith.constant 0 : i32
    %dma_wait3A_50 = tpu.memref_slice %arg4[%multiple_of3A_42, %dma_wait3A_49] : memref<250000x128xf32, #tpu.memory_space<hbm>> -> memref<192x128xf32, #tpu.memory_space<hbm>>
    %dma_wait3A_51 = arith.constant 0 : i32
    %dma_wait3A_52 = arith.constant 0 : i32
    %dma_wait3A_53 = tpu.memref_slice %arg6[%dma_wait3A, %dma_wait3A_51, %dma_wait3A_52] : memref<2x192x128xf32, #tpu.memory_space<vmem>> -> memref<1x192x128xf32, #tpu.memory_space<vmem>>
    %dma_wait3A_54 = tpu.memref_squeeze %dma_wait3A_53 : memref<1x192x128xf32, #tpu.memory_space<vmem>> -> memref<192x128xf32, #tpu.memory_space<vmem>>
    tpu.wait_dma2 semaphore(%arg9 : memref<!tpu.dma_semaphore, #tpu.memory_space<semaphore_mem>>) src(%dma_wait3A_54 : memref<192x128xf32, #tpu.memory_space<vmem>>) dst(%dma_wait3A_50 : memref<192x128xf32, #tpu.memory_space<hbm>>)
    %multiple_of3A_55 = arith.constant 0 : i32
    %multiple_of3A_56 = tpu.assume_multiple %multiple_of3A_55, 192 : i32
    %dma_wait3A_57 = arith.constant 1 : i32
    %dma_wait3A_58 = arith.constant 0 : i32
    %dma_wait3A_59 = arith.constant 0 : i32
    %dma_wait3A_60 = tpu.memref_slice %arg6[%dma_wait3A_57, %dma_wait3A_58, %dma_wait3A_59] : memref<2x192x128xf32, #tpu.memory_space<vmem>> -> memref<1x192x128xf32, #tpu.memory_space<vmem>>
    %dma_wait3A_61 = tpu.memref_squeeze %dma_wait3A_60 : memref<1x192x128xf32, #tpu.memory_space<vmem>> -> memref<192x128xf32, #tpu.memory_space<vmem>>
    %dma_wait3A_62 = arith.constant 0 : i32
    %dma_wait3A_63 = tpu.memref_slice %arg4[%multiple_of3A_56, %dma_wait3A_62] : memref<250000x128xf32, #tpu.memory_space<hbm>> -> memref<192x128xf32, #tpu.memory_space<hbm>>
    %dma_wait3A_64 = arith.constant 0 : i32
    %dma_wait3A_65 = tpu.memref_slice %arg4[%multiple_of3A_56, %dma_wait3A_64] : memref<250000x128xf32, #tpu.memory_space<hbm>> -> memref<192x128xf32, #tpu.memory_space<hbm>>
    %dma_wait3A_66 = arith.constant 0 : i32
    %dma_wait3A_67 = arith.constant 0 : i32
    %dma_wait3A_68 = tpu.memref_slice %arg6[%dma_wait3A_57, %dma_wait3A_66, %dma_wait3A_67] : memref<2x192x128xf32, #tpu.memory_space<vmem>> -> memref<1x192x128xf32, #tpu.memory_space<vmem>>
    %dma_wait3A_69 = tpu.memref_squeeze %dma_wait3A_68 : memref<1x192x128xf32, #tpu.memory_space<vmem>> -> memref<192x128xf32, #tpu.memory_space<vmem>>
    tpu.wait_dma2 semaphore(%arg10 : memref<!tpu.dma_semaphore, #tpu.memory_space<semaphore_mem>>) src(%dma_wait3A_69 : memref<192x128xf32, #tpu.memory_space<vmem>>) dst(%dma_wait3A_65 : memref<192x128xf32, #tpu.memory_space<hbm>>)
    %eq3A = arith.constant 0 : i32
    %eq3A_70 = arith.cmpi eq, %add3A, %eq3A : i32
    %convert_element_type3A = arith.extui %eq3A_70 : i1 to i32
    %cond3A = arith.constant 0 : i32
    %cond3A_71 = arith.cmpi ne, %convert_element_type3A, %cond3A : i32
    scf.if %cond3A_71 {
      %run_scoped3A = arith.constant 0 : i32
      "tpu.region"() ({
        %run_scoped3A_75 = tpu.sem_alloc : memref<!tpu.dma_semaphore, #tpu.memory_space<semaphore_mem>>
        %dma_start3A_76 = arith.constant 0 : i32
        %dma_start3A_77 = arith.constant 0 : i32
        %dma_start3A_78 = tpu.memref_slice %arg5[%run_scoped3A, %dma_start3A_76, %dma_start3A_77] : memref<2x32x768xf32, #tpu.memory_space<vmem>> -> memref<1x32x128xf32, #tpu.memory_space<vmem>>
        %dma_start3A_79 = tpu.memref_squeeze %dma_start3A_78 : memref<1x32x128xf32, #tpu.memory_space<vmem>> -> memref<32x128xf32, #tpu.memory_space<vmem>>
        %dma_start3A_80 = arith.constant 0 : i32
        %dma_start3A_81 = arith.constant 0 : i32
        %dma_start3A_82 = tpu.memref_slice %arg5[%run_scoped3A, %dma_start3A_80, %dma_start3A_81] : memref<2x32x768xf32, #tpu.memory_space<vmem>> -> memref<1x32x128xf32, #tpu.memory_space<vmem>>
        %dma_start3A_83 = tpu.memref_squeeze %dma_start3A_82 : memref<1x32x128xf32, #tpu.memory_space<vmem>> -> memref<32x128xf32, #tpu.memory_space<vmem>>
        tpu.enqueue_dma source(%arg3 : memref<32x128xf32, #tpu.memory_space<hbm>>) target(%dma_start3A_83 : memref<32x128xf32, #tpu.memory_space<vmem>>) target_semaphore(%run_scoped3A_75 : memref<!tpu.dma_semaphore, #tpu.memory_space<semaphore_mem>>)
        %dma_wait3A_84 = arith.constant 0 : i32
        %dma_wait3A_85 = arith.constant 0 : i32
        %dma_wait3A_86 = tpu.memref_slice %arg5[%run_scoped3A, %dma_wait3A_84, %dma_wait3A_85] : memref<2x32x768xf32, #tpu.memory_space<vmem>> -> memref<1x32x128xf32, #tpu.memory_space<vmem>>
        %dma_wait3A_87 = tpu.memref_squeeze %dma_wait3A_86 : memref<1x32x128xf32, #tpu.memory_space<vmem>> -> memref<32x128xf32, #tpu.memory_space<vmem>>
        %dma_wait3A_88 = arith.constant 0 : i32
        %dma_wait3A_89 = arith.constant 0 : i32
        %dma_wait3A_90 = tpu.memref_slice %arg5[%run_scoped3A, %dma_wait3A_88, %dma_wait3A_89] : memref<2x32x768xf32, #tpu.memory_space<vmem>> -> memref<1x32x128xf32, #tpu.memory_space<vmem>>
        %dma_wait3A_91 = tpu.memref_squeeze %dma_wait3A_90 : memref<1x32x128xf32, #tpu.memory_space<vmem>> -> memref<32x128xf32, #tpu.memory_space<vmem>>
        tpu.wait_dma2 semaphore(%run_scoped3A_75 : memref<!tpu.dma_semaphore, #tpu.memory_space<semaphore_mem>>) src(%arg3 : memref<32x128xf32, #tpu.memory_space<hbm>>) dst(%dma_wait3A_91 : memref<32x128xf32, #tpu.memory_space<vmem>>)
        tpu.yield
      }) : () -> ()
      %parallel_loop3A = arith.constant 0 : i32
      %parallel_loop3A_72 = arith.constant 16 : i32
      %parallel_loop3A_73 = arith.constant 1 : i32
      scf.for %parallel_loop3A_75 = %parallel_loop3A to %parallel_loop3A_72 step %parallel_loop3A_73  : i32 {
        %parallel_loop3A_76 = arith.constant 4 : i32
        %parallel_loop3A_77 = arith.muli %parallel_loop3A_76, %parallel_loop3A_75 : i32
        %parallel_loop3A_78 = arith.constant 64 : i32
        %parallel_loop3A_79 = arith.addi %parallel_loop3A_78, %parallel_loop3A_77 : i32
        %parallel_loop3A_80 = arith.constant 0 : i32
        %parallel_loop3A_81 = arith.addi %parallel_loop3A_79, %parallel_loop3A_80 : i32
        %parallel_loop3A_82 = vector.broadcast %parallel_loop3A_81 : i32 to vector<16xi32>
        %parallel_loop3A_83 = arith.constant 0 : i32
        %parallel_loop3A_84 = arith.constant 0 : i32
        %parallel_loop3A_85 = arith.constant 0 : i32
        %parallel_loop3A_86 = tpu.memref_slice %arg5[%parallel_loop3A_83, %parallel_loop3A_84, %parallel_loop3A_85] : memref<2x32x768xf32, #tpu.memory_space<vmem>> -> memref<1x32x768xf32, #tpu.memory_space<vmem>>
        %parallel_loop3A_87 = tpu.memref_squeeze %parallel_loop3A_86 : memref<1x32x768xf32, #tpu.memory_space<vmem>> -> memref<32x768xf32, #tpu.memory_space<vmem>>
        %parallel_loop3A_88 = tpu.vector_load_idx %parallel_loop3A_87[%iota3A, %parallel_loop3A_82] : memref<32x768xf32, #tpu.memory_space<vmem>>[vector<16xi32>, vector<16xi32>], vector<16xf32>,
        %parallel_loop3A_89 = arith.constant 0 : i32
        %parallel_loop3A_90 = arith.index_cast %parallel_loop3A_89 : i32 to index
        %parallel_loop3A_91 = arith.index_cast %parallel_loop3A_75 : i32 to index
        %parallel_loop3A_92 = arith.constant 0 : index
        %parallel_loop3A_93 = tpu.vector_load %arg6[%parallel_loop3A_90, %parallel_loop3A_91, %parallel_loop3A_92] {strides = array<i32>} : memref<2x192x128xf32, #tpu.memory_space<vmem>>, vector<16xf32>,
        tpu.vector_store %arg6[%parallel_loop3A_90, %parallel_loop3A_91, %parallel_loop3A_92], %parallel_loop3A_88 {strides = array<i32>} : memref<2x192x128xf32, #tpu.memory_space<vmem>>, vector<16xf32>,
        %parallel_loop3A_94 = arith.constant 0 : i32
        %parallel_loop3A_95 = arith.constant 0 : i32
        %parallel_loop3A_96 = arith.constant 0 : i32
        %parallel_loop3A_97 = tpu.memref_slice %arg5[%parallel_loop3A_94, %parallel_loop3A_95, %parallel_loop3A_96] : memref<2x32x768xf32, #tpu.memory_space<vmem>> -> memref<1x32x768xf32, #tpu.memory_space<vmem>>
        %parallel_loop3A_98 = tpu.memref_squeeze %parallel_loop3A_97 : memref<1x32x768xf32, #tpu.memory_space<vmem>> -> memref<32x768xf32, #tpu.memory_space<vmem>>
        %parallel_loop3A_99 = tpu.vector_load_idx %parallel_loop3A_98[%add3A_3, %parallel_loop3A_82] : memref<32x768xf32, #tpu.memory_space<vmem>>[vector<16xi32>, vector<16xi32>], vector<16xf32>,
        %parallel_loop3A_100 = arith.constant 0 : i32
        %parallel_loop3A_101 = arith.index_cast %parallel_loop3A_100 : i32 to index
        %parallel_loop3A_102 = arith.index_cast %parallel_loop3A_75 : i32 to index
        %parallel_loop3A_103 = arith.constant 16 : index
        %parallel_loop3A_104 = tpu.vector_load %arg6[%parallel_loop3A_101, %parallel_loop3A_102, %parallel_loop3A_103] {strides = array<i32>} : memref<2x192x128xf32, #tpu.memory_space<vmem>>, vector<16xf32>,
        tpu.vector_store %arg6[%parallel_loop3A_101, %parallel_loop3A_102, %parallel_loop3A_103], %parallel_loop3A_99 {strides = array<i32>} : memref<2x192x128xf32, #tpu.memory_space<vmem>>, vector<16xf32>,
        %parallel_loop3A_105 = arith.constant 1 : i32
        %parallel_loop3A_106 = arith.addi %parallel_loop3A_79, %parallel_loop3A_105 : i32
        %parallel_loop3A_107 = vector.broadcast %parallel_loop3A_106 : i32 to vector<16xi32>
        %parallel_loop3A_108 = arith.constant 0 : i32
        %parallel_loop3A_109 = arith.constant 0 : i32
        %parallel_loop3A_110 = arith.constant 0 : i32
        %parallel_loop3A_111 = tpu.memref_slice %arg5[%parallel_loop3A_108, %parallel_loop3A_109, %parallel_loop3A_110] : memref<2x32x768xf32, #tpu.memory_space<vmem>> -> memref<1x32x768xf32, #tpu.memory_space<vmem>>
        %parallel_loop3A_112 = tpu.memref_squeeze %parallel_loop3A_111 : memref<1x32x768xf32, #tpu.memory_space<vmem>> -> memref<32x768xf32, #tpu.memory_space<vmem>>
        %parallel_loop3A_113 = tpu.vector_load_idx %parallel_loop3A_112[%iota3A, %parallel_loop3A_107] : memref<32x768xf32, #tpu.memory_space<vmem>>[vector<16xi32>, vector<16xi32>], vector<16xf32>,
        %parallel_loop3A_114 = arith.constant 0 : i32
        %parallel_loop3A_115 = arith.index_cast %parallel_loop3A_114 : i32 to index
        %parallel_loop3A_116 = arith.index_cast %parallel_loop3A_75 : i32 to index
        %parallel_loop3A_117 = arith.constant 32 : index
        %parallel_loop3A_118 = tpu.vector_load %arg6[%parallel_loop3A_115, %parallel_loop3A_116, %parallel_loop3A_117] {strides = array<i32>} : memref<2x192x128xf32, #tpu.memory_space<vmem>>, vector<16xf32>,
        tpu.vector_store %arg6[%parallel_loop3A_115, %parallel_loop3A_116, %parallel_loop3A_117], %parallel_loop3A_113 {strides = array<i32>} : memref<2x192x128xf32, #tpu.memory_space<vmem>>, vector<16xf32>,
        %parallel_loop3A_119 = arith.constant 0 : i32
        %parallel_loop3A_120 = arith.constant 0 : i32
        %parallel_loop3A_121 = arith.constant 0 : i32
        %parallel_loop3A_122 = tpu.memref_slice %arg5[%parallel_loop3A_119, %parallel_loop3A_120, %parallel_loop3A_121] : memref<2x32x768xf32, #tpu.memory_space<vmem>> -> memref<1x32x768xf32, #tpu.memory_space<vmem>>
        %parallel_loop3A_123 = tpu.memref_squeeze %parallel_loop3A_122 : memref<1x32x768xf32, #tpu.memory_space<vmem>> -> memref<32x768xf32, #tpu.memory_space<vmem>>
        %parallel_loop3A_124 = tpu.vector_load_idx %parallel_loop3A_123[%add3A_3, %parallel_loop3A_107] : memref<32x768xf32, #tpu.memory_space<vmem>>[vector<16xi32>, vector<16xi32>], vector<16xf32>,
        %parallel_loop3A_125 = arith.constant 0 : i32
        %parallel_loop3A_126 = arith.index_cast %parallel_loop3A_125 : i32 to index
        %parallel_loop3A_127 = arith.index_cast %parallel_loop3A_75 : i32 to index
        %parallel_loop3A_128 = arith.constant 48 : index
        %parallel_loop3A_129 = tpu.vector_load %arg6[%parallel_loop3A_126, %parallel_loop3A_127, %parallel_loop3A_128] {strides = array<i32>} : memref<2x192x128xf32, #tpu.memory_space<vmem>>, vector<16xf32>,
        tpu.vector_store %arg6[%parallel_loop3A_126, %parallel_loop3A_127, %parallel_loop3A_128], %parallel_loop3A_124 {strides = array<i32>} : memref<2x192x128xf32, #tpu.memory_space<vmem>>, vector<16xf32>,
        %parallel_loop3A_130 = arith.constant 2 : i32
        %parallel_loop3A_131 = arith.addi %parallel_loop3A_79, %parallel_loop3A_130 : i32
        %parallel_loop3A_132 = vector.broadcast %parallel_loop3A_131 : i32 to vector<16xi32>
        %parallel_loop3A_133 = arith.constant 0 : i32
        %parallel_loop3A_134 = arith.constant 0 : i32
        %parallel_loop3A_135 = arith.constant 0 : i32
        %parallel_loop3A_136 = tpu.memref_slice %arg5[%parallel_loop3A_133, %parallel_loop3A_134, %parallel_loop3A_135] : memref<2x32x768xf32, #tpu.memory_space<vmem>> -> memref<1x32x768xf32, #tpu.memory_space<vmem>>
        %parallel_loop3A_137 = tpu.memref_squeeze %parallel_loop3A_136 : memref<1x32x768xf32, #tpu.memory_space<vmem>> -> memref<32x768xf32, #tpu.memory_space<vmem>>
        %parallel_loop3A_138 = tpu.vector_load_idx %parallel_loop3A_137[%iota3A, %parallel_loop3A_132] : memref<32x768xf32, #tpu.memory_space<vmem>>[vector<16xi32>, vector<16xi32>], vector<16xf32>,
        %parallel_loop3A_139 = arith.constant 0 : i32
        %parallel_loop3A_140 = arith.index_cast %parallel_loop3A_139 : i32 to index
        %parallel_loop3A_141 = arith.index_cast %parallel_loop3A_75 : i32 to index
        %parallel_loop3A_142 = arith.constant 64 : index
        %parallel_loop3A_143 = tpu.vector_load %arg6[%parallel_loop3A_140, %parallel_loop3A_141, %parallel_loop3A_142] {strides = array<i32>} : memref<2x192x128xf32, #tpu.memory_space<vmem>>, vector<16xf32>,
        tpu.vector_store %arg6[%parallel_loop3A_140, %parallel_loop3A_141, %parallel_loop3A_142], %parallel_loop3A_138 {strides = array<i32>} : memref<2x192x128xf32, #tpu.memory_space<vmem>>, vector<16xf32>,
        %parallel_loop3A_144 = arith.constant 0 : i32
        %parallel_loop3A_145 = arith.constant 0 : i32
        %parallel_loop3A_146 = arith.constant 0 : i32
        %parallel_loop3A_147 = tpu.memref_slice %arg5[%parallel_loop3A_144, %parallel_loop3A_145, %parallel_loop3A_146] : memref<2x32x768xf32, #tpu.memory_space<vmem>> -> memref<1x32x768xf32, #tpu.memory_space<vmem>>
        %parallel_loop3A_148 = tpu.memref_squeeze %parallel_loop3A_147 : memref<1x32x768xf32, #tpu.memory_space<vmem>> -> memref<32x768xf32, #tpu.memory_space<vmem>>
        %parallel_loop3A_149 = tpu.vector_load_idx %parallel_loop3A_148[%add3A_3, %parallel_loop3A_132] : memref<32x768xf32, #tpu.memory_space<vmem>>[vector<16xi32>, vector<16xi32>], vector<16xf32>,
        %parallel_loop3A_150 = arith.constant 0 : i32
        %parallel_loop3A_151 = arith.index_cast %parallel_loop3A_150 : i32 to index
        %parallel_loop3A_152 = arith.index_cast %parallel_loop3A_75 : i32 to index
        %parallel_loop3A_153 = arith.constant 80 : index
        %parallel_loop3A_154 = tpu.vector_load %arg6[%parallel_loop3A_151, %parallel_loop3A_152, %parallel_loop3A_153] {strides = array<i32>} : memref<2x192x128xf32, #tpu.memory_space<vmem>>, vector<16xf32>,
        tpu.vector_store %arg6[%parallel_loop3A_151, %parallel_loop3A_152, %parallel_loop3A_153], %parallel_loop3A_149 {strides = array<i32>} : memref<2x192x128xf32, #tpu.memory_space<vmem>>, vector<16xf32>,
        %parallel_loop3A_155 = arith.constant 3 : i32
        %parallel_loop3A_156 = arith.addi %parallel_loop3A_79, %parallel_loop3A_155 : i32
        %parallel_loop3A_157 = vector.broadcast %parallel_loop3A_156 : i32 to vector<16xi32>
        %parallel_loop3A_158 = arith.constant 0 : i32
        %parallel_loop3A_159 = arith.constant 0 : i32
        %parallel_loop3A_160 = arith.constant 0 : i32
        %parallel_loop3A_161 = tpu.memref_slice %arg5[%parallel_loop3A_158, %parallel_loop3A_159, %parallel_loop3A_160] : memref<2x32x768xf32, #tpu.memory_space<vmem>> -> memref<1x32x768xf32, #tpu.memory_space<vmem>>
        %parallel_loop3A_162 = tpu.memref_squeeze %parallel_loop3A_161 : memref<1x32x768xf32, #tpu.memory_space<vmem>> -> memref<32x768xf32, #tpu.memory_space<vmem>>
        %parallel_loop3A_163 = tpu.vector_load_idx %parallel_loop3A_162[%iota3A, %parallel_loop3A_157] : memref<32x768xf32, #tpu.memory_space<vmem>>[vector<16xi32>, vector<16xi32>], vector<16xf32>,
        %parallel_loop3A_164 = arith.constant 0 : i32
        %parallel_loop3A_165 = arith.index_cast %parallel_loop3A_164 : i32 to index
        %parallel_loop3A_166 = arith.index_cast %parallel_loop3A_75 : i32 to index
        %parallel_loop3A_167 = arith.constant 96 : index
        %parallel_loop3A_168 = tpu.vector_load %arg6[%parallel_loop3A_165, %parallel_loop3A_166, %parallel_loop3A_167] {strides = array<i32>} : memref<2x192x128xf32, #tpu.memory_space<vmem>>, vector<16xf32>,
        tpu.vector_store %arg6[%parallel_loop3A_165, %parallel_loop3A_166, %parallel_loop3A_167], %parallel_loop3A_163 {strides = array<i32>} : memref<2x192x128xf32, #tpu.memory_space<vmem>>, vector<16xf32>,
        %parallel_loop3A_169 = arith.constant 0 : i32
        %parallel_loop3A_170 = arith.constant 0 : i32
        %parallel_loop3A_171 = arith.constant 0 : i32
        %parallel_loop3A_172 = tpu.memref_slice %arg5[%parallel_loop3A_169, %parallel_loop3A_170, %parallel_loop3A_171] : memref<2x32x768xf32, #tpu.memory_space<vmem>> -> memref<1x32x768xf32, #tpu.memory_space<vmem>>
        %parallel_loop3A_173 = tpu.memref_squeeze %parallel_loop3A_172 : memref<1x32x768xf32, #tpu.memory_space<vmem>> -> memref<32x768xf32, #tpu.memory_space<vmem>>
        %parallel_loop3A_174 = tpu.vector_load_idx %parallel_loop3A_173[%add3A_3, %parallel_loop3A_157] : memref<32x768xf32, #tpu.memory_space<vmem>>[vector<16xi32>, vector<16xi32>], vector<16xf32>,
        %parallel_loop3A_175 = arith.constant 0 : i32
        %parallel_loop3A_176 = arith.index_cast %parallel_loop3A_175 : i32 to index
        %parallel_loop3A_177 = arith.index_cast %parallel_loop3A_75 : i32 to index
        %parallel_loop3A_178 = arith.constant 112 : index
        %parallel_loop3A_179 = tpu.vector_load %arg6[%parallel_loop3A_176, %parallel_loop3A_177, %parallel_loop3A_178] {strides = array<i32>} : memref<2x192x128xf32, #tpu.memory_space<vmem>>, vector<16xf32>,
        tpu.vector_store %arg6[%parallel_loop3A_176, %parallel_loop3A_177, %parallel_loop3A_178], %parallel_loop3A_174 {strides = array<i32>} : memref<2x192x128xf32, #tpu.memory_space<vmem>>, vector<16xf32>,
      } {sc.loop_unroll_factor = 4 : i64, sc.parallel_access}
      %run_scoped3A_74 = arith.constant 0 : i32
      "tpu.region"() ({
        %run_scoped3A_75 = tpu.sem_alloc : memref<!tpu.dma_semaphore, #tpu.memory_space<semaphore_mem>>
        %dma_start3A_76 = arith.constant 0 : i32
        %dma_start3A_77 = arith.constant 0 : i32
        %dma_start3A_78 = tpu.memref_slice %arg6[%run_scoped3A_74, %dma_start3A_76, %dma_start3A_77] : memref<2x192x128xf32, #tpu.memory_space<vmem>> -> memref<1x16x128xf32, #tpu.memory_space<vmem>>
        %dma_start3A_79 = tpu.memref_squeeze %dma_start3A_78 : memref<1x16x128xf32, #tpu.memory_space<vmem>> -> memref<16x128xf32, #tpu.memory_space<vmem>>
        %dma_start3A_80 = arith.constant 249984 : i32
        %dma_start3A_81 = arith.constant 0 : i32
        %dma_start3A_82 = tpu.memref_slice %arg4[%dma_start3A_80, %dma_start3A_81] : memref<250000x128xf32, #tpu.memory_space<hbm>> -> memref<16x128xf32, #tpu.memory_space<hbm>>
        %dma_start3A_83 = arith.constant 249984 : i32
        %dma_start3A_84 = arith.constant 0 : i32
        %dma_start3A_85 = tpu.memref_slice %arg4[%dma_start3A_83, %dma_start3A_84] : memref<250000x128xf32, #tpu.memory_space<hbm>> -> memref<16x128xf32, #tpu.memory_space<hbm>>
        %dma_start3A_86 = arith.constant 0 : i32
        %dma_start3A_87 = arith.constant 0 : i32
        %dma_start3A_88 = tpu.memref_slice %arg6[%run_scoped3A_74, %dma_start3A_86, %dma_start3A_87] : memref<2x192x128xf32, #tpu.memory_space<vmem>> -> memref<1x16x128xf32, #tpu.memory_space<vmem>>
        %dma_start3A_89 = tpu.memref_squeeze %dma_start3A_88 : memref<1x16x128xf32, #tpu.memory_space<vmem>> -> memref<16x128xf32, #tpu.memory_space<vmem>>
        tpu.enqueue_dma source(%dma_start3A_89 : memref<16x128xf32, #tpu.memory_space<vmem>>) target(%dma_start3A_85 : memref<16x128xf32, #tpu.memory_space<hbm>>) target_semaphore(%run_scoped3A_75 : memref<!tpu.dma_semaphore, #tpu.memory_space<semaphore_mem>>)
        %dma_wait3A_90 = arith.constant 0 : i32
        %dma_wait3A_91 = arith.constant 0 : i32
        %dma_wait3A_92 = tpu.memref_slice %arg6[%run_scoped3A_74, %dma_wait3A_90, %dma_wait3A_91] : memref<2x192x128xf32, #tpu.memory_space<vmem>> -> memref<1x16x128xf32, #tpu.memory_space<vmem>>
        %dma_wait3A_93 = tpu.memref_squeeze %dma_wait3A_92 : memref<1x16x128xf32, #tpu.memory_space<vmem>> -> memref<16x128xf32, #tpu.memory_space<vmem>>
        %dma_wait3A_94 = arith.constant 249984 : i32
        %dma_wait3A_95 = arith.constant 0 : i32
        %dma_wait3A_96 = tpu.memref_slice %arg4[%dma_wait3A_94, %dma_wait3A_95] : memref<250000x128xf32, #tpu.memory_space<hbm>> -> memref<16x128xf32, #tpu.memory_space<hbm>>
        %dma_wait3A_97 = arith.constant 249984 : i32
        %dma_wait3A_98 = arith.constant 0 : i32
        %dma_wait3A_99 = tpu.memref_slice %arg4[%dma_wait3A_97, %dma_wait3A_98] : memref<250000x128xf32, #tpu.memory_space<hbm>> -> memref<16x128xf32, #tpu.memory_space<hbm>>
        %dma_wait3A_100 = arith.constant 0 : i32
        %dma_wait3A_101 = arith.constant 0 : i32
        %dma_wait3A_102 = tpu.memref_slice %arg6[%run_scoped3A_74, %dma_wait3A_100, %dma_wait3A_101] : memref<2x192x128xf32, #tpu.memory_space<vmem>> -> memref<1x16x128xf32, #tpu.memory_space<vmem>>
        %dma_wait3A_103 = tpu.memref_squeeze %dma_wait3A_102 : memref<1x16x128xf32, #tpu.memory_space<vmem>> -> memref<16x128xf32, #tpu.memory_space<vmem>>
        tpu.wait_dma2 semaphore(%run_scoped3A_75 : memref<!tpu.dma_semaphore, #tpu.memory_space<semaphore_mem>>) src(%dma_wait3A_103 : memref<16x128xf32, #tpu.memory_space<vmem>>) dst(%dma_wait3A_99 : memref<16x128xf32, #tpu.memory_space<hbm>>)
        tpu.yield
      }) : () -> ()
    } else {
    }
    return
  }
}

</mosaic_0001>

<sc_bundles>
// kernel: kernel.4.cloned.1.call-start
scs
__scs_entry_jumppad:
0x0: {  	(pc) =	sbr.rel $0x88, $3  }
0x1: {  	(tag) =	ssettag $0x0;
	lr =	simm.s32 $0x1  }
0x2: {  	[smem:$0x3F9F] =	sst lr;
	_ =	strace $0xD0000000  }
0x3: {  	_ = 	snop  }
0x4: {  	_ = 	snop  }
0x5: {  	_ = 	snop  }
0x6: {  	_ = 	snop  }
0x7: {  	_ = 	snop  }
__scs_overlays_trampoline_lowered:
0x8: {  	[smem:$0x3FAE] =	sst s0  }
0x9: {  	[smem:$0x3FAF] =	sst s1  }
0xa: {  	[smem:$0x3FB0] =	sst s2  }
0xb: {  	[smem:$0x3FB1] =	sst s3  }
0xc: {  	[smem:$0x3FB2] =	sst s4  }
0xd: {  	[smem:$0x3FB3] =	sst s5  }
0xe: {  	[smem:$0x3FB4] =	sst s6  }
0xf: {  	[smem:$0x3FB5] =	sst s7  }
0x10: {  	[smem:$0x3FB6] =	sst s8  }
0x11: {  	[smem:$0x3FB7] =	sst s9;
	s0 =	simm.s32 @!p0 $0x0  }
0x12: {  	s1 =	sld [smem:$0x3F9D];
	s0 =	simm.s32 @p0 $0x1  }
0x13: {  	[smem:$0x3FB8] =	sst s0;
	s0 =	simm.s32 @!p1 $0x0  }
0x14: {  	s2 =	sld [smem:$0x3F9C];
	s0 =	simm.s32 @p1 $0x1  }
0x15: {  	[smem:$0x3FB9] =	sst s0;
	s0 =	simm.s32 @!p2 $0x0  }
0x16: {  	s3 =	sld [smem:$0x3FDB];
	s0 =	simm.s32 @p2 $0x1  }
0x17: {  	s4 =	simm.s32 $0x1BF5;
	[smem:$0x3FBB] =	sst s0  }
0x18: {  	s0 =	sld [smem:$0x3F9E];
	_ =	swait.ge [sflag:s4], $0x0  }
0x19: {  	s7 =	sld [smem:$0x3F9F]  }
0x1a: {  	s8 =	sadd.s32 $0xFFFFE003, lr  }
0x1b: {  	s9 =	sadd.s32 $0xFFFFFEF7, lr;
	s5 =	simm.s32 $0xFFFFFFFF;
	p2 =	slt.u32 s8, $0xFFFFF086  }
0x1c: {  	p1 =	slt.u32 s9, $0xF7A;
	s5 =	simm.s32 @!p2 $0x0  }
0x1d: {  	s5 =	simm.s32 @p1 $0x1;
	p0 =	seq.s32 s7, s2  }
0x1e: {  	s7 =	smul.u32 @!p0 $0xF7A, s2;
	p2 =	seq.s32 @!p0 s5, $0x0  }
0x1f: {  	s9 =	smul.u32 $0xF7A, s1;
	s8 =	simm.s32 @!p0 $0x1BF5;
	p2 =	por !p2, p0  }
0x20: {  	[sflag:s8] =	ssyncset.s32 @!p0 $0xFFFFF086;
	s6 =	sadd.s32 @!p0 s3, s7;
	s7 =	simm.s32 @!p0 $0x108  }
0x21: {  	s3 =	sadd.s32 s3, s9;
	s6 =	sadd.s32 @!p0 $0x88, s6;
	s7 =	simm.s32 @p2 $0x1082  }
0x22: {  	[simem:s7], [sflag:s8] =	dma.local @!p0 [hbm:s6], $0xF7A  }
0x23: {  	s9 =	sor.u32 $0xD0000000, s2;
	s6 =	simm.s32 $0x108;
	_ =	swait.ge @!p0 [sflag:s8], $0x0  }
0x24: {  	s3 =	sadd.s32 $0x88, s3;
	s6 =	simm.s32 @!p1 $0x1082;
	[sflag:s4] =	ssyncset.s32 $0xFFFFF086  }
0x25: {  	[simem:s6], [sflag:s4] =	dma.local [hbm:s3], $0xF7A  }
0x26: {  	[smem:$0x3F9F] =	sst s1;
	(tag) =	ssettag s2;
	_ =	strace s9  }
0x27: {  	s1 =	sld [smem:$0x3FAF]  }
0x28: {  	s2 =	sld [smem:$0x3FB0]  }
0x29: {  	s4 =	sld [smem:$0x3FB2]  }
0x2a: {  	p0 =	seq.s32 s5, $0x0;
	s5 =	sld [smem:$0x3FB3]  }
0x2b: {  	s6 =	sld [smem:$0x3FB4]  }
0x2c: {  	s7 =	sld [smem:$0x3FB5]  }
0x2d: {  	s3 =	simm.s32 $0x108;
	s8 =	sld [smem:$0x3FB6]  }
0x2e: {  	s3 =	simm.s32 @!p0 $0x1082;
	s9 =	sld [smem:$0x3FB7]  }
0x2f: {  	lr =	sadd.s32 s0, s3;
	s0 =	sld [smem:$0x3FAE]  }
0x30: {  	s3 =	sld [smem:$0x3FB1]  }
0x31: {  	[smem:$0x3FBA] =	sst s10  }
0x32: {  	s10 =	sld [smem:$0x3FB8];
	_ =	sdelay $0x3  }
0x33: {  	p0 =	seq.s32 s10, $0x1;
	s10 =	sld [smem:$0x3FBA];
	_ =	sdelay $0x3  }
0x34: {  	[smem:$0x3FBA] =	sst s10  }
0x35: {  	s10 =	sld [smem:$0x3FB9];
	_ =	sdelay $0x3  }
0x36: {  	p1 =	seq.s32 s10, $0x1;
	s10 =	sld [smem:$0x3FBA];
	_ =	sdelay $0x3  }
0x37: {  	[smem:$0x3FBA] =	sst s10  }
0x38: {  	s10 =	sld [smem:$0x3FBB]  }
0x39: {  	_ = 	snop;
	(pc) =	sbr.ind lr, $3  }
0x3a: {  	_ = 	snop  }
0x3b: {  	_ = 	snop  }
0x3c: {  	p2 =	seq.s32 s10, $0x1;
	s10 =	sld [smem:$0x3FBA]  }
0x3d: {  	_ =	shalt  }
0x3e: {  	_ =	shalt  }
0x3f: {  	_ =	shalt  }
0x40: {  	_ =	shalt  }
0x41: {  	_ =	shalt  }
0x42: {  	_ =	shalt  }
0x43: {  	_ =	shalt  }
0x44: {  	_ =	shalt  }
0x45: {  	_ =	shalt  }
0x46: {  	_ =	shalt  }
0x47: {  	_ =	shalt  }
0x48: {  	_ =	shalt  }
0x49: {  	_ =	shalt  }
0x4a: {  	_ =	shalt  }
0x4b: {  	_ =	shalt  }
0x4c: {  	_ =	shalt  }
0x4d: {  	_ =	shalt  }
0x4e: {  	_ =	shalt  }
0x4f: {  	_ =	shalt  }
0x50: {  	_ =	shalt  }
0x51: {  	_ =	shalt  }
0x52: {  	_ =	shalt  }
0x53: {  	_ =	shalt  }
0x54: {  	_ =	shalt  }
0x55: {  	_ =	shalt  }
0x56: {  	_ =	shalt  }
0x57: {  	_ =	shalt  }
0x58: {  	_ =	shalt  }
0x59: {  	_ =	shalt  }
0x5a: {  	_ =	shalt  }
0x5b: {  	_ =	shalt  }
0x5c: {  	_ =	shalt  }
0x5d: {  	_ =	shalt  }
0x5e: {  	_ =	shalt  }
0x5f: {  	_ =	shalt  }
0x60: {  	_ =	shalt  }
0x61: {  	_ =	shalt  }
0x62: {  	_ =	shalt  }
0x63: {  	_ =	shalt  }
0x64: {  	_ =	shalt  }
0x65: {  	_ =	shalt  }
0x66: {  	_ =	shalt  }
0x67: {  	_ =	shalt  }
0x68: {  	_ =	shalt  }
0x69: {  	_ =	shalt  }
0x6a: {  	_ =	shalt  }
0x6b: {  	_ =	shalt  }
0x6c: {  	_ =	shalt  }
0x6d: {  	_ =	shalt  }
0x6e: {  	_ =	shalt  }
0x6f: {  	_ =	shalt  }
0x70: {  	_ =	shalt  }
0x71: {  	_ =	shalt  }
0x72: {  	_ =	shalt  }
0x73: {  	_ =	shalt  }
0x74: {  	_ =	shalt  }
0x75: {  	_ =	shalt  }
0x76: {  	_ =	shalt  }
0x77: {  	_ =	shalt  }
0x78: {  	_ =	shalt  }
0x79: {  	_ =	shalt  }
0x7a: {  	_ =	shalt  }
0x7b: {  	_ =	shalt  }
0x7c: {  	_ =	shalt  }
0x7d: {  	_ =	shalt  }
0x7e: {  	_ =	shalt  }
0x7f: {  	_ =	shalt  }
0x80: {  	_ =	shalt  }
0x81: {  	_ =	shalt  }
0x82: {  	_ =	shalt  }
0x83: {  	_ =	shalt  }
0x84: {  	_ =	shalt  }
0x85: {  	_ =	shalt  }
0x86: {  	_ =	shalt  }
0x87: {  	_ =	shalt  }
.Lfunc_end0:
.L_simem_size_0:
called_computation_lowered:
.L_overlay_start_0:
0x88: {  	s2 =	sld [smem:$0x3FD9]  }
0x89: {  	s3 =	sld [smem:$0x3FFE];
	_ =	sdelay $0x1  }
0x8a: {  	s1 =	srdreg.scid  }
0x8b: {  	s0 =	sand.u32 $0x1, s1  }
0x8c: {  	s17 =	sshll.u32 s0, $0xA;
	s2 =	sadd.s32 s3, s2  }
0x8d: {  	s2 =	sadd.s32 s2, s17  }
0x8e: {  	[smem:$0x3FC6] =	sst s2  }
0x8f: {  	_ = 	snop  }
0x90: {  	s2 =	sld [smem:$0x3FC8]  }
0x91: {  	s18 =	sld [smem:$0x3FD0];
	(tm) =	ssettm $0x1  }
0x92: {  	s4 =	sld [smem:$0x3FFB];
	_ =	sdelay $0x3  }
0x93: {  	_ =	strace s4  }
0x94: {  	s4 =	sld [smem:$0x3FFC];
	_ =	sdelay $0x3  }
0x95: {  	_ =	strace s4  }
0x96: {  	s4 =	sld [smem:$0x3FFD];
	_ =	sdelay $0x3  }
0x97: {  	_ =	strace s4  }
0x98: {  	_ =	strace $0x8FFFFFFF  }
0x99: {  	s19 =	sld [smem:$0x3FDB];
	_ =	sdelay $0x1  }
0x9a: {  	s5 =	simm.s32 $_scs_section_size  }
0x9b: {  	s6 =	simm.s32 $_size__tile_overlayer_lowered;
	s7 =	simm.s32 $_tile_overlayer_lowered  }
0x9c: {  	s22 =	simm.s32 $0x1BFF;
	s21 =	sshll.u32 s7, $0x1;
	s4 =	sadd.s32 s5, s19  }
0x9d: {  	s8 =	simm.s32 $0x0;
	s20 =	sshll.u32 s6, $0x1;
	s6 =	sadd.s32 s21, s4  }
0x9e: {  	[timem:s8], [sflag:s22] =	dma.local [hbm:s6], s20  }
0x9f: {  	_ =	swait.ge [sflag:s22], s20  }
0xa0: {  	s5 =	ssub.s32 $0x0, s20;
	[sflag:s22] =	ssyncset.done $0x0  }
0xa1: {  	[sflag:s22] =	ssyncadd.s32 s5;
	_ =	sdelay $0x1  }
0xa2: {  	s23 =	simm.s32 $0x1B8B  }
0xa3: {  	_ =	swait.ge [sflag:s23], $0x1  }
0xa4: {  	[sflag:s23] =	ssyncset.done $0x0  }
0xa5: {  	s25 =	simm.s32 $0x1B8E;
	s24 =	sld [smem:$0x3FFE];
	[sflag:s23] =	ssyncadd.s32 $0xFFFFFFFF  }
0xa6: {  	s26 =	simm.s32 $execute0_lowered;
	[smem:$0x3FD2] =	sst s25  }
0xa7: {  	s6 =	sshll.u32 s26, $0x1;
	_ =	strace $0x80000046;
	[dreg:$0x1] =	wrdreg $0xFFFFFFFF  }
0xa8: {  	s28 =	simm.s32 $_size_execute0_lowered;
	s4 =	sadd.s32 s4, s6;
	[dreg:$0x0] =	wrdreg $0x0  }
0xa9: {  	s6 =	sshll.u32 s28, $0x1;
	[dreg:$0x2] =	wrdreg s4  }
0xaa: {  	[dreg:$0x3] =	wrdreg s6  }
0xab: {  	[dreg:$0x4] =	wrdreg $0xC0  }
0xac: {  	_ =	task [dreg:s8], $0x5FFFF  }
0xad: {  	[dreg:$0x1] =	wrdreg $0xFFFFFFFF  }
0xae: {  	[dreg:$0x0] =	wrdreg $0x60  }
0xaf: {  	[dreg:$0x2] =	wrdreg s2  }
0xb0: {  	[dreg:$0x3] =	wrdreg s18  }
0xb1: {  	[dreg:$0x4] =	wrdreg s24  }
0xb2: {  	[dreg:$0x5] =	wrdreg $0x9  }
0xb3: {  	_ =	task.clear_ibuf [dreg:s8], $0x6FFFF;
	_ =	strace $0x90000046  }
0xb4: {  	s29 =	simm.s32 $0x9;
	_ =	strace $0x80000048  }
0xb5: {  	_ =	swait.ge [sflag:s29], $0x1  }
0xb6: {  	[sflag:s29] =	ssyncadd.s32 $0xFFFFFFFF  }
0xb7: {  	_ =	strace $0x90000048  }
0xb8: {  	_ =	sfence  }
0xb9: {  	s30 =	sld [smem:$0x0];
	_ =	sdelay $0x2  }
0xba: {  	s31 =	sshll.u32 s1, $0xD;
	s1 =	sshrl.u32 s1, $0x2  }
0xbb: {  	s3 =	sand.u32 $0x4000, s31;
	s1 =	sadd.s32 s1, s30  }
0xbc: {  	s0 =	sor.u32 s3, s0;
	s1 =	sshll.u32 s1, $0x11  }
0xbd: {  	s0 =	sor.u32 s1, s0  }
0xbe: {  	s0 =	sadd.s32 $0x8F2B, s0  }
0xbf: {  	[sflag:s0] =	ssyncadd.remote.s32 $0x1  }
0xc0: {  	_ =	sfence.sel $0xFFFF  }
0xc1: {  	[dreg:$0x0] =	wrdreg $0xFFFFFFFF;
	(pc) =	sbr.abs _section_cstart, $3  }
0xc2: {  	[dreg:$0x1] =	wrdreg $0xFFFFFFFF  }
0xc3: {  	_ =	task.clear_ibuf [dreg:s8], $0x2FFFF;
	_ =	strace $0x9FFFFFFF  }
0xc4: {  	(tm) =	ssettm $0x7FFFFFFF  }
0xc5: {  	_ =	shalt  }
tec
execute0_lowered:
.L_overlay_start_1:
0x0: {  	(tag) =	ssettag $0x1  }
0x1: {  	v0 =	vimm.s32 $0x1B80;
	vm0 =	vcmask $0x300;
	v1 =	vimm.s32 $0x4B80  }
0x2: {  	vm1 =	vcmask $0x704;
	v0 =	vsel vm0, $0x0, v0;
	v1 =	vsel vm0, $0x3000, v1  }
0x3: {  	vm15 =	vcmask $0xB08;
	v0 =	vsel vm1, $0x80, v0;
	v1 =	vsel vm1, $0x3080, v1  }
0x4: {  	s5 =	rddreg [dreg:$0x0];
	vm4 =	vcmask $0xF0C;
	v0 =	vsel vm15, $0x100, v0;
	v1 =	vsel vm15, $0x3100, v1  }
0x5: {  	s7 =	rddreg [dreg:$0x1];
	s0 =	srdreg.scid;
	vm5 =	vcmask $0x1310;
	v0 =	vsel vm4, $0x180, v0;
	v1 =	vsel vm4, $0x3180, v1  }
0x6: {  	s2 =	stileid.u32;
	s1 =	rddreg [dreg:$0x2];
	s4 =	simm.s32 $0x0;
	vm6 =	vcmask $0x1714;
	v0 =	vsel vm5, $0x200, v0;
	v1 =	vsel vm5, $0x3200, v1  }
0x7: {  	vm7 =	vcmask $0x1B18;
	s0 =	sand.u32 $0x1, s0;
	s2 =	sshll.u32 s2, $0x1;
	[smem:$0x7FF] =	sst s4;
	v0 =	vsel vm6, $0x280, v0;
	v1 =	vsel vm6, $0x3280, v1  }
0x8: {  	vm8 =	vcmask $0x1F1C;
	s3 =	sadd.s32 $0x800, s1;
	s1 =	sadd.s32 $0x3D1000, s1;
	s29 =	sadd.s32 $0x80, s7;
	v0 =	vsel vm7, $0x300, v0;
	v1 =	vsel vm7, $0x3300, v1  }
0x9: {  	vm9 =	vcmask $0x2320;
	s30 =	sadd.s32 $0x180, s7;
	_ =	strace $0x80000047;
	[dreg:$0x4] =	wrdreg s3;
	v0 =	vsel vm8, $0x380, v0;
	v1 =	vsel vm8, $0x3380, v1  }
0xa: {  	vm10 =	vcmask $0x2724;
	s31 =	sadd.s32 $0x100, s7;
	s8 =	sor.u32 s0, s2;
	[dreg:$0x7] =	wrdreg s1;
	v0 =	vsel vm9, $0x1800, v0;
	v1 =	vsel vm9, $0x4800, v1  }
0xb: {  	vm11 =	vcmask $0x2B28;
	s0 =	ssub.s32 $0x2, s0;
	[dreg:$0x9] =	wrdreg s29;
	s2 =	smul.u32 $0x300, s8;
	v0 =	vsel vm10, $0x1880, v0;
	v1 =	vsel vm10, $0x4880, v1  }
.Ltmp0:
0xc: {  	vm12 =	vcmask $0x2F2C;
	[dreg:$0xa] =	wrdreg s30;
	s28 =	sshrl.u32 s0, $0x1;
	v0 =	vsel vm11, $0x1900, v0;
	v1 =	vsel vm11, $0x4900, v1;
	(pc) =	sbr.rel .LBB2_1-.Ltmp0, $4  }
0xd: {  	vm13 =	vcmask $0x3330;
	[dreg:$0xb] =	wrdreg s31;
	s0 =	ssub.s32 s0, s28;
	s2 =	sadd.s32 s5, s2;
	v0 =	vsel vm12, $0x1980, v0;
	v1 =	vsel vm12, $0x4980, v1  }
0xe: {  	s16 =	simm.s32 $0x6000;
	vm14 =	vcmask $0x3734;
	s0 =	smax.u32 s0, $0x1;
	[dreg:$0x5] =	wrdreg s2;
	v0 =	vsel vm13, $0x1A00, v0;
	v1 =	vsel vm13, $0x4A00, v1  }
0xf: {  	s1 =	simm.s32 $0x0;
	vm15 =	vcmask $0x3B38;
	s2 =	sadd.s32 $0x6000, s2;
	[dreg:$0x8] =	wrdreg s0;
	v0 =	vsel vm14, $0x1A80, v0;
	v1 =	vsel vm14, $0x4A80, v1  }
0x10: {  	s6 =	smov.u32 s8;
	p0 =	sne.s32 s8, $0x0;
	[dreg:$0x6] =	wrdreg s2;
	v0 =	vsel vm15, $0x1B00, v0;
	v1 =	vsel vm15, $0x4B00, v1  }
.LBB2_11:
0x11: {  	s0 =	simm.s32 $0x3  }
0x12: {  	_ =	swait.ge [sflag:s0], $0x6000  }
.Ltmp1:
0x13: {  	[sflag:s0] =	ssyncset.done $0x0;
	(pc) =	sbr.rel @!p0 .LBB2_12-.Ltmp1, $4  }
0x14: {  	s31 =	simm.s32 $0x4;
	[sflag:s0] =	ssyncadd.s32 $0xFFFFA000  }
0x15: {  	_ =	swait.ge [sflag:s31], $0x6000  }
0x16: {  	[sflag:s31] =	ssyncset.done $0x0  }
0x17: {  	s1 =	rddreg [dreg:$0xc];
	[sflag:s31] =	ssyncadd.s32 $0xFFFFA000  }
.LBB2_15:
0x18: {  	s1 =	sadd.s32 $0x1, s1;
	s0 =	rddreg [dreg:$0x8]  }
0x19: {  	p1 =	sne.s32 s1, s0  }
.Ltmp2:
0x1a: {  	_ = 	snop;
	(pc) =	sbr.rel @!p1 .LBB2_16-.Ltmp2, $1  }
0x1b: {  	_ =	sdelay $0x3  }
.LBB2_1:
.Ltmp3:
0x1c: {  	[dreg:$0xc] =	wrdreg s1;
	(pc) =	sbr.rel .LBB2_2-.Ltmp3, $4  }
0x1d: {  	s0 =	rddreg [dreg:$0x5];
	s30 =	simm.s32 $0x1800;
	s2 =	simm.s32 $0x7A1400  }
0x1e: {  	[tilespmem:s4], [sflag:$0x1] =	stream.strided.gather [hbm4b:s0+s30], $0x6000, s2, s30, $0x38;
	[tilespmem:$0x18000] =	vst v63  }
0x1f: {  	s31 =	rddreg [dreg:$0x6];
	s28 =	simm.s32 $0x0  }
0x20: {  	[tilespmem:s16], [sflag:$0x2] =	stream.strided.gather [hbm4b:s31+s30], $0x6000, s2, s30, $0x38;
	[tilespmem:$0x18000] =	vst v63  }
.LBB2_10:
0x21: {  	s28 =	sadd.s32 $0x1, s28  }
0x22: {  	p1 =	sne.s32 s28, $0x15  }
.Ltmp4:
0x23: {  	_ = 	snop;
	(pc) =	sbr.rel @!p1 .LBB2_11-.Ltmp4, $1  }
0x24: {  	_ =	sdelay $0x3  }
.LBB2_2:
0x25: {  	s0 =	sshll.u32 s28, $0x6  }
0x26: {  	s29 =	sor.u32 s6, s0  }
0x27: {  	p2 =	sgt.u32 s29, $0x515  }
.Ltmp5:
0x28: {  	_ = 	snop;
	(pc) =	sbr.rel @p2 .LBB2_6-.Ltmp5, $2  }
0x29: {  	_ =	sdelay $0x2  }
0x2a: {  	p1 =	seq.s32 s28, $0x0  }
0x2b: {  	s0 =	simm.s32 $0x4  }
0x2c: {  	s1 =	simm.s32 $0x1C;
	s20 =	simm.s32 $0x8;
	s2 =	simm.s32 $0xC;
	v2 =	vmov s0  }
0x2d: {  	s21 =	simm.s32 $0x10;
	s22 =	simm.s32 $0x14;
	s23 =	simm.s32 $0x0;
	v3 =	vmov s1;
	v4 =	vmov s20;
	v5 =	vmov s2  }
0x2e: {  	s24 =	simm.s32 $0x18;
	s3 =	simm.s32 $0x9;
	s5 =	simm.s32 $0xD;
	v7 =	vmov s21;
	v8 =	vmov s23;
	v9 =	vmov s22  }
0x2f: {  	s7 =	simm.s32 $0x11;
	s8 =	simm.s32 $0x15;
	s9 =	simm.s32 $0x19;
	v10 =	vmov s24;
	v21 =	vmov s3;
	v22 =	vmov s5  }
0x30: {  	s10 =	simm.s32 $0x1E;
	s13 =	simm.s32 $0xA;
	s14 =	simm.s32 $0xE;
	v24 =	vmov s7;
	v26 =	vmov s8;
	v27 =	vmov s9  }
0x31: {  	s15 =	simm.s32 $0x12;
	s17 =	simm.s32 $0x1F;
	s18 =	simm.s32 $0x16;
	v34 =	vmov s10;
	v40 =	vmov s13;
	v41 =	vmov s14  }
0x32: {  	s19 =	simm.s32 $0x1A;
	v42 =	vmov s15;
	v43 =	vmov s18;
	v44 =	vmov s17  }
0x33: {  	v45 =	vmov s19;
	v6 =	vshll.u32 v3, $0x3;
	v3 =	vand.u32 $0x7C, v3  }
0x34: {  	v12 =	vshll.u32 v2, $0x3;
	v13 =	vshll.u32 v4, $0x3;
	v14 =	vshll.u32 v5, $0x3  }
0x35: {  	v15 =	vshll.u32 v7, $0x3;
	v16 =	vshll.u32 v9, $0x3;
	v17 =	vshll.u32 v10, $0x3  }
0x36: {  	v2 =	vand.u32 $0x64, v2;
	v4 =	vand.u32 $0x68, v4;
	v5 =	vand.u32 $0x6C, v5  }
0x37: {  	s1 =	simm.s32 $0x1;
	s2 =	simm.s32 $0x5;
	v7 =	vand.u32 $0x70, v7;
	v9 =	vand.u32 $0x74, v9;
	v10 =	vand.u32 $0x78, v10  }
0x38: {  	s25 =	simm.s32 $0x1;
	v19 =	vmov s1;
	v20 =	vmov s2;
	v6 =	vand.u32 $0x1C00, v6  }
0x39: {  	_ =	swait.ge [sflag:s25], $0x6000;
	v28 =	vshll.u32 v22, $0x3;
	v29 =	vshll.u32 v24, $0x3;
	v3 =	vor.u32 v3, v6  }
0x3a: {  	[sflag:s25] =	ssyncset.done $0x0;
	v12 =	vand.u32 $0x1C00, v12;
	v13 =	vand.u32 $0x1C00, v13;
	v11 =	vadd.s32 v0, v3  }
0x3b: {  	s0 =	simm.s32 @!p1 $0x3;
	v14 =	vand.u32 $0x1C00, v14;
	v16 =	vand.u32 $0x1C00, v16;
	[sflag:s25] =	ssyncadd.s32 $0xFFFFA000;
	v6 =	vshll.u32 v8, $0x3  }
0x3c: {  	v8 =	vand.u32 $0x60, v8;
	_ =	swait.ge @!p1 [sflag:s0], $0x6000;
	v2 =	vor.u32 v2, v12;
	v5 =	vor.u32 v5, v14  }
0x3d: {  	v9 =	vor.u32 v9, v16;
	v6 =	vand.u32 $0x1C00, v6;
	[sflag:s0] =	ssyncset.done @!p1 $0x0;
	v16 =	vadd.s32 v0, v5  }
0x3e: {  	v4 =	vor.u32 v4, v13;
	v13 =	vadd.s32 v0, v2;
	[sflag:s0] =	ssyncadd.s32 @!p1 $0xFFFFA000;
	v6 =	vor.u32 v8, v6  }
0x3f: {  	v30 =	vshll.u32 v26, $0x3;
	v31 =	vshll.u32 v27, $0x3;
	v8 =	vld.idx.msk [tilespmem:v11+s4+$0x0], $0xffff;
	v11 =	vadd.s32 v0, v6  }
0x40: {  	v35 =	vshll.u32 v34, $0x3;
	v15 =	vand.u32 $0x1C00, v15;
	v14 =	vadd.s32 v0, v4  }
0x41: {  	v17 =	vand.u32 $0x1C00, v17;
	v7 =	vor.u32 v7, v15;
	v3 =	vadd.s32 v1, v3  }
0x42: {  	s26 =	simm.s32 $0x1D;
	v36 =	vand.u32 $0x7E, v34;
	v10 =	vor.u32 v10, v17;
	v17 =	vadd.s32 v0, v7;
	v16 =	vld.idx.msk [tilespmem:v16+s4+$0x0], $0xffff  }
0x43: {  	v37 =	vand.u32 $0x75, v26;
	v12 =	vmov s26;
	v5 =	vadd.s32 v1, v5;
	v13 =	vld.idx.msk [tilespmem:v13+s4+$0x0], $0xffff  }
0x44: {  	s30 =	simm.s32 $0xC200;
	v46 =	vshll.u32 v44, $0x3;
	v15 =	vshll.u32 v12, $0x3;
	v18 =	vadd.s32 v0, v9;
	v11 =	vld.idx.msk [tilespmem:v11+s4+$0x0], $0xffff  }
0x45: {  	v12 =	vand.u32 $0x7D, v12;
	v15 =	vand.u32 $0x7FFFFC00, v15;
	v14 =	vld.idx.msk [tilespmem:v14+s4+$0x0], $0xffff;
	[tilespmem:s30+$0x180] =	vst v8;
	v8 =	vadd.s32 v0, v10  }
0x46: {  	v47 =	vshll.u32 v43, $0x3;
	v12 =	vor.u32 v12, v15;
	v6 =	vadd.s32 v1, v6;
	v3 =	vld.idx.msk [tilespmem:v3+s4+$0x0], $0xffff  }
0x47: {  	v23 =	vshll.u32 v19, $0x3;
	v25 =	vshll.u32 v20, $0x3;
	v15 =	vadd.s32 v0, v12;
	v17 =	vld.idx.msk [tilespmem:v17+s4+$0x0], $0xffff;
	[tilespmem:s30+$0xFFFFFF80] =	vst v16  }
0x48: {  	v63 =	vand.u32 $0x7FFFFC00, v29;
	v23 =	vand.u32 $0x1C00, v23;
	v2 =	vadd.s32 v1, v2;
	[tilespmem:s30+$0xFFFFFE80] =	vst v13;
	v5 =	vld.idx.msk [tilespmem:v5+s4+$0x0], $0xffff  }
0x49: {  	v25 =	vand.u32 $0x7FFFFC00, v25;
	v4 =	vadd.s32 v1, v4;
	v7 =	vadd.s32 v1, v7;
	[tilespmem:s30+$0xFFFFFE00] =	vst v11;
	v11 =	vld.idx.msk [tilespmem:v18+s4+$0x0], $0xffff  }
0x4a: {  	v9 =	vadd.s32 v1, v9;
	v12 =	vadd.s32 v1, v12;
	v13 =	vand.u32 $0x61, v19;
	[tilespmem:s30+$0xFFFFFF00] =	vst v14;
	v8 =	vld.idx.msk [tilespmem:v8+s4+$0x0], $0xffff  }
0x4b: {  	v16 =	vand.u32 $0x6D, v22;
	v13 =	vor.u32 v13, v23;
	v18 =	vand.u32 $0x7FFFFC00, v28;
	[tilespmem:s30+$0x190] =	vst v3;
	v6 =	vld.idx.msk [tilespmem:v6+s4+$0x0], $0xffff  }
0x4c: {  	v14 =	vand.u32 $0x65, v20;
	[tilespmem:s30+$0x0] =	vst v17;
	v16 =	vor.u32 v16, v18;
	v18 =	vadd.s32 v0, v13;
	v15 =	vld.idx.msk [tilespmem:v15+s4+$0x0], $0xffff  }
0x4d: {  	v19 =	vand.u32 $0x7FFFFC00, v31;
	v17 =	vand.u32 $0x79, v27;
	v2 =	vld.idx.msk [tilespmem:v2+s4+$0x0], $0xffff;
	v14 =	vor.u32 v14, v25;
	[tilespmem:s30+$0xFFFFFF90] =	vst v5  }
0x4e: {  	v17 =	vor.u32 v17, v19;
	v7 =	vld.idx.msk [tilespmem:v7+s4+$0x0], $0xffff;
	v19 =	vadd.s32 v0, v14;
	v3 =	vshll.u32 v21, $0x3;
	[tilespmem:s30+$0x80] =	vst v11  }
0x4f: {  	v10 =	vadd.s32 v1, v10;
	v20 =	vand.u32 $0x69, v21;
	v4 =	vld.idx.msk [tilespmem:v4+s4+$0x0], $0xffff;
	v3 =	vand.u32 $0x7FFFFC00, v3;
	[tilespmem:s30+$0x100] =	vst v8  }
0x50: {  	v33 =	vand.u32 $0x7FFFFC00, v30;
	v3 =	vor.u32 v20, v3;
	v8 =	vadd.s32 v0, v16;
	v9 =	vld.idx.msk [tilespmem:v9+s4+$0x0], $0xffff;
	[tilespmem:s30+$0xFFFFFE10] =	vst v6  }
0x51: {  	v39 =	vadd.s32 v0, v17;
	v21 =	vand.u32 $0x7FFFFC00, v35;
	v20 =	vadd.s32 v0, v3;
	[tilespmem:s30+$0x1A0] =	vst v15;
	v5 =	vld.idx.msk [tilespmem:v18+s4+$0x0], $0xffff  }
0x52: {  	[tilespmem:s30+$0xFFFFFE90] =	vst v2;
	v21 =	vor.u32 v36, v21;
	v6 =	vadd.s32 v1, v13;
	v15 =	vand.u32 $0x71, v24;
	v12 =	vld.idx.msk [tilespmem:v12+s4+$0x0], $0xffff  }
0x53: {  	v30 =	vand.u32 $0x7FFFFC00, v46;
	[tilespmem:s30+$0x10] =	vst v7;
	v7 =	vld.idx.msk [tilespmem:v19+s4+$0x0], $0xffff;
	v22 =	vadd.s32 v0, v21;
	v11 =	vor.u32 v15, v63  }
0x54: {  	v28 =	vand.u32 $0x7F, v44;
	[tilespmem:s30+$0xFFFFFF10] =	vst v4;
	v10 =	vld.idx.msk [tilespmem:v10+s4+$0x0], $0xffff;
	v15 =	vor.u32 v37, v33;
	v38 =	vadd.s32 v0, v11  }
0x55: {  	v48 =	vand.u32 $0x72, v42;
	v28 =	vor.u32 v28, v30;
	v24 =	vadd.s32 v0, v15;
	v8 =	vld.idx.msk [tilespmem:v8+s4+$0x0], $0xffff;
	[tilespmem:s30+$0x90] =	vst v9  }
0x56: {  	s11 =	simm.s32 $0x2;
	v49 =	vand.u32 $0x76, v43;
	v17 =	vadd.s32 v1, v17;
	v30 =	vadd.s32 v0, v28;
	v9 =	vld.idx.msk [tilespmem:v20+s4+$0x0], $0xffff;
	[tilespmem:s30+$0xFFFFFE20] =	vst v5  }
0x57: {  	v4 =	vadd.s32 v1, v21;
	v3 =	vadd.s32 v1, v3;
	v13 =	vmov s11;
	[tilespmem:s30+$0x1B0] =	vst v12;
	v6 =	vld.idx.msk [tilespmem:v6+s4+$0x0], $0xffff  }
0x58: {  	s12 =	simm.s32 $0x6;
	v21 =	vand.u32 $0x6A, v40;
	v18 =	vshll.u32 v13, $0x3;
	v12 =	vadd.s32 v1, v14;
	v2 =	vld.idx.msk [tilespmem:v22+s4+$0x0], $0xffff  }
0x59: {  	[tilespmem:s30+$0xFFFFFEA0] =	vst v7;
	v13 =	vand.u32 $0x62, v13;
	v14 =	vadd.s32 v1, v16;
	v16 =	vmov s12;
	v23 =	vld.idx.msk [tilespmem:v38+s4+$0x0], $0xffff  }
0x5a: {  	v11 =	vadd.s32 v1, v11;
	v20 =	vshll.u32 v40, $0x3;
	[tilespmem:s30+$0x110] =	vst v10;
	v19 =	vshll.u32 v16, $0x3;
	v24 =	vld.idx.msk [tilespmem:v24+s4+$0x0], $0xffff  }
0x5b: {  	v15 =	vadd.s32 v1, v15;
	v7 =	vand.u32 $0x7FFFFC00, v19;
	v19 =	vand.u32 $0x7FFFFC00, v20;
	v20 =	vld.idx.msk [tilespmem:v39+s4+$0x0], $0xffff;
	[tilespmem:s30+$0xFFFFFF20] =	vst v9  }
0x5c: {  	v10 =	vshll.u32 v42, $0x3;
	v5 =	vand.u32 $0x1C00, v18;
	v18 =	vshll.u32 v45, $0x3;
	[tilespmem:s30+$0xFFFFFFA0] =	vst v8;
	v3 =	vld.idx.msk [tilespmem:v3+s4+$0x0], $0xffff  }
0x5d: {  	v18 =	vand.u32 $0x7FFFFC00, v18;
	v16 =	vand.u32 $0x66, v16;
	v9 =	vand.u32 $0x7FFFFC00, v10;
	v8 =	vld.idx.msk [tilespmem:v12+s4+$0x0], $0xffff;
	[tilespmem:s30+$0x1C0] =	vst v2  }
0x5e: {  	v10 =	vand.u32 $0x7FFFFC00, v47;
	v19 =	vor.u32 v21, v19;
	v9 =	vor.u32 v48, v9;
	[tilespmem:s30+$0x20] =	vst v23;
	v4 =	vld.idx.msk [tilespmem:v4+s4+$0x0], $0xffff  }
0x5f: {  	v10 =	vor.u32 v49, v10;
	v51 =	vadd.s32 v0, v19;
	v2 =	vshll.u32 v41, $0x3;
	[tilespmem:s30+$0xA0] =	vst v24;
	v11 =	vld.idx.msk [tilespmem:v11+s4+$0x0], $0xffff  }
0x60: {  	s22 =	simm.s32 $0xB;
	v12 =	vand.u32 $0x6E, v41;
	[tilespmem:s30+$0xFFFFFE30] =	vst v6;
	v53 =	vadd.s32 v0, v9;
	v2 =	vand.u32 $0x7FFFFC00, v2;
	v15 =	vld.idx.msk [tilespmem:v15+s4+$0x0], $0xffff  }
0x61: {  	v6 =	vmov s22;
	v25 =	vadd.s32 v0, v10;
	[tilespmem:s30+$0x120] =	vst v20;
	v2 =	vor.u32 v12, v2;
	v12 =	vld.idx.msk [tilespmem:v14+s4+$0x0], $0xffff  }
0x62: {  	v9 =	vadd.s32 v1, v9;
	v57 =	vshll.u32 v6, $0x3;
	v6 =	vand.u32 $0x6B, v6;
	v17 =	vld.idx.msk [tilespmem:v17+s4+$0x0], $0xffff;
	[tilespmem:s30+$0xFFFFFF30] =	vst v3  }
0x63: {  	v52 =	vadd.s32 v0, v2;
	[tilespmem:s30+$0x1D0] =	vst v4;
	v4 =	vor.u32 v13, v5;
	v5 =	vor.u32 v16, v7  }
0x64: {  	s21 =	simm.s32 $0x7;
	v20 =	vadd.s32 v1, v28;
	v28 =	vand.u32 $0x7FFFFC00, v57;
	[tilespmem:s30+$0xFFFFFEB0] =	vst v8;
	v13 =	vld.idx.msk [tilespmem:v30+s4+$0x0], $0xffff;
	v8 =	vadd.s32 v0, v5  }
0x65: {  	v14 =	vmov s21;
	v28 =	vor.u32 v6, v28;
	v2 =	vadd.s32 v1, v2;
	v22 =	vld.idx.msk [tilespmem:v51+s4+$0x0], $0xffff;
	[tilespmem:s30+$0x30] =	vst v11  }
0x66: {  	s20 =	simm.s32 $0x3;
	s23 =	simm.s32 $0xF;
	v56 =	vshll.u32 v14, $0x3;
	v7 =	vand.u32 $0x7A, v45;
	[tilespmem:s30+$0xB0] =	vst v15;
	v50 =	vadd.s32 v0, v4;
	v24 =	vld.idx.msk [tilespmem:v53+s4+$0x0], $0xffff  }
0x67: {  	v16 =	vmov s20;
	v7 =	vor.u32 v7, v18;
	v18 =	vmov s23;
	[tilespmem:s30+$0xFFFFFFB0] =	vst v12;
	v25 =	vld.idx.msk [tilespmem:v25+s4+$0x0], $0xffff  }
0x68: {  	s25 =	simm.s32 $0x17;
	v4 =	vadd.s32 v1, v4;
	v3 =	vadd.s32 v1, v5;
	v5 =	vadd.s32 v1, v19;
	v23 =	vld.idx.msk [tilespmem:v52+s4+$0x0], $0xffff  }
0x69: {  	v12 =	vmov s25;
	v11 =	vshll.u32 v16, $0x3;
	v54 =	vadd.s32 v0, v7;
	[tilespmem:s30+$0x1E0] =	vst v13;
	v8 =	vld.idx.msk [tilespmem:v8+s4+$0x0], $0xffff  }
0x6a: {  	s26 =	simm.s32 $0x1B;
	[tilespmem:s30+$0x130] =	vst v17;
	v17 =	vand.u32 $0x7FFFFC00, v56;
	v16 =	vand.u32 $0x63, v16;
	v55 =	vadd.s32 v1, v7;
	v19 =	vld.idx.msk [tilespmem:v20+s4+$0x0], $0xffff  }
0x6b: {  	v7 =	vmov s26;
	v15 =	vshll.u32 v18, $0x3;
	[tilespmem:s30+$0xFFFFFF40] =	vst v22;
	v20 =	vadd.s32 v1, v10;
	v10 =	vld.idx.msk [tilespmem:v50+s4+$0x0], $0xffff  }
0x6c: {  	s24 =	simm.s32 $0x13;
	v59 =	vshll.u32 v12, $0x3;
	v11 =	vand.u32 $0x1C00, v11;
	v60 =	vshll.u32 v7, $0x3;
	[tilespmem:s30+$0x40] =	vst v24  }
0x6d: {  	v15 =	vand.u32 $0x7FFFFC00, v15;
	v61 =	vor.u32 v16, v11;
	v13 =	vmov s24;
	v22 =	vld.idx.msk [tilespmem:v5+s4+$0x0], $0xffff;
	[tilespmem:s30+$0xC0] =	vst v25  }
0x6e: {  	v27 =	vand.u32 $0x7FFFFC00, v60;
	v5 =	vand.u32 $0x7B, v7;
	v58 =	vshll.u32 v13, $0x3;
	v26 =	vld.idx.msk [tilespmem:v54+s4+$0x0], $0xffff;
	[tilespmem:s30+$0xFFFFFFC0] =	vst v23  }
0x6f: {  	v16 =	vld.idx.msk [tilespmem:v9+s4+$0x0], $0xffff;
	v9 =	vor.u32 v5, v27;
	v5 =	vadd.s32 v1, v61;
	v29 =	vand.u32 $0x7FFFFC00, v58;
	[tilespmem:s30+$0xFFFFFEC0] =	vst v8  }
0x70: {  	v6 =	vadd.s32 v0, v9;
	v8 =	vand.u32 $0x73, v13;
	[tilespmem:s30+$0xFFFFFE40] =	vst v10;
	v10 =	vand.u32 $0x67, v14;
	v3 =	vld.idx.msk [tilespmem:v3+s4+$0x0], $0xffff  }
0x71: {  	[tilespmem:s30+$0x1F0] =	vst v19;
	v19 =	vand.u32 $0x7FFFFC00, v59;
	v4 =	vld.idx.msk [tilespmem:v4+s4+$0x0], $0xffff;
	v62 =	vor.u32 v10, v17;
	v10 =	vand.u32 $0x77, v12  }
0x72: {  	v13 =	vadd.s32 v0, v28;
	v17 =	vld.idx.msk [tilespmem:v2+s4+$0x0], $0xffff;
	v10 =	vor.u32 v10, v19;
	v19 =	vadd.s32 v0, v61  }
0x73: {  	[tilespmem:s30+$0xFFFFFF50] =	vst v22;
	v14 =	vand.u32 $0x6F, v18;
	v11 =	vor.u32 v8, v29;
	v18 =	vadd.s32 v0, v62  }
0x74: {  	[tilespmem:s30+$0x140] =	vst v26;
	v63 =	vor.u32 v14, v15;
	v14 =	vld.idx.msk [tilespmem:v20+s4+$0x0], $0xffff;
	v7 =	vadd.s32 v0, v11  }
0x75: {  	v15 =	vld.idx.msk [tilespmem:v55+s4+$0x0], $0xffff;
	v12 =	vadd.s32 v0, v63;
	v2 =	vadd.s32 v1, v63;
	[tilespmem:s30+$0xFFFFFED0] =	vst v3  }
0x76: {  	s31 =	simm.s32 $0xC200;
	s3 =	simm.s32 $0x0;
	s2 =	simm.s32 $0x3F;
	v8 =	vadd.s32 v0, v10;
	v3 =	vadd.s32 v1, v28;
	[tilespmem:s30+$0xFFFFFE50] =	vst v4;
	v4 =	vadd.s32 v1, v62  }
.LBB2_4:
0x77: {  	s0 =	sadd.s32 $0xFFFFFFE5, s2;
	s1 =	sadd.s32 $0xFFFFFFFD, s2;
	s3 =	sadd.s32 $0x8, s3;
	v19 =	vld.idx.msk [tilespmem:v19+s4+$0x0], $0xffff;
	[tilespmem:s30+$0xFFFFFFD0] =	vst v17;
	v11 =	vadd.s32 v1, v11;
	v10 =	vadd.s32 v1, v10  }
0x78: {  	s7 =	sadd.s32 $0xFFFFFFED, s2;
	v9 =	vadd.s32 v1, v9;
	v17 =	vmov s0;
	s0 =	sadd.s32 $0xFFFFFFE9, s2;
	v20 =	vmov s1;
	p2 =	slt.u32 s3, $0xB8;
	v18 =	vld.idx.msk [tilespmem:v18+s4+$0x0], $0xffff;
	[tilespmem:s30+$0x50] =	vst v16  }
0x79: {  	v21 =	vmov s7;
	s1 =	sadd.s32 $0xFFFFFFF5, s2;
	s7 =	sadd.s32 $0xFFFFFFF9, s2;
	v16 =	vmov s0;
	s0 =	sadd.s32 $0xFFFFFFF1, s2;
	v22 =	vshll.u32 v20, $0x3;
	v13 =	vld.idx.msk [tilespmem:v13+s4+$0x0], $0xffff;
	[tilespmem:s30+$0xD0] =	vst v14  }
0x7a: {  	s8 =	sadd.s32 $0xFFFFFFE1, s2;
	s22 =	sadd.s32 $0xFFFFFFE2, s2;
	s26 =	sadd.s32 $0xFFFFFFE6, s2;
	v20 =	vand.u32 $0x7C, v20;
	v14 =	vmov s0;
	v22 =	vand.u32 $0x1C00, v22;
	v12 =	vld.idx.msk [tilespmem:v12+s4+$0x0], $0xffff;
	[tilespmem:s30+$0x150] =	vst v15  }
0x7b: {  	s20 =	sadd.s32 $0xFFFFFFEE, s2;
	s18 =	sadd.s32 $0xFFFFFFF2, s2;
	v23 =	vmov s1;
	v15 =	vmov s8;
	s0 =	sadd.s32 $0xFFFFFFEA, s2;
	v20 =	vor.u32 v20, v22;
	v7 =	vld.idx.msk [tilespmem:v7+s4+$0x0], $0xffff  }
0x7c: {  	s21 =	sadd.s32 $0xFFFFFFE3, s2;
	s17 =	sadd.s32 $0xFFFFFFF6, s2;
	s19 =	sadd.s32 $0xFFFFFFFA, s2;
	v24 =	vmov s7;
	v22 =	vshll.u32 v15, $0x3;
	v25 =	vadd.s32 v0, v20;
	v8 =	vld.idx.msk [tilespmem:v8+s4+$0x0], $0xffff  }
0x7d: {  	s25 =	sadd.s32 $0xFFFFFFEB, s2;
	v26 =	vshll.u32 v17, $0x3;
	s7 =	sadd.s32 $0xFFFFFFE7, s2;
	v28 =	vshll.u32 v21, $0x3;
	v27 =	vshll.u32 v16, $0x3;
	s8 =	sadd.s32 $0xFFFFFFEF, s2;
	[tilespmem:s30+$0xFFFFFE60] =	vst v19;
	v6 =	vld.idx.msk [tilespmem:v6+s4+$0x0], $0xffff  }
0x7e: {  	s14 =	sadd.s32 $0xFFFFFFF3, s2;
	s10 =	sadd.s32 $0xFFFFFFF7, s2;
	s15 =	sadd.s32 $0xFFFFFFFB, s2;
	v29 =	vshll.u32 v23, $0x3;
	v30 =	vshll.u32 v24, $0x3;
	v19 =	vshll.u32 v14, $0x3;
	v5 =	vld.idx.msk [tilespmem:v5+s4+$0x0], $0xffff;
	[tilespmem:s30+$0xFFFFFEE0] =	vst v18  }
0x7f: {  	s13 =	sadd.s32 $0xFFFFFFE4, s2;
	s12 =	sadd.s32 $0xFFFFFFE8, s2;
	s11 =	sadd.s32 $0xFFFFFFEC, s2;
	v18 =	vand.u32 $0x1C00, v22;
	v22 =	vand.u32 $0x1C00, v26;
	v26 =	vand.u32 $0x1C00, v27;
	v4 =	vld.idx.msk [tilespmem:v4+s4+$0x0], $0xffff;
	[tilespmem:s30+$0xFFFFFF60] =	vst v13  }
0x80: {  	s9 =	sadd.s32 $0xFFFFFFF0, s2;
	s23 =	sadd.s32 $0xFFFFFFF8, s2;
	s1 =	sadd.s32 $0xFFFFFFF4, s2;
	v19 =	vand.u32 $0x1C00, v19;
	v27 =	vand.u32 $0x1C00, v29;
	v13 =	vand.u32 $0x1C00, v28;
	v3 =	vld.idx.msk [tilespmem:v3+s4+$0x0], $0xffff;
	[tilespmem:s30+$0xFFFFFFE0] =	vst v12  }
0x81: {  	s24 =	sadd.s32 $0xFFFFFFFC, s2;
	v12 =	vand.u32 $0x60, v15;
	v15 =	vand.u32 $0x64, v17;
	v17 =	vand.u32 $0x1C00, v30;
	v25 =	vld.idx.msk [tilespmem:v25+s4+$0x0], $0xffff;
	[tilespmem:s30+$0x60] =	vst v7  }
0x82: {  	v14 =	vand.u32 $0x70, v14;
	v7 =	vand.u32 $0x68, v16;
	v16 =	vand.u32 $0x6C, v21;
	v21 =	vld.idx.msk [tilespmem:v2+s4+$0x0], $0xffff;
	[tilespmem:s30+$0xE0] =	vst v8  }
0x83: {  	v20 =	vadd.s32 v1, v20;
	v2 =	vand.u32 $0x74, v23;
	v8 =	vand.u32 $0x78, v24;
	v11 =	vld.idx.msk [tilespmem:v11+s4+$0x0], $0xffff;
	[tilespmem:s30+$0x160] =	vst v6  }
0x84: {  	v7 =	vor.u32 v7, v26;
	v6 =	vor.u32 v12, v18;
	v12 =	vor.u32 v15, v22;
	v10 =	vld.idx.msk [tilespmem:v10+s4+$0x0], $0xffff  }
0x85: {  	s5 =	sadd.s32 $0xFFFFFFFE, s2;
	v14 =	vor.u32 v14, v19;
	v13 =	vor.u32 v16, v13;
	v15 =	vor.u32 v2, v27;
	v2 =	vld.idx.msk [tilespmem:v9+s4+$0x0], $0xffff  }
0x86: {  	v16 =	vmov s5;
	v8 =	vor.u32 v8, v17;
	s30 =	sadd.s32 $0x400, s30;
	v9 =	vadd.s32 v0, v6;
	[tilespmem:s31+$0xFFFFFE70] =	vst v5  }
0x87: {  	v17 =	vadd.s32 v0, v7;
	v18 =	vshll.u32 v16, $0x3;
	v5 =	vadd.s32 v0, v12;
	[tilespmem:s30+$0x180] =	vst v25  }
0x88: {  	v19 =	vadd.s32 v0, v13;
	v16 =	vand.u32 $0x7D, v16;
	v18 =	vand.u32 $0x7FFFFC00, v18;
	v20 =	vld.idx.msk [tilespmem:v20+s4+$0x0], $0xffff;
	[tilespmem:s31+$0xFFFFFEF0] =	vst v4  }
0x89: {  	v22 =	vadd.s32 v0, v15;
	v16 =	vor.u32 v16, v18;
	v4 =	vadd.s32 v0, v14;
	[tilespmem:s31+$0xFFFFFF70] =	vst v3  }
0x8a: {  	v18 =	vadd.s32 v0, v16;
	v3 =	vadd.s32 v1, v6;
	v6 =	vadd.s32 v0, v8;
	[tilespmem:s31+$0xFFFFFFF0] =	vst v21  }
0x8b: {  	v7 =	vadd.s32 v1, v7;
	v13 =	vadd.s32 v1, v13;
	v12 =	vadd.s32 v1, v12;
	v9 =	vld.idx.msk [tilespmem:v9+s4+$0x0], $0xffff  }
0x8c: {  	v15 =	vadd.s32 v1, v15;
	v14 =	vadd.s32 v1, v14;
	v8 =	vadd.s32 v1, v8;
	v5 =	vld.idx.msk [tilespmem:v5+s4+$0x0], $0xffff  }
0x8d: {  	v23 =	vmov s26;
	v24 =	vmov s0;
	v21 =	vmov s22;
	v17 =	vld.idx.msk [tilespmem:v17+s4+$0x0], $0xffff  }
0x8e: {  	v26 =	vmov s20;
	v27 =	vmov s18;
	v25 =	vshll.u32 v21, $0x3;
	v19 =	vld.idx.msk [tilespmem:v19+s4+$0x0], $0xffff;
	[tilespmem:s30+$0x190] =	vst v20  }
0x8f: {  	v29 =	vmov s19;
	v28 =	vmov s17;
	v20 =	vshll.u32 v23, $0x3;
	v18 =	vld.idx.msk [tilespmem:v18+s4+$0x0], $0xffff;
	[tilespmem:s31+$0x70] =	vst v11  }
0x90: {  	v30 =	vshll.u32 v26, $0x3;
	v31 =	vshll.u32 v27, $0x3;
	v11 =	vshll.u32 v24, $0x3;
	v4 =	vld.idx.msk [tilespmem:v4+s4+$0x0], $0xffff;
	[tilespmem:s31+$0xF0] =	vst v10  }
0x91: {  	v16 =	vadd.s32 v1, v16;
	v10 =	vshll.u32 v28, $0x3;
	[tilespmem:s30+$0xFFFFFE00] =	vst v9;
	v9 =	vld.idx.msk [tilespmem:v22+s4+$0x0], $0xffff;
	v22 =	vshll.u32 v29, $0x3  }
0x92: {  	v25 =	vand.u32 $0x1C00, v25;
	v11 =	vand.u32 $0x7FFFFC00, v11;
	[tilespmem:s30+$0xFFFFFE80] =	vst v5;
	v5 =	vand.u32 $0x7FFFFC00, v20;
	v6 =	vld.idx.msk [tilespmem:v6+s4+$0x0], $0xffff  }
0x93: {  	s0 =	sadd.s32 $0xFFFFFFFF, s2;
	v10 =	vand.u32 $0x7FFFFC00, v10;
	v20 =	vand.u32 $0x7FFFFC00, v31;
	v3 =	vld.idx.msk [tilespmem:v3+s4+$0x0], $0xffff;
	[tilespmem:s30+$0xFFFFFF00] =	vst v17;
	v17 =	vand.u32 $0x7FFFFC00, v30  }
0x94: {  	v21 =	vand.u32 $0x61, v21;
	v12 =	vld.idx.msk [tilespmem:v12+s4+$0x0], $0xffff;
	[tilespmem:s30+$0xFFFFFF80] =	vst v19;
	v19 =	vand.u32 $0x7FFFFC00, v22;
	v22 =	vmov s0  }
0x95: {  	v23 =	vand.u32 $0x65, v23;
	v24 =	vand.u32 $0x69, v24;
	v7 =	vld.idx.msk [tilespmem:v7+s4+$0x0], $0xffff;
	[tilespmem:s30+$0x1A0] =	vst v18;
	v18 =	vshll.u32 v22, $0x3  }
0x96: {  	v26 =	vand.u32 $0x6D, v26;
	[tilespmem:s30+$0x0] =	vst v4;
	v4 =	vld.idx.msk [tilespmem:v16+s4+$0x0], $0xffff;
	v16 =	vand.u32 $0x7E, v22;
	v18 =	vand.u32 $0x7FFFFC00, v18  }
0x97: {  	v22 =	vand.u32 $0x71, v27;
	v13 =	vld.idx.msk [tilespmem:v13+s4+$0x0], $0xffff;
	[tilespmem:s30+$0x80] =	vst v9;
	v9 =	vand.u32 $0x75, v28;
	v16 =	vor.u32 v16, v18  }
0x98: {  	v18 =	vor.u32 v21, v25;
	v14 =	vld.idx.msk [tilespmem:v14+s4+$0x0], $0xffff;
	[tilespmem:s30+$0x100] =	vst v6;
	v6 =	vand.u32 $0x79, v29;
	v21 =	vadd.s32 v0, v16  }
0x99: {  	v11 =	vor.u32 v24, v11;
	v5 =	vor.u32 v23, v5;
	v17 =	vor.u32 v26, v17;
	v15 =	vld.idx.msk [tilespmem:v15+s4+$0x0], $0xffff  }
0x9a: {  	v20 =	vor.u32 v22, v20;
	v9 =	vor.u32 v9, v10;
	v6 =	vor.u32 v6, v19;
	v8 =	vld.idx.msk [tilespmem:v8+s4+$0x0], $0xffff  }
0x9b: {  	v10 =	vadd.s32 v0, v5;
	v19 =	vadd.s32 v0, v11;
	[tilespmem:s30+$0xFFFFFE10] =	vst v3;
	v3 =	vadd.s32 v0, v18  }
0x9c: {  	v22 =	vadd.s32 v0, v17;
	v23 =	vadd.s32 v0, v20;
	v24 =	vadd.s32 v0, v9;
	[tilespmem:s30+$0x1B0] =	vst v4  }
0x9d: {  	v4 =	vadd.s32 v1, v18;
	v18 =	vmov s21;
	[tilespmem:s30+$0xFFFFFE90] =	vst v12;
	v12 =	vadd.s32 v0, v6;
	v21 =	vld.idx.msk [tilespmem:v21+s4+$0x0], $0xffff  }
0x9e: {  	v5 =	vadd.s32 v1, v5;
	[tilespmem:s30+$0xFFFFFF10] =	vst v7;
	v7 =	vadd.s32 v1, v11;
	v11 =	vadd.s32 v1, v17  }
0x9f: {  	v16 =	vadd.s32 v1, v16;
	v9 =	vadd.s32 v1, v9;
	[tilespmem:s30+$0xFFFFFF90] =	vst v13;
	v13 =	vadd.s32 v1, v20  }
0xa0: {  	v6 =	vadd.s32 v1, v6;
	v17 =	vmov s7;
	v20 =	vmov s25;
	v3 =	vld.idx.msk [tilespmem:v3+s4+$0x0], $0xffff;
	[tilespmem:s30+$0x10] =	vst v14  }
0xa1: {  	v26 =	vmov s14;
	v25 =	vmov s8;
	v14 =	vshll.u32 v18, $0x3;
	v10 =	vld.idx.msk [tilespmem:v10+s4+$0x0], $0xffff;
	[tilespmem:s30+$0x90] =	vst v15  }
0xa2: {  	v27 =	vmov s10;
	v15 =	vshll.u32 v17, $0x3;
	v19 =	vld.idx.msk [tilespmem:v19+s4+$0x0], $0xffff;
	[tilespmem:s30+$0x110] =	vst v8;
	v8 =	vmov s2  }
0xa3: {  	v29 =	vmov s15;
	v28 =	vshll.u32 v20, $0x3;
	v22 =	vld.idx.msk [tilespmem:v22+s4+$0x0], $0xffff;
	[tilespmem:s30+$0x1C0] =	vst v21;
	v21 =	vshll.u32 v8, $0x3  }
0xa4: {  	v30 =	vshll.u32 v25, $0x3;
	v8 =	vand.u32 $0x7F, v8;
	v16 =	vld.idx.msk [tilespmem:v16+s4+$0x0], $0xffff;
	v21 =	vand.u32 $0x7FFFFC00, v21;
	[tilespmem:s31+$0x170] =	vst v2;
	s31 =	smov.u32 s30  }
0xa5: {  	v31 =	vshll.u32 v27, $0x3;
	v2 =	vld.idx.msk [tilespmem:v23+s4+$0x0], $0xffff;
	v23 =	vshll.u32 v26, $0x3;
	v8 =	vor.u32 v8, v21  }
0xa6: {  	v21 =	vshll.u32 v29, $0x3;
	[tilespmem:s30+$0xFFFFFE20] =	vst v3;
	v3 =	vand.u32 $0x1C00, v14;
	v14 =	vld.idx.msk [tilespmem:v24+s4+$0x0], $0xffff;
	v24 =	vadd.s32 v0, v8  }
0xa7: {  	[tilespmem:s30+$0xFFFFFEA0] =	vst v10;
	v10 =	vand.u32 $0x7FFFFC00, v15;
	v15 =	vand.u32 $0x7FFFFC00, v28;
	v28 =	vand.u32 $0x7FFFFC00, v30;
	v12 =	vld.idx.msk [tilespmem:v12+s4+$0x0], $0xffff  }
0xa8: {  	v21 =	vand.u32 $0x7FFFFC00, v21;
	v4 =	vld.idx.msk [tilespmem:v4+s4+$0x0], $0xffff;
	[tilespmem:s30+$0xFFFFFF20] =	vst v19;
	v19 =	vand.u32 $0x7FFFFC00, v23;
	v23 =	vand.u32 $0x7FFFFC00, v31  }
0xa9: {  	v18 =	vand.u32 $0x62, v18;
	v20 =	vand.u32 $0x6A, v20;
	v17 =	vand.u32 $0x66, v17;
	v5 =	vld.idx.msk [tilespmem:v5+s4+$0x0], $0xffff;
	[tilespmem:s30+$0xFFFFFFA0] =	vst v22  }
0xaa: {  	v22 =	vand.u32 $0x6E, v25;
	v25 =	vand.u32 $0x72, v26;
	v26 =	vand.u32 $0x76, v27;
	v7 =	vld.idx.msk [tilespmem:v7+s4+$0x0], $0xffff;
	[tilespmem:s30+$0x1D0] =	vst v16  }
0xab: {  	v3 =	vor.u32 v18, v3;
	v10 =	vor.u32 v17, v10;
	[tilespmem:s30+$0x20] =	vst v2;
	v2 =	vand.u32 $0x7A, v29;
	v16 =	vld.idx.msk [tilespmem:v24+s4+$0x0], $0xffff  }
0xac: {  	v17 =	vmov s13;
	v15 =	vor.u32 v20, v15;
	v18 =	vor.u32 v22, v28;
	v11 =	vld.idx.msk [tilespmem:v11+s4+$0x0], $0xffff;
	[tilespmem:s30+$0xA0] =	vst v14  }
0xad: {  	v8 =	vadd.s32 v1, v8;
	v19 =	vor.u32 v25, v19;
	v14 =	vmov s12;
	v13 =	vld.idx.msk [tilespmem:v13+s4+$0x0], $0xffff;
	[tilespmem:s30+$0x120] =	vst v12  }
0xae: {  	v2 =	vor.u32 v2, v21;
	v12 =	vor.u32 v26, v23;
	[tilespmem:s30+$0xFFFFFE30] =	vst v4;
	v4 =	vmov s11;
	v9 =	vld.idx.msk [tilespmem:v9+s4+$0x0], $0xffff  }
0xaf: {  	v20 =	vadd.s32 v0, v3;
	v21 =	vmov s9;
	[tilespmem:s30+$0xFFFFFEB0] =	vst v5;
	v5 =	vadd.s32 v0, v10;
	v6 =	vld.idx.msk [tilespmem:v6+s4+$0x0], $0xffff  }
0xb0: {  	v22 =	vadd.s32 v0, v18;
	v23 =	vadd.s32 v0, v19;
	[tilespmem:s30+$0xFFFFFF30] =	vst v7;
	v7 =	vadd.s32 v0, v15  }
0xb1: {  	v3 =	vadd.s32 v1, v3;
	v25 =	vadd.s32 v0, v2;
	v24 =	vadd.s32 v0, v12;
	[tilespmem:s30+$0x1E0] =	vst v16  }
0xb2: {  	v10 =	vadd.s32 v1, v10;
	v15 =	vadd.s32 v1, v15;
	[tilespmem:s30+$0xFFFFFFB0] =	vst v11;
	v11 =	vmov s1;
	v8 =	vld.idx.msk [tilespmem:v8+s4+$0x0], $0xffff  }
0xb3: {  	v12 =	vadd.s32 v1, v12;
	v16 =	vadd.s32 v1, v18;
	[tilespmem:s30+$0x30] =	vst v13;
	v13 =	vadd.s32 v1, v19  }
0xb4: {  	v2 =	vadd.s32 v1, v2;
	v19 =	vmov s24;
	v18 =	vld.idx.msk [tilespmem:v20+s4+$0x0], $0xffff;
	[tilespmem:s30+$0xB0] =	vst v9;
	v9 =	vmov s23  }
0xb5: {  	v26 =	vshll.u32 v14, $0x3;
	v27 =	vshll.u32 v4, $0x3;
	v20 =	vshll.u32 v17, $0x3;
	v5 =	vld.idx.msk [tilespmem:v5+s4+$0x0], $0xffff;
	[tilespmem:s30+$0x130] =	vst v6  }
0xb6: {  	v28 =	vshll.u32 v11, $0x3;
	v29 =	vshll.u32 v9, $0x3;
	v6 =	vld.idx.msk [tilespmem:v7+s4+$0x0], $0xffff;
	v7 =	vshll.u32 v21, $0x3  }
0xb7: {  	v26 =	vand.u32 $0x7FFFFC00, v26;
	v30 =	vshll.u32 v19, $0x3;
	v20 =	vand.u32 $0x1C00, v20;
	v22 =	vld.idx.msk [tilespmem:v22+s4+$0x0], $0xffff  }
0xb8: {  	v27 =	vand.u32 $0x7FFFFC00, v27;
	v28 =	vand.u32 $0x7FFFFC00, v28;
	v7 =	vand.u32 $0x7FFFFC00, v7;
	v23 =	vld.idx.msk [tilespmem:v23+s4+$0x0], $0xffff;
	[tilespmem:s30+$0x1F0] =	vst v8  }
0xb9: {  	v30 =	vand.u32 $0x7FFFFC00, v30;
	v29 =	vand.u32 $0x7FFFFC00, v29;
	v8 =	vand.u32 $0x63, v17;
	v24 =	vld.idx.msk [tilespmem:v24+s4+$0x0], $0xffff  }
0xba: {  	v14 =	vand.u32 $0x67, v14;
	v4 =	vand.u32 $0x6B, v4;
	v17 =	vand.u32 $0x6F, v21;
	[tilespmem:s30+$0xFFFFFE40] =	vst v18;
	v21 =	vld.idx.msk [tilespmem:v25+s4+$0x0], $0xffff  }
0xbb: {  	v9 =	vand.u32 $0x77, v9;
	v18 =	vand.u32 $0x7B, v19;
	v3 =	vld.idx.msk [tilespmem:v3+s4+$0x0], $0xffff;
	[tilespmem:s30+$0xFFFFFEC0] =	vst v5;
	v5 =	vand.u32 $0x73, v11  }
0xbc: {  	v8 =	vor.u32 v8, v20;
	v25 =	vor.u32 v14, v26;
	v20 =	vld.idx.msk [tilespmem:v10+s4+$0x0], $0xffff;
	[tilespmem:s30+$0xFFFFFF40] =	vst v6  }
0xbd: {  	v27 =	vor.u32 v4, v27;
	v26 =	vld.idx.msk [tilespmem:v15+s4+$0x0], $0xffff;
	[tilespmem:s30+$0xFFFFFFC0] =	vst v22;
	v22 =	vor.u32 v17, v7  }
0xbe: {  	v11 =	vor.u32 v5, v28;
	v10 =	vor.u32 v9, v29;
	v17 =	vld.idx.msk [tilespmem:v16+s4+$0x0], $0xffff;
	[tilespmem:s30+$0x40] =	vst v23  }
.Ltmp6:
0xbf: {  	v19 =	vadd.s32 v0, v8;
	v9 =	vor.u32 v18, v30;
	v16 =	vld.idx.msk [tilespmem:v13+s4+$0x0], $0xffff;
	[tilespmem:s30+$0xC0] =	vst v24;
	(pc) =	sbr.rel @p2 .LBB2_4-.Ltmp6, $4  }
0xc0: {  	v18 =	vadd.s32 v0, v25;
	v13 =	vadd.s32 v0, v27;
	v14 =	vld.idx.msk [tilespmem:v12+s4+$0x0], $0xffff;
	[tilespmem:s30+$0x140] =	vst v21  }
0xc1: {  	v7 =	vadd.s32 v0, v11;
	v12 =	vadd.s32 v0, v22;
	[tilespmem:s30+$0xFFFFFE50] =	vst v3;
	v15 =	vld.idx.msk [tilespmem:v2+s4+$0x0], $0xffff  }
0xc2: {  	v5 =	vadd.s32 v1, v8;
	v8 =	vadd.s32 v0, v10;
	v6 =	vadd.s32 v0, v9;
	[tilespmem:s30+$0xFFFFFED0] =	vst v20  }
0xc3: {  	s2 =	sadd.s32 $0x20, s2;
	v4 =	vadd.s32 v1, v25;
	v3 =	vadd.s32 v1, v27;
	v2 =	vadd.s32 v1, v22;
	[tilespmem:s30+$0xFFFFFF50] =	vst v26  }
0xc4: {  	_ =	sdelay $0x3  }
0xc5: {  	v19 =	vld.idx.msk [tilespmem:v19+s4+$0x0], $0xffff  }
0xc6: {  	[tilespmem:s30+$0xFFFFFFD0] =	vst v17;
	v61 =	vld.idx.msk [tilespmem:v18+s4+$0x0], $0xffff  }
0xc7: {  	[tilespmem:s30+$0x50] =	vst v16;
	v13 =	vld.idx.msk [tilespmem:v13+s4+$0x0], $0xffff  }
0xc8: {  	[tilespmem:s30+$0xD0] =	vst v14;
	v12 =	vld.idx.msk [tilespmem:v12+s4+$0x0], $0xffff  }
0xc9: {  	v7 =	vld.idx.msk [tilespmem:v7+s4+$0x0], $0xffff;
	[tilespmem:s30+$0x150] =	vst v15  }
0xca: {  	v8 =	vld.idx.msk [tilespmem:v8+s4+$0x0], $0xffff;
	[tilespmem:s30+$0xFFFFFE60] =	vst v19  }
0xcb: {  	v11 =	vadd.s32 v1, v11;
	v6 =	vld.idx.msk [tilespmem:v6+s4+$0x0], $0xffff;
	[tilespmem:s30+$0xFFFFFEE0] =	vst v61  }
0xcc: {  	v10 =	vadd.s32 v1, v10;
	[tilespmem:s30+$0xFFFFFF60] =	vst v13;
	v5 =	vld.idx.msk [tilespmem:v5+s4+$0x0], $0xffff  }
0xcd: {  	v9 =	vadd.s32 v1, v9;
	v4 =	vld.idx.msk [tilespmem:v4+s4+$0x0], $0xffff;
	[tilespmem:s30+$0xFFFFFFE0] =	vst v12  }
0xce: {  	v3 =	vld.idx.msk [tilespmem:v3+s4+$0x0], $0xffff;
	[tilespmem:s30+$0x60] =	vst v7  }
0xcf: {  	v2 =	vld.idx.msk [tilespmem:v2+s4+$0x0], $0xffff;
	[tilespmem:s30+$0xE0] =	vst v8  }
0xd0: {  	v7 =	vld.idx.msk [tilespmem:v11+s4+$0x0], $0xffff;
	[tilespmem:s30+$0x160] =	vst v6  }
0xd1: {  	v62 =	vld.idx.msk [tilespmem:v10+s4+$0x0], $0xffff;
	[tilespmem:s31+$0xFFFFFE70] =	vst v5  }
0xd2: {  	v63 =	vld.idx.msk [tilespmem:v9+s4+$0x0], $0xffff;
	[tilespmem:s31+$0xFFFFFEF0] =	vst v4  }
0xd3: {  	[tilespmem:s31+$0xFFFFFF70] =	vst v3  }
0xd4: {  	[tilespmem:s31+$0xFFFFFFF0] =	vst v2  }
0xd5: {  	[tilespmem:s31+$0x70] =	vst v7  }
0xd6: {  	[tilespmem:s31+$0xF0] =	vst v62  }
0xd7: {  	s0 =	smul.u32 $0xC00, s29;
	[tilespmem:s31+$0x170] =	vst v63  }
0xd8: {  	p2 =	sgt.u32 s29, $0x4D5;
	s1 =	rddreg [dreg:$0x4]  }
0xd9: {  	s2 =	simm.s32 $0xC000;
	s0 =	sadd.s32 s1, s0;
	s1 =	smul.u32 @!p2 $0x1800, s29  }
0xda: {  	[hbm4b:s0+s4] =	stream.linear.scatter [tilespmem:s2], [sflag:$0x3], $0x6000, $0x38;
	[tilespmem:$0x18000] =	vst v63  }
0xdb: {  	s0 =	sshrl.u32 @!p2 s1, $0x3;
	s1 =	rddreg [dreg:$0x0]  }
0xdc: {  	s3 =	simm.s32 @!p2 $0x0;
	s0 =	sadd.s32 @!p2 s1, s0  }
0xdd: {  	s2 =	simm.s32 @!p2 $0x7A1400;
	s1 =	simm.s32 @!p2 $0x1800;
	s0 =	sadd.s32 @!p2 $0xC000, s0  }
0xde: {  	[tilespmem:s3], [sflag:$0x1] =	stream.strided.gather @!p2 [hbm4b:s0+s1], $0x6000, s2, s1, $0x38;
	[tilespmem:$0x18000] =	vst v63  }
.LBB2_6:
0xdf: {  	s29 =	sor.u32 $0x20, s29  }
0xe0: {  	p2 =	sgt.u32 s29, $0x515  }
.Ltmp7:
0xe1: {  	_ = 	snop;
	(pc) =	sbr.rel @p2 .LBB2_10-.Ltmp7, $1  }
0xe2: {  	_ =	sdelay $0x3  }
0xe3: {  	s0 =	simm.s32 $0x4  }
0xe4: {  	s1 =	simm.s32 $0x1C;
	s20 =	simm.s32 $0x8;
	s2 =	simm.s32 $0xC;
	v2 =	vmov s0  }
0xe5: {  	s21 =	simm.s32 $0x10;
	s22 =	simm.s32 $0x14;
	s23 =	simm.s32 $0x0;
	v3 =	vmov s1;
	v4 =	vmov s20;
	v5 =	vmov s2  }
0xe6: {  	s24 =	simm.s32 $0x18;
	s3 =	simm.s32 $0x9;
	s5 =	simm.s32 $0xD;
	v7 =	vmov s21;
	v8 =	vmov s23;
	v9 =	vmov s22  }
0xe7: {  	s7 =	simm.s32 $0x11;
	s8 =	simm.s32 $0x15;
	s9 =	simm.s32 $0x19;
	v10 =	vmov s24;
	v21 =	vmov s3;
	v22 =	vmov s5  }
0xe8: {  	s10 =	simm.s32 $0x1E;
	s13 =	simm.s32 $0xA;
	s14 =	simm.s32 $0xE;
	v24 =	vmov s7;
	v26 =	vmov s8;
	v27 =	vmov s9  }
0xe9: {  	s15 =	simm.s32 $0x12;
	s17 =	simm.s32 $0x1F;
	s18 =	simm.s32 $0x16;
	v34 =	vmov s10;
	v40 =	vmov s13;
	v41 =	vmov s14  }
0xea: {  	s19 =	simm.s32 $0x1A;
	v42 =	vmov s15;
	v43 =	vmov s18;
	v44 =	vmov s17  }
0xeb: {  	v45 =	vmov s19;
	v6 =	vshll.u32 v3, $0x3;
	v3 =	vand.u32 $0x7C, v3  }
0xec: {  	v12 =	vshll.u32 v2, $0x3;
	v13 =	vshll.u32 v4, $0x3;
	v14 =	vshll.u32 v5, $0x3  }
0xed: {  	v15 =	vshll.u32 v7, $0x3;
	v16 =	vshll.u32 v9, $0x3;
	v17 =	vshll.u32 v10, $0x3  }
0xee: {  	v2 =	vand.u32 $0x64, v2;
	v4 =	vand.u32 $0x68, v4;
	v5 =	vand.u32 $0x6C, v5  }
0xef: {  	s1 =	simm.s32 $0x1;
	s2 =	simm.s32 $0x5;
	v7 =	vand.u32 $0x70, v7;
	v9 =	vand.u32 $0x74, v9;
	v10 =	vand.u32 $0x78, v10  }
0xf0: {  	s25 =	simm.s32 $0x2;
	v19 =	vmov s1;
	v20 =	vmov s2;
	v6 =	vand.u32 $0x1C00, v6  }
0xf1: {  	_ =	swait.ge [sflag:s25], $0x6000;
	v28 =	vshll.u32 v22, $0x3;
	v29 =	vshll.u32 v24, $0x3;
	v3 =	vor.u32 v3, v6  }
0xf2: {  	[sflag:s25] =	ssyncset.done $0x0;
	v12 =	vand.u32 $0x1C00, v12;
	v13 =	vand.u32 $0x1C00, v13;
	v11 =	vadd.s32 v0, v3  }
0xf3: {  	s0 =	simm.s32 @!p1 $0x4;
	v14 =	vand.u32 $0x1C00, v14;
	v16 =	vand.u32 $0x1C00, v16;
	[sflag:s25] =	ssyncadd.s32 $0xFFFFA000;
	v6 =	vshll.u32 v8, $0x3  }
0xf4: {  	v8 =	vand.u32 $0x60, v8;
	_ =	swait.ge @!p1 [sflag:s0], $0x6000;
	v2 =	vor.u32 v2, v12;
	v5 =	vor.u32 v5, v14  }
0xf5: {  	v9 =	vor.u32 v9, v16;
	v6 =	vand.u32 $0x1C00, v6;
	[sflag:s0] =	ssyncset.done @!p1 $0x0;
	v16 =	vadd.s32 v0, v5  }
0xf6: {  	v4 =	vor.u32 v4, v13;
	v13 =	vadd.s32 v0, v2;
	[sflag:s0] =	ssyncadd.s32 @!p1 $0xFFFFA000;
	v6 =	vor.u32 v8, v6  }
0xf7: {  	v30 =	vshll.u32 v26, $0x3;
	v31 =	vshll.u32 v27, $0x3;
	v8 =	vld.idx.msk [tilespmem:v11+s16+$0x0], $0xffff;
	v11 =	vadd.s32 v0, v6  }
0xf8: {  	v35 =	vshll.u32 v34, $0x3;
	v15 =	vand.u32 $0x1C00, v15;
	v14 =	vadd.s32 v0, v4  }
0xf9: {  	v17 =	vand.u32 $0x1C00, v17;
	v7 =	vor.u32 v7, v15;
	v3 =	vadd.s32 v1, v3  }
0xfa: {  	s26 =	simm.s32 $0x1D;
	v36 =	vand.u32 $0x7E, v34;
	v10 =	vor.u32 v10, v17;
	v17 =	vadd.s32 v0, v7;
	v16 =	vld.idx.msk [tilespmem:v16+s16+$0x0], $0xffff  }
0xfb: {  	v37 =	vand.u32 $0x75, v26;
	v12 =	vmov s26;
	v5 =	vadd.s32 v1, v5;
	v13 =	vld.idx.msk [tilespmem:v13+s16+$0x0], $0xffff  }
0xfc: {  	s30 =	simm.s32 $0x123F0;
	v46 =	vshll.u32 v44, $0x3;
	v15 =	vshll.u32 v12, $0x3;
	v18 =	vadd.s32 v0, v9;
	v11 =	vld.idx.msk [tilespmem:v11+s16+$0x0], $0xffff  }
0xfd: {  	v12 =	vand.u32 $0x7D, v12;
	v15 =	vand.u32 $0x7FFFFC00, v15;
	v14 =	vld.idx.msk [tilespmem:v14+s16+$0x0], $0xffff;
	[tilespmem:s30+$0xFFFFFF90] =	vst v8;
	v8 =	vadd.s32 v0, v10  }
0xfe: {  	v47 =	vshll.u32 v43, $0x3;
	v12 =	vor.u32 v12, v15;
	v6 =	vadd.s32 v1, v6;
	v3 =	vld.idx.msk [tilespmem:v3+s16+$0x0], $0xffff  }
0xff: {  	v23 =	vshll.u32 v19, $0x3;
	v25 =	vshll.u32 v20, $0x3;
	v15 =	vadd.s32 v0, v12;
	v17 =	vld.idx.msk [tilespmem:v17+s16+$0x0], $0xffff;
	[tilespmem:s30+$0xFFFFFD90] =	vst v16  }
0x100: {  	v63 =	vand.u32 $0x7FFFFC00, v29;
	v23 =	vand.u32 $0x1C00, v23;
	v2 =	vadd.s32 v1, v2;
	[tilespmem:s30+$0xFFFFFC90] =	vst v13;
	v5 =	vld.idx.msk [tilespmem:v5+s16+$0x0], $0xffff  }
0x101: {  	v25 =	vand.u32 $0x7FFFFC00, v25;
	v4 =	vadd.s32 v1, v4;
	v7 =	vadd.s32 v1, v7;
	[tilespmem:s30+$0xFFFFFC10] =	vst v11;
	v11 =	vld.idx.msk [tilespmem:v18+s16+$0x0], $0xffff  }
0x102: {  	v9 =	vadd.s32 v1, v9;
	v12 =	vadd.s32 v1, v12;
	v13 =	vand.u32 $0x61, v19;
	[tilespmem:s30+$0xFFFFFD10] =	vst v14;
	v8 =	vld.idx.msk [tilespmem:v8+s16+$0x0], $0xffff  }
0x103: {  	v16 =	vand.u32 $0x6D, v22;
	v13 =	vor.u32 v13, v23;
	v18 =	vand.u32 $0x7FFFFC00, v28;
	[tilespmem:s30+$0xFFFFFFA0] =	vst v3;
	v6 =	vld.idx.msk [tilespmem:v6+s16+$0x0], $0xffff  }
0x104: {  	v14 =	vand.u32 $0x65, v20;
	[tilespmem:s30+$0xFFFFFE10] =	vst v17;
	v16 =	vor.u32 v16, v18;
	v18 =	vadd.s32 v0, v13;
	v15 =	vld.idx.msk [tilespmem:v15+s16+$0x0], $0xffff  }
0x105: {  	v19 =	vand.u32 $0x7FFFFC00, v31;
	v17 =	vand.u32 $0x79, v27;
	v2 =	vld.idx.msk [tilespmem:v2+s16+$0x0], $0xffff;
	v14 =	vor.u32 v14, v25;
	[tilespmem:s30+$0xFFFFFDA0] =	vst v5  }
0x106: {  	v17 =	vor.u32 v17, v19;
	v7 =	vld.idx.msk [tilespmem:v7+s16+$0x0], $0xffff;
	v19 =	vadd.s32 v0, v14;
	v3 =	vshll.u32 v21, $0x3;
	[tilespmem:s30+$0xFFFFFE90] =	vst v11  }
0x107: {  	v10 =	vadd.s32 v1, v10;
	v20 =	vand.u32 $0x69, v21;
	v4 =	vld.idx.msk [tilespmem:v4+s16+$0x0], $0xffff;
	v3 =	vand.u32 $0x7FFFFC00, v3;
	[tilespmem:s30+$0xFFFFFF10] =	vst v8  }
0x108: {  	v33 =	vand.u32 $0x7FFFFC00, v30;
	v3 =	vor.u32 v20, v3;
	v8 =	vadd.s32 v0, v16;
	v9 =	vld.idx.msk [tilespmem:v9+s16+$0x0], $0xffff;
	[tilespmem:s30+$0xFFFFFC20] =	vst v6  }
0x109: {  	v39 =	vadd.s32 v0, v17;
	v21 =	vand.u32 $0x7FFFFC00, v35;
	v20 =	vadd.s32 v0, v3;
	[tilespmem:s30+$0xFFFFFFB0] =	vst v15;
	v5 =	vld.idx.msk [tilespmem:v18+s16+$0x0], $0xffff  }
0x10a: {  	[tilespmem:s30+$0xFFFFFCA0] =	vst v2;
	v21 =	vor.u32 v36, v21;
	v6 =	vadd.s32 v1, v13;
	v15 =	vand.u32 $0x71, v24;
	v12 =	vld.idx.msk [tilespmem:v12+s16+$0x0], $0xffff  }
0x10b: {  	v30 =	vand.u32 $0x7FFFFC00, v46;
	[tilespmem:s30+$0xFFFFFE20] =	vst v7;
	v7 =	vld.idx.msk [tilespmem:v19+s16+$0x0], $0xffff;
	v22 =	vadd.s32 v0, v21;
	v11 =	vor.u32 v15, v63  }
0x10c: {  	v28 =	vand.u32 $0x7F, v44;
	[tilespmem:s30+$0xFFFFFD20] =	vst v4;
	v10 =	vld.idx.msk [tilespmem:v10+s16+$0x0], $0xffff;
	v15 =	vor.u32 v37, v33;
	v38 =	vadd.s32 v0, v11  }
0x10d: {  	v48 =	vand.u32 $0x72, v42;
	v28 =	vor.u32 v28, v30;
	v24 =	vadd.s32 v0, v15;
	v8 =	vld.idx.msk [tilespmem:v8+s16+$0x0], $0xffff;
	[tilespmem:s30+$0xFFFFFEA0] =	vst v9  }
0x10e: {  	s11 =	simm.s32 $0x2;
	v49 =	vand.u32 $0x76, v43;
	v17 =	vadd.s32 v1, v17;
	v30 =	vadd.s32 v0, v28;
	v9 =	vld.idx.msk [tilespmem:v20+s16+$0x0], $0xffff;
	[tilespmem:s30+$0xFFFFFC30] =	vst v5  }
0x10f: {  	v4 =	vadd.s32 v1, v21;
	v3 =	vadd.s32 v1, v3;
	v13 =	vmov s11;
	[tilespmem:s30+$0xFFFFFFC0] =	vst v12;
	v6 =	vld.idx.msk [tilespmem:v6+s16+$0x0], $0xffff  }
0x110: {  	s12 =	simm.s32 $0x6;
	v21 =	vand.u32 $0x6A, v40;
	v18 =	vshll.u32 v13, $0x3;
	v12 =	vadd.s32 v1, v14;
	v2 =	vld.idx.msk [tilespmem:v22+s16+$0x0], $0xffff  }
0x111: {  	[tilespmem:s30+$0xFFFFFCB0] =	vst v7;
	v13 =	vand.u32 $0x62, v13;
	v14 =	vadd.s32 v1, v16;
	v16 =	vmov s12;
	v23 =	vld.idx.msk [tilespmem:v38+s16+$0x0], $0xffff  }
0x112: {  	v11 =	vadd.s32 v1, v11;
	v20 =	vshll.u32 v40, $0x3;
	[tilespmem:s30+$0xFFFFFF20] =	vst v10;
	v19 =	vshll.u32 v16, $0x3;
	v24 =	vld.idx.msk [tilespmem:v24+s16+$0x0], $0xffff  }
0x113: {  	v15 =	vadd.s32 v1, v15;
	v7 =	vand.u32 $0x7FFFFC00, v19;
	v19 =	vand.u32 $0x7FFFFC00, v20;
	v20 =	vld.idx.msk [tilespmem:v39+s16+$0x0], $0xffff;
	[tilespmem:s30+$0xFFFFFD30] =	vst v9  }
0x114: {  	v10 =	vshll.u32 v42, $0x3;
	v5 =	vand.u32 $0x1C00, v18;
	v18 =	vshll.u32 v45, $0x3;
	[tilespmem:s30+$0xFFFFFDB0] =	vst v8;
	v3 =	vld.idx.msk [tilespmem:v3+s16+$0x0], $0xffff  }
0x115: {  	v18 =	vand.u32 $0x7FFFFC00, v18;
	v16 =	vand.u32 $0x66, v16;
	v9 =	vand.u32 $0x7FFFFC00, v10;
	v8 =	vld.idx.msk [tilespmem:v12+s16+$0x0], $0xffff;
	[tilespmem:s30+$0xFFFFFFD0] =	vst v2  }
0x116: {  	v10 =	vand.u32 $0x7FFFFC00, v47;
	v19 =	vor.u32 v21, v19;
	v9 =	vor.u32 v48, v9;
	[tilespmem:s30+$0xFFFFFE30] =	vst v23;
	v4 =	vld.idx.msk [tilespmem:v4+s16+$0x0], $0xffff  }
0x117: {  	v10 =	vor.u32 v49, v10;
	v51 =	vadd.s32 v0, v19;
	v2 =	vshll.u32 v41, $0x3;
	[tilespmem:s30+$0xFFFFFEB0] =	vst v24;
	v11 =	vld.idx.msk [tilespmem:v11+s16+$0x0], $0xffff  }
0x118: {  	s22 =	simm.s32 $0xB;
	v12 =	vand.u32 $0x6E, v41;
	[tilespmem:s30+$0xFFFFFC40] =	vst v6;
	v53 =	vadd.s32 v0, v9;
	v2 =	vand.u32 $0x7FFFFC00, v2;
	v15 =	vld.idx.msk [tilespmem:v15+s16+$0x0], $0xffff  }
0x119: {  	v6 =	vmov s22;
	v25 =	vadd.s32 v0, v10;
	[tilespmem:s30+$0xFFFFFF30] =	vst v20;
	v2 =	vor.u32 v12, v2;
	v12 =	vld.idx.msk [tilespmem:v14+s16+$0x0], $0xffff  }
0x11a: {  	v9 =	vadd.s32 v1, v9;
	v57 =	vshll.u32 v6, $0x3;
	v6 =	vand.u32 $0x6B, v6;
	v17 =	vld.idx.msk [tilespmem:v17+s16+$0x0], $0xffff;
	[tilespmem:s30+$0xFFFFFD40] =	vst v3  }
0x11b: {  	v52 =	vadd.s32 v0, v2;
	[tilespmem:s30+$0xFFFFFFE0] =	vst v4;
	v4 =	vor.u32 v13, v5;
	v5 =	vor.u32 v16, v7  }
0x11c: {  	s21 =	simm.s32 $0x7;
	v20 =	vadd.s32 v1, v28;
	v28 =	vand.u32 $0x7FFFFC00, v57;
	[tilespmem:s30+$0xFFFFFCC0] =	vst v8;
	v13 =	vld.idx.msk [tilespmem:v30+s16+$0x0], $0xffff;
	v8 =	vadd.s32 v0, v5  }
0x11d: {  	v14 =	vmov s21;
	v28 =	vor.u32 v6, v28;
	v2 =	vadd.s32 v1, v2;
	v22 =	vld.idx.msk [tilespmem:v51+s16+$0x0], $0xffff;
	[tilespmem:s30+$0xFFFFFE40] =	vst v11  }
0x11e: {  	s20 =	simm.s32 $0x3;
	s23 =	simm.s32 $0xF;
	v56 =	vshll.u32 v14, $0x3;
	v7 =	vand.u32 $0x7A, v45;
	[tilespmem:s30+$0xFFFFFEC0] =	vst v15;
	v50 =	vadd.s32 v0, v4;
	v24 =	vld.idx.msk [tilespmem:v53+s16+$0x0], $0xffff  }
0x11f: {  	v16 =	vmov s20;
	v7 =	vor.u32 v7, v18;
	v18 =	vmov s23;
	[tilespmem:s30+$0xFFFFFDC0] =	vst v12;
	v25 =	vld.idx.msk [tilespmem:v25+s16+$0x0], $0xffff  }
0x120: {  	s25 =	simm.s32 $0x17;
	v4 =	vadd.s32 v1, v4;
	v3 =	vadd.s32 v1, v5;
	v5 =	vadd.s32 v1, v19;
	v23 =	vld.idx.msk [tilespmem:v52+s16+$0x0], $0xffff  }
0x121: {  	v12 =	vmov s25;
	v11 =	vshll.u32 v16, $0x3;
	v54 =	vadd.s32 v0, v7;
	[tilespmem:s30+$0xFFFFFFF0] =	vst v13;
	v8 =	vld.idx.msk [tilespmem:v8+s16+$0x0], $0xffff  }
0x122: {  	s26 =	simm.s32 $0x1B;
	[tilespmem:s30+$0xFFFFFF40] =	vst v17;
	v17 =	vand.u32 $0x7FFFFC00, v56;
	v16 =	vand.u32 $0x63, v16;
	v55 =	vadd.s32 v1, v7;
	v19 =	vld.idx.msk [tilespmem:v20+s16+$0x0], $0xffff  }
0x123: {  	v7 =	vmov s26;
	v15 =	vshll.u32 v18, $0x3;
	[tilespmem:s30+$0xFFFFFD50] =	vst v22;
	v20 =	vadd.s32 v1, v10;
	v10 =	vld.idx.msk [tilespmem:v50+s16+$0x0], $0xffff  }
0x124: {  	s24 =	simm.s32 $0x13;
	v59 =	vshll.u32 v12, $0x3;
	v11 =	vand.u32 $0x1C00, v11;
	v60 =	vshll.u32 v7, $0x3;
	[tilespmem:s30+$0xFFFFFE50] =	vst v24  }
0x125: {  	v15 =	vand.u32 $0x7FFFFC00, v15;
	v61 =	vor.u32 v16, v11;
	v13 =	vmov s24;
	v22 =	vld.idx.msk [tilespmem:v5+s16+$0x0], $0xffff;
	[tilespmem:s30+$0xFFFFFED0] =	vst v25  }
0x126: {  	v27 =	vand.u32 $0x7FFFFC00, v60;
	v5 =	vand.u32 $0x7B, v7;
	v58 =	vshll.u32 v13, $0x3;
	v26 =	vld.idx.msk [tilespmem:v54+s16+$0x0], $0xffff;
	[tilespmem:s30+$0xFFFFFDD0] =	vst v23  }
0x127: {  	v16 =	vld.idx.msk [tilespmem:v9+s16+$0x0], $0xffff;
	v9 =	vor.u32 v5, v27;
	v5 =	vadd.s32 v1, v61;
	v29 =	vand.u32 $0x7FFFFC00, v58;
	[tilespmem:s30+$0xFFFFFCD0] =	vst v8  }
0x128: {  	v6 =	vadd.s32 v0, v9;
	v8 =	vand.u32 $0x73, v13;
	[tilespmem:s30+$0xFFFFFC50] =	vst v10;
	v10 =	vand.u32 $0x67, v14;
	v3 =	vld.idx.msk [tilespmem:v3+s16+$0x0], $0xffff  }
0x129: {  	[tilespmem:s30+$0x0] =	vst v19;
	v19 =	vand.u32 $0x7FFFFC00, v59;
	v4 =	vld.idx.msk [tilespmem:v4+s16+$0x0], $0xffff;
	v62 =	vor.u32 v10, v17;
	v10 =	vand.u32 $0x77, v12  }
0x12a: {  	v13 =	vadd.s32 v0, v28;
	v17 =	vld.idx.msk [tilespmem:v2+s16+$0x0], $0xffff;
	v10 =	vor.u32 v10, v19;
	v19 =	vadd.s32 v0, v61  }
0x12b: {  	[tilespmem:s30+$0xFFFFFD60] =	vst v22;
	v14 =	vand.u32 $0x6F, v18;
	v11 =	vor.u32 v8, v29;
	v18 =	vadd.s32 v0, v62  }
0x12c: {  	[tilespmem:s30+$0xFFFFFF50] =	vst v26;
	v63 =	vor.u32 v14, v15;
	v14 =	vld.idx.msk [tilespmem:v20+s16+$0x0], $0xffff;
	v7 =	vadd.s32 v0, v11  }
0x12d: {  	v15 =	vld.idx.msk [tilespmem:v55+s16+$0x0], $0xffff;
	v12 =	vadd.s32 v0, v63;
	v2 =	vadd.s32 v1, v63;
	[tilespmem:s30+$0xFFFFFCE0] =	vst v3  }
0x12e: {  	s31 =	simm.s32 $0x123F0;
	s3 =	simm.s32 $0x0;
	s2 =	simm.s32 $0x3F;
	v8 =	vadd.s32 v0, v10;
	v3 =	vadd.s32 v1, v28;
	[tilespmem:s30+$0xFFFFFC60] =	vst v4;
	v4 =	vadd.s32 v1, v62  }
.LBB2_8:
0x12f: {  	s0 =	sadd.s32 $0xFFFFFFE5, s2;
	s1 =	sadd.s32 $0xFFFFFFFD, s2;
	s3 =	sadd.s32 $0x8, s3;
	v19 =	vld.idx.msk [tilespmem:v19+s16+$0x0], $0xffff;
	[tilespmem:s30+$0xFFFFFDE0] =	vst v17;
	v11 =	vadd.s32 v1, v11;
	v10 =	vadd.s32 v1, v10  }
0x130: {  	s5 =	sadd.s32 $0xFFFFFFED, s2;
	v9 =	vadd.s32 v1, v9;
	v17 =	vmov s0;
	s0 =	sadd.s32 $0xFFFFFFE9, s2;
	v20 =	vmov s1;
	p1 =	slt.u32 s3, $0xB8;
	v18 =	vld.idx.msk [tilespmem:v18+s16+$0x0], $0xffff;
	[tilespmem:s30+$0xFFFFFE60] =	vst v16  }
0x131: {  	v21 =	vmov s5;
	s1 =	sadd.s32 $0xFFFFFFF5, s2;
	s5 =	sadd.s32 $0xFFFFFFF9, s2;
	v16 =	vmov s0;
	s0 =	sadd.s32 $0xFFFFFFF1, s2;
	v22 =	vshll.u32 v20, $0x3;
	v13 =	vld.idx.msk [tilespmem:v13+s16+$0x0], $0xffff;
	[tilespmem:s30+$0xFFFFFEE0] =	vst v14  }
0x132: {  	s7 =	sadd.s32 $0xFFFFFFE1, s2;
	s22 =	sadd.s32 $0xFFFFFFE2, s2;
	s26 =	sadd.s32 $0xFFFFFFE6, s2;
	v20 =	vand.u32 $0x7C, v20;
	v14 =	vmov s0;
	v22 =	vand.u32 $0x1C00, v22;
	v12 =	vld.idx.msk [tilespmem:v12+s16+$0x0], $0xffff;
	[tilespmem:s30+$0xFFFFFF60] =	vst v15  }
0x133: {  	s18 =	sadd.s32 $0xFFFFFFEE, s2;
	s20 =	sadd.s32 $0xFFFFFFF2, s2;
	v23 =	vmov s1;
	v15 =	vmov s7;
	s0 =	sadd.s32 $0xFFFFFFEA, s2;
	v20 =	vor.u32 v20, v22;
	v7 =	vld.idx.msk [tilespmem:v7+s16+$0x0], $0xffff  }
0x134: {  	s21 =	sadd.s32 $0xFFFFFFE3, s2;
	s17 =	sadd.s32 $0xFFFFFFF6, s2;
	s19 =	sadd.s32 $0xFFFFFFFA, s2;
	v24 =	vmov s5;
	v22 =	vshll.u32 v15, $0x3;
	v25 =	vadd.s32 v0, v20;
	v8 =	vld.idx.msk [tilespmem:v8+s16+$0x0], $0xffff  }
0x135: {  	s14 =	sadd.s32 $0xFFFFFFEB, s2;
	s8 =	sadd.s32 $0xFFFFFFEF, s2;
	v26 =	vshll.u32 v17, $0x3;
	v28 =	vshll.u32 v21, $0x3;
	s7 =	sadd.s32 $0xFFFFFFE7, s2;
	v27 =	vshll.u32 v16, $0x3;
	[tilespmem:s30+$0xFFFFFC70] =	vst v19;
	v6 =	vld.idx.msk [tilespmem:v6+s16+$0x0], $0xffff  }
0x136: {  	s25 =	sadd.s32 $0xFFFFFFF3, s2;
	s10 =	sadd.s32 $0xFFFFFFF7, s2;
	s15 =	sadd.s32 $0xFFFFFFFB, s2;
	v29 =	vshll.u32 v23, $0x3;
	v30 =	vshll.u32 v24, $0x3;
	v19 =	vshll.u32 v14, $0x3;
	v5 =	vld.idx.msk [tilespmem:v5+s16+$0x0], $0xffff;
	[tilespmem:s30+$0xFFFFFCF0] =	vst v18  }
0x137: {  	s13 =	sadd.s32 $0xFFFFFFE4, s2;
	s12 =	sadd.s32 $0xFFFFFFE8, s2;
	s11 =	sadd.s32 $0xFFFFFFEC, s2;
	v18 =	vand.u32 $0x1C00, v22;
	v22 =	vand.u32 $0x1C00, v26;
	v26 =	vand.u32 $0x1C00, v27;
	v4 =	vld.idx.msk [tilespmem:v4+s16+$0x0], $0xffff;
	[tilespmem:s30+$0xFFFFFD70] =	vst v13  }
0x138: {  	s9 =	sadd.s32 $0xFFFFFFF0, s2;
	s23 =	sadd.s32 $0xFFFFFFF8, s2;
	s1 =	sadd.s32 $0xFFFFFFF4, s2;
	v19 =	vand.u32 $0x1C00, v19;
	v27 =	vand.u32 $0x1C00, v29;
	v13 =	vand.u32 $0x1C00, v28;
	v3 =	vld.idx.msk [tilespmem:v3+s16+$0x0], $0xffff;
	[tilespmem:s30+$0xFFFFFDF0] =	vst v12  }
0x139: {  	s24 =	sadd.s32 $0xFFFFFFFC, s2;
	v12 =	vand.u32 $0x60, v15;
	v15 =	vand.u32 $0x64, v17;
	v17 =	vand.u32 $0x1C00, v30;
	v25 =	vld.idx.msk [tilespmem:v25+s16+$0x0], $0xffff;
	[tilespmem:s30+$0xFFFFFE70] =	vst v7  }
0x13a: {  	v14 =	vand.u32 $0x70, v14;
	v7 =	vand.u32 $0x68, v16;
	v16 =	vand.u32 $0x6C, v21;
	v21 =	vld.idx.msk [tilespmem:v2+s16+$0x0], $0xffff;
	[tilespmem:s30+$0xFFFFFEF0] =	vst v8  }
0x13b: {  	v20 =	vadd.s32 v1, v20;
	v2 =	vand.u32 $0x74, v23;
	v8 =	vand.u32 $0x78, v24;
	v11 =	vld.idx.msk [tilespmem:v11+s16+$0x0], $0xffff;
	[tilespmem:s30+$0xFFFFFF70] =	vst v6  }
0x13c: {  	v7 =	vor.u32 v7, v26;
	v6 =	vor.u32 v12, v18;
	v12 =	vor.u32 v15, v22;
	v10 =	vld.idx.msk [tilespmem:v10+s16+$0x0], $0xffff  }
0x13d: {  	s5 =	sadd.s32 $0xFFFFFFFE, s2;
	v14 =	vor.u32 v14, v19;
	v13 =	vor.u32 v16, v13;
	v15 =	vor.u32 v2, v27;
	v2 =	vld.idx.msk [tilespmem:v9+s16+$0x0], $0xffff  }
0x13e: {  	v16 =	vmov s5;
	v8 =	vor.u32 v8, v17;
	s30 =	sadd.s32 $0x400, s30;
	v9 =	vadd.s32 v0, v6;
	[tilespmem:s31+$0xFFFFFC80] =	vst v5  }
0x13f: {  	v17 =	vadd.s32 v0, v7;
	v18 =	vshll.u32 v16, $0x3;
	v5 =	vadd.s32 v0, v12;
	[tilespmem:s30+$0xFFFFFF90] =	vst v25  }
0x140: {  	v19 =	vadd.s32 v0, v13;
	v16 =	vand.u32 $0x7D, v16;
	v18 =	vand.u32 $0x7FFFFC00, v18;
	v20 =	vld.idx.msk [tilespmem:v20+s16+$0x0], $0xffff;
	[tilespmem:s31+$0xFFFFFD00] =	vst v4  }
0x141: {  	v22 =	vadd.s32 v0, v15;
	v16 =	vor.u32 v16, v18;
	v4 =	vadd.s32 v0, v14;
	[tilespmem:s31+$0xFFFFFD80] =	vst v3  }
0x142: {  	v18 =	vadd.s32 v0, v16;
	v3 =	vadd.s32 v1, v6;
	v6 =	vadd.s32 v0, v8;
	[tilespmem:s31+$0xFFFFFE00] =	vst v21  }
0x143: {  	v7 =	vadd.s32 v1, v7;
	v13 =	vadd.s32 v1, v13;
	v12 =	vadd.s32 v1, v12;
	v9 =	vld.idx.msk [tilespmem:v9+s16+$0x0], $0xffff  }
0x144: {  	v15 =	vadd.s32 v1, v15;
	v14 =	vadd.s32 v1, v14;
	v8 =	vadd.s32 v1, v8;
	v5 =	vld.idx.msk [tilespmem:v5+s16+$0x0], $0xffff  }
0x145: {  	v23 =	vmov s26;
	v24 =	vmov s0;
	v21 =	vmov s22;
	v17 =	vld.idx.msk [tilespmem:v17+s16+$0x0], $0xffff  }
0x146: {  	v26 =	vmov s18;
	v27 =	vmov s20;
	v25 =	vshll.u32 v21, $0x3;
	v19 =	vld.idx.msk [tilespmem:v19+s16+$0x0], $0xffff;
	[tilespmem:s30+$0xFFFFFFA0] =	vst v20  }
0x147: {  	v29 =	vmov s19;
	v28 =	vmov s17;
	v20 =	vshll.u32 v23, $0x3;
	v18 =	vld.idx.msk [tilespmem:v18+s16+$0x0], $0xffff;
	[tilespmem:s31+$0xFFFFFE80] =	vst v11  }
0x148: {  	v30 =	vshll.u32 v26, $0x3;
	v31 =	vshll.u32 v27, $0x3;
	v11 =	vshll.u32 v24, $0x3;
	v4 =	vld.idx.msk [tilespmem:v4+s16+$0x0], $0xffff;
	[tilespmem:s31+$0xFFFFFF00] =	vst v10  }
0x149: {  	v16 =	vadd.s32 v1, v16;
	v10 =	vshll.u32 v28, $0x3;
	[tilespmem:s30+$0xFFFFFC10] =	vst v9;
	v9 =	vld.idx.msk [tilespmem:v22+s16+$0x0], $0xffff;
	v22 =	vshll.u32 v29, $0x3  }
0x14a: {  	v25 =	vand.u32 $0x1C00, v25;
	v11 =	vand.u32 $0x7FFFFC00, v11;
	[tilespmem:s30+$0xFFFFFC90] =	vst v5;
	v5 =	vand.u32 $0x7FFFFC00, v20;
	v6 =	vld.idx.msk [tilespmem:v6+s16+$0x0], $0xffff  }
0x14b: {  	s0 =	sadd.s32 $0xFFFFFFFF, s2;
	v10 =	vand.u32 $0x7FFFFC00, v10;
	v20 =	vand.u32 $0x7FFFFC00, v31;
	v3 =	vld.idx.msk [tilespmem:v3+s16+$0x0], $0xffff;
	[tilespmem:s30+$0xFFFFFD10] =	vst v17;
	v17 =	vand.u32 $0x7FFFFC00, v30  }
0x14c: {  	v21 =	vand.u32 $0x61, v21;
	v12 =	vld.idx.msk [tilespmem:v12+s16+$0x0], $0xffff;
	[tilespmem:s30+$0xFFFFFD90] =	vst v19;
	v19 =	vand.u32 $0x7FFFFC00, v22;
	v22 =	vmov s0  }
0x14d: {  	v23 =	vand.u32 $0x65, v23;
	v24 =	vand.u32 $0x69, v24;
	v7 =	vld.idx.msk [tilespmem:v7+s16+$0x0], $0xffff;
	[tilespmem:s30+$0xFFFFFFB0] =	vst v18;
	v18 =	vshll.u32 v22, $0x3  }
0x14e: {  	v26 =	vand.u32 $0x6D, v26;
	[tilespmem:s30+$0xFFFFFE10] =	vst v4;
	v4 =	vld.idx.msk [tilespmem:v16+s16+$0x0], $0xffff;
	v16 =	vand.u32 $0x7E, v22;
	v18 =	vand.u32 $0x7FFFFC00, v18  }
0x14f: {  	v22 =	vand.u32 $0x71, v27;
	v13 =	vld.idx.msk [tilespmem:v13+s16+$0x0], $0xffff;
	[tilespmem:s30+$0xFFFFFE90] =	vst v9;
	v9 =	vand.u32 $0x75, v28;
	v16 =	vor.u32 v16, v18  }
0x150: {  	v18 =	vor.u32 v21, v25;
	v14 =	vld.idx.msk [tilespmem:v14+s16+$0x0], $0xffff;
	[tilespmem:s30+$0xFFFFFF10] =	vst v6;
	v6 =	vand.u32 $0x79, v29;
	v21 =	vadd.s32 v0, v16  }
0x151: {  	v11 =	vor.u32 v24, v11;
	v5 =	vor.u32 v23, v5;
	v17 =	vor.u32 v26, v17;
	v15 =	vld.idx.msk [tilespmem:v15+s16+$0x0], $0xffff  }
0x152: {  	v20 =	vor.u32 v22, v20;
	v9 =	vor.u32 v9, v10;
	v6 =	vor.u32 v6, v19;
	v8 =	vld.idx.msk [tilespmem:v8+s16+$0x0], $0xffff  }
0x153: {  	v10 =	vadd.s32 v0, v5;
	v19 =	vadd.s32 v0, v11;
	[tilespmem:s30+$0xFFFFFC20] =	vst v3;
	v3 =	vadd.s32 v0, v18  }
0x154: {  	v22 =	vadd.s32 v0, v17;
	v23 =	vadd.s32 v0, v20;
	v24 =	vadd.s32 v0, v9;
	[tilespmem:s30+$0xFFFFFFC0] =	vst v4  }
0x155: {  	v4 =	vadd.s32 v1, v18;
	v18 =	vmov s21;
	[tilespmem:s30+$0xFFFFFCA0] =	vst v12;
	v12 =	vadd.s32 v0, v6;
	v21 =	vld.idx.msk [tilespmem:v21+s16+$0x0], $0xffff  }
0x156: {  	v5 =	vadd.s32 v1, v5;
	[tilespmem:s30+$0xFFFFFD20] =	vst v7;
	v7 =	vadd.s32 v1, v11;
	v11 =	vadd.s32 v1, v17  }
0x157: {  	v16 =	vadd.s32 v1, v16;
	v9 =	vadd.s32 v1, v9;
	[tilespmem:s30+$0xFFFFFDA0] =	vst v13;
	v13 =	vadd.s32 v1, v20  }
0x158: {  	v6 =	vadd.s32 v1, v6;
	v17 =	vmov s7;
	v20 =	vmov s14;
	v3 =	vld.idx.msk [tilespmem:v3+s16+$0x0], $0xffff;
	[tilespmem:s30+$0xFFFFFE20] =	vst v14  }
0x159: {  	v26 =	vmov s25;
	v25 =	vmov s8;
	v14 =	vshll.u32 v18, $0x3;
	v10 =	vld.idx.msk [tilespmem:v10+s16+$0x0], $0xffff;
	[tilespmem:s30+$0xFFFFFEA0] =	vst v15  }
0x15a: {  	v27 =	vmov s10;
	v15 =	vshll.u32 v17, $0x3;
	v19 =	vld.idx.msk [tilespmem:v19+s16+$0x0], $0xffff;
	[tilespmem:s30+$0xFFFFFF20] =	vst v8;
	v8 =	vmov s2  }
0x15b: {  	v29 =	vmov s15;
	v28 =	vshll.u32 v20, $0x3;
	v22 =	vld.idx.msk [tilespmem:v22+s16+$0x0], $0xffff;
	[tilespmem:s30+$0xFFFFFFD0] =	vst v21;
	v21 =	vshll.u32 v8, $0x3  }
0x15c: {  	v30 =	vshll.u32 v25, $0x3;
	v8 =	vand.u32 $0x7F, v8;
	v16 =	vld.idx.msk [tilespmem:v16+s16+$0x0], $0xffff;
	v21 =	vand.u32 $0x7FFFFC00, v21;
	[tilespmem:s31+$0xFFFFFF80] =	vst v2;
	s31 =	smov.u32 s30  }
0x15d: {  	v31 =	vshll.u32 v27, $0x3;
	v2 =	vld.idx.msk [tilespmem:v23+s16+$0x0], $0xffff;
	v23 =	vshll.u32 v26, $0x3;
	v8 =	vor.u32 v8, v21  }
0x15e: {  	v21 =	vshll.u32 v29, $0x3;
	[tilespmem:s30+$0xFFFFFC30] =	vst v3;
	v3 =	vand.u32 $0x1C00, v14;
	v14 =	vld.idx.msk [tilespmem:v24+s16+$0x0], $0xffff;
	v24 =	vadd.s32 v0, v8  }
0x15f: {  	[tilespmem:s30+$0xFFFFFCB0] =	vst v10;
	v10 =	vand.u32 $0x7FFFFC00, v15;
	v15 =	vand.u32 $0x7FFFFC00, v28;
	v28 =	vand.u32 $0x7FFFFC00, v30;
	v12 =	vld.idx.msk [tilespmem:v12+s16+$0x0], $0xffff  }
0x160: {  	v21 =	vand.u32 $0x7FFFFC00, v21;
	v4 =	vld.idx.msk [tilespmem:v4+s16+$0x0], $0xffff;
	[tilespmem:s30+$0xFFFFFD30] =	vst v19;
	v19 =	vand.u32 $0x7FFFFC00, v23;
	v23 =	vand.u32 $0x7FFFFC00, v31  }
0x161: {  	v18 =	vand.u32 $0x62, v18;
	v20 =	vand.u32 $0x6A, v20;
	v17 =	vand.u32 $0x66, v17;
	v5 =	vld.idx.msk [tilespmem:v5+s16+$0x0], $0xffff;
	[tilespmem:s30+$0xFFFFFDB0] =	vst v22  }
0x162: {  	v22 =	vand.u32 $0x6E, v25;
	v25 =	vand.u32 $0x72, v26;
	v26 =	vand.u32 $0x76, v27;
	v7 =	vld.idx.msk [tilespmem:v7+s16+$0x0], $0xffff;
	[tilespmem:s30+$0xFFFFFFE0] =	vst v16  }
0x163: {  	v3 =	vor.u32 v18, v3;
	v10 =	vor.u32 v17, v10;
	[tilespmem:s30+$0xFFFFFE30] =	vst v2;
	v2 =	vand.u32 $0x7A, v29;
	v16 =	vld.idx.msk [tilespmem:v24+s16+$0x0], $0xffff  }
0x164: {  	v17 =	vmov s13;
	v15 =	vor.u32 v20, v15;
	v18 =	vor.u32 v22, v28;
	v11 =	vld.idx.msk [tilespmem:v11+s16+$0x0], $0xffff;
	[tilespmem:s30+$0xFFFFFEB0] =	vst v14  }
0x165: {  	v8 =	vadd.s32 v1, v8;
	v19 =	vor.u32 v25, v19;
	v14 =	vmov s12;
	v13 =	vld.idx.msk [tilespmem:v13+s16+$0x0], $0xffff;
	[tilespmem:s30+$0xFFFFFF30] =	vst v12  }
0x166: {  	v2 =	vor.u32 v2, v21;
	v12 =	vor.u32 v26, v23;
	[tilespmem:s30+$0xFFFFFC40] =	vst v4;
	v4 =	vmov s11;
	v9 =	vld.idx.msk [tilespmem:v9+s16+$0x0], $0xffff  }
0x167: {  	v20 =	vadd.s32 v0, v3;
	v21 =	vmov s9;
	[tilespmem:s30+$0xFFFFFCC0] =	vst v5;
	v5 =	vadd.s32 v0, v10;
	v6 =	vld.idx.msk [tilespmem:v6+s16+$0x0], $0xffff  }
0x168: {  	v22 =	vadd.s32 v0, v18;
	v23 =	vadd.s32 v0, v19;
	[tilespmem:s30+$0xFFFFFD40] =	vst v7;
	v7 =	vadd.s32 v0, v15  }
0x169: {  	v3 =	vadd.s32 v1, v3;
	v25 =	vadd.s32 v0, v2;
	v24 =	vadd.s32 v0, v12;
	[tilespmem:s30+$0xFFFFFFF0] =	vst v16  }
0x16a: {  	v10 =	vadd.s32 v1, v10;
	v15 =	vadd.s32 v1, v15;
	[tilespmem:s30+$0xFFFFFDC0] =	vst v11;
	v11 =	vmov s1;
	v8 =	vld.idx.msk [tilespmem:v8+s16+$0x0], $0xffff  }
0x16b: {  	v12 =	vadd.s32 v1, v12;
	v16 =	vadd.s32 v1, v18;
	[tilespmem:s30+$0xFFFFFE40] =	vst v13;
	v13 =	vadd.s32 v1, v19  }
0x16c: {  	v2 =	vadd.s32 v1, v2;
	v19 =	vmov s24;
	v18 =	vld.idx.msk [tilespmem:v20+s16+$0x0], $0xffff;
	[tilespmem:s30+$0xFFFFFEC0] =	vst v9;
	v9 =	vmov s23  }
0x16d: {  	v26 =	vshll.u32 v14, $0x3;
	v27 =	vshll.u32 v4, $0x3;
	v20 =	vshll.u32 v17, $0x3;
	v5 =	vld.idx.msk [tilespmem:v5+s16+$0x0], $0xffff;
	[tilespmem:s30+$0xFFFFFF40] =	vst v6  }
0x16e: {  	v28 =	vshll.u32 v11, $0x3;
	v29 =	vshll.u32 v9, $0x3;
	v6 =	vld.idx.msk [tilespmem:v7+s16+$0x0], $0xffff;
	v7 =	vshll.u32 v21, $0x3  }
0x16f: {  	v26 =	vand.u32 $0x7FFFFC00, v26;
	v30 =	vshll.u32 v19, $0x3;
	v20 =	vand.u32 $0x1C00, v20;
	v22 =	vld.idx.msk [tilespmem:v22+s16+$0x0], $0xffff  }
0x170: {  	v27 =	vand.u32 $0x7FFFFC00, v27;
	v28 =	vand.u32 $0x7FFFFC00, v28;
	v7 =	vand.u32 $0x7FFFFC00, v7;
	v23 =	vld.idx.msk [tilespmem:v23+s16+$0x0], $0xffff;
	[tilespmem:s30+$0x0] =	vst v8  }
0x171: {  	v30 =	vand.u32 $0x7FFFFC00, v30;
	v29 =	vand.u32 $0x7FFFFC00, v29;
	v8 =	vand.u32 $0x63, v17;
	v24 =	vld.idx.msk [tilespmem:v24+s16+$0x0], $0xffff  }
0x172: {  	v14 =	vand.u32 $0x67, v14;
	v4 =	vand.u32 $0x6B, v4;
	v17 =	vand.u32 $0x6F, v21;
	[tilespmem:s30+$0xFFFFFC50] =	vst v18;
	v21 =	vld.idx.msk [tilespmem:v25+s16+$0x0], $0xffff  }
0x173: {  	v9 =	vand.u32 $0x77, v9;
	v18 =	vand.u32 $0x7B, v19;
	v3 =	vld.idx.msk [tilespmem:v3+s16+$0x0], $0xffff;
	[tilespmem:s30+$0xFFFFFCD0] =	vst v5;
	v5 =	vand.u32 $0x73, v11  }
0x174: {  	v8 =	vor.u32 v8, v20;
	v25 =	vor.u32 v14, v26;
	v20 =	vld.idx.msk [tilespmem:v10+s16+$0x0], $0xffff;
	[tilespmem:s30+$0xFFFFFD50] =	vst v6  }
0x175: {  	v27 =	vor.u32 v4, v27;
	v26 =	vld.idx.msk [tilespmem:v15+s16+$0x0], $0xffff;
	[tilespmem:s30+$0xFFFFFDD0] =	vst v22;
	v22 =	vor.u32 v17, v7  }
0x176: {  	v11 =	vor.u32 v5, v28;
	v10 =	vor.u32 v9, v29;
	v17 =	vld.idx.msk [tilespmem:v16+s16+$0x0], $0xffff;
	[tilespmem:s30+$0xFFFFFE50] =	vst v23  }
.Ltmp8:
0x177: {  	v19 =	vadd.s32 v0, v8;
	v9 =	vor.u32 v18, v30;
	v16 =	vld.idx.msk [tilespmem:v13+s16+$0x0], $0xffff;
	[tilespmem:s30+$0xFFFFFED0] =	vst v24;
	(pc) =	sbr.rel @p1 .LBB2_8-.Ltmp8, $4  }
0x178: {  	v18 =	vadd.s32 v0, v25;
	v13 =	vadd.s32 v0, v27;
	v14 =	vld.idx.msk [tilespmem:v12+s16+$0x0], $0xffff;
	[tilespmem:s30+$0xFFFFFF50] =	vst v21  }
0x179: {  	v7 =	vadd.s32 v0, v11;
	v12 =	vadd.s32 v0, v22;
	[tilespmem:s30+$0xFFFFFC60] =	vst v3;
	v15 =	vld.idx.msk [tilespmem:v2+s16+$0x0], $0xffff  }
0x17a: {  	v5 =	vadd.s32 v1, v8;
	v8 =	vadd.s32 v0, v10;
	v6 =	vadd.s32 v0, v9;
	[tilespmem:s30+$0xFFFFFCE0] =	vst v20  }
0x17b: {  	s2 =	sadd.s32 $0x20, s2;
	v4 =	vadd.s32 v1, v25;
	v3 =	vadd.s32 v1, v27;
	v2 =	vadd.s32 v1, v22;
	[tilespmem:s30+$0xFFFFFD60] =	vst v26  }
0x17c: {  	_ =	sdelay $0x3  }
0x17d: {  	v19 =	vld.idx.msk [tilespmem:v19+s16+$0x0], $0xffff  }
0x17e: {  	[tilespmem:s30+$0xFFFFFDE0] =	vst v17;
	v61 =	vld.idx.msk [tilespmem:v18+s16+$0x0], $0xffff  }
0x17f: {  	[tilespmem:s30+$0xFFFFFE60] =	vst v16;
	v13 =	vld.idx.msk [tilespmem:v13+s16+$0x0], $0xffff  }
0x180: {  	[tilespmem:s30+$0xFFFFFEE0] =	vst v14;
	v12 =	vld.idx.msk [tilespmem:v12+s16+$0x0], $0xffff  }
0x181: {  	v7 =	vld.idx.msk [tilespmem:v7+s16+$0x0], $0xffff;
	[tilespmem:s30+$0xFFFFFF60] =	vst v15  }
0x182: {  	v8 =	vld.idx.msk [tilespmem:v8+s16+$0x0], $0xffff;
	[tilespmem:s30+$0xFFFFFC70] =	vst v19  }
0x183: {  	v11 =	vadd.s32 v1, v11;
	v6 =	vld.idx.msk [tilespmem:v6+s16+$0x0], $0xffff;
	[tilespmem:s30+$0xFFFFFCF0] =	vst v61  }
0x184: {  	v10 =	vadd.s32 v1, v10;
	[tilespmem:s30+$0xFFFFFD70] =	vst v13;
	v5 =	vld.idx.msk [tilespmem:v5+s16+$0x0], $0xffff  }
0x185: {  	v9 =	vadd.s32 v1, v9;
	v4 =	vld.idx.msk [tilespmem:v4+s16+$0x0], $0xffff;
	[tilespmem:s30+$0xFFFFFDF0] =	vst v12  }
0x186: {  	v3 =	vld.idx.msk [tilespmem:v3+s16+$0x0], $0xffff;
	[tilespmem:s30+$0xFFFFFE70] =	vst v7  }
0x187: {  	v2 =	vld.idx.msk [tilespmem:v2+s16+$0x0], $0xffff;
	[tilespmem:s30+$0xFFFFFEF0] =	vst v8  }
0x188: {  	v7 =	vld.idx.msk [tilespmem:v11+s16+$0x0], $0xffff;
	[tilespmem:s30+$0xFFFFFF70] =	vst v6  }
0x189: {  	v62 =	vld.idx.msk [tilespmem:v10+s16+$0x0], $0xffff;
	[tilespmem:s31+$0xFFFFFC80] =	vst v5  }
0x18a: {  	v63 =	vld.idx.msk [tilespmem:v9+s16+$0x0], $0xffff;
	[tilespmem:s31+$0xFFFFFD00] =	vst v4  }
0x18b: {  	[tilespmem:s31+$0xFFFFFD80] =	vst v3  }
0x18c: {  	[tilespmem:s31+$0xFFFFFE00] =	vst v2  }
0x18d: {  	[tilespmem:s31+$0xFFFFFE80] =	vst v7  }
0x18e: {  	[tilespmem:s31+$0xFFFFFF00] =	vst v62  }
0x18f: {  	s0 =	smul.u32 $0xC00, s29;
	[tilespmem:s31+$0xFFFFFF80] =	vst v63  }
0x190: {  	p1 =	sgt.u32 s29, $0x4D5;
	s1 =	rddreg [dreg:$0x4]  }
0x191: {  	s2 =	simm.s32 $0x12000;
	s0 =	sadd.s32 s1, s0;
	s1 =	smul.u32 @!p1 $0x1800, s29  }
0x192: {  	[hbm4b:s0+s4] =	stream.linear.scatter [tilespmem:s2], [sflag:$0x4], $0x6000, $0x38;
	[tilespmem:$0x18000] =	vst v63  }
.Ltmp9:
0x193: {  	_ = 	snop;
	(pc) =	sbr.rel .LBB2_10-.Ltmp9, $4  }
0x194: {  	s0 =	sshrl.u32 @!p1 s1, $0x3;
	s1 =	rddreg [dreg:$0x0]  }
0x195: {  	s3 =	simm.s32 @!p1 $0x6000;
	s0 =	sadd.s32 @!p1 s1, s0  }
0x196: {  	s2 =	simm.s32 @!p1 $0x7A1400;
	s1 =	simm.s32 @!p1 $0x1800;
	s0 =	sadd.s32 @!p1 $0xC000, s0  }
0x197: {  	[tilespmem:s3], [sflag:$0x2] =	stream.strided.gather @!p1 [hbm4b:s0+s1], $0x6000, s2, s1, $0x38;
	[tilespmem:$0x18000] =	vst v63  }
.LBB2_12:
0x198: {  	s0 =	rddreg [dreg:$0x1];
	s13 =	simm.s32 $0x44  }
0x199: {  	[tilespmem:s4], [sflag:$0x5] =	stream.linear.gather [hbm4b:s0+s4], $0x400, $0x38;
	[tilespmem:$0x18000] =	vst v63  }
0x19a: {  	s1 =	rddreg [dreg:$0x9];
	s2 =	simm.s32 $0x1800;
	v2 =	vmov s13  }
0x19b: {  	v2 =	vshll.u32 v2, $0x3;
	[tilespmem:s2], [sflag:$0x5] =	stream.linear.gather [hbm4b:s1+s4], $0x400, $0x38;
	[tilespmem:$0x18000] =	vst v63  }
0x19c: {  	s14 =	rddreg [dreg:$0xb];
	s15 =	simm.s32 $0x3000;
	v2 =	vand.u32 $0x7FFFFC00, v2  }
0x19d: {  	v2 =	vadd.s32 s13, v2;
	[tilespmem:s15], [sflag:$0x5] =	stream.linear.gather [hbm4b:s14+s4], $0x400, $0x38;
	[tilespmem:$0x18000] =	vst v63  }
0x19e: {  	s17 =	rddreg [dreg:$0xa];
	s18 =	simm.s32 $0x4800;
	s19 =	simm.s32 $0x5;
	v3 =	vadd.s32 v0, v2  }
0x19f: {  	[tilespmem:s18], [sflag:$0x5] =	stream.linear.gather [hbm4b:s17+s4], $0x400, $0x38;
	[tilespmem:$0x18000] =	vst v63  }
0x1a0: {  	_ =	swait.ge [sflag:s19], $0x1000  }
0x1a1: {  	[sflag:s19] =	ssyncset.done $0x0  }
0x1a2: {  	[sflag:s19] =	ssyncadd.s32 $0xFFFFF000  }
0x1a3: {  	v3 =	vld.idx.msk [tilespmem:v3+s4+$0x0], $0xffff  }
0x1a4: {  	v2 =	vadd.s32 v1, v2  }
0x1a5: {  	s20 =	simm.s32 $0x45  }
0x1a6: {  	v4 =	vmov s20  }
0x1a7: {  	s29 =	simm.s32 $0xC100;
	s21 =	simm.s32 $0x48;
	v4 =	vshll.u32 v4, $0x3  }
0x1a8: {  	s22 =	simm.s32 $0x40;
	v5 =	vmov s21;
	[tilespmem:s29+$0xFFFFFF80] =	vst v3;
	v3 =	vand.u32 $0x7FFFFC00, v4  }
0x1a9: {  	v6 =	vor.u32 s22, v0;
	v4 =	vshll.u32 v5, $0x3;
	v2 =	vld.idx.msk [tilespmem:v2+s4+$0x0], $0xffff;
	v3 =	vadd.s32 s20, v3  }
0x1aa: {  	v4 =	vand.u32 $0x7FFFFC00, v4;
	v5 =	vadd.s32 v0, v3  }
0x1ab: {  	v4 =	vadd.s32 s21, v4  }
0x1ac: {  	s24 =	simm.s32 $0x54;
	v7 =	vadd.s32 v0, v4  }
0x1ad: {  	s23 =	simm.s32 $0x4C;
	v9 =	vmov s24  }
0x1ae: {  	s25 =	simm.s32 $0x49;
	v8 =	vmov s23;
	v9 =	vshll.u32 v9, $0x3;
	v6 =	vld.idx.msk [tilespmem:v6+s4+$0x0], $0xffff;
	[tilespmem:s29+$0xFFFFFF90] =	vst v2  }
0x1af: {  	v10 =	vmov s25;
	v9 =	vand.u32 $0x7FFFFC00, v9;
	v2 =	vor.u32 s22, v1;
	v5 =	vld.idx.msk [tilespmem:v5+s4+$0x0], $0xffff  }
0x1b0: {  	s3 =	simm.s32 $0x46;
	v8 =	vshll.u32 v8, $0x3;
	v9 =	vadd.s32 s24, v9;
	v3 =	vadd.s32 v1, v3  }
0x1b1: {  	v11 =	vmov s3;
	v8 =	vand.u32 $0x7FFFFC00, v8;
	v14 =	vadd.s32 v0, v9;
	v7 =	vld.idx.msk [tilespmem:v7+s4+$0x0], $0xffff  }
0x1b2: {  	s26 =	simm.s32 $0x58;
	v11 =	vshll.u32 v11, $0x3;
	v8 =	vadd.s32 s23, v8;
	v4 =	vadd.s32 v1, v4  }
0x1b3: {  	s31 =	simm.s32 $0x50;
	v13 =	vmov s26;
	v11 =	vand.u32 $0x7FFFFC00, v11;
	v12 =	vadd.s32 v0, v8;
	[tilespmem:s29+$0xFFFFFF00] =	vst v6  }
0x1b4: {  	s5 =	simm.s32 $0x41;
	v6 =	vor.u32 s31, v0;
	v2 =	vld.idx.msk [tilespmem:v2+s4+$0x0], $0xffff;
	[tilespmem:s29+$0xFFFFFFA0] =	vst v5;
	v5 =	vadd.s32 s3, v11;
	v11 =	vshll.u32 v13, $0x3  }
0x1b5: {  	v10 =	vshll.u32 v10, $0x3;
	v13 =	vor.u32 s5, v0;
	v3 =	vld.idx.msk [tilespmem:v3+s4+$0x0], $0xffff;
	v11 =	vand.u32 $0x7FFFFC00, v11  }
0x1b6: {  	v10 =	vand.u32 $0x7FFFFC00, v10;
	v14 =	vld.idx.msk [tilespmem:v14+s4+$0x0], $0xffff;
	[tilespmem:s29+$0x0] =	vst v7;
	v7 =	vadd.s32 v0, v5;
	v11 =	vadd.s32 s26, v11  }
0x1b7: {  	v10 =	vadd.s32 s25, v10;
	v4 =	vld.idx.msk [tilespmem:v4+s4+$0x0], $0xffff;
	v15 =	vadd.s32 v0, v11  }
0x1b8: {  	s7 =	simm.s32 $0x4D;
	v16 =	vadd.s32 v0, v10;
	v12 =	vld.idx.msk [tilespmem:v12+s4+$0x0], $0xffff  }
0x1b9: {  	v17 =	vmov s7;
	v9 =	vadd.s32 v1, v9;
	v6 =	vld.idx.msk [tilespmem:v6+s4+$0x0], $0xffff;
	[tilespmem:s29+$0xFFFFFF10] =	vst v2  }
0x1ba: {  	s8 =	simm.s32 $0x55;
	s28 =	simm.s32 $0xC300;
	v19 =	vor.u32 s31, v1;
	v17 =	vshll.u32 v17, $0x3;
	v8 =	vadd.s32 v1, v8;
	v13 =	vld.idx.msk [tilespmem:v13+s4+$0x0], $0xffff;
	[tilespmem:s29+$0xFFFFFFB0] =	vst v3  }
0x1bb: {  	[tilespmem:s28+$0xFFFFFF80] =	vst v14;
	v2 =	vand.u32 $0x7FFFFC00, v17;
	v17 =	vmov s8;
	v3 =	vor.u32 s5, v1;
	v7 =	vld.idx.msk [tilespmem:v7+s4+$0x0], $0xffff  }
0x1bc: {  	s9 =	simm.s32 $0x47;
	v5 =	vadd.s32 v1, v5;
	v18 =	vadd.s32 s7, v2;
	v2 =	vshll.u32 v17, $0x3;
	[tilespmem:s29+$0x10] =	vst v4;
	v15 =	vld.idx.msk [tilespmem:v15+s4+$0x0], $0xffff  }
0x1bd: {  	v10 =	vadd.s32 v1, v10;
	s14 =	simm.s32 $0x60;
	[tilespmem:s29+$0x80] =	vst v12;
	v2 =	vand.u32 $0x7FFFFC00, v2;
	v4 =	vmov s9;
	v16 =	vld.idx.msk [tilespmem:v16+s4+$0x0], $0xffff  }
0x1be: {  	s15 =	simm.s32 $0x68;
	v20 =	vor.u32 s14, v0;
	v9 =	vld.idx.msk [tilespmem:v9+s4+$0x0], $0xffff;
	[tilespmem:s28+$0xFFFFFF00] =	vst v6;
	v12 =	vadd.s32 s8, v2;
	v4 =	vshll.u32 v4, $0x3  }
0x1bf: {  	s11 =	simm.s32 $0x4A;
	v22 =	vmov s15;
	v8 =	vld.idx.msk [tilespmem:v8+s4+$0x0], $0xffff;
	v2 =	vand.u32 $0x7FFFFC00, v4;
	v4 =	vadd.s32 v0, v12;
	[tilespmem:s29+$0xFFFFFF20] =	vst v13  }
0x1c0: {  	v22 =	vshll.u32 v22, $0x3;
	v11 =	vadd.s32 v1, v11;
	v13 =	vmov s11;
	v3 =	vld.idx.msk [tilespmem:v3+s4+$0x0], $0xffff;
	[tilespmem:s29+$0xFFFFFFC0] =	vst v7  }
0x1c1: {  	s10 =	simm.s32 $0x5C;
	s12 =	simm.s32 $0x42;
	v17 =	vadd.s32 v0, v18;
	v2 =	vadd.s32 s9, v2;
	v13 =	vshll.u32 v13, $0x3;
	v5 =	vld.idx.msk [tilespmem:v5+s4+$0x0], $0xffff;
	[tilespmem:s28+$0x0] =	vst v15  }
0x1c2: {  	v19 =	vld.idx.msk [tilespmem:v19+s4+$0x0], $0xffff;
	v7 =	vmov s10;
	v13 =	vand.u32 $0x7FFFFC00, v13;
	v15 =	vor.u32 s12, v0;
	[tilespmem:s29+$0x20] =	vst v16  }
0x1c3: {  	[tilespmem:s28+$0xFFFFFF90] =	vst v9;
	v14 =	vadd.s32 v0, v2;
	v7 =	vshll.u32 v7, $0x3;
	v13 =	vadd.s32 s11, v13;
	v10 =	vld.idx.msk [tilespmem:v10+s4+$0x0], $0xffff  }
0x1c4: {  	v22 =	vand.u32 $0x7FFFFC00, v22;
	[tilespmem:s29+$0x90] =	vst v8;
	s5 =	simm.s32 $0x59;
	v7 =	vand.u32 $0x7FFFFC00, v7;
	v4 =	vld.idx.msk [tilespmem:v4+s4+$0x0], $0xffff;
	v8 =	vadd.s32 v0, v13  }
0x1c5: {  	s19 =	simm.s32 $0x51;
	v12 =	vadd.s32 v1, v12;
	v16 =	vmov s5;
	v11 =	vld.idx.msk [tilespmem:v11+s4+$0x0], $0xffff;
	v7 =	vadd.s32 s10, v7;
	[tilespmem:s29+$0xFFFFFF30] =	vst v3  }
0x1c6: {  	s13 =	simm.s32 $0x64;
	v24 =	vor.u32 s19, v0;
	v16 =	vshll.u32 v16, $0x3;
	v9 =	vadd.s32 v0, v7;
	[tilespmem:s29+$0xFFFFFFD0] =	vst v5;
	v5 =	vld.idx.msk [tilespmem:v17+s4+$0x0], $0xffff  }
0x1c7: {  	v18 =	vadd.s32 v1, v18;
	v16 =	vand.u32 $0x7FFFFC00, v16;
	v17 =	vmov s13;
	v15 =	vld.idx.msk [tilespmem:v15+s4+$0x0], $0xffff  }
0x1c8: {  	v6 =	vadd.s32 s15, v22;
	v16 =	vadd.s32 s5, v16;
	v3 =	vld.idx.msk [tilespmem:v14+s4+$0x0], $0xffff;
	v14 =	vshll.u32 v17, $0x3;
	[tilespmem:s29+$0x30] =	vst v10  }
0x1c9: {  	s17 =	simm.s32 $0x56;
	v21 =	vadd.s32 v0, v16;
	v17 =	vor.u32 s12, v1;
	[tilespmem:s28+$0xFFFFFFA0] =	vst v4;
	v14 =	vand.u32 $0x7FFFFC00, v14;
	v8 =	vld.idx.msk [tilespmem:v8+s4+$0x0], $0xffff  }
0x1ca: {  	s18 =	simm.s32 $0x4E;
	[tilespmem:s28+$0x10] =	vst v11;
	v12 =	vld.idx.msk [tilespmem:v12+s4+$0x0], $0xffff;
	v10 =	vadd.s32 s13, v14;
	v14 =	vmov s17  }
0x1cb: {  	v9 =	vld.idx.msk [tilespmem:v9+s4+$0x0], $0xffff;
	v23 =	vadd.s32 v0, v10;
	v4 =	vshll.u32 v14, $0x3;
	v14 =	vmov s18;
	[tilespmem:s29+$0xA0] =	vst v5  }
0x1cc: {  	v7 =	vadd.s32 v1, v7;
	v4 =	vand.u32 $0x7FFFFC00, v4;
	v5 =	vshll.u32 v14, $0x3;
	[tilespmem:s29+$0xFFFFFF40] =	vst v15;
	v14 =	vld.idx.msk [tilespmem:v18+s4+$0x0], $0xffff  }
0x1cd: {  	v11 =	vadd.s32 s17, v4;
	v4 =	vand.u32 $0x7FFFFC00, v5;
	v5 =	vadd.s32 v0, v6;
	v18 =	vld.idx.msk [tilespmem:v20+s4+$0x0], $0xffff;
	[tilespmem:s29+$0xFFFFFFE0] =	vst v3  }
0x1ce: {  	v25 =	vor.u32 s19, v1;
	v13 =	vadd.s32 v1, v13;
	v20 =	vadd.s32 v0, v11;
	[tilespmem:s29+$0x40] =	vst v8;
	v8 =	vld.idx.msk [tilespmem:v21+s4+$0x0], $0xffff  }
0x1cf: {  	s20 =	simm.s32 $0x52;
	s21 =	simm.s32 $0x4F;
	v10 =	vadd.s32 v1, v10;
	v3 =	vor.u32 s14, v1;
	v22 =	vadd.s32 s18, v4;
	[tilespmem:s28+$0xFFFFFFB0] =	vst v12;
	v12 =	vld.idx.msk [tilespmem:v17+s4+$0x0], $0xffff  }
0x1d0: {  	s22 =	simm.s32 $0x5D;
	v4 =	vor.u32 s20, v0;
	v21 =	vmov s21;
	v26 =	vadd.s32 v0, v22;
	[tilespmem:s28+$0x80] =	vst v9;
	v15 =	vld.idx.msk [tilespmem:v23+s4+$0x0], $0xffff  }
0x1d1: {  	s23 =	simm.s32 $0x57;
	[tilespmem:s28+$0xFFFFFF10] =	vst v19;
	s7 =	simm.s32 $0x4B;
	v11 =	vadd.s32 v1, v11;
	v17 =	vmov s22;
	v21 =	vshll.u32 v21, $0x3;
	v7 =	vld.idx.msk [tilespmem:v7+s4+$0x0], $0xffff  }
0x1d2: {  	s2 =	simm.s32 $0xC500;
	s8 =	simm.s32 $0x43;
	v23 =	vld.idx.msk [tilespmem:v5+s4+$0x0], $0xffff;
	[tilespmem:s29+$0xB0] =	vst v14;
	v5 =	vmov s23;
	v14 =	vshll.u32 v17, $0x3;
	v17 =	vmov s7  }
0x1d3: {  	s9 =	simm.s32 $0x69;
	[tilespmem:s2+$0xFFFFFF00] =	vst v18;
	v20 =	vld.idx.msk [tilespmem:v20+s4+$0x0], $0xffff;
	v9 =	vand.u32 $0x7FFFFC00, v14;
	v14 =	vshll.u32 v17, $0x3;
	v17 =	vor.u32 s8, v0  }
0x1d4: {  	v22 =	vadd.s32 v1, v22;
	v13 =	vld.idx.msk [tilespmem:v13+s4+$0x0], $0xffff;
	[tilespmem:s28+$0x20] =	vst v8;
	v8 =	vmov s9;
	v5 =	vshll.u32 v5, $0x3  }
0x1d5: {  	s24 =	simm.s32 $0x65;
	[tilespmem:s29+$0xFFFFFF50] =	vst v12;
	v19 =	vld.idx.msk [tilespmem:v26+s4+$0x0], $0xffff;
	v9 =	vadd.s32 s22, v9;
	v14 =	vand.u32 $0x7FFFFC00, v14;
	v26 =	vadd.s32 v1, v6  }
0x1d6: {  	v6 =	vmov s24;
	v8 =	vshll.u32 v8, $0x3;
	[tilespmem:s2+$0xFFFFFF80] =	vst v15;
	v14 =	vadd.s32 s7, v14;
	v15 =	vld.idx.msk [tilespmem:v24+s4+$0x0], $0xffff  }
0x1d7: {  	s25 =	simm.s32 $0x61;
	v6 =	vshll.u32 v6, $0x3;
	v28 =	vadd.s32 v0, v9;
	[tilespmem:s28+$0x90] =	vst v7;
	v24 =	vadd.s32 v0, v14;
	v27 =	vld.idx.msk [tilespmem:v10+s4+$0x0], $0xffff  }
0x1d8: {  	v9 =	vadd.s32 v1, v9;
	v7 =	vor.u32 s25, v1;
	v6 =	vand.u32 $0x7FFFFC00, v6;
	[tilespmem:s28+$0xFFFFFFC0] =	vst v20;
	v12 =	vld.idx.msk [tilespmem:v17+s4+$0x0], $0xffff  }
0x1d9: {  	v10 =	vadd.s32 s24, v6;
	v6 =	vand.u32 $0x7FFFFC00, v8;
	[tilespmem:s2+$0x0] =	vst v23;
	v20 =	vadd.s32 v1, v16;
	v18 =	vld.idx.msk [tilespmem:v11+s4+$0x0], $0xffff  }
0x1da: {  	v17 =	vand.u32 $0x7FFFFC00, v5;
	v29 =	vadd.s32 v0, v10;
	v5 =	vadd.s32 s9, v6;
	[tilespmem:s29+$0xC0] =	vst v19;
	v31 =	vld.idx.msk [tilespmem:v26+s4+$0x0], $0xffff  }
0x1db: {  	[tilespmem:s29+$0x50] =	vst v13;
	v6 =	vand.u32 $0x7FFFFC00, v21;
	v19 =	vor.u32 s8, v1;
	v8 =	vadd.s32 v0, v5;
	v13 =	vld.idx.msk [tilespmem:v22+s4+$0x0], $0xffff  }
0x1dc: {  	s26 =	simm.s32 $0x6C;
	v21 =	vadd.s32 s21, v6;
	v11 =	vadd.s32 v1, v10;
	[tilespmem:s28+$0xFFFFFF20] =	vst v15;
	v22 =	vadd.s32 v1, v2;
	v24 =	vld.idx.msk [tilespmem:v24+s4+$0x0], $0xffff  }
0x1dd: {  	v10 =	vmov s26;
	v2 =	vadd.s32 s23, v17;
	v30 =	vadd.s32 v0, v21;
	v17 =	vld.idx.msk [tilespmem:v25+s4+$0x0], $0xffff;
	[tilespmem:s2+$0xFFFFFF90] =	vst v27  }
0x1de: {  	s0 =	simm.s32 $0x5E;
	s31 =	simm.s32 $0x5A;
	v6 =	vor.u32 s25, v0;
	v15 =	vadd.s32 v1, v14;
	v10 =	vshll.u32 v10, $0x3;
	v14 =	vld.idx.msk [tilespmem:v20+s4+$0x0], $0xffff;
	[tilespmem:s29+$0xFFFFFF60] =	vst v12  }
0x1df: {  	v16 =	vadd.s32 v0, v2;
	v27 =	vmov s0;
	v23 =	vld.idx.msk [tilespmem:v29+s4+$0x0], $0xffff;
	[tilespmem:s28+$0xFFFFFFD0] =	vst v18;
	v18 =	vmov s31  }
0x1e0: {  	s9 =	simm.s32 $0x66;
	v12 =	vadd.s32 v1, v21;
	v21 =	vld.idx.msk [tilespmem:v19+s4+$0x0], $0xffff;
	v19 =	vand.u32 $0x7FFFFC00, v10;
	v20 =	vshll.u32 v18, $0x3  }
0x1e1: {  	v22 =	vld.idx.msk [tilespmem:v22+s4+$0x0], $0xffff;
	[tilespmem:s29+$0xD0] =	vst v13;
	v13 =	vmov s9;
	v18 =	vadd.s32 s26, v19;
	v19 =	vand.u32 $0x7FFFFC00, v20  }
0x1e2: {  	s30 =	simm.s32 $0x5F;
	[tilespmem:s29+$0x60] =	vst v24;
	v20 =	vld.idx.msk [tilespmem:v30+s4+$0x0], $0xffff;
	v24 =	vshll.u32 v13, $0x3;
	v25 =	vadd.s32 v0, v18;
	v13 =	vadd.s32 s31, v19  }
0x1e3: {  	s1 =	simm.s32 $0x8;
	s3 =	simm.s32 $0x6F;
	s7 =	simm.s32 $0x7F;
	v10 =	vor.u32 s20, v1;
	[tilespmem:s2+$0x10] =	vst v31;
	v19 =	vld.idx.msk [tilespmem:v28+s4+$0x0], $0xffff;
	v26 =	vand.u32 $0x7FFFFC00, v24;
	v24 =	vadd.s32 v0, v13  }
.LBB2_13:
0x1e4: {  	s5 =	sadd.s32 $0xFFFFFFF5, s7;
	s1 =	sadd.s32 $0x4, s1;
	v26 =	vadd.s32 s9, v26;
	[tilespmem:s28+$0xFFFFFF30] =	vst v17;
	v17 =	vshll.u32 v27, $0x3;
	v15 =	vld.idx.msk [tilespmem:v15+s4+$0x0], $0xffff;
	s9 =	sadd.s32 $0xFFFFFFF1, s7  }
0x1e5: {  	s10 =	sadd.s32 $0xFFFFFFF9, s7;
	v27 =	vmov s5;
	p1 =	slt.u32 s1, $0xC;
	v28 =	vadd.s32 v0, v26;
	v16 =	vld.idx.msk [tilespmem:v16+s4+$0x0], $0xffff;
	v17 =	vand.u32 $0x7FFFFC00, v17;
	[tilespmem:s29+$0xFFFFFF70] =	vst v21  }
0x1e6: {  	s8 =	sadd.s32 $0xFFFFFFF3, s3;
	v21 =	vor.u32 s9, v0;
	v29 =	vmov s10;
	v27 =	vshll.u32 v27, $0x3;
	v30 =	vld.idx.msk [tilespmem:v4+s4+$0x0], $0xffff;
	[tilespmem:s29+$0xFFFFFFF0] =	vst v22  }
0x1e7: {  	v22 =	vshll.u32 v29, $0x3;
	v4 =	vand.u32 $0x7FFFFC00, v27;
	v25 =	vld.idx.msk [tilespmem:v25+s4+$0x0], $0xffff;
	[tilespmem:s28+$0x30] =	vst v14;
	v14 =	vadd.s32 s0, v17  }
0x1e8: {  	v17 =	vadd.s32 s5, v4;
	v4 =	vand.u32 $0x7FFFFC00, v22;
	v22 =	vld.idx.msk [tilespmem:v24+s4+$0x0], $0xffff;
	v24 =	vadd.s32 v0, v14;
	[tilespmem:s29+$0xE0] =	vst v20  }
0x1e9: {  	v20 =	vadd.s32 v0, v17;
	v27 =	vadd.s32 s10, v4;
	v4 =	vor.u32 s8, v0;
	[tilespmem:s2+$0xFFFFFFA0] =	vst v23;
	v12 =	vld.idx.msk [tilespmem:v12+s4+$0x0], $0xffff  }
0x1ea: {  	v18 =	vadd.s32 v1, v18;
	v23 =	vadd.s32 v0, v27;
	v11 =	vld.idx.msk [tilespmem:v11+s4+$0x0], $0xffff;
	[tilespmem:s28+$0xA0] =	vst v19  }
0x1eb: {  	[tilespmem:s28+$0xFFFFFFE0] =	vst v16;
	v9 =	vld.idx.msk [tilespmem:v9+s4+$0x0], $0xffff  }
0x1ec: {  	v19 =	vadd.s32 v1, v26;
	v16 =	vld.idx.msk [tilespmem:v21+s4+$0x0], $0xffff;
	[tilespmem:s29+$0x70] =	vst v15  }
0x1ed: {  	v13 =	vadd.s32 v1, v13;
	s5 =	sadd.s32 $0xFFFFFFFE, s3;
	v21 =	vmov s30;
	v15 =	vld.idx.msk [tilespmem:v3+s4+$0x0], $0xffff;
	[tilespmem:s28+$0xFFFFFF40] =	vst v30  }
0x1ee: {  	s10 =	sadd.s32 $0xFFFFFFF8, s3;
	v26 =	vmov s5;
	v3 =	vor.u32 s9, v1;
	v21 =	vshll.u32 v21, $0x3;
	v20 =	vld.idx.msk [tilespmem:v20+s4+$0x0], $0xffff;
	[tilespmem:s28+$0x40] =	vst v22  }
0x1ef: {  	s0 =	sadd.s32 $0xFFFFFFF4, s30;
	v14 =	vadd.s32 v1, v14;
	v26 =	vshll.u32 v26, $0x3;
	s9 =	sadd.s32 $0xFFFFFFFC, s30;
	v22 =	vmov s10;
	v8 =	vld.idx.msk [tilespmem:v8+s4+$0x0], $0xffff;
	[tilespmem:s29+$0xF0] =	vst v12;
	s29 =	smov.u32 s28  }
0x1f0: {  	v12 =	vadd.s32 v1, v17;
	v17 =	vmov s9;
	s28 =	smov.u32 s2;
	[tilespmem:s2+$0xFFFFFFB0] =	vst v11;
	v11 =	vand.u32 $0x7FFFFC00, v26;
	v10 =	vld.idx.msk [tilespmem:v10+s4+$0x0], $0xffff;
	s2 =	sadd.s32 $0x200, s2  }
0x1f1: {  	v26 =	vadd.s32 v1, v27;
	v17 =	vshll.u32 v17, $0x3;
	v23 =	vld.idx.msk [tilespmem:v23+s4+$0x0], $0xffff;
	v11 =	vadd.s32 s5, v11;
	[tilespmem:s29+$0xB0] =	vst v9  }
0x1f2: {  	s5 =	sadd.s32 $0xFFFFFFF6, s7;
	v17 =	vand.u32 $0x7FFFFC00, v17;
	v9 =	vld.idx.msk [tilespmem:v28+s4+$0x0], $0xffff;
	[tilespmem:s28+$0x80] =	vst v25;
	v27 =	vadd.s32 v0, v11;
	v25 =	vor.u32 s0, v0  }
0x1f3: {  	s11 =	sadd.s32 $0xFFFFFFFA, s7;
	v28 =	vmov s5;
	[tilespmem:s28+$0xFFFFFF10] =	vst v15;
	v15 =	vshll.u32 v22, $0x3;
	v22 =	vadd.s32 s9, v17;
	v17 =	vld.idx.msk [tilespmem:v24+s4+$0x0], $0xffff  }
0x1f4: {  	s9 =	sadd.s32 $0xFFFFFFF2, s7;
	v24 =	vmov s11;
	[tilespmem:s2+$0xFFFFFF80] =	vst v20;
	v20 =	vshll.u32 v28, $0x3;
	v13 =	vld.idx.msk [tilespmem:v13+s4+$0x0], $0xffff;
	v28 =	vadd.s32 v0, v22  }
0x1f5: {  	v24 =	vshll.u32 v24, $0x3;
	v20 =	vand.u32 $0x7FFFFC00, v20;
	v29 =	vld.idx.msk [tilespmem:v6+s4+$0x0], $0xffff;
	v6 =	vor.u32 s9, v0;
	[tilespmem:s28+$0x20] =	vst v8  }
0x1f6: {  	v15 =	vand.u32 $0x7FFFFC00, v15;
	v8 =	vand.u32 $0x7FFFFC00, v24;
	v30 =	vld.idx.msk [tilespmem:v12+s4+$0x0], $0xffff;
	v12 =	vadd.s32 s5, v20;
	[tilespmem:s29+$0xFFFFFF50] =	vst v10  }
0x1f7: {  	v15 =	vadd.s32 s10, v15;
	v10 =	vadd.s32 s11, v8;
	[tilespmem:s2+$0xFFFFFF00] =	vst v16;
	v24 =	vadd.s32 v0, v12;
	v18 =	vld.idx.msk [tilespmem:v18+s4+$0x0], $0xffff  }
0x1f8: {  	v8 =	vadd.s32 v0, v10;
	[tilespmem:s28+$0xFFFFFFC0] =	vst v9;
	v20 =	vld.idx.msk [tilespmem:v25+s4+$0x0], $0xffff;
	v9 =	vand.u32 $0x7FFFFC00, v21  }
0x1f9: {  	v21 =	vadd.s32 v1, v5;
	v5 =	vmov v10;
	v19 =	vld.idx.msk [tilespmem:v19+s4+$0x0], $0xffff;
	[tilespmem:s29+$0xC0] =	vst v17  }
0x1fa: {  	v10 =	vor.u32 s0, v1;
	v25 =	vadd.s32 s30, v9;
	s30 =	smov.u32 s3;
	s3 =	smov.u32 s7;
	[tilespmem:s29+$0x50] =	vst v13;
	v13 =	vld.idx.msk [tilespmem:v14+s4+$0x0], $0xffff  }
0x1fb: {  	v31 =	vadd.s32 v0, v25;
	[tilespmem:s28+$0xFFFFFF20] =	vst v29;
	v29 =	vadd.s32 v1, v2;
	v28 =	vld.idx.msk [tilespmem:v28+s4+$0x0], $0xffff;
	v2 =	vmov v15  }
0x1fc: {  	v9 =	vadd.s32 v1, v11;
	v15 =	vadd.s32 v1, v22;
	[tilespmem:s2+$0x0] =	vst v23;
	v17 =	vld.idx.msk [tilespmem:v7+s4+$0x0], $0xffff  }
0x1fd: {  	s5 =	sadd.s32 $0xFFFFFFFD, s7;
	v16 =	vadd.s32 v0, v2;
	v32 =	vld.idx.msk [tilespmem:v26+s4+$0x0], $0xffff;
	[tilespmem:s28+$0x90] =	vst v18  }
0x1fe: {  	v11 =	vadd.s32 v1, v12;
	s10 =	sadd.s32 $0xFFFFFFFB, s30;
	v12 =	vadd.s32 v1, v25;
	v18 =	vmov s5;
	v14 =	vld.idx.msk [tilespmem:v21+s4+$0x0], $0xffff;
	[tilespmem:s29+$0xFFFFFF60] =	vst v20  }
.Ltmp10:
0x1ff: {  	s0 =	sadd.s32 $0xFFFFFFFF, s30;
	v7 =	vor.u32 s9, v1;
	v18 =	vshll.u32 v18, $0x3;
	[tilespmem:s28+$0xFFFFFFD0] =	vst v19;
	v19 =	vmov s10;
	v21 =	vld.idx.msk [tilespmem:v10+s4+$0x0], $0xffff;
	(pc) =	sbr.rel @p1 .LBB2_13-.Ltmp10, $4  }
0x200: {  	s9 =	sadd.s32 $0xFFFFFFF7, s7;
	v18 =	vand.u32 $0x7FFFFC00, v18;
	v10 =	vor.u32 s8, v1;
	v19 =	vshll.u32 v19, $0x3;
	v22 =	vld.idx.msk [tilespmem:v29+s4+$0x0], $0xffff;
	[tilespmem:s29+$0xD0] =	vst v13  }
0x201: {  	v13 =	vmov s9;
	v18 =	vadd.s32 s5, v18;
	v19 =	vand.u32 $0x7FFFFC00, v19;
	[tilespmem:s29+$0x60] =	vst v28;
	v20 =	vld.idx.msk [tilespmem:v31+s4+$0x0], $0xffff  }
0x202: {  	v26 =	vshll.u32 v13, $0x3;
	v25 =	vadd.s32 v0, v18;
	[tilespmem:s2+$0xFFFFFF90] =	vst v30;
	v13 =	vadd.s32 s10, v19;
	v19 =	vld.idx.msk [tilespmem:v27+s4+$0x0], $0xffff  }
0x203: {  	s7 =	sadd.s32 $0x10, s7;
	v26 =	vand.u32 $0x7FFFFC00, v26;
	v27 =	vmov s0;
	v23 =	vld.idx.msk [tilespmem:v24+s4+$0x0], $0xffff;
	[tilespmem:s2+$0x10] =	vst v32;
	v24 =	vadd.s32 v0, v13  }
0x204: {  	_ =	sdelay $0x1  }
0x205: {  	[tilespmem:s28+$0xFFFFFF30] =	vst v17  }
0x206: {  	[tilespmem:s29+$0xFFFFFF70] =	vst v21  }
0x207: {  	v60 =	vld.idx.msk [tilespmem:v25+s4+$0x0], $0xffff;
	[tilespmem:s28+$0x30] =	vst v14  }
0x208: {  	v16 =	vld.idx.msk [tilespmem:v16+s4+$0x0], $0xffff;
	v61 =	vadd.s32 v1, v18;
	[tilespmem:s29+$0xFFFFFFF0] =	vst v22  }
0x209: {  	v15 =	vld.idx.msk [tilespmem:v15+s4+$0x0], $0xffff;
	s1 =	sadd.s32 $0xFFFFFFFE, s3;
	[tilespmem:s29+$0xE0] =	vst v20  }
0x20a: {  	v3 =	vld.idx.msk [tilespmem:v3+s4+$0x0], $0xffff;
	v62 =	vmov s1;
	[tilespmem:s28+$0xA0] =	vst v19  }
0x20b: {  	v8 =	vld.idx.msk [tilespmem:v8+s4+$0x0], $0xffff;
	v18 =	vshll.u32 v62, $0x3;
	[tilespmem:s2+$0xFFFFFFA0] =	vst v23  }
0x20c: {  	v4 =	vld.idx.msk [tilespmem:v4+s4+$0x0], $0xffff;
	v18 =	vand.u32 $0x7FFFFC00, v18;
	[tilespmem:s2+$0x80] =	vst v60  }
0x20d: {  	v21 =	vadd.s32 s1, v18;
	[tilespmem:s28+$0xFFFFFFE0] =	vst v16;
	v14 =	vld.idx.msk [tilespmem:v61+s4+$0x0], $0xffff  }
0x20e: {  	v63 =	vld.idx.msk [tilespmem:v24+s4+$0x0], $0xffff;
	[tilespmem:s29+$0x70] =	vst v15;
	v22 =	vadd.s32 v0, v21  }
0x20f: {  	v5 =	vadd.s32 v1, v5;
	v23 =	vadd.s32 s9, v26;
	v11 =	vld.idx.msk [tilespmem:v11+s4+$0x0], $0xffff;
	[tilespmem:s2+$0xFFFFFF10] =	vst v3  }
0x210: {  	v12 =	vld.idx.msk [tilespmem:v12+s4+$0x0], $0xffff;
	v3 =	vadd.s32 v0, v23;
	[tilespmem:s2+$0x20] =	vst v8  }
0x211: {  	[tilespmem:s28+$0xFFFFFF40] =	vst v4;
	v25 =	vld.idx.msk [tilespmem:v6+s4+$0x0], $0xffff  }
0x212: {  	v9 =	vld.idx.msk [tilespmem:v9+s4+$0x0], $0xffff;
	[tilespmem:s2+$0x90] =	vst v14  }
0x213: {  	v2 =	vadd.s32 v1, v2;
	v24 =	vshll.u32 v27, $0x3;
	[tilespmem:s28+$0x40] =	vst v63;
	v27 =	vld.idx.msk [tilespmem:v22+s4+$0x0], $0xffff  }
0x214: {  	s23 =	sadd.s32 $0xFFFFFFFB, s3;
	v18 =	vand.u32 $0x7FFFFC00, v24;
	v28 =	vadd.s32 v1, v21;
	v5 =	vld.idx.msk [tilespmem:v5+s4+$0x0], $0xffff;
	[tilespmem:s2+$0xFFFFFFB0] =	vst v11  }
0x215: {  	v13 =	vadd.s32 v1, v13;
	s7 =	sadd.s32 $0xFFFFFFFF, s3;
	v30 =	vmov s23;
	v26 =	vadd.s32 s0, v18;
	[tilespmem:s29+$0xF0] =	vst v12;
	v3 =	vld.idx.msk [tilespmem:v3+s4+$0x0], $0xffff  }
0x216: {  	s5 =	sadd.s32 $0xFFFFFFF4, s30;
	v32 =	vmov s7;
	v18 =	vadd.s32 v0, v26;
	v4 =	vshll.u32 v30, $0x3;
	v10 =	vld.idx.msk [tilespmem:v10+s4+$0x0], $0xffff;
	[tilespmem:s2+$0xFFFFFF20] =	vst v25  }
0x217: {  	s22 =	sadd.s32 $0xFFFFFFF3, s3;
	v31 =	vor.u32 s5, v0;
	v35 =	vshll.u32 v32, $0x3;
	v4 =	vand.u32 $0x7FFFFC00, v4;
	[tilespmem:s28+$0xB0] =	vst v9;
	v7 =	vld.idx.msk [tilespmem:v7+s4+$0x0], $0xffff  }
0x218: {  	s8 =	sadd.s32 $0xFFFFFFFC, s30;
	v29 =	vor.u32 s22, v0;
	v8 =	vand.u32 $0x7FFFFC00, v35;
	v2 =	vld.idx.msk [tilespmem:v2+s4+$0x0], $0xffff;
	v4 =	vadd.s32 s23, v4;
	[tilespmem:s2+$0xA0] =	vst v27  }
0x219: {  	v36 =	vmov s8;
	v8 =	vadd.s32 s7, v8;
	v38 =	vadd.s32 v0, v4;
	[tilespmem:s2+$0x30] =	vst v5;
	v11 =	vld.idx.msk [tilespmem:v28+s4+$0x0], $0xffff  }
0x21a: {  	v37 =	vshll.u32 v36, $0x3;
	v13 =	vld.idx.msk [tilespmem:v13+s4+$0x0], $0xffff;
	[tilespmem:s2+$0xFFFFFFC0] =	vst v3;
	v3 =	vadd.s32 v0, v8  }
0x21b: {  	v33 =	vadd.s32 v1, v23;
	v12 =	vand.u32 $0x7FFFFC00, v37;
	v34 =	vld.idx.msk [tilespmem:v18+s4+$0x0], $0xffff;
	[tilespmem:s28+$0xFFFFFF50] =	vst v10  }
0x21c: {  	v6 =	vadd.s32 v1, v26;
	v12 =	vadd.s32 s8, v12;
	v9 =	vld.idx.msk [tilespmem:v31+s4+$0x0], $0xffff;
	[tilespmem:s2+$0xFFFFFF30] =	vst v7  }
0x21d: {  	s24 =	sadd.s32 $0xFFFFFFF8, s3;
	v42 =	vmov s30;
	v47 =	vmov s3;
	v39 =	vadd.s32 v0, v12;
	[tilespmem:s28+$0xFFFFFFF0] =	vst v2;
	v14 =	vld.idx.msk [tilespmem:v29+s4+$0x0], $0xffff  }
0x21e: {  	v40 =	vmov s24;
	v41 =	vor.u32 s22, v1;
	v10 =	vld.idx.msk [tilespmem:v38+s4+$0x0], $0xffff;
	[tilespmem:s2+$0xB0] =	vst v11  }
0x21f: {  	v43 =	vor.u32 s5, v1;
	v4 =	vadd.s32 v1, v4;
	v5 =	vshll.u32 v42, $0x3;
	[tilespmem:s28+$0x50] =	vst v13;
	v3 =	vld.idx.msk [tilespmem:v3+s4+$0x0], $0xffff  }
0x220: {  	s25 =	sadd.s32 $0xFFFFFFFC, s3;
	v15 =	vshll.u32 v40, $0x3;
	v5 =	vand.u32 $0x7FFFFC00, v5;
	[tilespmem:s28+$0xC0] =	vst v34;
	v8 =	vadd.s32 v1, v8;
	v16 =	vld.idx.msk [tilespmem:v33+s4+$0x0], $0xffff  }
0x221: {  	v45 =	vmov s25;
	v44 =	vand.u32 $0x7FFFFC00, v15;
	v5 =	vadd.s32 s30, v5;
	v6 =	vld.idx.msk [tilespmem:v6+s4+$0x0], $0xffff;
	[tilespmem:s28+$0xFFFFFF60] =	vst v9  }
0x222: {  	v46 =	vadd.s32 v0, v5;
	v7 =	vld.idx.msk [tilespmem:v39+s4+$0x0], $0xffff;
	v9 =	vshll.u32 v45, $0x3;
	v11 =	vadd.s32 s24, v44;
	[tilespmem:s2+$0xFFFFFF40] =	vst v14  }
0x223: {  	s26 =	sadd.s32 $0xFFFFFFF4, s3;
	v50 =	vshll.u32 v47, $0x3;
	[tilespmem:s2+$0x40] =	vst v10;
	v9 =	vand.u32 $0x7FFFFC00, v9;
	v48 =	vld.idx.msk [tilespmem:v41+s4+$0x0], $0xffff;
	v52 =	vadd.s32 v0, v11  }
0x224: {  	v51 =	vor.u32 s26, v0;
	v10 =	vand.u32 $0x7FFFFC00, v50;
	v9 =	vadd.s32 s25, v9;
	v4 =	vld.idx.msk [tilespmem:v4+s4+$0x0], $0xffff;
	[tilespmem:s2+$0xC0] =	vst v3  }
0x225: {  	v54 =	vadd.s32 s3, v10;
	[tilespmem:s2+$0xFFFFFFD0] =	vst v16;
	v3 =	vadd.s32 v0, v9;
	v53 =	vld.idx.msk [tilespmem:v8+s4+$0x0], $0xffff  }
0x226: {  	v49 =	vld.idx.msk [tilespmem:v43+s4+$0x0], $0xffff;
	v55 =	vadd.s32 v0, v54;
	[tilespmem:s28+$0xD0] =	vst v6  }
0x227: {  	v56 =	vadd.s32 v1, v12;
	[tilespmem:s28+$0x60] =	vst v7;
	v57 =	vld.idx.msk [tilespmem:v46+s4+$0x0], $0xffff  }
0x228: {  	v5 =	vadd.s32 v1, v5;
	[tilespmem:s2+$0xFFFFFF50] =	vst v48;
	v59 =	vld.idx.msk [tilespmem:v52+s4+$0x0], $0xffff  }
0x229: {  	v61 =	vadd.s32 v1, v11;
	[tilespmem:s2+$0x50] =	vst v4;
	v58 =	vld.idx.msk [tilespmem:v51+s4+$0x0], $0xffff  }
0x22a: {  	v60 =	vor.u32 s26, v1;
	v3 =	vld.idx.msk [tilespmem:v3+s4+$0x0], $0xffff;
	[tilespmem:s2+$0xD0] =	vst v53  }
0x22b: {  	v2 =	vadd.s32 v1, v9;
	[tilespmem:s28+$0xFFFFFF70] =	vst v49;
	v6 =	vld.idx.msk [tilespmem:v55+s4+$0x0], $0xffff  }
0x22c: {  	v62 =	vld.idx.msk [tilespmem:v56+s4+$0x0], $0xffff;
	[tilespmem:s28+$0xE0] =	vst v57;
	v8 =	vadd.s32 v1, v54  }
0x22d: {  	v5 =	vld.idx.msk [tilespmem:v5+s4+$0x0], $0xffff;
	[tilespmem:s2+$0xFFFFFFE0] =	vst v59  }
0x22e: {  	[tilespmem:s2+$0xFFFFFF60] =	vst v58;
	v4 =	vld.idx.msk [tilespmem:v61+s4+$0x0], $0xffff  }
0x22f: {  	v63 =	vld.idx.msk [tilespmem:v60+s4+$0x0], $0xffff;
	[tilespmem:s2+$0x60] =	vst v3  }
0x230: {  	v2 =	vld.idx.msk [tilespmem:v2+s4+$0x0], $0xffff;
	[tilespmem:s2+$0xE0] =	vst v6  }
0x231: {  	[tilespmem:s28+$0x70] =	vst v62;
	v3 =	vld.idx.msk [tilespmem:v8+s4+$0x0], $0xffff  }
0x232: {  	[tilespmem:s28+$0xF0] =	vst v5  }
0x233: {  	[tilespmem:s2+$0xFFFFFFF0] =	vst v4  }
0x234: {  	[tilespmem:s2+$0xFFFFFF70] =	vst v63  }
0x235: {  	[tilespmem:s2+$0x70] =	vst v2  }
0x236: {  	s31 =	simm.s32 $0x5;
	[tilespmem:s2+$0xF0] =	vst v3  }
.Ltmp11:
0x237: {  	s30 =	simm.s32 $0xC000;
	s29 =	rddreg [dreg:$0x7];
	(pc) =	sbr.rel .LBB2_15-.Ltmp11, $4  }
0x238: {  	[hbm4b:s29+s4] =	stream.linear.scatter [tilespmem:s30], [sflag:$0x5], $0x800, $0x38;
	[tilespmem:$0x18000] =	vst v63  }
0x239: {  	_ =	swait.ge [sflag:s31], $0x800  }
0x23a: {  	[sflag:s31] =	ssyncset.done $0x0  }
0x23b: {  	s1 =	rddreg [dreg:$0xc];
	[sflag:s31] =	ssyncadd.s32 $0xFFFFF800  }
.LBB2_16:
0x23c: {  	_ =	sfence.sel $0x180000  }
0x23d: {  	[bflag:$0x0] =	sbarrier.arrive $0xFFFF  }
0x23e: {  	_ =	strace $0x90000047  }
0x23f: {  	s0 =	stileid.u32;
	[bflag:$0x2] =	sbarrier.arrive $0xFFFF  }
0x240: {  	p0 =	sne.s32 s0, $0x0;
	s0 =	rddreg [dreg:$0x3]  }
0x241: {  	s0 =	sadd.s32 @!p0 $0x100000, s0  }
0x242: {  	[sflag:s0] =	ssyncadd.tile.s32 @!p0 $0x1;
	_ =	shalt  }
.Lfunc_end2:
_tile_overlayer_lowered:
.L_overlay_start_2:
0x243: {  	(tag) =	ssettag $0x2  }
0x244: {  	s0 =	rddreg [dreg:$0x0];
	s2 =	stileid.u32  }
0x245: {  	s1 =	rddreg [dreg:$0x1];
	p0 =	sne.s32 s2, $0x0  }
0x246: {  	s3 =	rddreg [dreg:$0x2];
	[bflag:$0x3] =	sbarrier.arrive $0xFFFF;
	s2 =	simm.s32 @!p0 $0x1C05  }
0x247: {  	[timem:s3], [sflag:s2] =	dma.local @!p0 [hbm:s0], s1  }
0x248: {  	s0 =	simm.s32 @!p0 $0x5  }
0x249: {  	_ =	swait.ge @!p0 [sflag:s0], s1  }
0x24a: {  	s1 =	ssub.s32 @!p0 $0x0, s1;
	[sflag:s0] =	ssyncset.done @!p0 $0x0  }
0x24b: {  	[sflag:s0] =	ssyncadd.s32 @!p0 s1  }
0x24c: {  	[bflag:$0x3] =	sbarrier.arrive $0xFFFF  }
0x24d: {  	_ =	shalt  }

// kernel: kernel.7.cloned.1.call-start
scs
__scs_entry_jumppad:
0x0: {  	(pc) =	sbr.rel $0x88, $3  }
0x1: {  	(tag) =	ssettag $0x0;
	lr =	simm.s32 $0x1  }
0x2: {  	[smem:$0x3F9F] =	sst lr;
	_ =	strace $0xD0000000  }
0x3: {  	_ = 	snop  }
0x4: {  	_ = 	snop  }
0x5: {  	_ = 	snop  }
0x6: {  	_ = 	snop  }
0x7: {  	_ = 	snop  }
__scs_overlays_trampoline_lowered:
0x8: {  	[smem:$0x3FAE] =	sst s0  }
0x9: {  	[smem:$0x3FAF] =	sst s1  }
0xa: {  	[smem:$0x3FB0] =	sst s2  }
0xb: {  	[smem:$0x3FB1] =	sst s3  }
0xc: {  	[smem:$0x3FB2] =	sst s4  }
0xd: {  	[smem:$0x3FB3] =	sst s5  }
0xe: {  	[smem:$0x3FB4] =	sst s6  }
0xf: {  	[smem:$0x3FB5] =	sst s7  }
0x10: {  	[smem:$0x3FB6] =	sst s8  }
0x11: {  	[smem:$0x3FB7] =	sst s9;
	s0 =	simm.s32 @!p0 $0x0  }
0x12: {  	s1 =	sld [smem:$0x3F9D];
	s0 =	simm.s32 @p0 $0x1  }
0x13: {  	[smem:$0x3FB8] =	sst s0;
	s0 =	simm.s32 @!p1 $0x0  }
0x14: {  	s2 =	sld [smem:$0x3F9C];
	s0 =	simm.s32 @p1 $0x1  }
0x15: {  	[smem:$0x3FB9] =	sst s0;
	s0 =	simm.s32 @!p2 $0x0  }
0x16: {  	s3 =	sld [smem:$0x3FDB];
	s0 =	simm.s32 @p2 $0x1  }
0x17: {  	s4 =	simm.s32 $0x1BF5;
	[smem:$0x3FBB] =	sst s0  }
0x18: {  	s0 =	sld [smem:$0x3F9E];
	_ =	swait.ge [sflag:s4], $0x0  }
0x19: {  	s7 =	sld [smem:$0x3F9F]  }
0x1a: {  	s8 =	sadd.s32 $0xFFFFE003, lr  }
0x1b: {  	s9 =	sadd.s32 $0xFFFFFEF7, lr;
	s5 =	simm.s32 $0xFFFFFFFF;
	p2 =	slt.u32 s8, $0xFFFFF086  }
0x1c: {  	p1 =	slt.u32 s9, $0xF7A;
	s5 =	simm.s32 @!p2 $0x0  }
0x1d: {  	s5 =	simm.s32 @p1 $0x1;
	p0 =	seq.s32 s7, s2  }
0x1e: {  	s7 =	smul.u32 @!p0 $0xF7A, s2;
	p2 =	seq.s32 @!p0 s5, $0x0  }
0x1f: {  	s9 =	smul.u32 $0xF7A, s1;
	s8 =	simm.s32 @!p0 $0x1BF5;
	p2 =	por !p2, p0  }
0x20: {  	[sflag:s8] =	ssyncset.s32 @!p0 $0xFFFFF086;
	s6 =	sadd.s32 @!p0 s3, s7;
	s7 =	simm.s32 @!p0 $0x108  }
0x21: {  	s3 =	sadd.s32 s3, s9;
	s6 =	sadd.s32 @!p0 $0x88, s6;
	s7 =	simm.s32 @p2 $0x1082  }
0x22: {  	[simem:s7], [sflag:s8] =	dma.local @!p0 [hbm:s6], $0xF7A  }
0x23: {  	s9 =	sor.u32 $0xD0000000, s2;
	s6 =	simm.s32 $0x108;
	_ =	swait.ge @!p0 [sflag:s8], $0x0  }
0x24: {  	s3 =	sadd.s32 $0x88, s3;
	s6 =	simm.s32 @!p1 $0x1082;
	[sflag:s4] =	ssyncset.s32 $0xFFFFF086  }
0x25: {  	[simem:s6], [sflag:s4] =	dma.local [hbm:s3], $0xF7A  }
0x26: {  	[smem:$0x3F9F] =	sst s1;
	(tag) =	ssettag s2;
	_ =	strace s9  }
0x27: {  	s1 =	sld [smem:$0x3FAF]  }
0x28: {  	s2 =	sld [smem:$0x3FB0]  }
0x29: {  	s4 =	sld [smem:$0x3FB2]  }
0x2a: {  	p0 =	seq.s32 s5, $0x0;
	s5 =	sld [smem:$0x3FB3]  }
0x2b: {  	s6 =	sld [smem:$0x3FB4]  }
0x2c: {  	s7 =	sld [smem:$0x3FB5]  }
0x2d: {  	s3 =	simm.s32 $0x108;
	s8 =	sld [smem:$0x3FB6]  }
0x2e: {  	s3 =	simm.s32 @!p0 $0x1082;
	s9 =	sld [smem:$0x3FB7]  }
0x2f: {  	lr =	sadd.s32 s0, s3;
	s0 =	sld [smem:$0x3FAE]  }
0x30: {  	s3 =	sld [smem:$0x3FB1]  }
0x31: {  	[smem:$0x3FBA] =	sst s10  }
0x32: {  	s10 =	sld [smem:$0x3FB8];
	_ =	sdelay $0x3  }
0x33: {  	p0 =	seq.s32 s10, $0x1;
	s10 =	sld [smem:$0x3FBA];
	_ =	sdelay $0x3  }
0x34: {  	[smem:$0x3FBA] =	sst s10  }
0x35: {  	s10 =	sld [smem:$0x3FB9];
	_ =	sdelay $0x3  }
0x36: {  	p1 =	seq.s32 s10, $0x1;
	s10 =	sld [smem:$0x3FBA];
	_ =	sdelay $0x3  }
0x37: {  	[smem:$0x3FBA] =	sst s10  }
0x38: {  	s10 =	sld [smem:$0x3FBB]  }
0x39: {  	_ = 	snop;
	(pc) =	sbr.ind lr, $3  }
0x3a: {  	_ = 	snop  }
0x3b: {  	_ = 	snop  }
0x3c: {  	p2 =	seq.s32 s10, $0x1;
	s10 =	sld [smem:$0x3FBA]  }
0x3d: {  	_ =	shalt  }
0x3e: {  	_ =	shalt  }
0x3f: {  	_ =	shalt  }
0x40: {  	_ =	shalt  }
0x41: {  	_ =	shalt  }
0x42: {  	_ =	shalt  }
0x43: {  	_ =	shalt  }
0x44: {  	_ =	shalt  }
0x45: {  	_ =	shalt  }
0x46: {  	_ =	shalt  }
0x47: {  	_ =	shalt  }
0x48: {  	_ =	shalt  }
0x49: {  	_ =	shalt  }
0x4a: {  	_ =	shalt  }
0x4b: {  	_ =	shalt  }
0x4c: {  	_ =	shalt  }
0x4d: {  	_ =	shalt  }
0x4e: {  	_ =	shalt  }
0x4f: {  	_ =	shalt  }
0x50: {  	_ =	shalt  }
0x51: {  	_ =	shalt  }
0x52: {  	_ =	shalt  }
0x53: {  	_ =	shalt  }
0x54: {  	_ =	shalt  }
0x55: {  	_ =	shalt  }
0x56: {  	_ =	shalt  }
0x57: {  	_ =	shalt  }
0x58: {  	_ =	shalt  }
0x59: {  	_ =	shalt  }
0x5a: {  	_ =	shalt  }
0x5b: {  	_ =	shalt  }
0x5c: {  	_ =	shalt  }
0x5d: {  	_ =	shalt  }
0x5e: {  	_ =	shalt  }
0x5f: {  	_ =	shalt  }
0x60: {  	_ =	shalt  }
0x61: {  	_ =	shalt  }
0x62: {  	_ =	shalt  }
0x63: {  	_ =	shalt  }
0x64: {  	_ =	shalt  }
0x65: {  	_ =	shalt  }
0x66: {  	_ =	shalt  }
0x67: {  	_ =	shalt  }
0x68: {  	_ =	shalt  }
0x69: {  	_ =	shalt  }
0x6a: {  	_ =	shalt  }
0x6b: {  	_ =	shalt  }
0x6c: {  	_ =	shalt  }
0x6d: {  	_ =	shalt  }
0x6e: {  	_ =	shalt  }
0x6f: {  	_ =	shalt  }
0x70: {  	_ =	shalt  }
0x71: {  	_ =	shalt  }
0x72: {  	_ =	shalt  }
0x73: {  	_ =	shalt  }
0x74: {  	_ =	shalt  }
0x75: {  	_ =	shalt  }
0x76: {  	_ =	shalt  }
0x77: {  	_ =	shalt  }
0x78: {  	_ =	shalt  }
0x79: {  	_ =	shalt  }
0x7a: {  	_ =	shalt  }
0x7b: {  	_ =	shalt  }
0x7c: {  	_ =	shalt  }
0x7d: {  	_ =	shalt  }
0x7e: {  	_ =	shalt  }
0x7f: {  	_ =	shalt  }
0x80: {  	_ =	shalt  }
0x81: {  	_ =	shalt  }
0x82: {  	_ =	shalt  }
0x83: {  	_ =	shalt  }
0x84: {  	_ =	shalt  }
0x85: {  	_ =	shalt  }
0x86: {  	_ =	shalt  }
0x87: {  	_ =	shalt  }
.Lfunc_end0:
.L_simem_size_0:
called_computation.1_lowered:
.L_overlay_start_0:
0x88: {  	s2 =	sld [smem:$0x3FD9]  }
0x89: {  	s3 =	sld [smem:$0x3FFE];
	_ =	sdelay $0x1  }
0x8a: {  	s1 =	srdreg.scid  }
0x8b: {  	s0 =	sand.u32 $0x1, s1  }
0x8c: {  	s17 =	sshll.u32 s0, $0xA;
	s2 =	sadd.s32 s3, s2  }
0x8d: {  	s2 =	sadd.s32 s2, s17  }
0x8e: {  	[smem:$0x3FC6] =	sst s2  }
0x8f: {  	_ = 	snop  }
0x90: {  	s2 =	sld [smem:$0x3FC9]  }
0x91: {  	s18 =	sld [smem:$0x3FD0];
	(tm) =	ssettm $0x1  }
0x92: {  	s4 =	sld [smem:$0x3FFB];
	_ =	sdelay $0x3  }
0x93: {  	_ =	strace s4  }
0x94: {  	s4 =	sld [smem:$0x3FFC];
	_ =	sdelay $0x3  }
0x95: {  	_ =	strace s4  }
0x96: {  	s4 =	sld [smem:$0x3FFD];
	_ =	sdelay $0x3  }
0x97: {  	_ =	strace s4  }
0x98: {  	_ =	strace $0x8FFFFFFF  }
0x99: {  	s19 =	sld [smem:$0x3FDB];
	_ =	sdelay $0x1  }
0x9a: {  	s5 =	simm.s32 $_scs_section_size  }
0x9b: {  	s6 =	simm.s32 $_size__tile_overlayer_lowered;
	s7 =	simm.s32 $_tile_overlayer_lowered  }
0x9c: {  	s22 =	simm.s32 $0x1BFF;
	s21 =	sshll.u32 s7, $0x1;
	s4 =	sadd.s32 s5, s19  }
0x9d: {  	s8 =	simm.s32 $0x0;
	s20 =	sshll.u32 s6, $0x1;
	s6 =	sadd.s32 s21, s4  }
0x9e: {  	[timem:s8], [sflag:s22] =	dma.local [hbm:s6], s20  }
0x9f: {  	_ =	swait.ge [sflag:s22], s20  }
0xa0: {  	s5 =	ssub.s32 $0x0, s20;
	[sflag:s22] =	ssyncset.done $0x0  }
0xa1: {  	[sflag:s22] =	ssyncadd.s32 s5;
	_ =	sdelay $0x1  }
0xa2: {  	s23 =	simm.s32 $0x1B8B  }
0xa3: {  	_ =	swait.ge [sflag:s23], $0x1  }
0xa4: {  	[sflag:s23] =	ssyncset.done $0x0  }
0xa5: {  	s25 =	simm.s32 $0x1B8E;
	s24 =	sld [smem:$0x3FFE];
	[sflag:s23] =	ssyncadd.s32 $0xFFFFFFFF  }
0xa6: {  	s26 =	simm.s32 $execute0_lowered;
	[smem:$0x3FD2] =	sst s25  }
0xa7: {  	s6 =	sshll.u32 s26, $0x1;
	_ =	strace $0x80000049;
	[dreg:$0x1] =	wrdreg $0xFFFFFFFF  }
0xa8: {  	s28 =	simm.s32 $_size_execute0_lowered;
	s4 =	sadd.s32 s4, s6;
	[dreg:$0x0] =	wrdreg $0x0  }
0xa9: {  	s6 =	sshll.u32 s28, $0x1;
	[dreg:$0x2] =	wrdreg s4  }
0xaa: {  	[dreg:$0x3] =	wrdreg s6  }
0xab: {  	[dreg:$0x4] =	wrdreg $0xC0  }
0xac: {  	_ =	task [dreg:s8], $0x5FFFF  }
0xad: {  	[dreg:$0x1] =	wrdreg $0xFFFFFFFF  }
0xae: {  	[dreg:$0x0] =	wrdreg $0x60  }
0xaf: {  	[dreg:$0x2] =	wrdreg s2  }
0xb0: {  	[dreg:$0x3] =	wrdreg s24  }
0xb1: {  	[dreg:$0x4] =	wrdreg s18  }
0xb2: {  	[dreg:$0x5] =	wrdreg $0x9  }
0xb3: {  	_ =	task.clear_ibuf [dreg:s8], $0x6FFFF;
	_ =	strace $0x90000049  }
0xb4: {  	s29 =	simm.s32 $0x9;
	_ =	strace $0x8000004B  }
0xb5: {  	_ =	swait.ge [sflag:s29], $0x1  }
0xb6: {  	[sflag:s29] =	ssyncadd.s32 $0xFFFFFFFF  }
0xb7: {  	_ =	strace $0x9000004B  }
0xb8: {  	_ =	sfence  }
0xb9: {  	s30 =	sld [smem:$0x0];
	_ =	sdelay $0x2  }
0xba: {  	s31 =	sshll.u32 s1, $0xD;
	s1 =	sshrl.u32 s1, $0x2  }
0xbb: {  	s3 =	sand.u32 $0x4000, s31;
	s1 =	sadd.s32 s1, s30  }
0xbc: {  	s0 =	sor.u32 s3, s0;
	s1 =	sshll.u32 s1, $0x11  }
0xbd: {  	s0 =	sor.u32 s1, s0  }
0xbe: {  	s0 =	sadd.s32 $0x8F2B, s0  }
0xbf: {  	[sflag:s0] =	ssyncadd.remote.s32 $0x1  }
0xc0: {  	_ =	sfence.sel $0xFFFF  }
0xc1: {  	[dreg:$0x0] =	wrdreg $0xFFFFFFFF;
	(pc) =	sbr.abs _section_cstart, $3  }
0xc2: {  	[dreg:$0x1] =	wrdreg $0xFFFFFFFF  }
0xc3: {  	_ =	task.clear_ibuf [dreg:s8], $0x2FFFF;
	_ =	strace $0x9FFFFFFF  }
0xc4: {  	(tm) =	ssettm $0x7FFFFFFF  }
0xc5: {  	_ =	shalt  }
tec
execute0_lowered:
.L_overlay_start_1:
0x0: {  	(tag) =	ssettag $0x1  }
0x1: {  	s0 =	rddreg [dreg:$0x0]  }
0x2: {  	s1 =	rddreg [dreg:$0x1]  }
0x3: {  	s2 =	rddreg [dreg:$0x2]  }
0x4: {  	s3 =	srdreg.scid;
	s6 =	simm.s32 $0x0;
	s4 =	stileid.u32  }
0x5: {  	s8 =	simm.s32 $0x400;
	s9 =	simm.s32 $0x8000;
	s10 =	simm.s32 $0x5  }
0x6: {  	s11 =	simm.s32 $0x80;
	s13 =	simm.s32 $0xC800;
	s15 =	simm.s32 $0x10800  }
0x7: {  	s16 =	simm.s32 $0x1;
	s17 =	simm.s32 $0x14800;
	s18 =	simm.s32 $0x2  }
0x8: {  	s19 =	simm.s32 $0x15800;
	s20 =	simm.s32 $0x3;
	s3 =	sand.u32 $0x1, s3  }
0x9: {  	v0 =	vlaneseq.u32;
	s4 =	sshll.u32 s4, $0xB;
	s5 =	ssub.s32 $0x2, s3;
	s3 =	sshll.u32 s3, $0xA  }
.Ltmp0:
0xa: {  	s21 =	simm.s32 $0x4;
	v0 =	vmul.u32 $0x80, v0;
	s4 =	sor.u32 s3, s4;
	(pc) =	sbr.rel .LBB2_1-.Ltmp0, $4  }
0xb: {  	s22 =	simm.s32 $0x0;
	s28 =	sshrl.u32 s5, $0x1;
	s30 =	sshrl.u32 s4, $0x3  }
0xc: {  	[smem:$0x7FF] =	sst s6;
	v1 =	vor.u32 $0x800, v0;
	s29 =	ssub.s32 s5, s28;
	s0 =	sadd.s32 s0, s30  }
0xd: {  	_ =	strace $0x8000004A;
	v2 =	vor.u32 $0x1000, v0;
	v3 =	vor.u32 $0x1800, v0;
	v4 =	vor.u32 $0x2000, v0;
	s31 =	smax.u32 s29, $0x1;
	[dreg:$0x4] =	wrdreg s0  }
0xe: {  	s23 =	simm.s32 $0x0;
	v5 =	vor.u32 $0x2800, v0;
	v6 =	vor.u32 $0x3000, v0;
	v7 =	vor.u32 $0x3800, v0;
	s5 =	sadd.s32 $0x800, s1;
	[dreg:$0x5] =	wrdreg s31  }
.LBB2_10:
0xf: {  	_ =	swait.ge [sflag:s20], $0x1000  }
0x10: {  	[sflag:s20] =	ssyncset.done $0x0  }
0x11: {  	[sflag:s20] =	ssyncadd.s32 $0xFFFFF000  }
0x12: {  	_ =	swait.ge [sflag:s21], $0x1000  }
0x13: {  	s22 =	sadd.s32 $0x1, s22;
	s0 =	rddreg [dreg:$0x5]  }
0x14: {  	p0 =	sne.s32 s22, s0  }
.Ltmp1:
0x15: {  	_ = 	snop;
	(pc) =	sbr.rel @!p0 .LBB2_11-.Ltmp1, $3  }
0x16: {  	_ =	sdelay $0x1  }
0x17: {  	[sflag:s21] =	ssyncset.done $0x0  }
0x18: {  	[sflag:s21] =	ssyncadd.s32 $0xFFFFF000  }
.LBB2_1:
0x19: {  	s0 =	simm.s32 $0x0;
	s1 =	rddreg [dreg:$0x4]  }
0x1a: {  	[tilespmem:s0], [sflag:$0x5] =	stream.strided.gather [hbm4b:s1+s8], $0x6400, s9, s8, $0x38;
	[tilespmem:$0x16800] =	vst v63  }
0x1b: {  	_ =	swait.ge [sflag:s10], $0x6400  }
0x1c: {  	[sflag:s10] =	ssyncset.done $0x0  }
0x1d: {  	s1 =	simm.s32 $0x0;
	[sflag:s10] =	ssyncadd.s32 $0xFFFF9C00  }
0x1e: {  	v9 =	vld [tilespmem:s1+$0x70]  }
0x1f: {  	v12 =	vld [tilespmem:s1+$0x0]  }
0x20: {  	v13 =	vld [tilespmem:s1+$0x10]  }
0x21: {  	v11 =	vld [tilespmem:s1+$0x20]  }
0x22: {  	v10 =	vld [tilespmem:s1+$0x30]  }
0x23: {  	v8 =	vld [tilespmem:s1+$0x40];
	v14 =	vshrl.u32 v9, $0x2  }
0x24: {  	v9 =	vld [tilespmem:s1+$0x50];
	v12 =	vshrl.u32 v12, $0x2;
	[tilespmem:s1+$0x6470] =	vst v14  }
0x25: {  	s3 =	simm.s32 $0x400;
	s0 =	simm.s32 $0x80;
	v13 =	vshrl.u32 v13, $0x2;
	[tilespmem:s1+$0x6400] =	vst v12;
	v12 =	vld [tilespmem:s1+$0x60]  }
.LBB2_2:
0x26: {  	p0 =	sne.s32 s3, $0x18E00;
	v14 =	vld [tilespmem:s0+$0x70];
	[tilespmem:s1+$0x6410] =	vst v13;
	v11 =	vshrl.u32 v11, $0x2  }
0x27: {  	v13 =	vld [tilespmem:s0+$0x0];
	[tilespmem:s1+$0x6420] =	vst v11;
	v10 =	vshrl.u32 v10, $0x2  }
0x28: {  	v15 =	vld [tilespmem:s0+$0x10];
	[tilespmem:s1+$0x6430] =	vst v10;
	v8 =	vshrl.u32 v8, $0x2  }
.Ltmp2:
0x29: {  	v11 =	vld [tilespmem:s0+$0x20];
	[tilespmem:s1+$0x6440] =	vst v8;
	v8 =	vshrl.u32 v9, $0x2;
	(pc) =	sbr.rel @p0 .LBB2_2-.Ltmp2, $4  }
0x2a: {  	v10 =	vld [tilespmem:s0+$0x30];
	[tilespmem:s1+$0x6450] =	vst v8;
	v9 =	vshrl.u32 v12, $0x2  }
0x2b: {  	v8 =	vld [tilespmem:s0+$0x40];
	v12 =	vshrl.u32 v14, $0x2;
	[tilespmem:s1+$0x6460] =	vst v9;
	s1 =	smov.u32 s0  }
0x2c: {  	v13 =	vshrl.u32 v13, $0x2;
	v9 =	vld [tilespmem:s1+$0x50];
	[tilespmem:s1+$0x6470] =	vst v12  }
0x2d: {  	s0 =	sshra.s32 s3, $0x2;
	s3 =	sadd.s32 $0x200, s3;
	[tilespmem:s1+$0x6400] =	vst v13;
	v13 =	vshrl.u32 v15, $0x2;
	v12 =	vld [tilespmem:s1+$0x60]  }
0x2e: {  	v14 =	vld [tilespmem:s0+$0x70];
	[tilespmem:s1+$0x6410] =	vst v13;
	v11 =	vshrl.u32 v11, $0x2  }
0x2f: {  	v13 =	vld [tilespmem:s0+$0x0];
	[tilespmem:s1+$0x6420] =	vst v11;
	v10 =	vshrl.u32 v10, $0x2  }
0x30: {  	v11 =	vld [tilespmem:s0+$0x10];
	[tilespmem:s1+$0x6430] =	vst v10;
	v8 =	vshrl.u32 v8, $0x2  }
0x31: {  	v10 =	vld [tilespmem:s0+$0x20];
	[tilespmem:s1+$0x6440] =	vst v8;
	v8 =	vshrl.u32 v9, $0x2  }
0x32: {  	v60 =	vld [tilespmem:s0+$0x30];
	[tilespmem:s1+$0x6450] =	vst v8;
	v8 =	vshrl.u32 v12, $0x2  }
0x33: {  	v61 =	vld [tilespmem:s0+$0x40];
	[tilespmem:s1+$0x6460] =	vst v8;
	v8 =	vshrl.u32 v14, $0x2  }
0x34: {  	v62 =	vld [tilespmem:s0+$0x50];
	v13 =	vshrl.u32 v13, $0x2;
	[tilespmem:s0+$0x6470] =	vst v8  }
0x35: {  	v63 =	vld [tilespmem:s0+$0x60];
	[tilespmem:s0+$0x6400] =	vst v13;
	v8 =	vshrl.u32 v11, $0x2  }
0x36: {  	[tilespmem:s0+$0x6410] =	vst v8;
	v8 =	vshrl.u32 v10, $0x2  }
0x37: {  	[tilespmem:s0+$0x6420] =	vst v8;
	v8 =	vshrl.u32 v60, $0x2  }
0x38: {  	[tilespmem:s0+$0x6430] =	vst v8;
	v8 =	vshrl.u32 v61, $0x2  }
0x39: {  	[tilespmem:s0+$0x6440] =	vst v8;
	v8 =	vshrl.u32 v62, $0x2  }
0x3a: {  	[tilespmem:s0+$0x6450] =	vst v8;
	v8 =	vshrl.u32 v63, $0x2  }
0x3b: {  	s30 =	simm.s32 $0x6400;
	[tilespmem:s0+$0x6460] =	vst v8  }
0x3c: {  	[tilespmem:s13], [sflag:$0x1] =	stream.indirect.gather [hbm4b:s5+s11], $0x80, s30, s11, $0xb8;
	[tilespmem:$0x16800] =	vst v63  }
0x3d: {  	s31 =	simm.s32 $0x6480;
	s24 =	simm.s32 $0x0  }
0x3e: {  	[tilespmem:s15], [sflag:$0x2] =	stream.indirect.gather [hbm4b:s5+s11], $0x80, s31, s11, $0xb8;
	[tilespmem:$0x16800] =	vst v63  }
.LBB2_4:
0x3f: {  	_ =	swait.ge [sflag:s16], $0x4000  }
0x40: {  	p0 =	seq.s32 s24, $0x0;
	[sflag:s16] =	ssyncset.done $0x0  }
0x41: {  	s0 =	simm.s32 @!p0 $0x3;
	[sflag:s16] =	ssyncadd.s32 $0xFFFFC000  }
0x42: {  	_ =	swait.ge @!p0 [sflag:s0], $0x1000  }
0x43: {  	s26 =	sshll.u32 s24, $0xA;
	[sflag:s0] =	ssyncset.done @!p0 $0x0  }
0x44: {  	s25 =	sshrl.u32 s26, $0x2;
	[sflag:s0] =	ssyncadd.s32 @!p0 $0xFFFFF000  }
0x45: {  	v8 =	vld [tilespmem:s25+$0x0];
	_ =	sdelay $0x4  }
0x46: {  	v8 =	vshll.u32 v8, $0x5  }
0x47: {  	v9 =	vld [tilespmem:s25+$0x10];
	v8 =	vand.u32 $0x60, v8  }
0x48: {  	v10 =	vld [tilespmem:s25+$0x20];
	v15 =	vor.u32 v0, v8  }
0x49: {  	s14 =	simm.s32 $0x7;
	v12 =	vld [tilespmem:s25+$0x40];
	v11 =	vor.u32 s23, v15  }
0x4a: {  	s6 =	simm.s32 $0x1;
	v16 =	vld [tilespmem:s25+$0x50];
	v14 =	vor.u32 s14, v15  }
0x4b: {  	s12 =	simm.s32 $0x2;
	v18 =	vld [tilespmem:s25+$0x60];
	v17 =	vor.u32 s6, v15  }
0x4c: {  	s0 =	simm.s32 $0x3;
	v13 =	vld [tilespmem:s25+$0x70];
	v19 =	vor.u32 s12, v15  }
0x4d: {  	s1 =	simm.s32 $0x4;
	v8 =	vld [tilespmem:s25+$0x30];
	v20 =	vor.u32 s0, v15  }
0x4e: {  	s7 =	simm.s32 $0x5;
	v9 =	vshll.u32 v9, $0x5;
	v21 =	vor.u32 s1, v15;
	v11 =	vld.idx.msk [tilespmem:v11+s13+$0x0], $0xffff  }
0x4f: {  	s3 =	simm.s32 $0x6;
	v9 =	vand.u32 $0x60, v9;
	v22 =	vor.u32 s7, v15;
	v23 =	vld.idx.msk [tilespmem:v14+s13+$0x0], $0xffff  }
0x50: {  	v14 =	vor.u32 v1, v9;
	v9 =	vld.idx.msk [tilespmem:v17+s13+$0x0], $0xffff;
	v17 =	vor.u32 s3, v15  }
0x51: {  	v19 =	vld.idx.msk [tilespmem:v19+s13+$0x0], $0xffff;
	v24 =	vor.u32 s14, v14  }
0x52: {  	v20 =	vld.idx.msk [tilespmem:v20+s13+$0x0], $0xffff;
	v25 =	vor.u32 s6, v14  }
0x53: {  	s30 =	simm.s32 $0x14A00;
	v21 =	vld.idx.msk [tilespmem:v21+s13+$0x0], $0xffff;
	v26 =	vor.u32 s12, v14  }
0x54: {  	v22 =	vld.idx.msk [tilespmem:v22+s13+$0x0], $0xffff;
	v27 =	vor.u32 s0, v14;
	[tilespmem:s30+$0x180] =	vst v23  }
0x55: {  	v10 =	vshll.u32 v10, $0x5;
	v28 =	vor.u32 s1, v14;
	v17 =	vld.idx.msk [tilespmem:v17+s13+$0x0], $0xffff;
	[tilespmem:s30+$0xFFFFFE80] =	vst v9  }
0x56: {  	v10 =	vand.u32 $0x60, v10;
	v23 =	vor.u32 s7, v14;
	[tilespmem:s30+$0xFFFFFF00] =	vst v19;
	v24 =	vld.idx.msk [tilespmem:v24+s13+$0x0], $0xffff  }
0x57: {  	v9 =	vor.u32 v2, v10;
	v10 =	vor.u32 s3, v14;
	[tilespmem:s30+$0xFFFFFF80] =	vst v20;
	v25 =	vld.idx.msk [tilespmem:v25+s13+$0x0], $0xffff  }
0x58: {  	[tilespmem:s30+$0x0] =	vst v21;
	v19 =	vld.idx.msk [tilespmem:v26+s13+$0x0], $0xffff;
	v26 =	vor.u32 s23, v14  }
0x59: {  	[tilespmem:s30+$0x80] =	vst v22;
	v20 =	vor.u32 s14, v9;
	v27 =	vld.idx.msk [tilespmem:v27+s13+$0x0], $0xffff  }
0x5a: {  	[tilespmem:s30+$0xFFFFFE00] =	vst v11;
	v21 =	vor.u32 s6, v9;
	v28 =	vld.idx.msk [tilespmem:v28+s13+$0x0], $0xffff  }
0x5b: {  	v8 =	vshll.u32 v8, $0x5;
	v22 =	vor.u32 s12, v9;
	v23 =	vld.idx.msk [tilespmem:v23+s13+$0x0], $0xffff;
	[tilespmem:s30+$0x100] =	vst v17  }
0x5c: {  	v8 =	vand.u32 $0x60, v8;
	v11 =	vor.u32 s1, v9;
	v29 =	vld.idx.msk [tilespmem:v10+s13+$0x0], $0xffff;
	[tilespmem:s30+$0x190] =	vst v24  }
0x5d: {  	v17 =	vor.u32 s0, v9;
	v10 =	vor.u32 v3, v8;
	v8 =	vld.idx.msk [tilespmem:v26+s13+$0x0], $0xffff;
	[tilespmem:s30+$0xFFFFFE90] =	vst v25  }
0x5e: {  	v24 =	vor.u32 s7, v9;
	[tilespmem:s30+$0xFFFFFF10] =	vst v19;
	v20 =	vld.idx.msk [tilespmem:v20+s13+$0x0], $0xffff  }
0x5f: {  	[tilespmem:s30+$0xFFFFFF90] =	vst v27;
	v25 =	vor.u32 s3, v9;
	v21 =	vld.idx.msk [tilespmem:v21+s13+$0x0], $0xffff  }
0x60: {  	v26 =	vor.u32 s23, v9;
	[tilespmem:s30+$0x10] =	vst v28;
	v22 =	vld.idx.msk [tilespmem:v22+s13+$0x0], $0xffff  }
0x61: {  	v19 =	vor.u32 s14, v10;
	v28 =	vld.idx.msk [tilespmem:v11+s13+$0x0], $0xffff;
	[tilespmem:s30+$0x90] =	vst v23  }
0x62: {  	v27 =	vor.u32 s6, v10;
	v17 =	vld.idx.msk [tilespmem:v17+s13+$0x0], $0xffff;
	[tilespmem:s30+$0x110] =	vst v29  }
0x63: {  	v11 =	vshll.u32 v12, $0x5;
	v12 =	vor.u32 s12, v10;
	v23 =	vld.idx.msk [tilespmem:v24+s13+$0x0], $0xffff;
	[tilespmem:s30+$0xFFFFFE10] =	vst v8  }
0x64: {  	v8 =	vor.u32 s1, v10;
	[tilespmem:s30+$0x1A0] =	vst v20;
	v24 =	vld.idx.msk [tilespmem:v25+s13+$0x0], $0xffff  }
0x65: {  	v20 =	vor.u32 s0, v10;
	v25 =	vld.idx.msk [tilespmem:v26+s13+$0x0], $0xffff;
	[tilespmem:s30+$0xFFFFFEA0] =	vst v21  }
0x66: {  	v11 =	vand.u32 $0x60, v11;
	[tilespmem:s30+$0xFFFFFF20] =	vst v22;
	v22 =	vor.u32 s7, v10;
	v19 =	vld.idx.msk [tilespmem:v19+s13+$0x0], $0xffff  }
0x67: {  	v11 =	vor.u32 v4, v11;
	[tilespmem:s30+$0x20] =	vst v28;
	v26 =	vld.idx.msk [tilespmem:v27+s13+$0x0], $0xffff;
	v27 =	vor.u32 s23, v10  }
0x68: {  	v21 =	vor.u32 s14, v11;
	v12 =	vld.idx.msk [tilespmem:v12+s13+$0x0], $0xffff;
	[tilespmem:s30+$0xFFFFFFA0] =	vst v17  }
0x69: {  	v28 =	vor.u32 s6, v11;
	v29 =	vld.idx.msk [tilespmem:v8+s13+$0x0], $0xffff;
	[tilespmem:s30+$0xA0] =	vst v23  }
0x6a: {  	v16 =	vshll.u32 v16, $0x5;
	v17 =	vor.u32 s3, v10;
	v20 =	vld.idx.msk [tilespmem:v20+s13+$0x0], $0xffff;
	[tilespmem:s30+$0x120] =	vst v24  }
0x6b: {  	v8 =	vand.u32 $0x60, v16;
	v16 =	vor.u32 s12, v11;
	v22 =	vld.idx.msk [tilespmem:v22+s13+$0x0], $0xffff;
	[tilespmem:s30+$0xFFFFFE20] =	vst v25  }
0x6c: {  	v25 =	vor.u32 s1, v11;
	[tilespmem:s30+$0x1B0] =	vst v19;
	v24 =	vld.idx.msk [tilespmem:v27+s13+$0x0], $0xffff  }
0x6d: {  	[tilespmem:s30+$0xFFFFFEB0] =	vst v26;
	v27 =	vor.u32 s7, v11;
	v19 =	vld.idx.msk [tilespmem:v21+s13+$0x0], $0xffff  }
0x6e: {  	v8 =	vor.u32 v5, v8;
	[tilespmem:s30+$0xFFFFFF30] =	vst v12;
	v21 =	vor.u32 s0, v11;
	v26 =	vld.idx.msk [tilespmem:v28+s13+$0x0], $0xffff  }
0x6f: {  	v23 =	vor.u32 s14, v8;
	v17 =	vld.idx.msk [tilespmem:v17+s13+$0x0], $0xffff;
	[tilespmem:s30+$0x30] =	vst v29  }
0x70: {  	v12 =	vshll.u32 v18, $0x5;
	v18 =	vor.u32 s23, v11;
	v16 =	vld.idx.msk [tilespmem:v16+s13+$0x0], $0xffff;
	[tilespmem:s30+$0xFFFFFFB0] =	vst v20  }
0x71: {  	v20 =	vor.u32 s3, v11;
	v25 =	vld.idx.msk [tilespmem:v25+s13+$0x0], $0xffff;
	[tilespmem:s30+$0xB0] =	vst v22  }
0x72: {  	v28 =	vor.u32 s12, v8;
	v22 =	vld.idx.msk [tilespmem:v27+s13+$0x0], $0xffff;
	[tilespmem:s30+$0xFFFFFE30] =	vst v24  }
0x73: {  	v12 =	vand.u32 $0x60, v12;
	v21 =	vld.idx.msk [tilespmem:v21+s13+$0x0], $0xffff;
	[tilespmem:s30+$0x1C0] =	vst v19;
	v19 =	vor.u32 s6, v8  }
0x74: {  	v12 =	vor.u32 v6, v12;
	[tilespmem:s30+$0xFFFFFEC0] =	vst v26;
	v26 =	vor.u32 s1, v8;
	v23 =	vld.idx.msk [tilespmem:v23+s13+$0x0], $0xffff  }
0x75: {  	v18 =	vld.idx.msk [tilespmem:v18+s13+$0x0], $0xffff;
	[tilespmem:s30+$0x130] =	vst v17;
	v17 =	vor.u32 s14, v12  }
0x76: {  	v24 =	vor.u32 s0, v8;
	[tilespmem:s30+$0xFFFFFF40] =	vst v16;
	v20 =	vld.idx.msk [tilespmem:v20+s13+$0x0], $0xffff  }
0x77: {  	v16 =	vor.u32 s7, v8;
	v27 =	vld.idx.msk [tilespmem:v28+s13+$0x0], $0xffff;
	[tilespmem:s30+$0x40] =	vst v25  }
0x78: {  	v28 =	vor.u32 s3, v8;
	[tilespmem:s30+$0xC0] =	vst v22;
	v19 =	vld.idx.msk [tilespmem:v19+s13+$0x0], $0xffff  }
0x79: {  	v25 =	vld.idx.msk [tilespmem:v26+s13+$0x0], $0xffff;
	v26 =	vor.u32 s12, v12;
	[tilespmem:s30+$0x1D0] =	vst v23  }
0x7a: {  	v13 =	vshll.u32 v13, $0x5;
	[tilespmem:s30+$0xFFFFFFC0] =	vst v21;
	v23 =	vor.u32 s23, v8;
	v17 =	vld.idx.msk [tilespmem:v17+s13+$0x0], $0xffff  }
0x7b: {  	v13 =	vand.u32 $0x60, v13;
	v21 =	vor.u32 s6, v12;
	[tilespmem:s30+$0xFFFFFE40] =	vst v18;
	v24 =	vld.idx.msk [tilespmem:v24+s13+$0x0], $0xffff  }
0x7c: {  	v13 =	vor.u32 v7, v13;
	v18 =	vor.u32 s0, v12;
	v16 =	vld.idx.msk [tilespmem:v16+s13+$0x0], $0xffff;
	[tilespmem:s30+$0x140] =	vst v20  }
0x7d: {  	v22 =	vor.u32 s14, v13;
	[tilespmem:s30+$0xFFFFFF50] =	vst v27;
	v28 =	vld.idx.msk [tilespmem:v28+s13+$0x0], $0xffff  }
0x7e: {  	[tilespmem:s30+$0xFFFFFED0] =	vst v19;
	v19 =	vor.u32 s1, v12;
	v30 =	vld.idx.msk [tilespmem:v26+s13+$0x0], $0xffff  }
0x7f: {  	v23 =	vld.idx.msk [tilespmem:v23+s13+$0x0], $0xffff;
	[tilespmem:s30+$0x1E0] =	vst v17;
	v17 =	vor.u32 s3, v12  }
0x80: {  	v27 =	vor.u32 s23, v12;
	v29 =	vld.idx.msk [tilespmem:v21+s13+$0x0], $0xffff;
	[tilespmem:s30+$0xFFFFFFD0] =	vst v24  }
0x81: {  	s29 =	simm.s32 $0x8;
	v20 =	vor.u32 s7, v12;
	v31 =	vld.idx.msk [tilespmem:v18+s13+$0x0], $0xffff  }
0x82: {  	[tilespmem:s30+$0x50] =	vst v25;
	v24 =	vor.u32 s29, v15;
	v22 =	vld.idx.msk [tilespmem:v22+s13+$0x0], $0xffff  }
0x83: {  	v32 =	vor.u32 s6, v13;
	[tilespmem:s30+$0x150] =	vst v28;
	v21 =	vld.idx.msk [tilespmem:v19+s13+$0x0], $0xffff  }
0x84: {  	v33 =	vor.u32 s12, v13;
	[tilespmem:s30+$0xFFFFFE50] =	vst v23;
	v18 =	vld.idx.msk [tilespmem:v17+s13+$0x0], $0xffff  }
0x85: {  	[tilespmem:s30+$0xD0] =	vst v16;
	v17 =	vld.idx.msk [tilespmem:v27+s13+$0x0], $0xffff;
	v27 =	vor.u32 s0, v13  }
0x86: {  	v26 =	vor.u32 s1, v13;
	v20 =	vld.idx.msk [tilespmem:v20+s13+$0x0], $0xffff;
	[tilespmem:s30+$0xFFFFFF60] =	vst v30  }
0x87: {  	v25 =	vor.u32 s7, v13;
	v16 =	vld.idx.msk [tilespmem:v24+s13+$0x0], $0xffff;
	[tilespmem:s30+$0xFFFFFEE0] =	vst v29  }
0x88: {  	v24 =	vor.u32 s3, v13;
	v19 =	vld.idx.msk [tilespmem:v32+s13+$0x0], $0xffff;
	[tilespmem:s30+$0xFFFFFFE0] =	vst v31  }
0x89: {  	s28 =	sshll.u32 s24, $0x1;
	s31 =	simm.s32 $0xF;
	v23 =	vor.u32 s23, v13;
	s0 =	simm.s32 $0x10;
	[tilespmem:s30+$0x1F0] =	vst v22;
	v22 =	vld.idx.msk [tilespmem:v33+s13+$0x0], $0xffff  }
.LBB2_5:
0x8a: {  	p1 =	slt.u32 s0, $0x18;
	s1 =	sadd.s32 $0x1, s29;
	v28 =	vor.u32 s31, v15;
	v27 =	vld.idx.msk [tilespmem:v27+s13+$0x0], $0xffff;
	[tilespmem:s30+$0x60] =	vst v21  }
0x8b: {  	s12 =	sadd.s32 $0x2, s29;
	v21 =	vor.u32 s1, v15;
	v26 =	vld.idx.msk [tilespmem:v26+s13+$0x0], $0xffff;
	[tilespmem:s30+$0xE0] =	vst v20  }
0x8c: {  	s14 =	sadd.s32 $0x3, s29;
	v20 =	vor.u32 s12, v15;
	v25 =	vld.idx.msk [tilespmem:v25+s13+$0x0], $0xffff;
	[tilespmem:s30+$0x160] =	vst v18  }
0x8d: {  	s3 =	sadd.s32 $0x4, s29;
	v18 =	vor.u32 s14, v15;
	[tilespmem:s30+$0xFFFFFE60] =	vst v17;
	v17 =	vld.idx.msk [tilespmem:v24+s13+$0x0], $0xffff  }
0x8e: {  	s6 =	sadd.s32 $0x5, s29;
	v24 =	vor.u32 s3, v15;
	v23 =	vld.idx.msk [tilespmem:v23+s13+$0x0], $0xffff;
	[tilespmem:s30+$0xFFFFFEF0] =	vst v19  }
0x8f: {  	s7 =	sadd.s32 $0x6, s29;
	v19 =	vor.u32 s6, v15;
	v28 =	vld.idx.msk [tilespmem:v28+s13+$0x0], $0xffff;
	[tilespmem:s30+$0xFFFFFF70] =	vst v22  }
0x90: {  	v22 =	vor.u32 s7, v15;
	v21 =	vld.idx.msk [tilespmem:v21+s13+$0x0], $0xffff;
	[tilespmem:s30+$0xFFFFFFF0] =	vst v27  }
0x91: {  	v27 =	vor.u32 s31, v14;
	v20 =	vld.idx.msk [tilespmem:v20+s13+$0x0], $0xffff;
	[tilespmem:s30+$0x70] =	vst v26  }
0x92: {  	v26 =	vor.u32 s1, v14;
	v18 =	vld.idx.msk [tilespmem:v18+s13+$0x0], $0xffff;
	[tilespmem:s30+$0xF0] =	vst v25  }
0x93: {  	v25 =	vor.u32 s12, v14;
	v24 =	vld.idx.msk [tilespmem:v24+s13+$0x0], $0xffff;
	[tilespmem:s30+$0x170] =	vst v17  }
0x94: {  	v17 =	vor.u32 s14, v14;
	v19 =	vld.idx.msk [tilespmem:v19+s13+$0x0], $0xffff;
	[tilespmem:s30+$0xFFFFFE70] =	vst v23;
	s30 =	sadd.s32 $0x400, s30  }
0x95: {  	v23 =	vor.u32 s3, v14;
	v22 =	vld.idx.msk [tilespmem:v22+s13+$0x0], $0xffff;
	[tilespmem:s30+$0x180] =	vst v28  }
0x96: {  	[tilespmem:s30+$0xFFFFFE80] =	vst v21;
	v21 =	vor.u32 s6, v14;
	v27 =	vld.idx.msk [tilespmem:v27+s13+$0x0], $0xffff  }
0x97: {  	v26 =	vld.idx.msk [tilespmem:v26+s13+$0x0], $0xffff;
	[tilespmem:s30+$0xFFFFFF00] =	vst v20;
	v20 =	vor.u32 s7, v14  }
0x98: {  	v25 =	vld.idx.msk [tilespmem:v25+s13+$0x0], $0xffff;
	[tilespmem:s30+$0xFFFFFF80] =	vst v18;
	v18 =	vor.u32 s31, v9  }
0x99: {  	v28 =	vor.u32 s29, v14;
	v17 =	vld.idx.msk [tilespmem:v17+s13+$0x0], $0xffff;
	[tilespmem:s30+$0x0] =	vst v24  }
0x9a: {  	v24 =	vor.u32 s1, v9;
	v23 =	vld.idx.msk [tilespmem:v23+s13+$0x0], $0xffff;
	[tilespmem:s30+$0x80] =	vst v19  }
0x9b: {  	v19 =	vor.u32 s12, v9;
	v21 =	vld.idx.msk [tilespmem:v21+s13+$0x0], $0xffff;
	[tilespmem:s30+$0x100] =	vst v22  }
0x9c: {  	v22 =	vor.u32 s14, v9;
	v20 =	vld.idx.msk [tilespmem:v20+s13+$0x0], $0xffff;
	[tilespmem:s30+$0x190] =	vst v27  }
0x9d: {  	[tilespmem:s30+$0xFFFFFE00] =	vst v16;
	v16 =	vor.u32 s3, v9;
	v18 =	vld.idx.msk [tilespmem:v18+s13+$0x0], $0xffff  }
0x9e: {  	v27 =	vld.idx.msk [tilespmem:v28+s13+$0x0], $0xffff;
	[tilespmem:s30+$0xFFFFFE90] =	vst v26;
	v26 =	vor.u32 s6, v9  }
0x9f: {  	v24 =	vld.idx.msk [tilespmem:v24+s13+$0x0], $0xffff;
	[tilespmem:s30+$0xFFFFFF10] =	vst v25;
	v25 =	vor.u32 s31, v10  }
0xa0: {  	v19 =	vld.idx.msk [tilespmem:v19+s13+$0x0], $0xffff;
	[tilespmem:s30+$0xFFFFFF90] =	vst v17;
	v17 =	vor.u32 s7, v9  }
0xa1: {  	v28 =	vor.u32 s29, v9;
	v22 =	vld.idx.msk [tilespmem:v22+s13+$0x0], $0xffff;
	[tilespmem:s30+$0x10] =	vst v23  }
0xa2: {  	v23 =	vor.u32 s1, v10;
	v16 =	vld.idx.msk [tilespmem:v16+s13+$0x0], $0xffff;
	[tilespmem:s30+$0x90] =	vst v21  }
0xa3: {  	v21 =	vor.u32 s12, v10;
	v26 =	vld.idx.msk [tilespmem:v26+s13+$0x0], $0xffff;
	[tilespmem:s30+$0x1A0] =	vst v18  }
0xa4: {  	v18 =	vor.u32 s14, v10;
	[tilespmem:s30+$0x110] =	vst v20;
	v20 =	vld.idx.msk [tilespmem:v25+s13+$0x0], $0xffff  }
0xa5: {  	v25 =	vor.u32 s3, v10;
	[tilespmem:s30+$0xFFFFFE10] =	vst v27;
	v17 =	vld.idx.msk [tilespmem:v17+s13+$0x0], $0xffff  }
0xa6: {  	v27 =	vld.idx.msk [tilespmem:v28+s13+$0x0], $0xffff;
	[tilespmem:s30+$0xFFFFFEA0] =	vst v24;
	v24 =	vor.u32 s31, v11  }
0xa7: {  	v23 =	vld.idx.msk [tilespmem:v23+s13+$0x0], $0xffff;
	[tilespmem:s30+$0xFFFFFF20] =	vst v19;
	v19 =	vor.u32 s6, v10  }
0xa8: {  	v21 =	vld.idx.msk [tilespmem:v21+s13+$0x0], $0xffff;
	[tilespmem:s30+$0xFFFFFFA0] =	vst v22;
	v22 =	vor.u32 s7, v10  }
0xa9: {  	v28 =	vor.u32 s29, v10;
	v18 =	vld.idx.msk [tilespmem:v18+s13+$0x0], $0xffff;
	[tilespmem:s30+$0x20] =	vst v16  }
0xaa: {  	v16 =	vor.u32 s1, v11;
	v25 =	vld.idx.msk [tilespmem:v25+s13+$0x0], $0xffff;
	[tilespmem:s30+$0x1B0] =	vst v20  }
0xab: {  	v20 =	vor.u32 s12, v11;
	[tilespmem:s30+$0xA0] =	vst v26;
	v24 =	vld.idx.msk [tilespmem:v24+s13+$0x0], $0xffff  }
0xac: {  	v26 =	vor.u32 s14, v11;
	v19 =	vld.idx.msk [tilespmem:v19+s13+$0x0], $0xffff;
	[tilespmem:s30+$0x120] =	vst v17  }
0xad: {  	[tilespmem:s30+$0xFFFFFE20] =	vst v27;
	v17 =	vld.idx.msk [tilespmem:v22+s13+$0x0], $0xffff;
	v22 =	vor.u32 s31, v8  }
0xae: {  	v27 =	vld.idx.msk [tilespmem:v28+s13+$0x0], $0xffff;
	[tilespmem:s30+$0xFFFFFEB0] =	vst v23;
	v23 =	vor.u32 s3, v11  }
0xaf: {  	v16 =	vld.idx.msk [tilespmem:v16+s13+$0x0], $0xffff;
	[tilespmem:s30+$0xFFFFFF30] =	vst v21;
	v21 =	vor.u32 s6, v11  }
0xb0: {  	v20 =	vld.idx.msk [tilespmem:v20+s13+$0x0], $0xffff;
	[tilespmem:s30+$0xFFFFFFB0] =	vst v18;
	v18 =	vor.u32 s7, v11  }
0xb1: {  	v28 =	vor.u32 s29, v11;
	v26 =	vld.idx.msk [tilespmem:v26+s13+$0x0], $0xffff;
	[tilespmem:s30+$0x1C0] =	vst v24  }
0xb2: {  	v24 =	vor.u32 s1, v8;
	[tilespmem:s30+$0x30] =	vst v25;
	v22 =	vld.idx.msk [tilespmem:v22+s13+$0x0], $0xffff  }
0xb3: {  	v25 =	vor.u32 s12, v8;
	v23 =	vld.idx.msk [tilespmem:v23+s13+$0x0], $0xffff;
	[tilespmem:s30+$0xB0] =	vst v19  }
0xb4: {  	v19 =	vld.idx.msk [tilespmem:v21+s13+$0x0], $0xffff;
	[tilespmem:s30+$0x130] =	vst v17;
	v17 =	vor.u32 s31, v12  }
0xb5: {  	v21 =	vor.u32 s14, v8;
	[tilespmem:s30+$0xFFFFFE30] =	vst v27;
	v18 =	vld.idx.msk [tilespmem:v18+s13+$0x0], $0xffff  }
0xb6: {  	v27 =	vld.idx.msk [tilespmem:v28+s13+$0x0], $0xffff;
	[tilespmem:s30+$0xFFFFFEC0] =	vst v16;
	v16 =	vor.u32 s3, v8  }
0xb7: {  	v24 =	vld.idx.msk [tilespmem:v24+s13+$0x0], $0xffff;
	[tilespmem:s30+$0xFFFFFF40] =	vst v20;
	v20 =	vor.u32 s6, v8  }
0xb8: {  	v28 =	vor.u32 s7, v8;
	v25 =	vld.idx.msk [tilespmem:v25+s13+$0x0], $0xffff;
	[tilespmem:s30+$0x1D0] =	vst v22  }
0xb9: {  	v22 =	vor.u32 s29, v8;
	[tilespmem:s30+$0xFFFFFFC0] =	vst v26;
	v17 =	vld.idx.msk [tilespmem:v17+s13+$0x0], $0xffff  }
0xba: {  	v26 =	vor.u32 s1, v12;
	v21 =	vld.idx.msk [tilespmem:v21+s13+$0x0], $0xffff;
	[tilespmem:s30+$0x40] =	vst v23  }
0xbb: {  	v16 =	vld.idx.msk [tilespmem:v16+s13+$0x0], $0xffff;
	[tilespmem:s30+$0xC0] =	vst v19;
	v19 =	vor.u32 s31, v13  }
0xbc: {  	v23 =	vor.u32 s12, v12;
	v20 =	vld.idx.msk [tilespmem:v20+s13+$0x0], $0xffff;
	[tilespmem:s30+$0x140] =	vst v18  }
0xbd: {  	v18 =	vor.u32 s14, v12;
	[tilespmem:s30+$0xFFFFFE40] =	vst v27;
	v27 =	vld.idx.msk [tilespmem:v28+s13+$0x0], $0xffff  }
0xbe: {  	v22 =	vld.idx.msk [tilespmem:v22+s13+$0x0], $0xffff;
	[tilespmem:s30+$0xFFFFFED0] =	vst v24;
	v24 =	vor.u32 s3, v12  }
0xbf: {  	v28 =	vld.idx.msk [tilespmem:v26+s13+$0x0], $0xffff;
	v26 =	vor.u32 s6, v12;
	[tilespmem:s30+$0x1E0] =	vst v17  }
0xc0: {  	v17 =	vor.u32 s7, v12;
	[tilespmem:s30+$0xFFFFFF50] =	vst v25;
	v19 =	vld.idx.msk [tilespmem:v19+s13+$0x0], $0xffff  }
0xc1: {  	v25 =	vor.u32 s29, v12;
	v23 =	vld.idx.msk [tilespmem:v23+s13+$0x0], $0xffff;
	[tilespmem:s30+$0xFFFFFFD0] =	vst v21  }
0xc2: {  	v29 =	vor.u32 s0, v15;
	v30 =	vld.idx.msk [tilespmem:v18+s13+$0x0], $0xffff;
	[tilespmem:s30+$0x50] =	vst v16  }
0xc3: {  	v31 =	vor.u32 s1, v13;
	v21 =	vld.idx.msk [tilespmem:v24+s13+$0x0], $0xffff;
	[tilespmem:s30+$0xD0] =	vst v20  }
0xc4: {  	v32 =	vor.u32 s12, v13;
	v20 =	vld.idx.msk [tilespmem:v26+s13+$0x0], $0xffff;
	[tilespmem:s30+$0x150] =	vst v27  }
.Ltmp3:
0xc5: {  	v27 =	vor.u32 s14, v13;
	[tilespmem:s30+$0xFFFFFE50] =	vst v22;
	v18 =	vld.idx.msk [tilespmem:v17+s13+$0x0], $0xffff;
	(pc) =	sbr.rel @p1 .LBB2_5-.Ltmp3, $4  }
0xc6: {  	v26 =	vor.u32 s3, v13;
	v17 =	vld.idx.msk [tilespmem:v25+s13+$0x0], $0xffff;
	[tilespmem:s30+$0x1F0] =	vst v19  }
0xc7: {  	v25 =	vor.u32 s6, v13;
	v16 =	vld.idx.msk [tilespmem:v29+s13+$0x0], $0xffff;
	[tilespmem:s30+$0xFFFFFEE0] =	vst v28  }
0xc8: {  	v24 =	vor.u32 s7, v13;
	v19 =	vld.idx.msk [tilespmem:v31+s13+$0x0], $0xffff;
	[tilespmem:s30+$0xFFFFFF60] =	vst v23  }
0xc9: {  	s31 =	sadd.s32 $0x7, s0;
	v23 =	vor.u32 s29, v13;
	s29 =	smov.u32 s0;
	s0 =	sadd.s32 $0x8, s0;
	v22 =	vld.idx.msk [tilespmem:v32+s13+$0x0], $0xffff;
	[tilespmem:s30+$0xFFFFFFE0] =	vst v30  }
0xca: {  	_ =	sdelay $0x1  }
0xcb: {  	[tilespmem:s30+$0x60] =	vst v21  }
0xcc: {  	[tilespmem:s30+$0xE0] =	vst v20  }
0xcd: {  	s1 =	sadd.s32 $0x1, s29;
	v21 =	vor.u32 s31, v15;
	v27 =	vld.idx.msk [tilespmem:v27+s13+$0x0], $0xffff;
	[tilespmem:s30+$0x160] =	vst v18  }
0xce: {  	s3 =	sadd.s32 $0x2, s29;
	s0 =	sadd.s32 $0x400, s30;
	v20 =	vor.u32 s1, v15;
	v26 =	vld.idx.msk [tilespmem:v26+s13+$0x0], $0xffff;
	[tilespmem:s30+$0xFFFFFE60] =	vst v17  }
0xcf: {  	s6 =	sadd.s32 $0x3, s29;
	v18 =	vor.u32 s3, v15;
	v25 =	vld.idx.msk [tilespmem:v25+s13+$0x0], $0xffff;
	[tilespmem:s0+$0xFFFFFE00] =	vst v16  }
0xd0: {  	s7 =	sadd.s32 $0x4, s29;
	v17 =	vor.u32 s6, v15;
	v24 =	vld.idx.msk [tilespmem:v24+s13+$0x0], $0xffff;
	[tilespmem:s30+$0xFFFFFEF0] =	vst v19  }
0xd1: {  	s12 =	sadd.s32 $0x5, s29;
	v23 =	vld.idx.msk [tilespmem:v23+s13+$0x0], $0xffff;
	v19 =	vor.u32 s7, v15;
	[tilespmem:s30+$0xFFFFFF70] =	vst v22  }
0xd2: {  	s14 =	sadd.s32 $0x6, s29;
	v22 =	vor.u32 s12, v15;
	v21 =	vld.idx.msk [tilespmem:v21+s13+$0x0], $0xffff;
	[tilespmem:s30+$0xFFFFFFF0] =	vst v27  }
0xd3: {  	v15 =	vor.u32 s14, v15;
	v20 =	vld.idx.msk [tilespmem:v20+s13+$0x0], $0xffff;
	[tilespmem:s30+$0x70] =	vst v26  }
0xd4: {  	v18 =	vld.idx.msk [tilespmem:v18+s13+$0x0], $0xffff;
	v26 =	vor.u32 s31, v14;
	[tilespmem:s30+$0xF0] =	vst v25  }
0xd5: {  	v17 =	vld.idx.msk [tilespmem:v17+s13+$0x0], $0xffff;
	[tilespmem:s30+$0x170] =	vst v24;
	v24 =	vor.u32 s1, v14  }
0xd6: {  	[tilespmem:s30+$0xFFFFFE70] =	vst v23;
	v23 =	vor.u32 s3, v14;
	v19 =	vld.idx.msk [tilespmem:v19+s13+$0x0], $0xffff  }
0xd7: {  	v22 =	vld.idx.msk [tilespmem:v22+s13+$0x0], $0xffff;
	[tilespmem:s0+$0x180] =	vst v21;
	v21 =	vor.u32 s6, v14  }
0xd8: {  	v15 =	vld.idx.msk [tilespmem:v15+s13+$0x0], $0xffff;
	[tilespmem:s0+$0xFFFFFE80] =	vst v20;
	v20 =	vor.u32 s7, v14  }
0xd9: {  	v25 =	vld.idx.msk [tilespmem:v26+s13+$0x0], $0xffff;
	[tilespmem:s0+$0xFFFFFF00] =	vst v18;
	v18 =	vor.u32 s12, v14  }
0xda: {  	[tilespmem:s0+$0xFFFFFF80] =	vst v17;
	v17 =	vld.idx.msk [tilespmem:v24+s13+$0x0], $0xffff;
	v24 =	vor.u32 s31, v9  }
0xdb: {  	v23 =	vld.idx.msk [tilespmem:v23+s13+$0x0], $0xffff;
	[tilespmem:s0+$0x0] =	vst v19;
	v19 =	vor.u32 s14, v14  }
0xdc: {  	v14 =	vor.u32 s29, v14;
	[tilespmem:s0+$0x80] =	vst v22;
	v21 =	vld.idx.msk [tilespmem:v21+s13+$0x0], $0xffff  }
0xdd: {  	[tilespmem:s0+$0x100] =	vst v15;
	v15 =	vor.u32 s1, v9;
	v20 =	vld.idx.msk [tilespmem:v20+s13+$0x0], $0xffff  }
0xde: {  	v22 =	vor.u32 s3, v9;
	[tilespmem:s0+$0x190] =	vst v25;
	v18 =	vld.idx.msk [tilespmem:v18+s13+$0x0], $0xffff  }
0xdf: {  	v16 =	vor.u32 s6, v9;
	v24 =	vld.idx.msk [tilespmem:v24+s13+$0x0], $0xffff;
	[tilespmem:s0+$0xFFFFFE90] =	vst v17  }
0xe0: {  	[tilespmem:s0+$0xFFFFFF10] =	vst v23;
	v17 =	vld.idx.msk [tilespmem:v19+s13+$0x0], $0xffff;
	v19 =	vor.u32 s7, v9  }
0xe1: {  	v23 =	vor.u32 s31, v10;
	v14 =	vld.idx.msk [tilespmem:v14+s13+$0x0], $0xffff;
	[tilespmem:s0+$0xFFFFFF90] =	vst v21  }
0xe2: {  	v15 =	vld.idx.msk [tilespmem:v15+s13+$0x0], $0xffff;
	v21 =	vor.u32 s12, v9;
	[tilespmem:s0+$0x10] =	vst v20  }
0xe3: {  	v20 =	vld.idx.msk [tilespmem:v22+s13+$0x0], $0xffff;
	v22 =	vor.u32 s14, v9;
	[tilespmem:s0+$0x90] =	vst v18  }
0xe4: {  	v9 =	vor.u32 s29, v9;
	v16 =	vld.idx.msk [tilespmem:v16+s13+$0x0], $0xffff;
	[tilespmem:s0+$0x1A0] =	vst v24  }
0xe5: {  	v18 =	vor.u32 s1, v10;
	v19 =	vld.idx.msk [tilespmem:v19+s13+$0x0], $0xffff;
	[tilespmem:s0+$0x110] =	vst v17  }
0xe6: {  	v17 =	vor.u32 s3, v10;
	v23 =	vld.idx.msk [tilespmem:v23+s13+$0x0], $0xffff;
	[tilespmem:s0+$0xFFFFFE10] =	vst v14  }
0xe7: {  	[tilespmem:s0+$0xFFFFFEA0] =	vst v15;
	v14 =	vld.idx.msk [tilespmem:v21+s13+$0x0], $0xffff;
	v21 =	vor.u32 s6, v10  }
0xe8: {  	v15 =	vld.idx.msk [tilespmem:v22+s13+$0x0], $0xffff;
	v22 =	vor.u32 s31, v11;
	[tilespmem:s0+$0xFFFFFF20] =	vst v20  }
0xe9: {  	v20 =	vor.u32 s7, v10;
	v9 =	vld.idx.msk [tilespmem:v9+s13+$0x0], $0xffff;
	[tilespmem:s0+$0xFFFFFFA0] =	vst v16  }
0xea: {  	v16 =	vld.idx.msk [tilespmem:v18+s13+$0x0], $0xffff;
	v18 =	vor.u32 s12, v10;
	[tilespmem:s0+$0x20] =	vst v19  }
0xeb: {  	v17 =	vld.idx.msk [tilespmem:v17+s13+$0x0], $0xffff;
	v19 =	vor.u32 s14, v10;
	[tilespmem:s0+$0x1B0] =	vst v23  }
0xec: {  	v10 =	vor.u32 s29, v10;
	v21 =	vld.idx.msk [tilespmem:v21+s13+$0x0], $0xffff;
	[tilespmem:s0+$0xA0] =	vst v14  }
0xed: {  	v14 =	vor.u32 s1, v11;
	v22 =	vld.idx.msk [tilespmem:v22+s13+$0x0], $0xffff;
	[tilespmem:s0+$0x120] =	vst v15  }
0xee: {  	v15 =	vld.idx.msk [tilespmem:v20+s13+$0x0], $0xffff;
	v20 =	vor.u32 s3, v11;
	[tilespmem:s0+$0xFFFFFE20] =	vst v9  }
0xef: {  	v9 =	vld.idx.msk [tilespmem:v18+s13+$0x0], $0xffff;
	[tilespmem:s0+$0xFFFFFEB0] =	vst v16;
	v16 =	vor.u32 s6, v11  }
0xf0: {  	v18 =	vor.u32 s31, v8;
	v19 =	vld.idx.msk [tilespmem:v19+s13+$0x0], $0xffff;
	[tilespmem:s0+$0xFFFFFF30] =	vst v17  }
0xf1: {  	v10 =	vld.idx.msk [tilespmem:v10+s13+$0x0], $0xffff;
	v17 =	vor.u32 s7, v11;
	[tilespmem:s0+$0xFFFFFFB0] =	vst v21  }
0xf2: {  	v14 =	vld.idx.msk [tilespmem:v14+s13+$0x0], $0xffff;
	v21 =	vor.u32 s12, v11;
	[tilespmem:s0+$0x1C0] =	vst v22  }
0xf3: {  	v20 =	vld.idx.msk [tilespmem:v20+s13+$0x0], $0xffff;
	v22 =	vor.u32 s14, v11;
	[tilespmem:s0+$0x30] =	vst v15  }
0xf4: {  	v11 =	vor.u32 s29, v11;
	[tilespmem:s0+$0xB0] =	vst v9;
	v9 =	vld.idx.msk [tilespmem:v16+s13+$0x0], $0xffff  }
0xf5: {  	v16 =	vor.u32 s1, v8;
	v15 =	vld.idx.msk [tilespmem:v18+s13+$0x0], $0xffff;
	[tilespmem:s0+$0x130] =	vst v19  }
0xf6: {  	v18 =	vor.u32 s31, v12;
	v17 =	vld.idx.msk [tilespmem:v17+s13+$0x0], $0xffff;
	[tilespmem:s0+$0xFFFFFE30] =	vst v10  }
0xf7: {  	v10 =	vor.u32 s3, v8;
	v19 =	vld.idx.msk [tilespmem:v21+s13+$0x0], $0xffff;
	[tilespmem:s0+$0xFFFFFEC0] =	vst v14  }
0xf8: {  	v14 =	vor.u32 s6, v8;
	v21 =	vld.idx.msk [tilespmem:v22+s13+$0x0], $0xffff;
	[tilespmem:s0+$0xFFFFFF40] =	vst v20  }
0xf9: {  	v11 =	vld.idx.msk [tilespmem:v11+s13+$0x0], $0xffff;
	v20 =	vor.u32 s7, v8;
	[tilespmem:s0+$0xFFFFFFC0] =	vst v9  }
0xfa: {  	[tilespmem:s0+$0x1D0] =	vst v15;
	v15 =	vld.idx.msk [tilespmem:v16+s13+$0x0], $0xffff;
	v16 =	vor.u32 s12, v8  }
0xfb: {  	v9 =	vor.u32 s14, v8;
	v18 =	vld.idx.msk [tilespmem:v18+s13+$0x0], $0xffff;
	[tilespmem:s0+$0x40] =	vst v17  }
0xfc: {  	v8 =	vor.u32 s29, v8;
	v10 =	vld.idx.msk [tilespmem:v10+s13+$0x0], $0xffff;
	[tilespmem:s0+$0xC0] =	vst v19  }
0xfd: {  	v17 =	vor.u32 s31, v13;
	v14 =	vld.idx.msk [tilespmem:v14+s13+$0x0], $0xffff;
	[tilespmem:s0+$0x140] =	vst v21  }
0xfe: {  	v19 =	vor.u32 s1, v12;
	v20 =	vld.idx.msk [tilespmem:v20+s13+$0x0], $0xffff;
	[tilespmem:s0+$0xFFFFFE40] =	vst v11  }
0xff: {  	v11 =	vor.u32 s3, v12;
	v16 =	vld.idx.msk [tilespmem:v16+s13+$0x0], $0xffff;
	[tilespmem:s0+$0xFFFFFED0] =	vst v15  }
0x100: {  	v15 =	vor.u32 s6, v12;
	v9 =	vld.idx.msk [tilespmem:v9+s13+$0x0], $0xffff;
	[tilespmem:s0+$0x1E0] =	vst v18  }
0x101: {  	v8 =	vld.idx.msk [tilespmem:v8+s13+$0x0], $0xffff;
	v18 =	vor.u32 s7, v12;
	[tilespmem:s0+$0xFFFFFF50] =	vst v10  }
0x102: {  	v10 =	vor.u32 s12, v12;
	v17 =	vld.idx.msk [tilespmem:v17+s13+$0x0], $0xffff;
	[tilespmem:s0+$0xFFFFFFD0] =	vst v14  }
0x103: {  	v14 =	vld.idx.msk [tilespmem:v19+s13+$0x0], $0xffff;
	v19 =	vor.u32 s14, v12;
	[tilespmem:s0+$0x50] =	vst v20  }
0x104: {  	v12 =	vor.u32 s29, v12;
	v11 =	vld.idx.msk [tilespmem:v11+s13+$0x0], $0xffff;
	[tilespmem:s0+$0xD0] =	vst v16  }
0x105: {  	v15 =	vld.idx.msk [tilespmem:v15+s13+$0x0], $0xffff;
	v16 =	vor.u32 s1, v13;
	[tilespmem:s0+$0x150] =	vst v9  }
0x106: {  	[tilespmem:s0+$0xFFFFFE50] =	vst v8;
	v9 =	vld.idx.msk [tilespmem:v18+s13+$0x0], $0xffff;
	v18 =	vor.u32 s3, v13  }
0x107: {  	v8 =	vld.idx.msk [tilespmem:v10+s13+$0x0], $0xffff;
	v10 =	vor.u32 s6, v13;
	[tilespmem:s0+$0x1F0] =	vst v17  }
0x108: {  	v17 =	vld.idx.msk [tilespmem:v19+s13+$0x0], $0xffff;
	v19 =	vor.u32 s7, v13;
	[tilespmem:s0+$0xFFFFFEE0] =	vst v14  }
0x109: {  	v12 =	vld.idx.msk [tilespmem:v12+s13+$0x0], $0xffff;
	v14 =	vor.u32 s12, v13;
	[tilespmem:s0+$0xFFFFFF60] =	vst v11  }
0x10a: {  	v11 =	vld.idx.msk [tilespmem:v16+s13+$0x0], $0xffff;
	v16 =	vor.u32 s14, v13;
	[tilespmem:s0+$0xFFFFFFE0] =	vst v15  }
0x10b: {  	v13 =	vor.u32 s29, v13;
	v15 =	vld.idx.msk [tilespmem:v18+s13+$0x0], $0xffff;
	[tilespmem:s0+$0x60] =	vst v9  }
0x10c: {  	v9 =	vld.idx.msk [tilespmem:v10+s13+$0x0], $0xffff;
	[tilespmem:s0+$0xE0] =	vst v8  }
0x10d: {  	v8 =	vld.idx.msk [tilespmem:v19+s13+$0x0], $0xffff;
	[tilespmem:s0+$0x160] =	vst v17  }
0x10e: {  	v10 =	vld.idx.msk [tilespmem:v14+s13+$0x0], $0xffff;
	[tilespmem:s0+$0xFFFFFE60] =	vst v12  }
0x10f: {  	v12 =	vld.idx.msk [tilespmem:v16+s13+$0x0], $0xffff;
	[tilespmem:s0+$0xFFFFFEF0] =	vst v11  }
0x110: {  	v11 =	vld.idx.msk [tilespmem:v13+s13+$0x0], $0xffff;
	[tilespmem:s0+$0xFFFFFF70] =	vst v15  }
0x111: {  	[tilespmem:s0+$0xFFFFFFF0] =	vst v9  }
0x112: {  	s7 =	sshll.u32 s24, $0x12;
	[tilespmem:s0+$0x70] =	vst v8  }
0x113: {  	s1 =	sor.u32 s4, s7;
	[tilespmem:s0+$0xF0] =	vst v10  }
0x114: {  	p1 =	seq.s32 s24, $0x63;
	s1 =	sshrl.u32 s1, $0x3;
	[tilespmem:s0+$0x170] =	vst v12  }
0x115: {  	s12 =	sadd.s32 s2, s1;
	[tilespmem:s0+$0xFFFFFE70] =	vst v11;
	s0 =	sshrl.u32 @!p1 s26, $0x2  }
0x116: {  	[hbm4b:s12+s8] =	stream.strided.scatter [tilespmem:s17], [sflag:$0x3], $0x1000, s9, s8, $0x38;
	[tilespmem:$0x16800] =	vst v63  }
0x117: {  	s3 =	simm.s32 @!p1 $0xC800;
	s1 =	simm.s32 @!p1 $0x80;
	s0 =	sadd.s32 @!p1 $0x6500, s0  }
0x118: {  	[tilespmem:s3], [sflag:$0x1] =	stream.indirect.gather @!p1 [hbm4b:s5+s1], $0x80, s0, s1, $0xb8;
	[tilespmem:$0x16800] =	vst v63  }
0x119: {  	_ =	swait.ge [sflag:s18], $0x4000  }
0x11a: {  	[sflag:s18] =	ssyncset.done $0x0  }
0x11b: {  	s0 =	simm.s32 @!p0 $0x4;
	[sflag:s18] =	ssyncadd.s32 $0xFFFFC000  }
0x11c: {  	s26 =	sor.u32 $0x1, s28;
	_ =	swait.ge @!p0 [sflag:s0], $0x1000  }
0x11d: {  	s14 =	sshll.u32 s26, $0x7;
	[sflag:s0] =	ssyncset.done @!p0 $0x0  }
0x11e: {  	s31 =	sand.u32 $0x3FFFFF80, s14;
	[sflag:s0] =	ssyncadd.s32 @!p0 $0xFFFFF000  }
0x11f: {  	v8 =	vld [tilespmem:s31+$0x0];
	_ =	sdelay $0x4  }
0x120: {  	v8 =	vshll.u32 v8, $0x5  }
0x121: {  	v9 =	vld [tilespmem:s31+$0x10];
	v8 =	vand.u32 $0x60, v8  }
0x122: {  	s1 =	simm.s32 $0x0;
	v10 =	vld [tilespmem:s31+$0x20];
	v15 =	vor.u32 v0, v8  }
0x123: {  	s28 =	simm.s32 $0x7;
	v12 =	vld [tilespmem:s31+$0x40];
	v11 =	vor.u32 s1, v15  }
0x124: {  	s6 =	simm.s32 $0x1;
	v16 =	vld [tilespmem:s31+$0x50];
	v14 =	vor.u32 s28, v15  }
0x125: {  	s14 =	simm.s32 $0x2;
	v18 =	vld [tilespmem:s31+$0x60];
	v17 =	vor.u32 s6, v15  }
0x126: {  	s0 =	simm.s32 $0x3;
	v13 =	vld [tilespmem:s31+$0x70];
	v19 =	vor.u32 s14, v15  }
0x127: {  	s7 =	simm.s32 $0x4;
	v8 =	vld [tilespmem:s31+$0x30];
	v20 =	vor.u32 s0, v15  }
0x128: {  	s12 =	simm.s32 $0x5;
	v9 =	vshll.u32 v9, $0x5;
	v21 =	vor.u32 s7, v15;
	v11 =	vld.idx.msk [tilespmem:v11+s15+$0x0], $0xffff  }
0x129: {  	v9 =	vand.u32 $0x60, v9;
	s31 =	simm.s32 $0x6;
	v22 =	vor.u32 s12, v15;
	v23 =	vld.idx.msk [tilespmem:v14+s15+$0x0], $0xffff  }
0x12a: {  	v14 =	vor.u32 v1, v9;
	v9 =	vld.idx.msk [tilespmem:v17+s15+$0x0], $0xffff;
	v17 =	vor.u32 s31, v15  }
0x12b: {  	v19 =	vld.idx.msk [tilespmem:v19+s15+$0x0], $0xffff;
	v24 =	vor.u32 s28, v14  }
0x12c: {  	v20 =	vld.idx.msk [tilespmem:v20+s15+$0x0], $0xffff;
	v25 =	vor.u32 s6, v14  }
0x12d: {  	s29 =	simm.s32 $0x15BF0;
	v21 =	vld.idx.msk [tilespmem:v21+s15+$0x0], $0xffff;
	v26 =	vor.u32 s14, v14  }
0x12e: {  	v22 =	vld.idx.msk [tilespmem:v22+s15+$0x0], $0xffff;
	v27 =	vor.u32 s0, v14;
	[tilespmem:s29+$0xFFFFFF90] =	vst v23  }
0x12f: {  	v10 =	vshll.u32 v10, $0x5;
	v28 =	vor.u32 s7, v14;
	v17 =	vld.idx.msk [tilespmem:v17+s15+$0x0], $0xffff;
	[tilespmem:s29+$0xFFFFFC90] =	vst v9  }
0x130: {  	v10 =	vand.u32 $0x60, v10;
	v23 =	vor.u32 s12, v14;
	[tilespmem:s29+$0xFFFFFD10] =	vst v19;
	v24 =	vld.idx.msk [tilespmem:v24+s15+$0x0], $0xffff  }
0x131: {  	v9 =	vor.u32 v2, v10;
	v10 =	vor.u32 s31, v14;
	[tilespmem:s29+$0xFFFFFD90] =	vst v20;
	v25 =	vld.idx.msk [tilespmem:v25+s15+$0x0], $0xffff  }
0x132: {  	[tilespmem:s29+$0xFFFFFE10] =	vst v21;
	v19 =	vld.idx.msk [tilespmem:v26+s15+$0x0], $0xffff;
	v26 =	vor.u32 s1, v14  }
0x133: {  	[tilespmem:s29+$0xFFFFFE90] =	vst v22;
	v20 =	vor.u32 s28, v9;
	v27 =	vld.idx.msk [tilespmem:v27+s15+$0x0], $0xffff  }
0x134: {  	[tilespmem:s29+$0xFFFFFC10] =	vst v11;
	v21 =	vor.u32 s6, v9;
	v28 =	vld.idx.msk [tilespmem:v28+s15+$0x0], $0xffff  }
0x135: {  	v8 =	vshll.u32 v8, $0x5;
	v22 =	vor.u32 s14, v9;
	v23 =	vld.idx.msk [tilespmem:v23+s15+$0x0], $0xffff;
	[tilespmem:s29+$0xFFFFFF10] =	vst v17  }
0x136: {  	v8 =	vand.u32 $0x60, v8;
	v11 =	vor.u32 s7, v9;
	v29 =	vld.idx.msk [tilespmem:v10+s15+$0x0], $0xffff;
	[tilespmem:s29+$0xFFFFFFA0] =	vst v24  }
0x137: {  	v17 =	vor.u32 s0, v9;
	v10 =	vor.u32 v3, v8;
	v8 =	vld.idx.msk [tilespmem:v26+s15+$0x0], $0xffff;
	[tilespmem:s29+$0xFFFFFCA0] =	vst v25  }
0x138: {  	v24 =	vor.u32 s12, v9;
	[tilespmem:s29+$0xFFFFFD20] =	vst v19;
	v20 =	vld.idx.msk [tilespmem:v20+s15+$0x0], $0xffff  }
0x139: {  	[tilespmem:s29+$0xFFFFFDA0] =	vst v27;
	v25 =	vor.u32 s31, v9;
	v21 =	vld.idx.msk [tilespmem:v21+s15+$0x0], $0xffff  }
0x13a: {  	v26 =	vor.u32 s1, v9;
	[tilespmem:s29+$0xFFFFFE20] =	vst v28;
	v22 =	vld.idx.msk [tilespmem:v22+s15+$0x0], $0xffff  }
0x13b: {  	v19 =	vor.u32 s28, v10;
	v28 =	vld.idx.msk [tilespmem:v11+s15+$0x0], $0xffff;
	[tilespmem:s29+$0xFFFFFEA0] =	vst v23  }
0x13c: {  	v27 =	vor.u32 s6, v10;
	v17 =	vld.idx.msk [tilespmem:v17+s15+$0x0], $0xffff;
	[tilespmem:s29+$0xFFFFFF20] =	vst v29  }
0x13d: {  	v11 =	vshll.u32 v12, $0x5;
	v12 =	vor.u32 s14, v10;
	v23 =	vld.idx.msk [tilespmem:v24+s15+$0x0], $0xffff;
	[tilespmem:s29+$0xFFFFFC20] =	vst v8  }
0x13e: {  	v8 =	vor.u32 s7, v10;
	[tilespmem:s29+$0xFFFFFFB0] =	vst v20;
	v24 =	vld.idx.msk [tilespmem:v25+s15+$0x0], $0xffff  }
0x13f: {  	v20 =	vor.u32 s0, v10;
	v25 =	vld.idx.msk [tilespmem:v26+s15+$0x0], $0xffff;
	[tilespmem:s29+$0xFFFFFCB0] =	vst v21  }
0x140: {  	v11 =	vand.u32 $0x60, v11;
	[tilespmem:s29+$0xFFFFFD30] =	vst v22;
	v22 =	vor.u32 s12, v10;
	v19 =	vld.idx.msk [tilespmem:v19+s15+$0x0], $0xffff  }
0x141: {  	v11 =	vor.u32 v4, v11;
	[tilespmem:s29+$0xFFFFFE30] =	vst v28;
	v26 =	vld.idx.msk [tilespmem:v27+s15+$0x0], $0xffff;
	v27 =	vor.u32 s1, v10  }
0x142: {  	v21 =	vor.u32 s28, v11;
	v12 =	vld.idx.msk [tilespmem:v12+s15+$0x0], $0xffff;
	[tilespmem:s29+$0xFFFFFDB0] =	vst v17  }
0x143: {  	v28 =	vor.u32 s6, v11;
	v29 =	vld.idx.msk [tilespmem:v8+s15+$0x0], $0xffff;
	[tilespmem:s29+$0xFFFFFEB0] =	vst v23  }
0x144: {  	v16 =	vshll.u32 v16, $0x5;
	v17 =	vor.u32 s31, v10;
	v20 =	vld.idx.msk [tilespmem:v20+s15+$0x0], $0xffff;
	[tilespmem:s29+$0xFFFFFF30] =	vst v24  }
0x145: {  	v8 =	vand.u32 $0x60, v16;
	v16 =	vor.u32 s14, v11;
	v22 =	vld.idx.msk [tilespmem:v22+s15+$0x0], $0xffff;
	[tilespmem:s29+$0xFFFFFC30] =	vst v25  }
0x146: {  	v25 =	vor.u32 s7, v11;
	[tilespmem:s29+$0xFFFFFFC0] =	vst v19;
	v24 =	vld.idx.msk [tilespmem:v27+s15+$0x0], $0xffff  }
0x147: {  	[tilespmem:s29+$0xFFFFFCC0] =	vst v26;
	v27 =	vor.u32 s12, v11;
	v19 =	vld.idx.msk [tilespmem:v21+s15+$0x0], $0xffff  }
0x148: {  	v8 =	vor.u32 v5, v8;
	[tilespmem:s29+$0xFFFFFD40] =	vst v12;
	v21 =	vor.u32 s0, v11;
	v26 =	vld.idx.msk [tilespmem:v28+s15+$0x0], $0xffff  }
0x149: {  	v23 =	vor.u32 s28, v8;
	v17 =	vld.idx.msk [tilespmem:v17+s15+$0x0], $0xffff;
	[tilespmem:s29+$0xFFFFFE40] =	vst v29  }
0x14a: {  	v12 =	vshll.u32 v18, $0x5;
	v18 =	vor.u32 s1, v11;
	v16 =	vld.idx.msk [tilespmem:v16+s15+$0x0], $0xffff;
	[tilespmem:s29+$0xFFFFFDC0] =	vst v20  }
0x14b: {  	v20 =	vor.u32 s31, v11;
	v25 =	vld.idx.msk [tilespmem:v25+s15+$0x0], $0xffff;
	[tilespmem:s29+$0xFFFFFEC0] =	vst v22  }
0x14c: {  	v28 =	vor.u32 s14, v8;
	v22 =	vld.idx.msk [tilespmem:v27+s15+$0x0], $0xffff;
	[tilespmem:s29+$0xFFFFFC40] =	vst v24  }
0x14d: {  	v12 =	vand.u32 $0x60, v12;
	v21 =	vld.idx.msk [tilespmem:v21+s15+$0x0], $0xffff;
	[tilespmem:s29+$0xFFFFFFD0] =	vst v19;
	v19 =	vor.u32 s6, v8  }
0x14e: {  	v12 =	vor.u32 v6, v12;
	[tilespmem:s29+$0xFFFFFCD0] =	vst v26;
	v26 =	vor.u32 s7, v8;
	v23 =	vld.idx.msk [tilespmem:v23+s15+$0x0], $0xffff  }
0x14f: {  	v18 =	vld.idx.msk [tilespmem:v18+s15+$0x0], $0xffff;
	[tilespmem:s29+$0xFFFFFF40] =	vst v17;
	v17 =	vor.u32 s28, v12  }
0x150: {  	v24 =	vor.u32 s0, v8;
	[tilespmem:s29+$0xFFFFFD50] =	vst v16;
	v20 =	vld.idx.msk [tilespmem:v20+s15+$0x0], $0xffff  }
0x151: {  	v16 =	vor.u32 s12, v8;
	v27 =	vld.idx.msk [tilespmem:v28+s15+$0x0], $0xffff;
	[tilespmem:s29+$0xFFFFFE50] =	vst v25  }
0x152: {  	v28 =	vor.u32 s31, v8;
	[tilespmem:s29+$0xFFFFFED0] =	vst v22;
	v19 =	vld.idx.msk [tilespmem:v19+s15+$0x0], $0xffff  }
0x153: {  	v25 =	vld.idx.msk [tilespmem:v26+s15+$0x0], $0xffff;
	v26 =	vor.u32 s14, v12;
	[tilespmem:s29+$0xFFFFFFE0] =	vst v23  }
0x154: {  	v13 =	vshll.u32 v13, $0x5;
	[tilespmem:s29+$0xFFFFFDD0] =	vst v21;
	v23 =	vor.u32 s1, v8;
	v17 =	vld.idx.msk [tilespmem:v17+s15+$0x0], $0xffff  }
0x155: {  	v13 =	vand.u32 $0x60, v13;
	v21 =	vor.u32 s6, v12;
	[tilespmem:s29+$0xFFFFFC50] =	vst v18;
	v24 =	vld.idx.msk [tilespmem:v24+s15+$0x0], $0xffff  }
0x156: {  	v13 =	vor.u32 v7, v13;
	v18 =	vor.u32 s0, v12;
	v16 =	vld.idx.msk [tilespmem:v16+s15+$0x0], $0xffff;
	[tilespmem:s29+$0xFFFFFF50] =	vst v20  }
0x157: {  	v22 =	vor.u32 s28, v13;
	[tilespmem:s29+$0xFFFFFD60] =	vst v27;
	v28 =	vld.idx.msk [tilespmem:v28+s15+$0x0], $0xffff  }
0x158: {  	[tilespmem:s29+$0xFFFFFCE0] =	vst v19;
	v19 =	vor.u32 s7, v12;
	v30 =	vld.idx.msk [tilespmem:v26+s15+$0x0], $0xffff  }
0x159: {  	v23 =	vld.idx.msk [tilespmem:v23+s15+$0x0], $0xffff;
	[tilespmem:s29+$0xFFFFFFF0] =	vst v17;
	v17 =	vor.u32 s31, v12  }
0x15a: {  	v27 =	vor.u32 s1, v12;
	v29 =	vld.idx.msk [tilespmem:v21+s15+$0x0], $0xffff;
	[tilespmem:s29+$0xFFFFFDE0] =	vst v24  }
0x15b: {  	s28 =	simm.s32 $0x8;
	v20 =	vor.u32 s12, v12;
	v31 =	vld.idx.msk [tilespmem:v18+s15+$0x0], $0xffff  }
0x15c: {  	[tilespmem:s29+$0xFFFFFE60] =	vst v25;
	v24 =	vor.u32 s28, v15;
	v22 =	vld.idx.msk [tilespmem:v22+s15+$0x0], $0xffff  }
0x15d: {  	v32 =	vor.u32 s6, v13;
	[tilespmem:s29+$0xFFFFFF60] =	vst v28;
	v21 =	vld.idx.msk [tilespmem:v19+s15+$0x0], $0xffff  }
0x15e: {  	v33 =	vor.u32 s14, v13;
	[tilespmem:s29+$0xFFFFFC60] =	vst v23;
	v18 =	vld.idx.msk [tilespmem:v17+s15+$0x0], $0xffff  }
0x15f: {  	[tilespmem:s29+$0xFFFFFEE0] =	vst v16;
	v17 =	vld.idx.msk [tilespmem:v27+s15+$0x0], $0xffff;
	v27 =	vor.u32 s0, v13  }
0x160: {  	v26 =	vor.u32 s7, v13;
	v20 =	vld.idx.msk [tilespmem:v20+s15+$0x0], $0xffff;
	[tilespmem:s29+$0xFFFFFD70] =	vst v30  }
0x161: {  	v25 =	vor.u32 s12, v13;
	v16 =	vld.idx.msk [tilespmem:v24+s15+$0x0], $0xffff;
	[tilespmem:s29+$0xFFFFFCF0] =	vst v29  }
0x162: {  	v24 =	vor.u32 s31, v13;
	v19 =	vld.idx.msk [tilespmem:v32+s15+$0x0], $0xffff;
	[tilespmem:s29+$0xFFFFFDF0] =	vst v31  }
0x163: {  	s30 =	simm.s32 $0xF;
	v23 =	vor.u32 s1, v13;
	s0 =	simm.s32 $0x10;
	[tilespmem:s29+$0x0] =	vst v22;
	v22 =	vld.idx.msk [tilespmem:v33+s15+$0x0], $0xffff  }
.LBB2_7:
0x164: {  	p0 =	slt.u32 s0, $0x18;
	s1 =	sadd.s32 $0x1, s28;
	v28 =	vor.u32 s30, v15;
	v27 =	vld.idx.msk [tilespmem:v27+s15+$0x0], $0xffff;
	[tilespmem:s29+$0xFFFFFE70] =	vst v21  }
0x165: {  	s12 =	sadd.s32 $0x2, s28;
	v21 =	vor.u32 s1, v15;
	v26 =	vld.idx.msk [tilespmem:v26+s15+$0x0], $0xffff;
	[tilespmem:s29+$0xFFFFFEF0] =	vst v20  }
0x166: {  	s14 =	sadd.s32 $0x3, s28;
	v20 =	vor.u32 s12, v15;
	v25 =	vld.idx.msk [tilespmem:v25+s15+$0x0], $0xffff;
	[tilespmem:s29+$0xFFFFFF70] =	vst v18  }
0x167: {  	s3 =	sadd.s32 $0x4, s28;
	v18 =	vor.u32 s14, v15;
	[tilespmem:s29+$0xFFFFFC70] =	vst v17;
	v17 =	vld.idx.msk [tilespmem:v24+s15+$0x0], $0xffff  }
0x168: {  	s6 =	sadd.s32 $0x5, s28;
	v24 =	vor.u32 s3, v15;
	v23 =	vld.idx.msk [tilespmem:v23+s15+$0x0], $0xffff;
	[tilespmem:s29+$0xFFFFFD00] =	vst v19  }
0x169: {  	s7 =	sadd.s32 $0x6, s28;
	v19 =	vor.u32 s6, v15;
	v28 =	vld.idx.msk [tilespmem:v28+s15+$0x0], $0xffff;
	[tilespmem:s29+$0xFFFFFD80] =	vst v22  }
0x16a: {  	v22 =	vor.u32 s7, v15;
	v21 =	vld.idx.msk [tilespmem:v21+s15+$0x0], $0xffff;
	[tilespmem:s29+$0xFFFFFE00] =	vst v27  }
0x16b: {  	v27 =	vor.u32 s30, v14;
	v20 =	vld.idx.msk [tilespmem:v20+s15+$0x0], $0xffff;
	[tilespmem:s29+$0xFFFFFE80] =	vst v26  }
0x16c: {  	v26 =	vor.u32 s1, v14;
	v18 =	vld.idx.msk [tilespmem:v18+s15+$0x0], $0xffff;
	[tilespmem:s29+$0xFFFFFF00] =	vst v25  }
0x16d: {  	v25 =	vor.u32 s12, v14;
	v24 =	vld.idx.msk [tilespmem:v24+s15+$0x0], $0xffff;
	[tilespmem:s29+$0xFFFFFF80] =	vst v17  }
0x16e: {  	v17 =	vor.u32 s14, v14;
	v19 =	vld.idx.msk [tilespmem:v19+s15+$0x0], $0xffff;
	[tilespmem:s29+$0xFFFFFC80] =	vst v23;
	s29 =	sadd.s32 $0x400, s29  }
0x16f: {  	v23 =	vor.u32 s3, v14;
	v22 =	vld.idx.msk [tilespmem:v22+s15+$0x0], $0xffff;
	[tilespmem:s29+$0xFFFFFF90] =	vst v28  }
0x170: {  	[tilespmem:s29+$0xFFFFFC90] =	vst v21;
	v21 =	vor.u32 s6, v14;
	v27 =	vld.idx.msk [tilespmem:v27+s15+$0x0], $0xffff  }
0x171: {  	v26 =	vld.idx.msk [tilespmem:v26+s15+$0x0], $0xffff;
	[tilespmem:s29+$0xFFFFFD10] =	vst v20;
	v20 =	vor.u32 s7, v14  }
0x172: {  	v25 =	vld.idx.msk [tilespmem:v25+s15+$0x0], $0xffff;
	[tilespmem:s29+$0xFFFFFD90] =	vst v18;
	v18 =	vor.u32 s30, v9  }
0x173: {  	v28 =	vor.u32 s28, v14;
	v17 =	vld.idx.msk [tilespmem:v17+s15+$0x0], $0xffff;
	[tilespmem:s29+$0xFFFFFE10] =	vst v24  }
0x174: {  	v24 =	vor.u32 s1, v9;
	v23 =	vld.idx.msk [tilespmem:v23+s15+$0x0], $0xffff;
	[tilespmem:s29+$0xFFFFFE90] =	vst v19  }
0x175: {  	v19 =	vor.u32 s12, v9;
	v21 =	vld.idx.msk [tilespmem:v21+s15+$0x0], $0xffff;
	[tilespmem:s29+$0xFFFFFF10] =	vst v22  }
0x176: {  	v22 =	vor.u32 s14, v9;
	v20 =	vld.idx.msk [tilespmem:v20+s15+$0x0], $0xffff;
	[tilespmem:s29+$0xFFFFFFA0] =	vst v27  }
0x177: {  	[tilespmem:s29+$0xFFFFFC10] =	vst v16;
	v16 =	vor.u32 s3, v9;
	v18 =	vld.idx.msk [tilespmem:v18+s15+$0x0], $0xffff  }
0x178: {  	v27 =	vld.idx.msk [tilespmem:v28+s15+$0x0], $0xffff;
	[tilespmem:s29+$0xFFFFFCA0] =	vst v26;
	v26 =	vor.u32 s6, v9  }
0x179: {  	v24 =	vld.idx.msk [tilespmem:v24+s15+$0x0], $0xffff;
	[tilespmem:s29+$0xFFFFFD20] =	vst v25;
	v25 =	vor.u32 s30, v10  }
0x17a: {  	v19 =	vld.idx.msk [tilespmem:v19+s15+$0x0], $0xffff;
	[tilespmem:s29+$0xFFFFFDA0] =	vst v17;
	v17 =	vor.u32 s7, v9  }
0x17b: {  	v28 =	vor.u32 s28, v9;
	v22 =	vld.idx.msk [tilespmem:v22+s15+$0x0], $0xffff;
	[tilespmem:s29+$0xFFFFFE20] =	vst v23  }
0x17c: {  	v23 =	vor.u32 s1, v10;
	v16 =	vld.idx.msk [tilespmem:v16+s15+$0x0], $0xffff;
	[tilespmem:s29+$0xFFFFFEA0] =	vst v21  }
0x17d: {  	v21 =	vor.u32 s12, v10;
	v26 =	vld.idx.msk [tilespmem:v26+s15+$0x0], $0xffff;
	[tilespmem:s29+$0xFFFFFFB0] =	vst v18  }
0x17e: {  	v18 =	vor.u32 s14, v10;
	[tilespmem:s29+$0xFFFFFF20] =	vst v20;
	v20 =	vld.idx.msk [tilespmem:v25+s15+$0x0], $0xffff  }
0x17f: {  	v25 =	vor.u32 s3, v10;
	[tilespmem:s29+$0xFFFFFC20] =	vst v27;
	v17 =	vld.idx.msk [tilespmem:v17+s15+$0x0], $0xffff  }
0x180: {  	v27 =	vld.idx.msk [tilespmem:v28+s15+$0x0], $0xffff;
	[tilespmem:s29+$0xFFFFFCB0] =	vst v24;
	v24 =	vor.u32 s30, v11  }
0x181: {  	v23 =	vld.idx.msk [tilespmem:v23+s15+$0x0], $0xffff;
	[tilespmem:s29+$0xFFFFFD30] =	vst v19;
	v19 =	vor.u32 s6, v10  }
0x182: {  	v21 =	vld.idx.msk [tilespmem:v21+s15+$0x0], $0xffff;
	[tilespmem:s29+$0xFFFFFDB0] =	vst v22;
	v22 =	vor.u32 s7, v10  }
0x183: {  	v28 =	vor.u32 s28, v10;
	v18 =	vld.idx.msk [tilespmem:v18+s15+$0x0], $0xffff;
	[tilespmem:s29+$0xFFFFFE30] =	vst v16  }
0x184: {  	v16 =	vor.u32 s1, v11;
	v25 =	vld.idx.msk [tilespmem:v25+s15+$0x0], $0xffff;
	[tilespmem:s29+$0xFFFFFFC0] =	vst v20  }
0x185: {  	v20 =	vor.u32 s12, v11;
	[tilespmem:s29+$0xFFFFFEB0] =	vst v26;
	v24 =	vld.idx.msk [tilespmem:v24+s15+$0x0], $0xffff  }
0x186: {  	v26 =	vor.u32 s14, v11;
	v19 =	vld.idx.msk [tilespmem:v19+s15+$0x0], $0xffff;
	[tilespmem:s29+$0xFFFFFF30] =	vst v17  }
0x187: {  	[tilespmem:s29+$0xFFFFFC30] =	vst v27;
	v17 =	vld.idx.msk [tilespmem:v22+s15+$0x0], $0xffff;
	v22 =	vor.u32 s30, v8  }
0x188: {  	v27 =	vld.idx.msk [tilespmem:v28+s15+$0x0], $0xffff;
	[tilespmem:s29+$0xFFFFFCC0] =	vst v23;
	v23 =	vor.u32 s3, v11  }
0x189: {  	v16 =	vld.idx.msk [tilespmem:v16+s15+$0x0], $0xffff;
	[tilespmem:s29+$0xFFFFFD40] =	vst v21;
	v21 =	vor.u32 s6, v11  }
0x18a: {  	v20 =	vld.idx.msk [tilespmem:v20+s15+$0x0], $0xffff;
	[tilespmem:s29+$0xFFFFFDC0] =	vst v18;
	v18 =	vor.u32 s7, v11  }
0x18b: {  	v28 =	vor.u32 s28, v11;
	v26 =	vld.idx.msk [tilespmem:v26+s15+$0x0], $0xffff;
	[tilespmem:s29+$0xFFFFFFD0] =	vst v24  }
0x18c: {  	v24 =	vor.u32 s1, v8;
	[tilespmem:s29+$0xFFFFFE40] =	vst v25;
	v22 =	vld.idx.msk [tilespmem:v22+s15+$0x0], $0xffff  }
0x18d: {  	v25 =	vor.u32 s12, v8;
	v23 =	vld.idx.msk [tilespmem:v23+s15+$0x0], $0xffff;
	[tilespmem:s29+$0xFFFFFEC0] =	vst v19  }
0x18e: {  	v19 =	vld.idx.msk [tilespmem:v21+s15+$0x0], $0xffff;
	[tilespmem:s29+$0xFFFFFF40] =	vst v17;
	v17 =	vor.u32 s30, v12  }
0x18f: {  	v21 =	vor.u32 s14, v8;
	[tilespmem:s29+$0xFFFFFC40] =	vst v27;
	v18 =	vld.idx.msk [tilespmem:v18+s15+$0x0], $0xffff  }
0x190: {  	v27 =	vld.idx.msk [tilespmem:v28+s15+$0x0], $0xffff;
	[tilespmem:s29+$0xFFFFFCD0] =	vst v16;
	v16 =	vor.u32 s3, v8  }
0x191: {  	v24 =	vld.idx.msk [tilespmem:v24+s15+$0x0], $0xffff;
	[tilespmem:s29+$0xFFFFFD50] =	vst v20;
	v20 =	vor.u32 s6, v8  }
0x192: {  	v28 =	vor.u32 s7, v8;
	v25 =	vld.idx.msk [tilespmem:v25+s15+$0x0], $0xffff;
	[tilespmem:s29+$0xFFFFFFE0] =	vst v22  }
0x193: {  	v22 =	vor.u32 s28, v8;
	[tilespmem:s29+$0xFFFFFDD0] =	vst v26;
	v17 =	vld.idx.msk [tilespmem:v17+s15+$0x0], $0xffff  }
0x194: {  	v26 =	vor.u32 s1, v12;
	v21 =	vld.idx.msk [tilespmem:v21+s15+$0x0], $0xffff;
	[tilespmem:s29+$0xFFFFFE50] =	vst v23  }
0x195: {  	v16 =	vld.idx.msk [tilespmem:v16+s15+$0x0], $0xffff;
	[tilespmem:s29+$0xFFFFFED0] =	vst v19;
	v19 =	vor.u32 s30, v13  }
0x196: {  	v23 =	vor.u32 s12, v12;
	v20 =	vld.idx.msk [tilespmem:v20+s15+$0x0], $0xffff;
	[tilespmem:s29+$0xFFFFFF50] =	vst v18  }
0x197: {  	v18 =	vor.u32 s14, v12;
	[tilespmem:s29+$0xFFFFFC50] =	vst v27;
	v27 =	vld.idx.msk [tilespmem:v28+s15+$0x0], $0xffff  }
0x198: {  	v22 =	vld.idx.msk [tilespmem:v22+s15+$0x0], $0xffff;
	[tilespmem:s29+$0xFFFFFCE0] =	vst v24;
	v24 =	vor.u32 s3, v12  }
0x199: {  	v28 =	vld.idx.msk [tilespmem:v26+s15+$0x0], $0xffff;
	v26 =	vor.u32 s6, v12;
	[tilespmem:s29+$0xFFFFFFF0] =	vst v17  }
0x19a: {  	v17 =	vor.u32 s7, v12;
	[tilespmem:s29+$0xFFFFFD60] =	vst v25;
	v19 =	vld.idx.msk [tilespmem:v19+s15+$0x0], $0xffff  }
0x19b: {  	v25 =	vor.u32 s28, v12;
	v23 =	vld.idx.msk [tilespmem:v23+s15+$0x0], $0xffff;
	[tilespmem:s29+$0xFFFFFDE0] =	vst v21  }
0x19c: {  	v29 =	vor.u32 s0, v15;
	v30 =	vld.idx.msk [tilespmem:v18+s15+$0x0], $0xffff;
	[tilespmem:s29+$0xFFFFFE60] =	vst v16  }
0x19d: {  	v31 =	vor.u32 s1, v13;
	v21 =	vld.idx.msk [tilespmem:v24+s15+$0x0], $0xffff;
	[tilespmem:s29+$0xFFFFFEE0] =	vst v20  }
0x19e: {  	v32 =	vor.u32 s12, v13;
	v20 =	vld.idx.msk [tilespmem:v26+s15+$0x0], $0xffff;
	[tilespmem:s29+$0xFFFFFF60] =	vst v27  }
.Ltmp4:
0x19f: {  	v27 =	vor.u32 s14, v13;
	[tilespmem:s29+$0xFFFFFC60] =	vst v22;
	v18 =	vld.idx.msk [tilespmem:v17+s15+$0x0], $0xffff;
	(pc) =	sbr.rel @p0 .LBB2_7-.Ltmp4, $4  }
0x1a0: {  	v26 =	vor.u32 s3, v13;
	v17 =	vld.idx.msk [tilespmem:v25+s15+$0x0], $0xffff;
	[tilespmem:s29+$0x0] =	vst v19  }
0x1a1: {  	v25 =	vor.u32 s6, v13;
	v16 =	vld.idx.msk [tilespmem:v29+s15+$0x0], $0xffff;
	[tilespmem:s29+$0xFFFFFCF0] =	vst v28  }
0x1a2: {  	v24 =	vor.u32 s7, v13;
	v19 =	vld.idx.msk [tilespmem:v31+s15+$0x0], $0xffff;
	[tilespmem:s29+$0xFFFFFD70] =	vst v23  }
0x1a3: {  	s30 =	sadd.s32 $0x7, s0;
	v23 =	vor.u32 s28, v13;
	s28 =	smov.u32 s0;
	s0 =	sadd.s32 $0x8, s0;
	v22 =	vld.idx.msk [tilespmem:v32+s15+$0x0], $0xffff;
	[tilespmem:s29+$0xFFFFFDF0] =	vst v30  }
0x1a4: {  	_ =	sdelay $0x1  }
0x1a5: {  	[tilespmem:s29+$0xFFFFFE70] =	vst v21  }
0x1a6: {  	[tilespmem:s29+$0xFFFFFEF0] =	vst v20  }
0x1a7: {  	v55 =	vor.u32 s30, v15;
	v27 =	vld.idx.msk [tilespmem:v27+s15+$0x0], $0xffff;
	[tilespmem:s29+$0xFFFFFF70] =	vst v18  }
0x1a8: {  	s1 =	sadd.s32 $0x1, s28;
	s0 =	sadd.s32 $0x400, s29;
	v36 =	vor.u32 s28, v14;
	v26 =	vld.idx.msk [tilespmem:v26+s15+$0x0], $0xffff;
	[tilespmem:s29+$0xFFFFFC70] =	vst v17  }
0x1a9: {  	s3 =	sadd.s32 $0x2, s28;
	s6 =	sadd.s32 $0x3, s28;
	v62 =	vor.u32 s30, v14;
	v56 =	vor.u32 s1, v15;
	v25 =	vld.idx.msk [tilespmem:v25+s15+$0x0], $0xffff;
	[tilespmem:s0+$0xFFFFFC10] =	vst v16  }
0x1aa: {  	v57 =	vor.u32 s3, v15;
	v58 =	vor.u32 s6, v15;
	v24 =	vld.idx.msk [tilespmem:v24+s15+$0x0], $0xffff;
	[tilespmem:s29+$0xFFFFFD00] =	vst v19  }
0x1ab: {  	s7 =	sadd.s32 $0x4, s28;
	v63 =	vor.u32 s1, v14;
	v28 =	vor.u32 s3, v14;
	v23 =	vld.idx.msk [tilespmem:v23+s15+$0x0], $0xffff;
	[tilespmem:s29+$0xFFFFFD80] =	vst v22  }
0x1ac: {  	s12 =	sadd.s32 $0x5, s28;
	s14 =	sadd.s32 $0x6, s28;
	v59 =	vor.u32 s7, v15;
	v29 =	vor.u32 s6, v14;
	v30 =	vor.u32 s7, v14;
	v21 =	vld.idx.msk [tilespmem:v55+s15+$0x0], $0xffff;
	[tilespmem:s29+$0xFFFFFE00] =	vst v27  }
0x1ad: {  	v60 =	vor.u32 s12, v15;
	v32 =	vor.u32 s12, v14;
	v35 =	vor.u32 s14, v14;
	v14 =	vld.idx.msk [tilespmem:v36+s15+$0x0], $0xffff;
	[tilespmem:s29+$0xFFFFFE80] =	vst v26  }
0x1ae: {  	v61 =	vor.u32 s14, v15;
	v20 =	vld.idx.msk [tilespmem:v56+s15+$0x0], $0xffff;
	[tilespmem:s29+$0xFFFFFF00] =	vst v25  }
0x1af: {  	v18 =	vld.idx.msk [tilespmem:v57+s15+$0x0], $0xffff;
	[tilespmem:s29+$0xFFFFFF80] =	vst v24  }
0x1b0: {  	v46 =	vor.u32 s28, v9;
	v17 =	vld.idx.msk [tilespmem:v58+s15+$0x0], $0xffff;
	[tilespmem:s29+$0xFFFFFC80] =	vst v23  }
0x1b1: {  	v19 =	vld.idx.msk [tilespmem:v59+s15+$0x0], $0xffff;
	[tilespmem:s0+$0xFFFFFF90] =	vst v21  }
0x1b2: {  	v34 =	vor.u32 s30, v9;
	v22 =	vld.idx.msk [tilespmem:v60+s15+$0x0], $0xffff;
	[tilespmem:s0+$0xFFFFFC20] =	vst v14  }
0x1b3: {  	v37 =	vor.u32 s1, v9;
	v38 =	vor.u32 s3, v9;
	v15 =	vld.idx.msk [tilespmem:v61+s15+$0x0], $0xffff;
	[tilespmem:s0+$0xFFFFFC90] =	vst v20  }
0x1b4: {  	v39 =	vor.u32 s6, v9;
	v41 =	vor.u32 s7, v9;
	v31 =	vld.idx.msk [tilespmem:v62+s15+$0x0], $0xffff;
	[tilespmem:s0+$0xFFFFFD10] =	vst v18  }
0x1b5: {  	v43 =	vor.u32 s12, v9;
	v45 =	vor.u32 s14, v9;
	[tilespmem:s0+$0xFFFFFD90] =	vst v17;
	v9 =	vld.idx.msk [tilespmem:v46+s15+$0x0], $0xffff  }
0x1b6: {  	[tilespmem:s0+$0xFFFFFE10] =	vst v19;
	v33 =	vld.idx.msk [tilespmem:v63+s15+$0x0], $0xffff  }
0x1b7: {  	[tilespmem:s0+$0xFFFFFE90] =	vst v22;
	v23 =	vld.idx.msk [tilespmem:v28+s15+$0x0], $0xffff  }
0x1b8: {  	v57 =	vor.u32 s28, v10;
	[tilespmem:s0+$0xFFFFFF10] =	vst v15;
	v21 =	vld.idx.msk [tilespmem:v29+s15+$0x0], $0xffff  }
0x1b9: {  	v20 =	vld.idx.msk [tilespmem:v30+s15+$0x0], $0xffff;
	[tilespmem:s0+$0xFFFFFFA0] =	vst v31  }
0x1ba: {  	v42 =	vor.u32 s30, v10;
	v18 =	vld.idx.msk [tilespmem:v32+s15+$0x0], $0xffff;
	[tilespmem:s0+$0xFFFFFC30] =	vst v9  }
0x1bb: {  	v47 =	vor.u32 s1, v10;
	v48 =	vor.u32 s3, v10;
	v40 =	vld.idx.msk [tilespmem:v35+s15+$0x0], $0xffff;
	[tilespmem:s0+$0xFFFFFCA0] =	vst v33  }
0x1bc: {  	v50 =	vor.u32 s6, v10;
	v53 =	vor.u32 s7, v10;
	v24 =	vld.idx.msk [tilespmem:v34+s15+$0x0], $0xffff;
	[tilespmem:s0+$0xFFFFFD20] =	vst v23  }
0x1bd: {  	v55 =	vor.u32 s12, v10;
	v56 =	vor.u32 s14, v10;
	[tilespmem:s0+$0xFFFFFDA0] =	vst v21;
	v10 =	vld.idx.msk [tilespmem:v57+s15+$0x0], $0xffff  }
0x1be: {  	[tilespmem:s0+$0xFFFFFE20] =	vst v20;
	v15 =	vld.idx.msk [tilespmem:v37+s15+$0x0], $0xffff  }
0x1bf: {  	[tilespmem:s0+$0xFFFFFEA0] =	vst v18;
	v44 =	vld.idx.msk [tilespmem:v38+s15+$0x0], $0xffff  }
0x1c0: {  	v27 =	vor.u32 s28, v11;
	[tilespmem:s0+$0xFFFFFF20] =	vst v40;
	v16 =	vld.idx.msk [tilespmem:v39+s15+$0x0], $0xffff  }
0x1c1: {  	v19 =	vld.idx.msk [tilespmem:v41+s15+$0x0], $0xffff;
	[tilespmem:s0+$0xFFFFFFB0] =	vst v24  }
0x1c2: {  	v58 =	vor.u32 s1, v11;
	v49 =	vld.idx.msk [tilespmem:v43+s15+$0x0], $0xffff;
	[tilespmem:s0+$0xFFFFFC40] =	vst v10  }
0x1c3: {  	v60 =	vor.u32 s3, v11;
	v25 =	vor.u32 s12, v11;
	v51 =	vld.idx.msk [tilespmem:v45+s15+$0x0], $0xffff;
	[tilespmem:s0+$0xFFFFFCB0] =	vst v15  }
0x1c4: {  	v52 =	vor.u32 s30, v11;
	v26 =	vor.u32 s14, v11;
	v62 =	vor.u32 s30, v8;
	v23 =	vld.idx.msk [tilespmem:v42+s15+$0x0], $0xffff;
	[tilespmem:s0+$0xFFFFFD30] =	vst v44  }
0x1c5: {  	v36 =	vor.u32 s7, v8;
	v63 =	vor.u32 s6, v11;
	v24 =	vor.u32 s7, v11;
	[tilespmem:s0+$0xFFFFFDB0] =	vst v16;
	v11 =	vld.idx.msk [tilespmem:v27+s15+$0x0], $0xffff  }
0x1c6: {  	v30 =	vor.u32 s1, v8;
	v32 =	vor.u32 s3, v8;
	[tilespmem:s0+$0xFFFFFE30] =	vst v19;
	v54 =	vld.idx.msk [tilespmem:v47+s15+$0x0], $0xffff  }
0x1c7: {  	v34 =	vor.u32 s6, v8;
	v38 =	vor.u32 s12, v8;
	[tilespmem:s0+$0xFFFFFEB0] =	vst v49;
	v17 =	vld.idx.msk [tilespmem:v48+s15+$0x0], $0xffff  }
0x1c8: {  	v39 =	vor.u32 s14, v8;
	v8 =	vor.u32 s28, v8;
	[tilespmem:s0+$0xFFFFFF30] =	vst v51;
	v21 =	vld.idx.msk [tilespmem:v50+s15+$0x0], $0xffff  }
0x1c9: {  	v59 =	vld.idx.msk [tilespmem:v53+s15+$0x0], $0xffff;
	[tilespmem:s0+$0xFFFFFFC0] =	vst v23  }
0x1ca: {  	v61 =	vld.idx.msk [tilespmem:v55+s15+$0x0], $0xffff;
	[tilespmem:s0+$0xFFFFFC50] =	vst v11  }
0x1cb: {  	v19 =	vld.idx.msk [tilespmem:v56+s15+$0x0], $0xffff;
	[tilespmem:s0+$0xFFFFFCC0] =	vst v54  }
0x1cc: {  	v22 =	vld.idx.msk [tilespmem:v52+s15+$0x0], $0xffff;
	[tilespmem:s0+$0xFFFFFD40] =	vst v17  }
0x1cd: {  	[tilespmem:s0+$0xFFFFFDC0] =	vst v21;
	v8 =	vld.idx.msk [tilespmem:v8+s15+$0x0], $0xffff  }
0x1ce: {  	[tilespmem:s0+$0xFFFFFE40] =	vst v59;
	v14 =	vld.idx.msk [tilespmem:v58+s15+$0x0], $0xffff  }
0x1cf: {  	[tilespmem:s0+$0xFFFFFEC0] =	vst v61;
	v20 =	vld.idx.msk [tilespmem:v60+s15+$0x0], $0xffff  }
0x1d0: {  	v48 =	vor.u32 s28, v12;
	[tilespmem:s0+$0xFFFFFF40] =	vst v19;
	v29 =	vld.idx.msk [tilespmem:v63+s15+$0x0], $0xffff  }
0x1d1: {  	v17 =	vld.idx.msk [tilespmem:v24+s15+$0x0], $0xffff;
	[tilespmem:s0+$0xFFFFFFD0] =	vst v22  }
0x1d2: {  	v31 =	vor.u32 s30, v12;
	v33 =	vld.idx.msk [tilespmem:v25+s15+$0x0], $0xffff;
	[tilespmem:s0+$0xFFFFFC60] =	vst v8  }
0x1d3: {  	v41 =	vor.u32 s1, v12;
	v43 =	vor.u32 s6, v12;
	v35 =	vld.idx.msk [tilespmem:v26+s15+$0x0], $0xffff;
	[tilespmem:s0+$0xFFFFFCD0] =	vst v14  }
0x1d4: {  	v45 =	vor.u32 s12, v12;
	v42 =	vor.u32 s3, v12;
	v28 =	vld.idx.msk [tilespmem:v62+s15+$0x0], $0xffff;
	[tilespmem:s0+$0xFFFFFD50] =	vst v20  }
0x1d5: {  	v44 =	vor.u32 s7, v12;
	v47 =	vor.u32 s14, v12;
	[tilespmem:s0+$0xFFFFFDD0] =	vst v29;
	v12 =	vld.idx.msk [tilespmem:v48+s15+$0x0], $0xffff  }
0x1d6: {  	[tilespmem:s0+$0xFFFFFE50] =	vst v17;
	v37 =	vld.idx.msk [tilespmem:v30+s15+$0x0], $0xffff  }
0x1d7: {  	[tilespmem:s0+$0xFFFFFED0] =	vst v33;
	v10 =	vld.idx.msk [tilespmem:v32+s15+$0x0], $0xffff  }
0x1d8: {  	v58 =	vor.u32 s28, v13;
	[tilespmem:s0+$0xFFFFFF50] =	vst v35;
	v14 =	vld.idx.msk [tilespmem:v34+s15+$0x0], $0xffff  }
0x1d9: {  	v20 =	vld.idx.msk [tilespmem:v36+s15+$0x0], $0xffff;
	[tilespmem:s0+$0xFFFFFFE0] =	vst v28  }
0x1da: {  	v16 =	vld.idx.msk [tilespmem:v38+s15+$0x0], $0xffff;
	[tilespmem:s0+$0xFFFFFC70] =	vst v12  }
0x1db: {  	v9 =	vld.idx.msk [tilespmem:v39+s15+$0x0], $0xffff;
	[tilespmem:s0+$0xFFFFFCE0] =	vst v37  }
0x1dc: {  	v18 =	vld.idx.msk [tilespmem:v31+s15+$0x0], $0xffff;
	[tilespmem:s0+$0xFFFFFD60] =	vst v10  }
0x1dd: {  	[tilespmem:s0+$0xFFFFFDE0] =	vst v14;
	v63 =	vld.idx.msk [tilespmem:v58+s15+$0x0], $0xffff  }
0x1de: {  	[tilespmem:s0+$0xFFFFFE60] =	vst v20;
	v46 =	vld.idx.msk [tilespmem:v41+s15+$0x0], $0xffff  }
0x1df: {  	v40 =	vor.u32 s30, v13;
	[tilespmem:s0+$0xFFFFFEE0] =	vst v16;
	v11 =	vld.idx.msk [tilespmem:v42+s15+$0x0], $0xffff  }
0x1e0: {  	v49 =	vor.u32 s1, v13;
	[tilespmem:s0+$0xFFFFFF60] =	vst v9;
	v15 =	vld.idx.msk [tilespmem:v43+s15+$0x0], $0xffff  }
0x1e1: {  	v51 =	vor.u32 s3, v13;
	v50 =	vld.idx.msk [tilespmem:v44+s15+$0x0], $0xffff;
	[tilespmem:s0+$0xFFFFFFF0] =	vst v18  }
0x1e2: {  	v52 =	vor.u32 s6, v13;
	v8 =	vld.idx.msk [tilespmem:v45+s15+$0x0], $0xffff;
	[tilespmem:s0+$0xFFFFFC80] =	vst v63  }
0x1e3: {  	v54 =	vor.u32 s7, v13;
	v53 =	vld.idx.msk [tilespmem:v47+s15+$0x0], $0xffff;
	[tilespmem:s0+$0xFFFFFCF0] =	vst v46  }
0x1e4: {  	v55 =	vor.u32 s12, v13;
	v17 =	vld.idx.msk [tilespmem:v40+s15+$0x0], $0xffff;
	[tilespmem:s0+$0xFFFFFD70] =	vst v11  }
0x1e5: {  	v57 =	vor.u32 s14, v13;
	[tilespmem:s0+$0xFFFFFDF0] =	vst v15;
	v56 =	vld.idx.msk [tilespmem:v49+s15+$0x0], $0xffff  }
0x1e6: {  	[tilespmem:s0+$0xFFFFFE70] =	vst v50;
	v59 =	vld.idx.msk [tilespmem:v51+s15+$0x0], $0xffff  }
0x1e7: {  	[tilespmem:s0+$0xFFFFFEF0] =	vst v8;
	v60 =	vld.idx.msk [tilespmem:v52+s15+$0x0], $0xffff  }
0x1e8: {  	[tilespmem:s0+$0xFFFFFF70] =	vst v53;
	v8 =	vld.idx.msk [tilespmem:v54+s15+$0x0], $0xffff  }
0x1e9: {  	v61 =	vld.idx.msk [tilespmem:v55+s15+$0x0], $0xffff;
	[tilespmem:s0+$0x0] =	vst v17  }
0x1ea: {  	v62 =	vld.idx.msk [tilespmem:v57+s15+$0x0], $0xffff;
	[tilespmem:s0+$0xFFFFFD00] =	vst v56  }
0x1eb: {  	[tilespmem:s0+$0xFFFFFD80] =	vst v59  }
.Ltmp5:
0x1ec: {  	s30 =	sshll.u32 s26, $0x11;
	[tilespmem:s0+$0xFFFFFE00] =	vst v60;
	(pc) =	sbr.rel @p1 .LBB2_10-.Ltmp5, $4  }
0x1ed: {  	s1 =	sor.u32 s4, s30;
	[tilespmem:s0+$0xFFFFFE80] =	vst v8  }
0x1ee: {  	s1 =	sshrl.u32 s1, $0x3;
	[tilespmem:s0+$0xFFFFFF00] =	vst v61  }
0x1ef: {  	s31 =	sadd.s32 s2, s1;
	[tilespmem:s0+$0xFFFFFF80] =	vst v62  }
0x1f0: {  	[hbm4b:s31+s8] =	stream.strided.scatter [tilespmem:s19], [sflag:$0x4], $0x1000, s9, s8, $0x38;
	[tilespmem:$0x16800] =	vst v63  }
.Ltmp6:
0x1f1: {  	(pc) =	sbr.rel .LBB2_4-.Ltmp6, $3  }
0x1f2: {  	_ =	sdelay $0x1  }
0x1f3: {  	s0 =	sadd.s32 $0x6580, s25;
	s24 =	sadd.s32 $0x1, s24  }
0x1f4: {  	[tilespmem:s15], [sflag:$0x2] =	stream.indirect.gather [hbm4b:s5+s11], $0x80, s0, s11, $0xb8;
	[tilespmem:$0x16800] =	vst v63  }
.LBB2_11:
0x1f5: {  	_ =	sfence.sel $0x180000  }
0x1f6: {  	[bflag:$0x0] =	sbarrier.arrive $0xFFFF  }
0x1f7: {  	_ =	strace $0x9000004A  }
0x1f8: {  	s0 =	stileid.u32;
	[bflag:$0x2] =	sbarrier.arrive $0xFFFF  }
0x1f9: {  	p0 =	sne.s32 s0, $0x0;
	s0 =	rddreg [dreg:$0x3]  }
0x1fa: {  	s0 =	sadd.s32 @!p0 $0x100000, s0  }
0x1fb: {  	[sflag:s0] =	ssyncadd.tile.s32 @!p0 $0x1;
	_ =	shalt  }
.Lfunc_end2:
_tile_overlayer_lowered:
.L_overlay_start_2:
0x1fc: {  	(tag) =	ssettag $0x2  }
0x1fd: {  	s0 =	rddreg [dreg:$0x0];
	s2 =	stileid.u32  }
0x1fe: {  	s1 =	rddreg [dreg:$0x1];
	p0 =	sne.s32 s2, $0x0  }
0x1ff: {  	s3 =	rddreg [dreg:$0x2];
	[bflag:$0x3] =	sbarrier.arrive $0xFFFF;
	s2 =	simm.s32 @!p0 $0x1C05  }
0x200: {  	[timem:s3], [sflag:s2] =	dma.local @!p0 [hbm:s0], s1  }
0x201: {  	s0 =	simm.s32 @!p0 $0x5  }
0x202: {  	_ =	swait.ge @!p0 [sflag:s0], s1  }
0x203: {  	s1 =	ssub.s32 @!p0 $0x0, s1;
	[sflag:s0] =	ssyncset.done @!p0 $0x0  }
0x204: {  	[sflag:s0] =	ssyncadd.s32 @!p0 s1  }
0x205: {  	[bflag:$0x3] =	sbarrier.arrive $0xFFFF  }
0x206: {  	_ =	shalt  }

</sc_bundles>
